<compile_context>
chip_gen: v7x
topology: tpu7x:2x2x1
jax: 0.10.2.dev20260603
libtpu: 0.0.44.dev20260713+nightly
codegen_flags: <defaults>
</compile_context>

<pallas_src>
import jax
import jax.numpy as jnp
from jax import lax
from jax.experimental import pallas as pl
from jax.experimental.pallas import tpu as pltpu
from jax.experimental.pallas import tpu_sc as plsc

BATCH = 16384
HIST = 50
EMBED_DIM = 64
NUM_CORES = 2
NUM_SUBCORES = 16
NW = NUM_CORES * NUM_SUBCORES
TILE_B = 128
JTILES = BATCH // TILE_B
NTILE = HIST * JTILES
PER_W = NTILE // NW
LANES = 16
NR = 8
NT = 4
N_OUTER = PER_W // NR


def _make_kernel():
    mesh = plsc.VectorSubcoreMesh(
        core_axis_name="c", subcore_axis_name="s",
        num_cores=NUM_CORES, num_subcores=NUM_SUBCORES)

    @pl.kernel(
        out_type=jax.ShapeDtypeStruct(
            (HIST, EMBED_DIM // 8, JTILES, 8, TILE_B), jnp.float32),
        mesh=mesh,
        scratch_types=(
            [pltpu.VMEM((PER_W, TILE_B), jnp.int32)]
            + [pltpu.VMEM((TILE_B, EMBED_DIM), jnp.float32) for _ in range(NR)]
            + [pltpu.VMEM((8, 8, TILE_B + 1), jnp.float32) for _ in range(NT)]
            + [pltpu.SemaphoreType.DMA for _ in range(NR + NT)]
        ),
        compiler_params=pltpu.CompilerParams(
            use_tc_tiling_on_sc=False, needs_layout_passes=False),
    )
    def gather_kernel(ids_hbm, table_hbm, out_hbm, idx_v, *bufs):
        rows = list(bufs[:NR])
        t3 = list(bufs[NR:NR + NT])
        gs = list(bufs[NR + NT:NR + NT + NR])
        ws = list(bufs[NR + NT + NR:])
        wid = lax.axis_index("s") * NUM_CORES + lax.axis_index("c")
        kbase = wid * PER_W
        pltpu.sync_copy(ids_hbm.at[wid], idx_v)

        iota = lax.iota(jnp.int32, LANES)
        g_idx = [(iota + cb * LANES) >> 3 for cb in range(EMBED_DIM // LANES)]
        cc_idx = [(iota + cb * LANES) & 7 for cb in range(EMBED_DIM // LANES)]

        def fire(kk, br):
            pltpu.async_copy(table_hbm.at[idx_v.at[kk]], rows[br], gs[br])

        def transpose(br, bt):
            @plsc.parallel_loop(0, TILE_B, step=1, unroll=8)
            def _(bb):
                bb_vec = jnp.full((LANES,), bb, jnp.int32)
                for cb in range(EMBED_DIM // LANES):
                    v = rows[br][bb, pl.ds(cb * LANES, LANES)]
                    plsc.store_scatter(
                        t3[bt], [g_idx[cb], cc_idx[cb], bb_vec], v)

        for br in range(NR):
            fire(br, br)

        def fire_wb(k, bt):
            t = k >> 7
            j = k & (JTILES - 1)
            pltpu.async_copy(
                t3[bt].at[:, :, pl.ds(0, TILE_B)], out_hbm.at[t, :, j], ws[bt])

        def outer(o, _):
            for br in range(NR):
                bt = br % NT
                btp = (br - 1) % NT
                kk = o * NR + br
                k = kbase + kk
                pltpu.make_async_copy(
                    table_hbm.at[pl.ds(0, TILE_B)], rows[br], gs[br]).wait()

                if br < NT:
                    @pl.when(o > 0)
                    def _():
                        pltpu.make_async_copy(
                            t3[bt].at[:, :, pl.ds(0, TILE_B)], out_hbm.at[0, :, 0], ws[bt]).wait()
                else:
                    pltpu.make_async_copy(
                        t3[bt].at[:, :, pl.ds(0, TILE_B)], out_hbm.at[0, :, 0], ws[bt]).wait()

                transpose(br, bt)

                @pl.when(o < N_OUTER - 1)
                def _():
                    fire(kk + NR, br)

                if br == 0:
                    @pl.when(o > 0)
                    def _():
                        fire_wb(k - 1, btp)
                else:
                    fire_wb(k - 1, btp)
            return ()

        lax.fori_loop(0, N_OUTER, outer, (), unroll=False)
        fire_wb(kbase + PER_W - 1, (PER_W - 1) % NT)
        for bt in range(NT):
            pltpu.make_async_copy(t3[bt].at[:, :, pl.ds(0, TILE_B)], out_hbm.at[0, :, 0], ws[bt]).wait()

    return gather_kernel


_gather = _make_kernel()


def kernel(input_ids, embedding_table):
    ids_t = jnp.transpose(input_ids.astype(jnp.int32)).reshape(NW, PER_W, TILE_B)
    buf = _gather(ids_t, embedding_table)
    return jnp.transpose(buf, (2, 4, 0, 1, 3)).reshape(BATCH, HIST, EMBED_DIM)

# --- scband reference (transcript-rebuilt; emitter-appended) ---
"""Pipeline reference for scband-char-lstmclient-5334349382271 (READ-ONLY COPY).

The authoritative reference and input builder live on the scoring server;
editing this copy changes nothing except your own understanding.
"""

import jax, jax.numpy as jnp
import numpy as np

VOCAB = 1000000
EMBED_DIM = 64
BATCH = 16384
HIST = 50

def setup_inputs(seed: int = 0) -> dict:
    key = jax.random.key(seed)
    k1, k2 = jax.random.split(key)
    input_ids = jax.random.randint(k1, (BATCH, HIST), 0, VOCAB, dtype=jnp.int64 if jax.config.jax_enable_x64 else jnp.int32)
    embedding_table = jax.random.normal(k2, (VOCAB, EMBED_DIM), dtype=jnp.float32) * 0.02
    return {"input_ids": input_ids, "embedding_table": embedding_table}

def reference(input_ids, embedding_table):
    # CharLSTMClient.forward: return self.embedding(input_ids)
    return jnp.take(embedding_table, input_ids, axis=0)

if __name__ == "__main__":
    import jax
    _d = setup_inputs()
    print(jax.jit(kernel)(*tuple(_d.values())))

</pallas_src>

<mosaic_0001>
#map = affine_map<(d0, d1) -> (0, 0, 0)>
#map1 = affine_map<(d0, d1) -> (0, 0)>
#map2 = affine_map<(d0, d1) -> (0, 0, 0, 0, 0)>
module attributes {stable_mosaic.version = 14 : i64} {
  func.func @gather_kernel(%arg0: i32, %arg1: i32, %arg2: memref<32x200x128xi32, #tpu.memory_space<hbm>>, %arg3: memref<1000000x64xf32, #tpu.memory_space<hbm>>, %arg4: memref<50x8x128x8x128xf32, #tpu.memory_space<hbm>>, %arg5: memref<200x128xi32, #tpu.memory_space<vmem>>, %arg6: memref<128x64xf32, #tpu.memory_space<vmem>>, %arg7: memref<128x64xf32, #tpu.memory_space<vmem>>, %arg8: memref<128x64xf32, #tpu.memory_space<vmem>>, %arg9: memref<128x64xf32, #tpu.memory_space<vmem>>, %arg10: memref<128x64xf32, #tpu.memory_space<vmem>>, %arg11: memref<128x64xf32, #tpu.memory_space<vmem>>, %arg12: memref<128x64xf32, #tpu.memory_space<vmem>>, %arg13: memref<128x64xf32, #tpu.memory_space<vmem>>, %arg14: memref<8x8x129xf32, #tpu.memory_space<vmem>>, %arg15: memref<8x8x129xf32, #tpu.memory_space<vmem>>, %arg16: memref<8x8x129xf32, #tpu.memory_space<vmem>>, %arg17: memref<8x8x129xf32, #tpu.memory_space<vmem>>, %arg18: memref<!tpu.dma_semaphore, #tpu.memory_space<semaphore_mem>>, %arg19: memref<!tpu.dma_semaphore, #tpu.memory_space<semaphore_mem>>, %arg20: memref<!tpu.dma_semaphore, #tpu.memory_space<semaphore_mem>>, %arg21: memref<!tpu.dma_semaphore, #tpu.memory_space<semaphore_mem>>, %arg22: memref<!tpu.dma_semaphore, #tpu.memory_space<semaphore_mem>>, %arg23: memref<!tpu.dma_semaphore, #tpu.memory_space<semaphore_mem>>, %arg24: memref<!tpu.dma_semaphore, #tpu.memory_space<semaphore_mem>>, %arg25: memref<!tpu.dma_semaphore, #tpu.memory_space<semaphore_mem>>, %arg26: memref<!tpu.dma_semaphore, #tpu.memory_space<semaphore_mem>>, %arg27: memref<!tpu.dma_semaphore, #tpu.memory_space<semaphore_mem>>, %arg28: memref<!tpu.dma_semaphore, #tpu.memory_space<semaphore_mem>>, %arg29: memref<!tpu.dma_semaphore, #tpu.memory_space<semaphore_mem>>) attributes {dimension_semantics = [#tpu.dimension_semantics<core_parallel>, #tpu.dimension_semantics<subcore_parallel>], iteration_bounds = array<i64: 2, 16>, scalar_prefetch = 0 : i64, scratch_operands = 25 : i64, tpu.core_type = #tpu.core_type<sc_vector_subcore>, window_params = [{transform_indices = #map}, {transform_indices = #map1}, {transform_indices = #map2}]} {
    %mul3A = arith.constant 2 : i32
    %mul3A_0 = arith.muli %arg1, %mul3A : i32
    %add3A = arith.addi %mul3A_0, %arg0 : i32
    %mul3A_1 = arith.constant 200 : i32
    %mul3A_2 = arith.muli %add3A, %mul3A_1 : i32
    "tpu.region"() ({
      %run_scoped3A = tpu.sem_alloc : memref<!tpu.dma_semaphore, #tpu.memory_space<semaphore_mem>>
      %dma_start3A_212 = arith.constant 0 : i32
      %dma_start3A_213 = arith.constant 0 : i32
      %dma_start3A_214 = tpu.memref_slice %arg2[%add3A, %dma_start3A_212, %dma_start3A_213] : memref<32x200x128xi32, #tpu.memory_space<hbm>> -> memref<1x200x128xi32, #tpu.memory_space<hbm>>
      %dma_start3A_215 = tpu.memref_squeeze %dma_start3A_214 : memref<1x200x128xi32, #tpu.memory_space<hbm>> -> memref<200x128xi32, #tpu.memory_space<hbm>>
      %dma_start3A_216 = arith.constant 0 : i32
      %dma_start3A_217 = arith.constant 0 : i32
      %dma_start3A_218 = tpu.memref_slice %arg2[%add3A, %dma_start3A_216, %dma_start3A_217] : memref<32x200x128xi32, #tpu.memory_space<hbm>> -> memref<1x200x128xi32, #tpu.memory_space<hbm>>
      %dma_start3A_219 = tpu.memref_squeeze %dma_start3A_218 : memref<1x200x128xi32, #tpu.memory_space<hbm>> -> memref<200x128xi32, #tpu.memory_space<hbm>>
      tpu.enqueue_dma source(%dma_start3A_219 : memref<200x128xi32, #tpu.memory_space<hbm>>) target(%arg5 : memref<200x128xi32, #tpu.memory_space<vmem>>) target_semaphore(%run_scoped3A : memref<!tpu.dma_semaphore, #tpu.memory_space<semaphore_mem>>)
      %dma_wait3A_220 = arith.constant 0 : i32
      %dma_wait3A_221 = arith.constant 0 : i32
      %dma_wait3A_222 = tpu.memref_slice %arg2[%add3A, %dma_wait3A_220, %dma_wait3A_221] : memref<32x200x128xi32, #tpu.memory_space<hbm>> -> memref<1x200x128xi32, #tpu.memory_space<hbm>>
      %dma_wait3A_223 = tpu.memref_squeeze %dma_wait3A_222 : memref<1x200x128xi32, #tpu.memory_space<hbm>> -> memref<200x128xi32, #tpu.memory_space<hbm>>
      %dma_wait3A_224 = arith.constant 0 : i32
      %dma_wait3A_225 = arith.constant 0 : i32
      %dma_wait3A_226 = tpu.memref_slice %arg2[%add3A, %dma_wait3A_224, %dma_wait3A_225] : memref<32x200x128xi32, #tpu.memory_space<hbm>> -> memref<1x200x128xi32, #tpu.memory_space<hbm>>
      %dma_wait3A_227 = tpu.memref_squeeze %dma_wait3A_226 : memref<1x200x128xi32, #tpu.memory_space<hbm>> -> memref<200x128xi32, #tpu.memory_space<hbm>>
      tpu.wait_dma2 semaphore(%run_scoped3A : memref<!tpu.dma_semaphore, #tpu.memory_space<semaphore_mem>>) src(%dma_wait3A_227 : memref<200x128xi32, #tpu.memory_space<hbm>>) dst(%arg5 : memref<200x128xi32, #tpu.memory_space<vmem>>)
      tpu.yield
    }) : () -> ()
    %iota3A = tpu.iota {dimensions = array<i32: 0>} : vector<16xi32>
    %add3A_3 = arith.constant 0 : i32
    %add3A_4 = vector.broadcast %add3A_3 : i32 to vector<16xi32>
    %add3A_5 = arith.addi %iota3A, %add3A_4 : vector<16xi32>
    %shift_right_arithmetic3A = arith.constant 3 : i32
    %shift_right_arithmetic3A_6 = vector.broadcast %shift_right_arithmetic3A : i32 to vector<16xi32>
    %shift_right_arithmetic3A_7 = arith.shrsi %add3A_5, %shift_right_arithmetic3A_6 : vector<16xi32>
    %add3A_8 = arith.constant 16 : i32
    %add3A_9 = vector.broadcast %add3A_8 : i32 to vector<16xi32>
    %add3A_10 = arith.addi %iota3A, %add3A_9 : vector<16xi32>
    %shift_right_arithmetic3A_11 = arith.constant 3 : i32
    %shift_right_arithmetic3A_12 = vector.broadcast %shift_right_arithmetic3A_11 : i32 to vector<16xi32>
    %shift_right_arithmetic3A_13 = arith.shrsi %add3A_10, %shift_right_arithmetic3A_12 : vector<16xi32>
    %add3A_14 = arith.constant 32 : i32
    %add3A_15 = vector.broadcast %add3A_14 : i32 to vector<16xi32>
    %add3A_16 = arith.addi %iota3A, %add3A_15 : vector<16xi32>
    %shift_right_arithmetic3A_17 = arith.constant 3 : i32
    %shift_right_arithmetic3A_18 = vector.broadcast %shift_right_arithmetic3A_17 : i32 to vector<16xi32>
    %shift_right_arithmetic3A_19 = arith.shrsi %add3A_16, %shift_right_arithmetic3A_18 : vector<16xi32>
    %add3A_20 = arith.constant 48 : i32
    %add3A_21 = vector.broadcast %add3A_20 : i32 to vector<16xi32>
    %add3A_22 = arith.addi %iota3A, %add3A_21 : vector<16xi32>
    %shift_right_arithmetic3A_23 = arith.constant 3 : i32
    %shift_right_arithmetic3A_24 = vector.broadcast %shift_right_arithmetic3A_23 : i32 to vector<16xi32>
    %shift_right_arithmetic3A_25 = arith.shrsi %add3A_22, %shift_right_arithmetic3A_24 : vector<16xi32>
    %add3A_26 = arith.constant 0 : i32
    %add3A_27 = vector.broadcast %add3A_26 : i32 to vector<16xi32>
    %add3A_28 = arith.addi %iota3A, %add3A_27 : vector<16xi32>
    %and3A = arith.constant 7 : i32
    %and3A_29 = vector.broadcast %and3A : i32 to vector<16xi32>
    %and3A_30 = arith.andi %add3A_28, %and3A_29 : vector<16xi32>
    %add3A_31 = arith.constant 16 : i32
    %add3A_32 = vector.broadcast %add3A_31 : i32 to vector<16xi32>
    %add3A_33 = arith.addi %iota3A, %add3A_32 : vector<16xi32>
    %and3A_34 = arith.constant 7 : i32
    %and3A_35 = vector.broadcast %and3A_34 : i32 to vector<16xi32>
    %and3A_36 = arith.andi %add3A_33, %and3A_35 : vector<16xi32>
    %add3A_37 = arith.constant 32 : i32
    %add3A_38 = vector.broadcast %add3A_37 : i32 to vector<16xi32>
    %add3A_39 = arith.addi %iota3A, %add3A_38 : vector<16xi32>
    %and3A_40 = arith.constant 7 : i32
    %and3A_41 = vector.broadcast %and3A_40 : i32 to vector<16xi32>
    %and3A_42 = arith.andi %add3A_39, %and3A_41 : vector<16xi32>
    %add3A_43 = arith.constant 48 : i32
    %add3A_44 = vector.broadcast %add3A_43 : i32 to vector<16xi32>
    %add3A_45 = arith.addi %iota3A, %add3A_44 : vector<16xi32>
    %and3A_46 = arith.constant 7 : i32
    %and3A_47 = vector.broadcast %and3A_46 : i32 to vector<16xi32>
    %and3A_48 = arith.andi %add3A_45, %and3A_47 : vector<16xi32>
    %dma_start3A = arith.constant 0 : i32
    %dma_start3A_49 = arith.constant 0 : i32
    %dma_start3A_50 = tpu.memref_slice %arg5[%dma_start3A, %dma_start3A_49] : memref<200x128xi32, #tpu.memory_space<vmem>> -> memref<1x128xi32, #tpu.memory_space<vmem>>
    %dma_start3A_51 = tpu.memref_squeeze %dma_start3A_50 : memref<1x128xi32, #tpu.memory_space<vmem>> -> memref<128xi32, #tpu.memory_space<vmem>>
    %dma_start3A_52 = arith.constant 0 : i32
    %dma_start3A_53 = arith.constant 0 : i32
    %dma_start3A_54 = tpu.memref_slice %arg3[%dma_start3A_52, %dma_start3A_53] : memref<1000000x64xf32, #tpu.memory_space<hbm>> -> memref<1000000x64xf32, #tpu.memory_space<hbm>>
    tpu.enqueue_indirect_dma source(%dma_start3A_54 : memref<1000000x64xf32, #tpu.memory_space<hbm>>) target(%arg6 : memref<128x64xf32, #tpu.memory_space<vmem>>) offsets(%dma_start3A_51 : memref<128xi32, #tpu.memory_space<vmem>>) semaphore(%arg18 : memref<!tpu.dma_semaphore, #tpu.memory_space<semaphore_mem>>)
    %dma_start3A_55 = arith.constant 1 : i32
    %dma_start3A_56 = arith.constant 0 : i32
    %dma_start3A_57 = tpu.memref_slice %arg5[%dma_start3A_55, %dma_start3A_56] : memref<200x128xi32, #tpu.memory_space<vmem>> -> memref<1x128xi32, #tpu.memory_space<vmem>>
    %dma_start3A_58 = tpu.memref_squeeze %dma_start3A_57 : memref<1x128xi32, #tpu.memory_space<vmem>> -> memref<128xi32, #tpu.memory_space<vmem>>
    %dma_start3A_59 = arith.constant 0 : i32
    %dma_start3A_60 = arith.constant 0 : i32
    %dma_start3A_61 = tpu.memref_slice %arg3[%dma_start3A_59, %dma_start3A_60] : memref<1000000x64xf32, #tpu.memory_space<hbm>> -> memref<1000000x64xf32, #tpu.memory_space<hbm>>
    tpu.enqueue_indirect_dma source(%dma_start3A_61 : memref<1000000x64xf32, #tpu.memory_space<hbm>>) target(%arg7 : memref<128x64xf32, #tpu.memory_space<vmem>>) offsets(%dma_start3A_58 : memref<128xi32, #tpu.memory_space<vmem>>) semaphore(%arg19 : memref<!tpu.dma_semaphore, #tpu.memory_space<semaphore_mem>>)
    %dma_start3A_62 = arith.constant 2 : i32
    %dma_start3A_63 = arith.constant 0 : i32
    %dma_start3A_64 = tpu.memref_slice %arg5[%dma_start3A_62, %dma_start3A_63] : memref<200x128xi32, #tpu.memory_space<vmem>> -> memref<1x128xi32, #tpu.memory_space<vmem>>
    %dma_start3A_65 = tpu.memref_squeeze %dma_start3A_64 : memref<1x128xi32, #tpu.memory_space<vmem>> -> memref<128xi32, #tpu.memory_space<vmem>>
    %dma_start3A_66 = arith.constant 0 : i32
    %dma_start3A_67 = arith.constant 0 : i32
    %dma_start3A_68 = tpu.memref_slice %arg3[%dma_start3A_66, %dma_start3A_67] : memref<1000000x64xf32, #tpu.memory_space<hbm>> -> memref<1000000x64xf32, #tpu.memory_space<hbm>>
    tpu.enqueue_indirect_dma source(%dma_start3A_68 : memref<1000000x64xf32, #tpu.memory_space<hbm>>) target(%arg8 : memref<128x64xf32, #tpu.memory_space<vmem>>) offsets(%dma_start3A_65 : memref<128xi32, #tpu.memory_space<vmem>>) semaphore(%arg20 : memref<!tpu.dma_semaphore, #tpu.memory_space<semaphore_mem>>)
    %dma_start3A_69 = arith.constant 3 : i32
    %dma_start3A_70 = arith.constant 0 : i32
    %dma_start3A_71 = tpu.memref_slice %arg5[%dma_start3A_69, %dma_start3A_70] : memref<200x128xi32, #tpu.memory_space<vmem>> -> memref<1x128xi32, #tpu.memory_space<vmem>>
    %dma_start3A_72 = tpu.memref_squeeze %dma_start3A_71 : memref<1x128xi32, #tpu.memory_space<vmem>> -> memref<128xi32, #tpu.memory_space<vmem>>
    %dma_start3A_73 = arith.constant 0 : i32
    %dma_start3A_74 = arith.constant 0 : i32
    %dma_start3A_75 = tpu.memref_slice %arg3[%dma_start3A_73, %dma_start3A_74] : memref<1000000x64xf32, #tpu.memory_space<hbm>> -> memref<1000000x64xf32, #tpu.memory_space<hbm>>
    tpu.enqueue_indirect_dma source(%dma_start3A_75 : memref<1000000x64xf32, #tpu.memory_space<hbm>>) target(%arg9 : memref<128x64xf32, #tpu.memory_space<vmem>>) offsets(%dma_start3A_72 : memref<128xi32, #tpu.memory_space<vmem>>) semaphore(%arg21 : memref<!tpu.dma_semaphore, #tpu.memory_space<semaphore_mem>>)
    %dma_start3A_76 = arith.constant 4 : i32
    %dma_start3A_77 = arith.constant 0 : i32
    %dma_start3A_78 = tpu.memref_slice %arg5[%dma_start3A_76, %dma_start3A_77] : memref<200x128xi32, #tpu.memory_space<vmem>> -> memref<1x128xi32, #tpu.memory_space<vmem>>
    %dma_start3A_79 = tpu.memref_squeeze %dma_start3A_78 : memref<1x128xi32, #tpu.memory_space<vmem>> -> memref<128xi32, #tpu.memory_space<vmem>>
    %dma_start3A_80 = arith.constant 0 : i32
    %dma_start3A_81 = arith.constant 0 : i32
    %dma_start3A_82 = tpu.memref_slice %arg3[%dma_start3A_80, %dma_start3A_81] : memref<1000000x64xf32, #tpu.memory_space<hbm>> -> memref<1000000x64xf32, #tpu.memory_space<hbm>>
    tpu.enqueue_indirect_dma source(%dma_start3A_82 : memref<1000000x64xf32, #tpu.memory_space<hbm>>) target(%arg10 : memref<128x64xf32, #tpu.memory_space<vmem>>) offsets(%dma_start3A_79 : memref<128xi32, #tpu.memory_space<vmem>>) semaphore(%arg22 : memref<!tpu.dma_semaphore, #tpu.memory_space<semaphore_mem>>)
    %dma_start3A_83 = arith.constant 5 : i32
    %dma_start3A_84 = arith.constant 0 : i32
    %dma_start3A_85 = tpu.memref_slice %arg5[%dma_start3A_83, %dma_start3A_84] : memref<200x128xi32, #tpu.memory_space<vmem>> -> memref<1x128xi32, #tpu.memory_space<vmem>>
    %dma_start3A_86 = tpu.memref_squeeze %dma_start3A_85 : memref<1x128xi32, #tpu.memory_space<vmem>> -> memref<128xi32, #tpu.memory_space<vmem>>
    %dma_start3A_87 = arith.constant 0 : i32
    %dma_start3A_88 = arith.constant 0 : i32
    %dma_start3A_89 = tpu.memref_slice %arg3[%dma_start3A_87, %dma_start3A_88] : memref<1000000x64xf32, #tpu.memory_space<hbm>> -> memref<1000000x64xf32, #tpu.memory_space<hbm>>
    tpu.enqueue_indirect_dma source(%dma_start3A_89 : memref<1000000x64xf32, #tpu.memory_space<hbm>>) target(%arg11 : memref<128x64xf32, #tpu.memory_space<vmem>>) offsets(%dma_start3A_86 : memref<128xi32, #tpu.memory_space<vmem>>) semaphore(%arg23 : memref<!tpu.dma_semaphore, #tpu.memory_space<semaphore_mem>>)
    %dma_start3A_90 = arith.constant 6 : i32
    %dma_start3A_91 = arith.constant 0 : i32
    %dma_start3A_92 = tpu.memref_slice %arg5[%dma_start3A_90, %dma_start3A_91] : memref<200x128xi32, #tpu.memory_space<vmem>> -> memref<1x128xi32, #tpu.memory_space<vmem>>
    %dma_start3A_93 = tpu.memref_squeeze %dma_start3A_92 : memref<1x128xi32, #tpu.memory_space<vmem>> -> memref<128xi32, #tpu.memory_space<vmem>>
    %dma_start3A_94 = arith.constant 0 : i32
    %dma_start3A_95 = arith.constant 0 : i32
    %dma_start3A_96 = tpu.memref_slice %arg3[%dma_start3A_94, %dma_start3A_95] : memref<1000000x64xf32, #tpu.memory_space<hbm>> -> memref<1000000x64xf32, #tpu.memory_space<hbm>>
    tpu.enqueue_indirect_dma source(%dma_start3A_96 : memref<1000000x64xf32, #tpu.memory_space<hbm>>) target(%arg12 : memref<128x64xf32, #tpu.memory_space<vmem>>) offsets(%dma_start3A_93 : memref<128xi32, #tpu.memory_space<vmem>>) semaphore(%arg24 : memref<!tpu.dma_semaphore, #tpu.memory_space<semaphore_mem>>)
    %dma_start3A_97 = arith.constant 7 : i32
    %dma_start3A_98 = arith.constant 0 : i32
    %dma_start3A_99 = tpu.memref_slice %arg5[%dma_start3A_97, %dma_start3A_98] : memref<200x128xi32, #tpu.memory_space<vmem>> -> memref<1x128xi32, #tpu.memory_space<vmem>>
    %dma_start3A_100 = tpu.memref_squeeze %dma_start3A_99 : memref<1x128xi32, #tpu.memory_space<vmem>> -> memref<128xi32, #tpu.memory_space<vmem>>
    %dma_start3A_101 = arith.constant 0 : i32
    %dma_start3A_102 = arith.constant 0 : i32
    %dma_start3A_103 = tpu.memref_slice %arg3[%dma_start3A_101, %dma_start3A_102] : memref<1000000x64xf32, #tpu.memory_space<hbm>> -> memref<1000000x64xf32, #tpu.memory_space<hbm>>
    tpu.enqueue_indirect_dma source(%dma_start3A_103 : memref<1000000x64xf32, #tpu.memory_space<hbm>>) target(%arg13 : memref<128x64xf32, #tpu.memory_space<vmem>>) offsets(%dma_start3A_100 : memref<128xi32, #tpu.memory_space<vmem>>) semaphore(%arg25 : memref<!tpu.dma_semaphore, #tpu.memory_space<semaphore_mem>>)
    %scan3A = arith.constant 0 : i32
    %scan3A_104 = arith.constant 25 : i32
    %scan3A_105 = arith.addi %scan3A, %scan3A_104 : i32
    %scan3A_106 = arith.constant 1 : i32
    scf.for %scan3A_212 = %scan3A to %scan3A_105 step %scan3A_106  : i32 {
      %mul3A_213 = arith.constant 8 : i32
      %mul3A_214 = arith.muli %scan3A_212, %mul3A_213 : i32
      %add3A_215 = arith.constant 0 : i32
      %add3A_216 = arith.addi %mul3A_214, %add3A_215 : i32
      %add3A_217 = arith.addi %mul3A_2, %add3A_216 : i32
      %dma_wait3A_218 = arith.constant 0 : i32
      %dma_wait3A_219 = arith.constant 0 : i32
      %dma_wait3A_220 = tpu.memref_slice %arg3[%dma_wait3A_218, %dma_wait3A_219] : memref<1000000x64xf32, #tpu.memory_space<hbm>> -> memref<128x64xf32, #tpu.memory_space<hbm>>
      %dma_wait3A_221 = arith.constant 0 : i32
      %dma_wait3A_222 = arith.constant 0 : i32
      %dma_wait3A_223 = tpu.memref_slice %arg3[%dma_wait3A_221, %dma_wait3A_222] : memref<1000000x64xf32, #tpu.memory_space<hbm>> -> memref<128x64xf32, #tpu.memory_space<hbm>>
      tpu.wait_dma2 semaphore(%arg18 : memref<!tpu.dma_semaphore, #tpu.memory_space<semaphore_mem>>) src(%dma_wait3A_223 : memref<128x64xf32, #tpu.memory_space<hbm>>) dst(%arg6 : memref<128x64xf32, #tpu.memory_space<vmem>>)
      %gt3A = arith.constant 0 : i32
      %gt3A_224 = arith.cmpi sgt, %scan3A_212, %gt3A : i32
      %convert_element_type3A = arith.extui %gt3A_224 : i1 to i32
      %cond3A = arith.constant 0 : i32
      %cond3A_225 = arith.cmpi ne, %convert_element_type3A, %cond3A : i32
      scf.if %cond3A_225 {
        %dma_wait3A_633 = arith.constant 0 : i32
        %dma_wait3A_634 = arith.constant 0 : i32
        %dma_wait3A_635 = arith.constant 0 : i32
        %dma_wait3A_636 = arith.constant 0 : i32
        %dma_wait3A_637 = arith.constant 0 : i32
        %dma_wait3A_638 = tpu.memref_slice %arg14[%dma_wait3A_635, %dma_wait3A_636, %dma_wait3A_637] : memref<8x8x129xf32, #tpu.memory_space<vmem>> -> memref<8x8x128xf32, #tpu.memory_space<vmem>>
        %dma_wait3A_639 = arith.constant 0 : i32
        %dma_wait3A_640 = arith.constant 0 : i32
        %dma_wait3A_641 = arith.constant 0 : i32
        %dma_wait3A_642 = tpu.memref_slice %arg4[%dma_wait3A_633, %dma_wait3A_639, %dma_wait3A_634, %dma_wait3A_640, %dma_wait3A_641] : memref<50x8x128x8x128xf32, #tpu.memory_space<hbm>> -> memref<1x8x1x8x128xf32, #tpu.memory_space<hbm>>
        %dma_wait3A_643 = tpu.memref_squeeze %dma_wait3A_642 : memref<1x8x1x8x128xf32, #tpu.memory_space<hbm>> -> memref<8x8x128xf32, #tpu.memory_space<hbm>>
        %dma_wait3A_644 = arith.constant 0 : i32
        %dma_wait3A_645 = arith.constant 0 : i32
        %dma_wait3A_646 = arith.constant 0 : i32
        %dma_wait3A_647 = tpu.memref_slice %arg4[%dma_wait3A_633, %dma_wait3A_644, %dma_wait3A_634, %dma_wait3A_645, %dma_wait3A_646] : memref<50x8x128x8x128xf32, #tpu.memory_space<hbm>> -> memref<1x8x1x8x128xf32, #tpu.memory_space<hbm>>
        %dma_wait3A_648 = tpu.memref_squeeze %dma_wait3A_647 : memref<1x8x1x8x128xf32, #tpu.memory_space<hbm>> -> memref<8x8x128xf32, #tpu.memory_space<hbm>>
        %dma_wait3A_649 = arith.constant 0 : i32
        %dma_wait3A_650 = arith.constant 0 : i32
        %dma_wait3A_651 = arith.constant 0 : i32
        %dma_wait3A_652 = tpu.memref_slice %arg14[%dma_wait3A_649, %dma_wait3A_650, %dma_wait3A_651] : memref<8x8x129xf32, #tpu.memory_space<vmem>> -> memref<8x8x128xf32, #tpu.memory_space<vmem>>
        tpu.wait_dma2 semaphore(%arg26 : memref<!tpu.dma_semaphore, #tpu.memory_space<semaphore_mem>>) src(%dma_wait3A_652 : memref<8x8x128xf32, #tpu.memory_space<vmem>>) dst(%dma_wait3A_648 : memref<8x8x128xf32, #tpu.memory_space<hbm>>)
      } else {
      }
      %parallel_loop3A = arith.constant 0 : i32
      %parallel_loop3A_226 = arith.constant 128 : i32
      %parallel_loop3A_227 = arith.constant 1 : i32
      scf.for %parallel_loop3A_633 = %parallel_loop3A to %parallel_loop3A_226 step %parallel_loop3A_227  : i32 {
        %parallel_loop3A_634 = vector.broadcast %parallel_loop3A_633 : i32 to vector<16xi32>
        %parallel_loop3A_635 = arith.index_cast %parallel_loop3A_633 : i32 to index
        %parallel_loop3A_636 = arith.constant 0 : index
        %parallel_loop3A_637 = tpu.vector_load %arg6[%parallel_loop3A_635, %parallel_loop3A_636] {strides = array<i32>} : memref<128x64xf32, #tpu.memory_space<vmem>>, vector<16xf32>,
        tpu.vector_store_idx %arg14[%shift_right_arithmetic3A_7, %and3A_30, %parallel_loop3A_634], %parallel_loop3A_637 : memref<8x8x129xf32, #tpu.memory_space<vmem>>[vector<16xi32>, vector<16xi32>, vector<16xi32>], vector<16xf32>,
        %parallel_loop3A_638 = arith.index_cast %parallel_loop3A_633 : i32 to index
        %parallel_loop3A_639 = arith.constant 16 : index
        %parallel_loop3A_640 = tpu.vector_load %arg6[%parallel_loop3A_638, %parallel_loop3A_639] {strides = array<i32>} : memref<128x64xf32, #tpu.memory_space<vmem>>, vector<16xf32>,
        tpu.vector_store_idx %arg14[%shift_right_arithmetic3A_13, %and3A_36, %parallel_loop3A_634], %parallel_loop3A_640 : memref<8x8x129xf32, #tpu.memory_space<vmem>>[vector<16xi32>, vector<16xi32>, vector<16xi32>], vector<16xf32>,
        %parallel_loop3A_641 = arith.index_cast %parallel_loop3A_633 : i32 to index
        %parallel_loop3A_642 = arith.constant 32 : index
        %parallel_loop3A_643 = tpu.vector_load %arg6[%parallel_loop3A_641, %parallel_loop3A_642] {strides = array<i32>} : memref<128x64xf32, #tpu.memory_space<vmem>>, vector<16xf32>,
        tpu.vector_store_idx %arg14[%shift_right_arithmetic3A_19, %and3A_42, %parallel_loop3A_634], %parallel_loop3A_643 : memref<8x8x129xf32, #tpu.memory_space<vmem>>[vector<16xi32>, vector<16xi32>, vector<16xi32>], vector<16xf32>,
        %parallel_loop3A_644 = arith.index_cast %parallel_loop3A_633 : i32 to index
        %parallel_loop3A_645 = arith.constant 48 : index
        %parallel_loop3A_646 = tpu.vector_load %arg6[%parallel_loop3A_644, %parallel_loop3A_645] {strides = array<i32>} : memref<128x64xf32, #tpu.memory_space<vmem>>, vector<16xf32>,
        tpu.vector_store_idx %arg14[%shift_right_arithmetic3A_25, %and3A_48, %parallel_loop3A_634], %parallel_loop3A_646 : memref<8x8x129xf32, #tpu.memory_space<vmem>>[vector<16xi32>, vector<16xi32>, vector<16xi32>], vector<16xf32>,
      } {sc.loop_unroll_factor = 8 : i64, sc.parallel_access}
      %lt3A = arith.constant 24 : i32
      %lt3A_228 = arith.cmpi slt, %scan3A_212, %lt3A : i32
      %convert_element_type3A_229 = arith.extui %lt3A_228 : i1 to i32
      %cond3A_230 = arith.constant 0 : i32
      %cond3A_231 = arith.cmpi ne, %convert_element_type3A_229, %cond3A_230 : i32
      scf.if %cond3A_231 {
        %add3A_633 = arith.constant 8 : i32
        %add3A_634 = arith.addi %add3A_216, %add3A_633 : i32
        %dma_start3A_635 = arith.constant 0 : i32
        %dma_start3A_636 = tpu.memref_slice %arg5[%add3A_634, %dma_start3A_635] : memref<200x128xi32, #tpu.memory_space<vmem>> -> memref<1x128xi32, #tpu.memory_space<vmem>>
        %dma_start3A_637 = tpu.memref_squeeze %dma_start3A_636 : memref<1x128xi32, #tpu.memory_space<vmem>> -> memref<128xi32, #tpu.memory_space<vmem>>
        %dma_start3A_638 = arith.constant 0 : i32
        %dma_start3A_639 = arith.constant 0 : i32
        %dma_start3A_640 = tpu.memref_slice %arg3[%dma_start3A_638, %dma_start3A_639] : memref<1000000x64xf32, #tpu.memory_space<hbm>> -> memref<1000000x64xf32, #tpu.memory_space<hbm>>
        tpu.enqueue_indirect_dma source(%dma_start3A_640 : memref<1000000x64xf32, #tpu.memory_space<hbm>>) target(%arg6 : memref<128x64xf32, #tpu.memory_space<vmem>>) offsets(%dma_start3A_637 : memref<128xi32, #tpu.memory_space<vmem>>) semaphore(%arg18 : memref<!tpu.dma_semaphore, #tpu.memory_space<semaphore_mem>>)
      } else {
      }
      %gt3A_232 = arith.constant 0 : i32
      %gt3A_233 = arith.cmpi sgt, %scan3A_212, %gt3A_232 : i32
      %convert_element_type3A_234 = arith.extui %gt3A_233 : i1 to i32
      %cond3A_235 = arith.constant 0 : i32
      %cond3A_236 = arith.cmpi ne, %convert_element_type3A_234, %cond3A_235 : i32
      scf.if %cond3A_236 {
        %sub3A_633 = arith.constant 1 : i32
        %sub3A_634 = arith.subi %add3A_217, %sub3A_633 : i32
        %shift_right_arithmetic3A_635 = arith.constant 7 : i32
        %shift_right_arithmetic3A_636 = arith.shrsi %sub3A_634, %shift_right_arithmetic3A_635 : i32
        %and3A_637 = arith.constant 127 : i32
        %and3A_638 = arith.andi %sub3A_634, %and3A_637 : i32
        %dma_start3A_639 = arith.constant 0 : i32
        %dma_start3A_640 = arith.constant 0 : i32
        %dma_start3A_641 = arith.constant 0 : i32
        %dma_start3A_642 = tpu.memref_slice %arg17[%dma_start3A_639, %dma_start3A_640, %dma_start3A_641] : memref<8x8x129xf32, #tpu.memory_space<vmem>> -> memref<8x8x128xf32, #tpu.memory_space<vmem>>
        %dma_start3A_643 = arith.constant 0 : i32
        %dma_start3A_644 = arith.constant 0 : i32
        %dma_start3A_645 = arith.constant 0 : i32
        %dma_start3A_646 = tpu.memref_slice %arg4[%shift_right_arithmetic3A_636, %dma_start3A_643, %and3A_638, %dma_start3A_644, %dma_start3A_645] : memref<50x8x128x8x128xf32, #tpu.memory_space<hbm>> -> memref<1x8x1x8x128xf32, #tpu.memory_space<hbm>>
        %dma_start3A_647 = tpu.memref_squeeze %dma_start3A_646 : memref<1x8x1x8x128xf32, #tpu.memory_space<hbm>> -> memref<8x8x128xf32, #tpu.memory_space<hbm>>
        %dma_start3A_648 = arith.constant 0 : i32
        %dma_start3A_649 = arith.constant 0 : i32
        %dma_start3A_650 = arith.constant 0 : i32
        %dma_start3A_651 = tpu.memref_slice %arg4[%shift_right_arithmetic3A_636, %dma_start3A_648, %and3A_638, %dma_start3A_649, %dma_start3A_650] : memref<50x8x128x8x128xf32, #tpu.memory_space<hbm>> -> memref<1x8x1x8x128xf32, #tpu.memory_space<hbm>>
        %dma_start3A_652 = tpu.memref_squeeze %dma_start3A_651 : memref<1x8x1x8x128xf32, #tpu.memory_space<hbm>> -> memref<8x8x128xf32, #tpu.memory_space<hbm>>
        %dma_start3A_653 = arith.constant 0 : i32
        %dma_start3A_654 = arith.constant 0 : i32
        %dma_start3A_655 = arith.constant 0 : i32
        %dma_start3A_656 = tpu.memref_slice %arg17[%dma_start3A_653, %dma_start3A_654, %dma_start3A_655] : memref<8x8x129xf32, #tpu.memory_space<vmem>> -> memref<8x8x128xf32, #tpu.memory_space<vmem>>
        tpu.enqueue_dma source(%dma_start3A_656 : memref<8x8x128xf32, #tpu.memory_space<vmem>>) target(%dma_start3A_652 : memref<8x8x128xf32, #tpu.memory_space<hbm>>) target_semaphore(%arg29 : memref<!tpu.dma_semaphore, #tpu.memory_space<semaphore_mem>>)
      } else {
      }
      %mul3A_237 = arith.constant 8 : i32
      %mul3A_238 = arith.muli %scan3A_212, %mul3A_237 : i32
      %add3A_239 = arith.constant 1 : i32
      %add3A_240 = arith.addi %mul3A_238, %add3A_239 : i32
      %add3A_241 = arith.addi %mul3A_2, %add3A_240 : i32
      %dma_wait3A_242 = arith.constant 0 : i32
      %dma_wait3A_243 = arith.constant 0 : i32
      %dma_wait3A_244 = tpu.memref_slice %arg3[%dma_wait3A_242, %dma_wait3A_243] : memref<1000000x64xf32, #tpu.memory_space<hbm>> -> memref<128x64xf32, #tpu.memory_space<hbm>>
      %dma_wait3A_245 = arith.constant 0 : i32
      %dma_wait3A_246 = arith.constant 0 : i32
      %dma_wait3A_247 = tpu.memref_slice %arg3[%dma_wait3A_245, %dma_wait3A_246] : memref<1000000x64xf32, #tpu.memory_space<hbm>> -> memref<128x64xf32, #tpu.memory_space<hbm>>
      tpu.wait_dma2 semaphore(%arg19 : memref<!tpu.dma_semaphore, #tpu.memory_space<semaphore_mem>>) src(%dma_wait3A_247 : memref<128x64xf32, #tpu.memory_space<hbm>>) dst(%arg7 : memref<128x64xf32, #tpu.memory_space<vmem>>)
      %gt3A_248 = arith.constant 0 : i32
      %gt3A_249 = arith.cmpi sgt, %scan3A_212, %gt3A_248 : i32
      %convert_element_type3A_250 = arith.extui %gt3A_249 : i1 to i32
      %cond3A_251 = arith.constant 0 : i32
      %cond3A_252 = arith.cmpi ne, %convert_element_type3A_250, %cond3A_251 : i32
      scf.if %cond3A_252 {
        %dma_wait3A_633 = arith.constant 0 : i32
        %dma_wait3A_634 = arith.constant 0 : i32
        %dma_wait3A_635 = arith.constant 0 : i32
        %dma_wait3A_636 = arith.constant 0 : i32
        %dma_wait3A_637 = arith.constant 0 : i32
        %dma_wait3A_638 = tpu.memref_slice %arg15[%dma_wait3A_635, %dma_wait3A_636, %dma_wait3A_637] : memref<8x8x129xf32, #tpu.memory_space<vmem>> -> memref<8x8x128xf32, #tpu.memory_space<vmem>>
        %dma_wait3A_639 = arith.constant 0 : i32
        %dma_wait3A_640 = arith.constant 0 : i32
        %dma_wait3A_641 = arith.constant 0 : i32
        %dma_wait3A_642 = tpu.memref_slice %arg4[%dma_wait3A_633, %dma_wait3A_639, %dma_wait3A_634, %dma_wait3A_640, %dma_wait3A_641] : memref<50x8x128x8x128xf32, #tpu.memory_space<hbm>> -> memref<1x8x1x8x128xf32, #tpu.memory_space<hbm>>
        %dma_wait3A_643 = tpu.memref_squeeze %dma_wait3A_642 : memref<1x8x1x8x128xf32, #tpu.memory_space<hbm>> -> memref<8x8x128xf32, #tpu.memory_space<hbm>>
        %dma_wait3A_644 = arith.constant 0 : i32
        %dma_wait3A_645 = arith.constant 0 : i32
        %dma_wait3A_646 = arith.constant 0 : i32
        %dma_wait3A_647 = tpu.memref_slice %arg4[%dma_wait3A_633, %dma_wait3A_644, %dma_wait3A_634, %dma_wait3A_645, %dma_wait3A_646] : memref<50x8x128x8x128xf32, #tpu.memory_space<hbm>> -> memref<1x8x1x8x128xf32, #tpu.memory_space<hbm>>
        %dma_wait3A_648 = tpu.memref_squeeze %dma_wait3A_647 : memref<1x8x1x8x128xf32, #tpu.memory_space<hbm>> -> memref<8x8x128xf32, #tpu.memory_space<hbm>>
        %dma_wait3A_649 = arith.constant 0 : i32
        %dma_wait3A_650 = arith.constant 0 : i32
        %dma_wait3A_651 = arith.constant 0 : i32
        %dma_wait3A_652 = tpu.memref_slice %arg15[%dma_wait3A_649, %dma_wait3A_650, %dma_wait3A_651] : memref<8x8x129xf32, #tpu.memory_space<vmem>> -> memref<8x8x128xf32, #tpu.memory_space<vmem>>
        tpu.wait_dma2 semaphore(%arg27 : memref<!tpu.dma_semaphore, #tpu.memory_space<semaphore_mem>>) src(%dma_wait3A_652 : memref<8x8x128xf32, #tpu.memory_space<vmem>>) dst(%dma_wait3A_648 : memref<8x8x128xf32, #tpu.memory_space<hbm>>)
      } else {
      }
      %parallel_loop3A_253 = arith.constant 0 : i32
      %parallel_loop3A_254 = arith.constant 128 : i32
      %parallel_loop3A_255 = arith.constant 1 : i32
      scf.for %parallel_loop3A_633 = %parallel_loop3A_253 to %parallel_loop3A_254 step %parallel_loop3A_255  : i32 {
        %parallel_loop3A_634 = vector.broadcast %parallel_loop3A_633 : i32 to vector<16xi32>
        %parallel_loop3A_635 = arith.index_cast %parallel_loop3A_633 : i32 to index
        %parallel_loop3A_636 = arith.constant 0 : index
        %parallel_loop3A_637 = tpu.vector_load %arg7[%parallel_loop3A_635, %parallel_loop3A_636] {strides = array<i32>} : memref<128x64xf32, #tpu.memory_space<vmem>>, vector<16xf32>,
        tpu.vector_store_idx %arg15[%shift_right_arithmetic3A_7, %and3A_30, %parallel_loop3A_634], %parallel_loop3A_637 : memref<8x8x129xf32, #tpu.memory_space<vmem>>[vector<16xi32>, vector<16xi32>, vector<16xi32>], vector<16xf32>,
        %parallel_loop3A_638 = arith.index_cast %parallel_loop3A_633 : i32 to index
        %parallel_loop3A_639 = arith.constant 16 : index
        %parallel_loop3A_640 = tpu.vector_load %arg7[%parallel_loop3A_638, %parallel_loop3A_639] {strides = array<i32>} : memref<128x64xf32, #tpu.memory_space<vmem>>, vector<16xf32>,
        tpu.vector_store_idx %arg15[%shift_right_arithmetic3A_13, %and3A_36, %parallel_loop3A_634], %parallel_loop3A_640 : memref<8x8x129xf32, #tpu.memory_space<vmem>>[vector<16xi32>, vector<16xi32>, vector<16xi32>], vector<16xf32>,
        %parallel_loop3A_641 = arith.index_cast %parallel_loop3A_633 : i32 to index
        %parallel_loop3A_642 = arith.constant 32 : index
        %parallel_loop3A_643 = tpu.vector_load %arg7[%parallel_loop3A_641, %parallel_loop3A_642] {strides = array<i32>} : memref<128x64xf32, #tpu.memory_space<vmem>>, vector<16xf32>,
        tpu.vector_store_idx %arg15[%shift_right_arithmetic3A_19, %and3A_42, %parallel_loop3A_634], %parallel_loop3A_643 : memref<8x8x129xf32, #tpu.memory_space<vmem>>[vector<16xi32>, vector<16xi32>, vector<16xi32>], vector<16xf32>,
        %parallel_loop3A_644 = arith.index_cast %parallel_loop3A_633 : i32 to index
        %parallel_loop3A_645 = arith.constant 48 : index
        %parallel_loop3A_646 = tpu.vector_load %arg7[%parallel_loop3A_644, %parallel_loop3A_645] {strides = array<i32>} : memref<128x64xf32, #tpu.memory_space<vmem>>, vector<16xf32>,
        tpu.vector_store_idx %arg15[%shift_right_arithmetic3A_25, %and3A_48, %parallel_loop3A_634], %parallel_loop3A_646 : memref<8x8x129xf32, #tpu.memory_space<vmem>>[vector<16xi32>, vector<16xi32>, vector<16xi32>], vector<16xf32>,
      } {sc.loop_unroll_factor = 8 : i64, sc.parallel_access}
      %lt3A_256 = arith.constant 24 : i32
      %lt3A_257 = arith.cmpi slt, %scan3A_212, %lt3A_256 : i32
      %convert_element_type3A_258 = arith.extui %lt3A_257 : i1 to i32
      %cond3A_259 = arith.constant 0 : i32
      %cond3A_260 = arith.cmpi ne, %convert_element_type3A_258, %cond3A_259 : i32
      scf.if %cond3A_260 {
        %add3A_633 = arith.constant 8 : i32
        %add3A_634 = arith.addi %add3A_240, %add3A_633 : i32
        %dma_start3A_635 = arith.constant 0 : i32
        %dma_start3A_636 = tpu.memref_slice %arg5[%add3A_634, %dma_start3A_635] : memref<200x128xi32, #tpu.memory_space<vmem>> -> memref<1x128xi32, #tpu.memory_space<vmem>>
        %dma_start3A_637 = tpu.memref_squeeze %dma_start3A_636 : memref<1x128xi32, #tpu.memory_space<vmem>> -> memref<128xi32, #tpu.memory_space<vmem>>
        %dma_start3A_638 = arith.constant 0 : i32
        %dma_start3A_639 = arith.constant 0 : i32
        %dma_start3A_640 = tpu.memref_slice %arg3[%dma_start3A_638, %dma_start3A_639] : memref<1000000x64xf32, #tpu.memory_space<hbm>> -> memref<1000000x64xf32, #tpu.memory_space<hbm>>
        tpu.enqueue_indirect_dma source(%dma_start3A_640 : memref<1000000x64xf32, #tpu.memory_space<hbm>>) target(%arg7 : memref<128x64xf32, #tpu.memory_space<vmem>>) offsets(%dma_start3A_637 : memref<128xi32, #tpu.memory_space<vmem>>) semaphore(%arg19 : memref<!tpu.dma_semaphore, #tpu.memory_space<semaphore_mem>>)
      } else {
      }
      %sub3A_261 = arith.constant 1 : i32
      %sub3A_262 = arith.subi %add3A_241, %sub3A_261 : i32
      %shift_right_arithmetic3A_263 = arith.constant 7 : i32
      %shift_right_arithmetic3A_264 = arith.shrsi %sub3A_262, %shift_right_arithmetic3A_263 : i32
      %and3A_265 = arith.constant 127 : i32
      %and3A_266 = arith.andi %sub3A_262, %and3A_265 : i32
      %dma_start3A_267 = arith.constant 0 : i32
      %dma_start3A_268 = arith.constant 0 : i32
      %dma_start3A_269 = arith.constant 0 : i32
      %dma_start3A_270 = tpu.memref_slice %arg14[%dma_start3A_267, %dma_start3A_268, %dma_start3A_269] : memref<8x8x129xf32, #tpu.memory_space<vmem>> -> memref<8x8x128xf32, #tpu.memory_space<vmem>>
      %dma_start3A_271 = arith.constant 0 : i32
      %dma_start3A_272 = arith.constant 0 : i32
      %dma_start3A_273 = arith.constant 0 : i32
      %dma_start3A_274 = tpu.memref_slice %arg4[%shift_right_arithmetic3A_264, %dma_start3A_271, %and3A_266, %dma_start3A_272, %dma_start3A_273] : memref<50x8x128x8x128xf32, #tpu.memory_space<hbm>> -> memref<1x8x1x8x128xf32, #tpu.memory_space<hbm>>
      %dma_start3A_275 = tpu.memref_squeeze %dma_start3A_274 : memref<1x8x1x8x128xf32, #tpu.memory_space<hbm>> -> memref<8x8x128xf32, #tpu.memory_space<hbm>>
      %dma_start3A_276 = arith.constant 0 : i32
      %dma_start3A_277 = arith.constant 0 : i32
      %dma_start3A_278 = arith.constant 0 : i32
      %dma_start3A_279 = tpu.memref_slice %arg4[%shift_right_arithmetic3A_264, %dma_start3A_276, %and3A_266, %dma_start3A_277, %dma_start3A_278] : memref<50x8x128x8x128xf32, #tpu.memory_space<hbm>> -> memref<1x8x1x8x128xf32, #tpu.memory_space<hbm>>
      %dma_start3A_280 = tpu.memref_squeeze %dma_start3A_279 : memref<1x8x1x8x128xf32, #tpu.memory_space<hbm>> -> memref<8x8x128xf32, #tpu.memory_space<hbm>>
      %dma_start3A_281 = arith.constant 0 : i32
      %dma_start3A_282 = arith.constant 0 : i32
      %dma_start3A_283 = arith.constant 0 : i32
      %dma_start3A_284 = tpu.memref_slice %arg14[%dma_start3A_281, %dma_start3A_282, %dma_start3A_283] : memref<8x8x129xf32, #tpu.memory_space<vmem>> -> memref<8x8x128xf32, #tpu.memory_space<vmem>>
      tpu.enqueue_dma source(%dma_start3A_284 : memref<8x8x128xf32, #tpu.memory_space<vmem>>) target(%dma_start3A_280 : memref<8x8x128xf32, #tpu.memory_space<hbm>>) target_semaphore(%arg26 : memref<!tpu.dma_semaphore, #tpu.memory_space<semaphore_mem>>)
      %mul3A_285 = arith.constant 8 : i32
      %mul3A_286 = arith.muli %scan3A_212, %mul3A_285 : i32
      %add3A_287 = arith.constant 2 : i32
      %add3A_288 = arith.addi %mul3A_286, %add3A_287 : i32
      %add3A_289 = arith.addi %mul3A_2, %add3A_288 : i32
      %dma_wait3A_290 = arith.constant 0 : i32
      %dma_wait3A_291 = arith.constant 0 : i32
      %dma_wait3A_292 = tpu.memref_slice %arg3[%dma_wait3A_290, %dma_wait3A_291] : memref<1000000x64xf32, #tpu.memory_space<hbm>> -> memref<128x64xf32, #tpu.memory_space<hbm>>
      %dma_wait3A_293 = arith.constant 0 : i32
      %dma_wait3A_294 = arith.constant 0 : i32
      %dma_wait3A_295 = tpu.memref_slice %arg3[%dma_wait3A_293, %dma_wait3A_294] : memref<1000000x64xf32, #tpu.memory_space<hbm>> -> memref<128x64xf32, #tpu.memory_space<hbm>>
      tpu.wait_dma2 semaphore(%arg20 : memref<!tpu.dma_semaphore, #tpu.memory_space<semaphore_mem>>) src(%dma_wait3A_295 : memref<128x64xf32, #tpu.memory_space<hbm>>) dst(%arg8 : memref<128x64xf32, #tpu.memory_space<vmem>>)
      %gt3A_296 = arith.constant 0 : i32
      %gt3A_297 = arith.cmpi sgt, %scan3A_212, %gt3A_296 : i32
      %convert_element_type3A_298 = arith.extui %gt3A_297 : i1 to i32
      %cond3A_299 = arith.constant 0 : i32
      %cond3A_300 = arith.cmpi ne, %convert_element_type3A_298, %cond3A_299 : i32
      scf.if %cond3A_300 {
        %dma_wait3A_633 = arith.constant 0 : i32
        %dma_wait3A_634 = arith.constant 0 : i32
        %dma_wait3A_635 = arith.constant 0 : i32
        %dma_wait3A_636 = arith.constant 0 : i32
        %dma_wait3A_637 = arith.constant 0 : i32
        %dma_wait3A_638 = tpu.memref_slice %arg16[%dma_wait3A_635, %dma_wait3A_636, %dma_wait3A_637] : memref<8x8x129xf32, #tpu.memory_space<vmem>> -> memref<8x8x128xf32, #tpu.memory_space<vmem>>
        %dma_wait3A_639 = arith.constant 0 : i32
        %dma_wait3A_640 = arith.constant 0 : i32
        %dma_wait3A_641 = arith.constant 0 : i32
        %dma_wait3A_642 = tpu.memref_slice %arg4[%dma_wait3A_633, %dma_wait3A_639, %dma_wait3A_634, %dma_wait3A_640, %dma_wait3A_641] : memref<50x8x128x8x128xf32, #tpu.memory_space<hbm>> -> memref<1x8x1x8x128xf32, #tpu.memory_space<hbm>>
        %dma_wait3A_643 = tpu.memref_squeeze %dma_wait3A_642 : memref<1x8x1x8x128xf32, #tpu.memory_space<hbm>> -> memref<8x8x128xf32, #tpu.memory_space<hbm>>
        %dma_wait3A_644 = arith.constant 0 : i32
        %dma_wait3A_645 = arith.constant 0 : i32
        %dma_wait3A_646 = arith.constant 0 : i32
        %dma_wait3A_647 = tpu.memref_slice %arg4[%dma_wait3A_633, %dma_wait3A_644, %dma_wait3A_634, %dma_wait3A_645, %dma_wait3A_646] : memref<50x8x128x8x128xf32, #tpu.memory_space<hbm>> -> memref<1x8x1x8x128xf32, #tpu.memory_space<hbm>>
        %dma_wait3A_648 = tpu.memref_squeeze %dma_wait3A_647 : memref<1x8x1x8x128xf32, #tpu.memory_space<hbm>> -> memref<8x8x128xf32, #tpu.memory_space<hbm>>
        %dma_wait3A_649 = arith.constant 0 : i32
        %dma_wait3A_650 = arith.constant 0 : i32
        %dma_wait3A_651 = arith.constant 0 : i32
        %dma_wait3A_652 = tpu.memref_slice %arg16[%dma_wait3A_649, %dma_wait3A_650, %dma_wait3A_651] : memref<8x8x129xf32, #tpu.memory_space<vmem>> -> memref<8x8x128xf32, #tpu.memory_space<vmem>>
        tpu.wait_dma2 semaphore(%arg28 : memref<!tpu.dma_semaphore, #tpu.memory_space<semaphore_mem>>) src(%dma_wait3A_652 : memref<8x8x128xf32, #tpu.memory_space<vmem>>) dst(%dma_wait3A_648 : memref<8x8x128xf32, #tpu.memory_space<hbm>>)
      } else {
      }
      %parallel_loop3A_301 = arith.constant 0 : i32
      %parallel_loop3A_302 = arith.constant 128 : i32
      %parallel_loop3A_303 = arith.constant 1 : i32
      scf.for %parallel_loop3A_633 = %parallel_loop3A_301 to %parallel_loop3A_302 step %parallel_loop3A_303  : i32 {
        %parallel_loop3A_634 = vector.broadcast %parallel_loop3A_633 : i32 to vector<16xi32>
        %parallel_loop3A_635 = arith.index_cast %parallel_loop3A_633 : i32 to index
        %parallel_loop3A_636 = arith.constant 0 : index
        %parallel_loop3A_637 = tpu.vector_load %arg8[%parallel_loop3A_635, %parallel_loop3A_636] {strides = array<i32>} : memref<128x64xf32, #tpu.memory_space<vmem>>, vector<16xf32>,
        tpu.vector_store_idx %arg16[%shift_right_arithmetic3A_7, %and3A_30, %parallel_loop3A_634], %parallel_loop3A_637 : memref<8x8x129xf32, #tpu.memory_space<vmem>>[vector<16xi32>, vector<16xi32>, vector<16xi32>], vector<16xf32>,
        %parallel_loop3A_638 = arith.index_cast %parallel_loop3A_633 : i32 to index
        %parallel_loop3A_639 = arith.constant 16 : index
        %parallel_loop3A_640 = tpu.vector_load %arg8[%parallel_loop3A_638, %parallel_loop3A_639] {strides = array<i32>} : memref<128x64xf32, #tpu.memory_space<vmem>>, vector<16xf32>,
        tpu.vector_store_idx %arg16[%shift_right_arithmetic3A_13, %and3A_36, %parallel_loop3A_634], %parallel_loop3A_640 : memref<8x8x129xf32, #tpu.memory_space<vmem>>[vector<16xi32>, vector<16xi32>, vector<16xi32>], vector<16xf32>,
        %parallel_loop3A_641 = arith.index_cast %parallel_loop3A_633 : i32 to index
        %parallel_loop3A_642 = arith.constant 32 : index
        %parallel_loop3A_643 = tpu.vector_load %arg8[%parallel_loop3A_641, %parallel_loop3A_642] {strides = array<i32>} : memref<128x64xf32, #tpu.memory_space<vmem>>, vector<16xf32>,
        tpu.vector_store_idx %arg16[%shift_right_arithmetic3A_19, %and3A_42, %parallel_loop3A_634], %parallel_loop3A_643 : memref<8x8x129xf32, #tpu.memory_space<vmem>>[vector<16xi32>, vector<16xi32>, vector<16xi32>], vector<16xf32>,
        %parallel_loop3A_644 = arith.index_cast %parallel_loop3A_633 : i32 to index
        %parallel_loop3A_645 = arith.constant 48 : index
        %parallel_loop3A_646 = tpu.vector_load %arg8[%parallel_loop3A_644, %parallel_loop3A_645] {strides = array<i32>} : memref<128x64xf32, #tpu.memory_space<vmem>>, vector<16xf32>,
        tpu.vector_store_idx %arg16[%shift_right_arithmetic3A_25, %and3A_48, %parallel_loop3A_634], %parallel_loop3A_646 : memref<8x8x129xf32, #tpu.memory_space<vmem>>[vector<16xi32>, vector<16xi32>, vector<16xi32>], vector<16xf32>,
      } {sc.loop_unroll_factor = 8 : i64, sc.parallel_access}
      %lt3A_304 = arith.constant 24 : i32
      %lt3A_305 = arith.cmpi slt, %scan3A_212, %lt3A_304 : i32
      %convert_element_type3A_306 = arith.extui %lt3A_305 : i1 to i32
      %cond3A_307 = arith.constant 0 : i32
      %cond3A_308 = arith.cmpi ne, %convert_element_type3A_306, %cond3A_307 : i32
      scf.if %cond3A_308 {
        %add3A_633 = arith.constant 8 : i32
        %add3A_634 = arith.addi %add3A_288, %add3A_633 : i32
        %dma_start3A_635 = arith.constant 0 : i32
        %dma_start3A_636 = tpu.memref_slice %arg5[%add3A_634, %dma_start3A_635] : memref<200x128xi32, #tpu.memory_space<vmem>> -> memref<1x128xi32, #tpu.memory_space<vmem>>
        %dma_start3A_637 = tpu.memref_squeeze %dma_start3A_636 : memref<1x128xi32, #tpu.memory_space<vmem>> -> memref<128xi32, #tpu.memory_space<vmem>>
        %dma_start3A_638 = arith.constant 0 : i32
        %dma_start3A_639 = arith.constant 0 : i32
        %dma_start3A_640 = tpu.memref_slice %arg3[%dma_start3A_638, %dma_start3A_639] : memref<1000000x64xf32, #tpu.memory_space<hbm>> -> memref<1000000x64xf32, #tpu.memory_space<hbm>>
        tpu.enqueue_indirect_dma source(%dma_start3A_640 : memref<1000000x64xf32, #tpu.memory_space<hbm>>) target(%arg8 : memref<128x64xf32, #tpu.memory_space<vmem>>) offsets(%dma_start3A_637 : memref<128xi32, #tpu.memory_space<vmem>>) semaphore(%arg20 : memref<!tpu.dma_semaphore, #tpu.memory_space<semaphore_mem>>)
      } else {
      }
      %sub3A_309 = arith.constant 1 : i32
      %sub3A_310 = arith.subi %add3A_289, %sub3A_309 : i32
      %shift_right_arithmetic3A_311 = arith.constant 7 : i32
      %shift_right_arithmetic3A_312 = arith.shrsi %sub3A_310, %shift_right_arithmetic3A_311 : i32
      %and3A_313 = arith.constant 127 : i32
      %and3A_314 = arith.andi %sub3A_310, %and3A_313 : i32
      %dma_start3A_315 = arith.constant 0 : i32
      %dma_start3A_316 = arith.constant 0 : i32
      %dma_start3A_317 = arith.constant 0 : i32
      %dma_start3A_318 = tpu.memref_slice %arg15[%dma_start3A_315, %dma_start3A_316, %dma_start3A_317] : memref<8x8x129xf32, #tpu.memory_space<vmem>> -> memref<8x8x128xf32, #tpu.memory_space<vmem>>
      %dma_start3A_319 = arith.constant 0 : i32
      %dma_start3A_320 = arith.constant 0 : i32
      %dma_start3A_321 = arith.constant 0 : i32
      %dma_start3A_322 = tpu.memref_slice %arg4[%shift_right_arithmetic3A_312, %dma_start3A_319, %and3A_314, %dma_start3A_320, %dma_start3A_321] : memref<50x8x128x8x128xf32, #tpu.memory_space<hbm>> -> memref<1x8x1x8x128xf32, #tpu.memory_space<hbm>>
      %dma_start3A_323 = tpu.memref_squeeze %dma_start3A_322 : memref<1x8x1x8x128xf32, #tpu.memory_space<hbm>> -> memref<8x8x128xf32, #tpu.memory_space<hbm>>
      %dma_start3A_324 = arith.constant 0 : i32
      %dma_start3A_325 = arith.constant 0 : i32
      %dma_start3A_326 = arith.constant 0 : i32
      %dma_start3A_327 = tpu.memref_slice %arg4[%shift_right_arithmetic3A_312, %dma_start3A_324, %and3A_314, %dma_start3A_325, %dma_start3A_326] : memref<50x8x128x8x128xf32, #tpu.memory_space<hbm>> -> memref<1x8x1x8x128xf32, #tpu.memory_space<hbm>>
      %dma_start3A_328 = tpu.memref_squeeze %dma_start3A_327 : memref<1x8x1x8x128xf32, #tpu.memory_space<hbm>> -> memref<8x8x128xf32, #tpu.memory_space<hbm>>
      %dma_start3A_329 = arith.constant 0 : i32
      %dma_start3A_330 = arith.constant 0 : i32
      %dma_start3A_331 = arith.constant 0 : i32
      %dma_start3A_332 = tpu.memref_slice %arg15[%dma_start3A_329, %dma_start3A_330, %dma_start3A_331] : memref<8x8x129xf32, #tpu.memory_space<vmem>> -> memref<8x8x128xf32, #tpu.memory_space<vmem>>
      tpu.enqueue_dma source(%dma_start3A_332 : memref<8x8x128xf32, #tpu.memory_space<vmem>>) target(%dma_start3A_328 : memref<8x8x128xf32, #tpu.memory_space<hbm>>) target_semaphore(%arg27 : memref<!tpu.dma_semaphore, #tpu.memory_space<semaphore_mem>>)
      %mul3A_333 = arith.constant 8 : i32
      %mul3A_334 = arith.muli %scan3A_212, %mul3A_333 : i32
      %add3A_335 = arith.constant 3 : i32
      %add3A_336 = arith.addi %mul3A_334, %add3A_335 : i32
      %add3A_337 = arith.addi %mul3A_2, %add3A_336 : i32
      %dma_wait3A_338 = arith.constant 0 : i32
      %dma_wait3A_339 = arith.constant 0 : i32
      %dma_wait3A_340 = tpu.memref_slice %arg3[%dma_wait3A_338, %dma_wait3A_339] : memref<1000000x64xf32, #tpu.memory_space<hbm>> -> memref<128x64xf32, #tpu.memory_space<hbm>>
      %dma_wait3A_341 = arith.constant 0 : i32
      %dma_wait3A_342 = arith.constant 0 : i32
      %dma_wait3A_343 = tpu.memref_slice %arg3[%dma_wait3A_341, %dma_wait3A_342] : memref<1000000x64xf32, #tpu.memory_space<hbm>> -> memref<128x64xf32, #tpu.memory_space<hbm>>
      tpu.wait_dma2 semaphore(%arg21 : memref<!tpu.dma_semaphore, #tpu.memory_space<semaphore_mem>>) src(%dma_wait3A_343 : memref<128x64xf32, #tpu.memory_space<hbm>>) dst(%arg9 : memref<128x64xf32, #tpu.memory_space<vmem>>)
      %gt3A_344 = arith.constant 0 : i32
      %gt3A_345 = arith.cmpi sgt, %scan3A_212, %gt3A_344 : i32
      %convert_element_type3A_346 = arith.extui %gt3A_345 : i1 to i32
      %cond3A_347 = arith.constant 0 : i32
      %cond3A_348 = arith.cmpi ne, %convert_element_type3A_346, %cond3A_347 : i32
      scf.if %cond3A_348 {
        %dma_wait3A_633 = arith.constant 0 : i32
        %dma_wait3A_634 = arith.constant 0 : i32
        %dma_wait3A_635 = arith.constant 0 : i32
        %dma_wait3A_636 = arith.constant 0 : i32
        %dma_wait3A_637 = arith.constant 0 : i32
        %dma_wait3A_638 = tpu.memref_slice %arg17[%dma_wait3A_635, %dma_wait3A_636, %dma_wait3A_637] : memref<8x8x129xf32, #tpu.memory_space<vmem>> -> memref<8x8x128xf32, #tpu.memory_space<vmem>>
        %dma_wait3A_639 = arith.constant 0 : i32
        %dma_wait3A_640 = arith.constant 0 : i32
        %dma_wait3A_641 = arith.constant 0 : i32
        %dma_wait3A_642 = tpu.memref_slice %arg4[%dma_wait3A_633, %dma_wait3A_639, %dma_wait3A_634, %dma_wait3A_640, %dma_wait3A_641] : memref<50x8x128x8x128xf32, #tpu.memory_space<hbm>> -> memref<1x8x1x8x128xf32, #tpu.memory_space<hbm>>
        %dma_wait3A_643 = tpu.memref_squeeze %dma_wait3A_642 : memref<1x8x1x8x128xf32, #tpu.memory_space<hbm>> -> memref<8x8x128xf32, #tpu.memory_space<hbm>>
        %dma_wait3A_644 = arith.constant 0 : i32
        %dma_wait3A_645 = arith.constant 0 : i32
        %dma_wait3A_646 = arith.constant 0 : i32
        %dma_wait3A_647 = tpu.memref_slice %arg4[%dma_wait3A_633, %dma_wait3A_644, %dma_wait3A_634, %dma_wait3A_645, %dma_wait3A_646] : memref<50x8x128x8x128xf32, #tpu.memory_space<hbm>> -> memref<1x8x1x8x128xf32, #tpu.memory_space<hbm>>
        %dma_wait3A_648 = tpu.memref_squeeze %dma_wait3A_647 : memref<1x8x1x8x128xf32, #tpu.memory_space<hbm>> -> memref<8x8x128xf32, #tpu.memory_space<hbm>>
        %dma_wait3A_649 = arith.constant 0 : i32
        %dma_wait3A_650 = arith.constant 0 : i32
        %dma_wait3A_651 = arith.constant 0 : i32
        %dma_wait3A_652 = tpu.memref_slice %arg17[%dma_wait3A_649, %dma_wait3A_650, %dma_wait3A_651] : memref<8x8x129xf32, #tpu.memory_space<vmem>> -> memref<8x8x128xf32, #tpu.memory_space<vmem>>
        tpu.wait_dma2 semaphore(%arg29 : memref<!tpu.dma_semaphore, #tpu.memory_space<semaphore_mem>>) src(%dma_wait3A_652 : memref<8x8x128xf32, #tpu.memory_space<vmem>>) dst(%dma_wait3A_648 : memref<8x8x128xf32, #tpu.memory_space<hbm>>)
      } else {
      }
      %parallel_loop3A_349 = arith.constant 0 : i32
      %parallel_loop3A_350 = arith.constant 128 : i32
      %parallel_loop3A_351 = arith.constant 1 : i32
      scf.for %parallel_loop3A_633 = %parallel_loop3A_349 to %parallel_loop3A_350 step %parallel_loop3A_351  : i32 {
        %parallel_loop3A_634 = vector.broadcast %parallel_loop3A_633 : i32 to vector<16xi32>
        %parallel_loop3A_635 = arith.index_cast %parallel_loop3A_633 : i32 to index
        %parallel_loop3A_636 = arith.constant 0 : index
        %parallel_loop3A_637 = tpu.vector_load %arg9[%parallel_loop3A_635, %parallel_loop3A_636] {strides = array<i32>} : memref<128x64xf32, #tpu.memory_space<vmem>>, vector<16xf32>,
        tpu.vector_store_idx %arg17[%shift_right_arithmetic3A_7, %and3A_30, %parallel_loop3A_634], %parallel_loop3A_637 : memref<8x8x129xf32, #tpu.memory_space<vmem>>[vector<16xi32>, vector<16xi32>, vector<16xi32>], vector<16xf32>,
        %parallel_loop3A_638 = arith.index_cast %parallel_loop3A_633 : i32 to index
        %parallel_loop3A_639 = arith.constant 16 : index
        %parallel_loop3A_640 = tpu.vector_load %arg9[%parallel_loop3A_638, %parallel_loop3A_639] {strides = array<i32>} : memref<128x64xf32, #tpu.memory_space<vmem>>, vector<16xf32>,
        tpu.vector_store_idx %arg17[%shift_right_arithmetic3A_13, %and3A_36, %parallel_loop3A_634], %parallel_loop3A_640 : memref<8x8x129xf32, #tpu.memory_space<vmem>>[vector<16xi32>, vector<16xi32>, vector<16xi32>], vector<16xf32>,
        %parallel_loop3A_641 = arith.index_cast %parallel_loop3A_633 : i32 to index
        %parallel_loop3A_642 = arith.constant 32 : index
        %parallel_loop3A_643 = tpu.vector_load %arg9[%parallel_loop3A_641, %parallel_loop3A_642] {strides = array<i32>} : memref<128x64xf32, #tpu.memory_space<vmem>>, vector<16xf32>,
        tpu.vector_store_idx %arg17[%shift_right_arithmetic3A_19, %and3A_42, %parallel_loop3A_634], %parallel_loop3A_643 : memref<8x8x129xf32, #tpu.memory_space<vmem>>[vector<16xi32>, vector<16xi32>, vector<16xi32>], vector<16xf32>,
        %parallel_loop3A_644 = arith.index_cast %parallel_loop3A_633 : i32 to index
        %parallel_loop3A_645 = arith.constant 48 : index
        %parallel_loop3A_646 = tpu.vector_load %arg9[%parallel_loop3A_644, %parallel_loop3A_645] {strides = array<i32>} : memref<128x64xf32, #tpu.memory_space<vmem>>, vector<16xf32>,
        tpu.vector_store_idx %arg17[%shift_right_arithmetic3A_25, %and3A_48, %parallel_loop3A_634], %parallel_loop3A_646 : memref<8x8x129xf32, #tpu.memory_space<vmem>>[vector<16xi32>, vector<16xi32>, vector<16xi32>], vector<16xf32>,
      } {sc.loop_unroll_factor = 8 : i64, sc.parallel_access}
      %lt3A_352 = arith.constant 24 : i32
      %lt3A_353 = arith.cmpi slt, %scan3A_212, %lt3A_352 : i32
      %convert_element_type3A_354 = arith.extui %lt3A_353 : i1 to i32
      %cond3A_355 = arith.constant 0 : i32
      %cond3A_356 = arith.cmpi ne, %convert_element_type3A_354, %cond3A_355 : i32
      scf.if %cond3A_356 {
        %add3A_633 = arith.constant 8 : i32
        %add3A_634 = arith.addi %add3A_336, %add3A_633 : i32
        %dma_start3A_635 = arith.constant 0 : i32
        %dma_start3A_636 = tpu.memref_slice %arg5[%add3A_634, %dma_start3A_635] : memref<200x128xi32, #tpu.memory_space<vmem>> -> memref<1x128xi32, #tpu.memory_space<vmem>>
        %dma_start3A_637 = tpu.memref_squeeze %dma_start3A_636 : memref<1x128xi32, #tpu.memory_space<vmem>> -> memref<128xi32, #tpu.memory_space<vmem>>
        %dma_start3A_638 = arith.constant 0 : i32
        %dma_start3A_639 = arith.constant 0 : i32
        %dma_start3A_640 = tpu.memref_slice %arg3[%dma_start3A_638, %dma_start3A_639] : memref<1000000x64xf32, #tpu.memory_space<hbm>> -> memref<1000000x64xf32, #tpu.memory_space<hbm>>
        tpu.enqueue_indirect_dma source(%dma_start3A_640 : memref<1000000x64xf32, #tpu.memory_space<hbm>>) target(%arg9 : memref<128x64xf32, #tpu.memory_space<vmem>>) offsets(%dma_start3A_637 : memref<128xi32, #tpu.memory_space<vmem>>) semaphore(%arg21 : memref<!tpu.dma_semaphore, #tpu.memory_space<semaphore_mem>>)
      } else {
      }
      %sub3A_357 = arith.constant 1 : i32
      %sub3A_358 = arith.subi %add3A_337, %sub3A_357 : i32
      %shift_right_arithmetic3A_359 = arith.constant 7 : i32
      %shift_right_arithmetic3A_360 = arith.shrsi %sub3A_358, %shift_right_arithmetic3A_359 : i32
      %and3A_361 = arith.constant 127 : i32
      %and3A_362 = arith.andi %sub3A_358, %and3A_361 : i32
      %dma_start3A_363 = arith.constant 0 : i32
      %dma_start3A_364 = arith.constant 0 : i32
      %dma_start3A_365 = arith.constant 0 : i32
      %dma_start3A_366 = tpu.memref_slice %arg16[%dma_start3A_363, %dma_start3A_364, %dma_start3A_365] : memref<8x8x129xf32, #tpu.memory_space<vmem>> -> memref<8x8x128xf32, #tpu.memory_space<vmem>>
      %dma_start3A_367 = arith.constant 0 : i32
      %dma_start3A_368 = arith.constant 0 : i32
      %dma_start3A_369 = arith.constant 0 : i32
      %dma_start3A_370 = tpu.memref_slice %arg4[%shift_right_arithmetic3A_360, %dma_start3A_367, %and3A_362, %dma_start3A_368, %dma_start3A_369] : memref<50x8x128x8x128xf32, #tpu.memory_space<hbm>> -> memref<1x8x1x8x128xf32, #tpu.memory_space<hbm>>
      %dma_start3A_371 = tpu.memref_squeeze %dma_start3A_370 : memref<1x8x1x8x128xf32, #tpu.memory_space<hbm>> -> memref<8x8x128xf32, #tpu.memory_space<hbm>>
      %dma_start3A_372 = arith.constant 0 : i32
      %dma_start3A_373 = arith.constant 0 : i32
      %dma_start3A_374 = arith.constant 0 : i32
      %dma_start3A_375 = tpu.memref_slice %arg4[%shift_right_arithmetic3A_360, %dma_start3A_372, %and3A_362, %dma_start3A_373, %dma_start3A_374] : memref<50x8x128x8x128xf32, #tpu.memory_space<hbm>> -> memref<1x8x1x8x128xf32, #tpu.memory_space<hbm>>
      %dma_start3A_376 = tpu.memref_squeeze %dma_start3A_375 : memref<1x8x1x8x128xf32, #tpu.memory_space<hbm>> -> memref<8x8x128xf32, #tpu.memory_space<hbm>>
      %dma_start3A_377 = arith.constant 0 : i32
      %dma_start3A_378 = arith.constant 0 : i32
      %dma_start3A_379 = arith.constant 0 : i32
      %dma_start3A_380 = tpu.memref_slice %arg16[%dma_start3A_377, %dma_start3A_378, %dma_start3A_379] : memref<8x8x129xf32, #tpu.memory_space<vmem>> -> memref<8x8x128xf32, #tpu.memory_space<vmem>>
      tpu.enqueue_dma source(%dma_start3A_380 : memref<8x8x128xf32, #tpu.memory_space<vmem>>) target(%dma_start3A_376 : memref<8x8x128xf32, #tpu.memory_space<hbm>>) target_semaphore(%arg28 : memref<!tpu.dma_semaphore, #tpu.memory_space<semaphore_mem>>)
      %mul3A_381 = arith.constant 8 : i32
      %mul3A_382 = arith.muli %scan3A_212, %mul3A_381 : i32
      %add3A_383 = arith.constant 4 : i32
      %add3A_384 = arith.addi %mul3A_382, %add3A_383 : i32
      %add3A_385 = arith.addi %mul3A_2, %add3A_384 : i32
      %dma_wait3A_386 = arith.constant 0 : i32
      %dma_wait3A_387 = arith.constant 0 : i32
      %dma_wait3A_388 = tpu.memref_slice %arg3[%dma_wait3A_386, %dma_wait3A_387] : memref<1000000x64xf32, #tpu.memory_space<hbm>> -> memref<128x64xf32, #tpu.memory_space<hbm>>
      %dma_wait3A_389 = arith.constant 0 : i32
      %dma_wait3A_390 = arith.constant 0 : i32
      %dma_wait3A_391 = tpu.memref_slice %arg3[%dma_wait3A_389, %dma_wait3A_390] : memref<1000000x64xf32, #tpu.memory_space<hbm>> -> memref<128x64xf32, #tpu.memory_space<hbm>>
      tpu.wait_dma2 semaphore(%arg22 : memref<!tpu.dma_semaphore, #tpu.memory_space<semaphore_mem>>) src(%dma_wait3A_391 : memref<128x64xf32, #tpu.memory_space<hbm>>) dst(%arg10 : memref<128x64xf32, #tpu.memory_space<vmem>>)
      %dma_wait3A_392 = arith.constant 0 : i32
      %dma_wait3A_393 = arith.constant 0 : i32
      %dma_wait3A_394 = arith.constant 0 : i32
      %dma_wait3A_395 = arith.constant 0 : i32
      %dma_wait3A_396 = arith.constant 0 : i32
      %dma_wait3A_397 = tpu.memref_slice %arg14[%dma_wait3A_394, %dma_wait3A_395, %dma_wait3A_396] : memref<8x8x129xf32, #tpu.memory_space<vmem>> -> memref<8x8x128xf32, #tpu.memory_space<vmem>>
      %dma_wait3A_398 = arith.constant 0 : i32
      %dma_wait3A_399 = arith.constant 0 : i32
      %dma_wait3A_400 = arith.constant 0 : i32
      %dma_wait3A_401 = tpu.memref_slice %arg4[%dma_wait3A_392, %dma_wait3A_398, %dma_wait3A_393, %dma_wait3A_399, %dma_wait3A_400] : memref<50x8x128x8x128xf32, #tpu.memory_space<hbm>> -> memref<1x8x1x8x128xf32, #tpu.memory_space<hbm>>
      %dma_wait3A_402 = tpu.memref_squeeze %dma_wait3A_401 : memref<1x8x1x8x128xf32, #tpu.memory_space<hbm>> -> memref<8x8x128xf32, #tpu.memory_space<hbm>>
      %dma_wait3A_403 = arith.constant 0 : i32
      %dma_wait3A_404 = arith.constant 0 : i32
      %dma_wait3A_405 = arith.constant 0 : i32
      %dma_wait3A_406 = tpu.memref_slice %arg4[%dma_wait3A_392, %dma_wait3A_403, %dma_wait3A_393, %dma_wait3A_404, %dma_wait3A_405] : memref<50x8x128x8x128xf32, #tpu.memory_space<hbm>> -> memref<1x8x1x8x128xf32, #tpu.memory_space<hbm>>
      %dma_wait3A_407 = tpu.memref_squeeze %dma_wait3A_406 : memref<1x8x1x8x128xf32, #tpu.memory_space<hbm>> -> memref<8x8x128xf32, #tpu.memory_space<hbm>>
      %dma_wait3A_408 = arith.constant 0 : i32
      %dma_wait3A_409 = arith.constant 0 : i32
      %dma_wait3A_410 = arith.constant 0 : i32
      %dma_wait3A_411 = tpu.memref_slice %arg14[%dma_wait3A_408, %dma_wait3A_409, %dma_wait3A_410] : memref<8x8x129xf32, #tpu.memory_space<vmem>> -> memref<8x8x128xf32, #tpu.memory_space<vmem>>
      tpu.wait_dma2 semaphore(%arg26 : memref<!tpu.dma_semaphore, #tpu.memory_space<semaphore_mem>>) src(%dma_wait3A_411 : memref<8x8x128xf32, #tpu.memory_space<vmem>>) dst(%dma_wait3A_407 : memref<8x8x128xf32, #tpu.memory_space<hbm>>)
      %parallel_loop3A_412 = arith.constant 0 : i32
      %parallel_loop3A_413 = arith.constant 128 : i32
      %parallel_loop3A_414 = arith.constant 1 : i32
      scf.for %parallel_loop3A_633 = %parallel_loop3A_412 to %parallel_loop3A_413 step %parallel_loop3A_414  : i32 {
        %parallel_loop3A_634 = vector.broadcast %parallel_loop3A_633 : i32 to vector<16xi32>
        %parallel_loop3A_635 = arith.index_cast %parallel_loop3A_633 : i32 to index
        %parallel_loop3A_636 = arith.constant 0 : index
        %parallel_loop3A_637 = tpu.vector_load %arg10[%parallel_loop3A_635, %parallel_loop3A_636] {strides = array<i32>} : memref<128x64xf32, #tpu.memory_space<vmem>>, vector<16xf32>,
        tpu.vector_store_idx %arg14[%shift_right_arithmetic3A_7, %and3A_30, %parallel_loop3A_634], %parallel_loop3A_637 : memref<8x8x129xf32, #tpu.memory_space<vmem>>[vector<16xi32>, vector<16xi32>, vector<16xi32>], vector<16xf32>,
        %parallel_loop3A_638 = arith.index_cast %parallel_loop3A_633 : i32 to index
        %parallel_loop3A_639 = arith.constant 16 : index
        %parallel_loop3A_640 = tpu.vector_load %arg10[%parallel_loop3A_638, %parallel_loop3A_639] {strides = array<i32>} : memref<128x64xf32, #tpu.memory_space<vmem>>, vector<16xf32>,
        tpu.vector_store_idx %arg14[%shift_right_arithmetic3A_13, %and3A_36, %parallel_loop3A_634], %parallel_loop3A_640 : memref<8x8x129xf32, #tpu.memory_space<vmem>>[vector<16xi32>, vector<16xi32>, vector<16xi32>], vector<16xf32>,
        %parallel_loop3A_641 = arith.index_cast %parallel_loop3A_633 : i32 to index
        %parallel_loop3A_642 = arith.constant 32 : index
        %parallel_loop3A_643 = tpu.vector_load %arg10[%parallel_loop3A_641, %parallel_loop3A_642] {strides = array<i32>} : memref<128x64xf32, #tpu.memory_space<vmem>>, vector<16xf32>,
        tpu.vector_store_idx %arg14[%shift_right_arithmetic3A_19, %and3A_42, %parallel_loop3A_634], %parallel_loop3A_643 : memref<8x8x129xf32, #tpu.memory_space<vmem>>[vector<16xi32>, vector<16xi32>, vector<16xi32>], vector<16xf32>,
        %parallel_loop3A_644 = arith.index_cast %parallel_loop3A_633 : i32 to index
        %parallel_loop3A_645 = arith.constant 48 : index
        %parallel_loop3A_646 = tpu.vector_load %arg10[%parallel_loop3A_644, %parallel_loop3A_645] {strides = array<i32>} : memref<128x64xf32, #tpu.memory_space<vmem>>, vector<16xf32>,
        tpu.vector_store_idx %arg14[%shift_right_arithmetic3A_25, %and3A_48, %parallel_loop3A_634], %parallel_loop3A_646 : memref<8x8x129xf32, #tpu.memory_space<vmem>>[vector<16xi32>, vector<16xi32>, vector<16xi32>], vector<16xf32>,
      } {sc.loop_unroll_factor = 8 : i64, sc.parallel_access}
      %lt3A_415 = arith.constant 24 : i32
      %lt3A_416 = arith.cmpi slt, %scan3A_212, %lt3A_415 : i32
      %convert_element_type3A_417 = arith.extui %lt3A_416 : i1 to i32
      %cond3A_418 = arith.constant 0 : i32
      %cond3A_419 = arith.cmpi ne, %convert_element_type3A_417, %cond3A_418 : i32
      scf.if %cond3A_419 {
        %add3A_633 = arith.constant 8 : i32
        %add3A_634 = arith.addi %add3A_384, %add3A_633 : i32
        %dma_start3A_635 = arith.constant 0 : i32
        %dma_start3A_636 = tpu.memref_slice %arg5[%add3A_634, %dma_start3A_635] : memref<200x128xi32, #tpu.memory_space<vmem>> -> memref<1x128xi32, #tpu.memory_space<vmem>>
        %dma_start3A_637 = tpu.memref_squeeze %dma_start3A_636 : memref<1x128xi32, #tpu.memory_space<vmem>> -> memref<128xi32, #tpu.memory_space<vmem>>
        %dma_start3A_638 = arith.constant 0 : i32
        %dma_start3A_639 = arith.constant 0 : i32
        %dma_start3A_640 = tpu.memref_slice %arg3[%dma_start3A_638, %dma_start3A_639] : memref<1000000x64xf32, #tpu.memory_space<hbm>> -> memref<1000000x64xf32, #tpu.memory_space<hbm>>
        tpu.enqueue_indirect_dma source(%dma_start3A_640 : memref<1000000x64xf32, #tpu.memory_space<hbm>>) target(%arg10 : memref<128x64xf32, #tpu.memory_space<vmem>>) offsets(%dma_start3A_637 : memref<128xi32, #tpu.memory_space<vmem>>) semaphore(%arg22 : memref<!tpu.dma_semaphore, #tpu.memory_space<semaphore_mem>>)
      } else {
      }
      %sub3A_420 = arith.constant 1 : i32
      %sub3A_421 = arith.subi %add3A_385, %sub3A_420 : i32
      %shift_right_arithmetic3A_422 = arith.constant 7 : i32
      %shift_right_arithmetic3A_423 = arith.shrsi %sub3A_421, %shift_right_arithmetic3A_422 : i32
      %and3A_424 = arith.constant 127 : i32
      %and3A_425 = arith.andi %sub3A_421, %and3A_424 : i32
      %dma_start3A_426 = arith.constant 0 : i32
      %dma_start3A_427 = arith.constant 0 : i32
      %dma_start3A_428 = arith.constant 0 : i32
      %dma_start3A_429 = tpu.memref_slice %arg17[%dma_start3A_426, %dma_start3A_427, %dma_start3A_428] : memref<8x8x129xf32, #tpu.memory_space<vmem>> -> memref<8x8x128xf32, #tpu.memory_space<vmem>>
      %dma_start3A_430 = arith.constant 0 : i32
      %dma_start3A_431 = arith.constant 0 : i32
      %dma_start3A_432 = arith.constant 0 : i32
      %dma_start3A_433 = tpu.memref_slice %arg4[%shift_right_arithmetic3A_423, %dma_start3A_430, %and3A_425, %dma_start3A_431, %dma_start3A_432] : memref<50x8x128x8x128xf32, #tpu.memory_space<hbm>> -> memref<1x8x1x8x128xf32, #tpu.memory_space<hbm>>
      %dma_start3A_434 = tpu.memref_squeeze %dma_start3A_433 : memref<1x8x1x8x128xf32, #tpu.memory_space<hbm>> -> memref<8x8x128xf32, #tpu.memory_space<hbm>>
      %dma_start3A_435 = arith.constant 0 : i32
      %dma_start3A_436 = arith.constant 0 : i32
      %dma_start3A_437 = arith.constant 0 : i32
      %dma_start3A_438 = tpu.memref_slice %arg4[%shift_right_arithmetic3A_423, %dma_start3A_435, %and3A_425, %dma_start3A_436, %dma_start3A_437] : memref<50x8x128x8x128xf32, #tpu.memory_space<hbm>> -> memref<1x8x1x8x128xf32, #tpu.memory_space<hbm>>
      %dma_start3A_439 = tpu.memref_squeeze %dma_start3A_438 : memref<1x8x1x8x128xf32, #tpu.memory_space<hbm>> -> memref<8x8x128xf32, #tpu.memory_space<hbm>>
      %dma_start3A_440 = arith.constant 0 : i32
      %dma_start3A_441 = arith.constant 0 : i32
      %dma_start3A_442 = arith.constant 0 : i32
      %dma_start3A_443 = tpu.memref_slice %arg17[%dma_start3A_440, %dma_start3A_441, %dma_start3A_442] : memref<8x8x129xf32, #tpu.memory_space<vmem>> -> memref<8x8x128xf32, #tpu.memory_space<vmem>>
      tpu.enqueue_dma source(%dma_start3A_443 : memref<8x8x128xf32, #tpu.memory_space<vmem>>) target(%dma_start3A_439 : memref<8x8x128xf32, #tpu.memory_space<hbm>>) target_semaphore(%arg29 : memref<!tpu.dma_semaphore, #tpu.memory_space<semaphore_mem>>)
      %mul3A_444 = arith.constant 8 : i32
      %mul3A_445 = arith.muli %scan3A_212, %mul3A_444 : i32
      %add3A_446 = arith.constant 5 : i32
      %add3A_447 = arith.addi %mul3A_445, %add3A_446 : i32
      %add3A_448 = arith.addi %mul3A_2, %add3A_447 : i32
      %dma_wait3A_449 = arith.constant 0 : i32
      %dma_wait3A_450 = arith.constant 0 : i32
      %dma_wait3A_451 = tpu.memref_slice %arg3[%dma_wait3A_449, %dma_wait3A_450] : memref<1000000x64xf32, #tpu.memory_space<hbm>> -> memref<128x64xf32, #tpu.memory_space<hbm>>
      %dma_wait3A_452 = arith.constant 0 : i32
      %dma_wait3A_453 = arith.constant 0 : i32
      %dma_wait3A_454 = tpu.memref_slice %arg3[%dma_wait3A_452, %dma_wait3A_453] : memref<1000000x64xf32, #tpu.memory_space<hbm>> -> memref<128x64xf32, #tpu.memory_space<hbm>>
      tpu.wait_dma2 semaphore(%arg23 : memref<!tpu.dma_semaphore, #tpu.memory_space<semaphore_mem>>) src(%dma_wait3A_454 : memref<128x64xf32, #tpu.memory_space<hbm>>) dst(%arg11 : memref<128x64xf32, #tpu.memory_space<vmem>>)
      %dma_wait3A_455 = arith.constant 0 : i32
      %dma_wait3A_456 = arith.constant 0 : i32
      %dma_wait3A_457 = arith.constant 0 : i32
      %dma_wait3A_458 = arith.constant 0 : i32
      %dma_wait3A_459 = arith.constant 0 : i32
      %dma_wait3A_460 = tpu.memref_slice %arg15[%dma_wait3A_457, %dma_wait3A_458, %dma_wait3A_459] : memref<8x8x129xf32, #tpu.memory_space<vmem>> -> memref<8x8x128xf32, #tpu.memory_space<vmem>>
      %dma_wait3A_461 = arith.constant 0 : i32
      %dma_wait3A_462 = arith.constant 0 : i32
      %dma_wait3A_463 = arith.constant 0 : i32
      %dma_wait3A_464 = tpu.memref_slice %arg4[%dma_wait3A_455, %dma_wait3A_461, %dma_wait3A_456, %dma_wait3A_462, %dma_wait3A_463] : memref<50x8x128x8x128xf32, #tpu.memory_space<hbm>> -> memref<1x8x1x8x128xf32, #tpu.memory_space<hbm>>
      %dma_wait3A_465 = tpu.memref_squeeze %dma_wait3A_464 : memref<1x8x1x8x128xf32, #tpu.memory_space<hbm>> -> memref<8x8x128xf32, #tpu.memory_space<hbm>>
      %dma_wait3A_466 = arith.constant 0 : i32
      %dma_wait3A_467 = arith.constant 0 : i32
      %dma_wait3A_468 = arith.constant 0 : i32
      %dma_wait3A_469 = tpu.memref_slice %arg4[%dma_wait3A_455, %dma_wait3A_466, %dma_wait3A_456, %dma_wait3A_467, %dma_wait3A_468] : memref<50x8x128x8x128xf32, #tpu.memory_space<hbm>> -> memref<1x8x1x8x128xf32, #tpu.memory_space<hbm>>
      %dma_wait3A_470 = tpu.memref_squeeze %dma_wait3A_469 : memref<1x8x1x8x128xf32, #tpu.memory_space<hbm>> -> memref<8x8x128xf32, #tpu.memory_space<hbm>>
      %dma_wait3A_471 = arith.constant 0 : i32
      %dma_wait3A_472 = arith.constant 0 : i32
      %dma_wait3A_473 = arith.constant 0 : i32
      %dma_wait3A_474 = tpu.memref_slice %arg15[%dma_wait3A_471, %dma_wait3A_472, %dma_wait3A_473] : memref<8x8x129xf32, #tpu.memory_space<vmem>> -> memref<8x8x128xf32, #tpu.memory_space<vmem>>
      tpu.wait_dma2 semaphore(%arg27 : memref<!tpu.dma_semaphore, #tpu.memory_space<semaphore_mem>>) src(%dma_wait3A_474 : memref<8x8x128xf32, #tpu.memory_space<vmem>>) dst(%dma_wait3A_470 : memref<8x8x128xf32, #tpu.memory_space<hbm>>)
      %parallel_loop3A_475 = arith.constant 0 : i32
      %parallel_loop3A_476 = arith.constant 128 : i32
      %parallel_loop3A_477 = arith.constant 1 : i32
      scf.for %parallel_loop3A_633 = %parallel_loop3A_475 to %parallel_loop3A_476 step %parallel_loop3A_477  : i32 {
        %parallel_loop3A_634 = vector.broadcast %parallel_loop3A_633 : i32 to vector<16xi32>
        %parallel_loop3A_635 = arith.index_cast %parallel_loop3A_633 : i32 to index
        %parallel_loop3A_636 = arith.constant 0 : index
        %parallel_loop3A_637 = tpu.vector_load %arg11[%parallel_loop3A_635, %parallel_loop3A_636] {strides = array<i32>} : memref<128x64xf32, #tpu.memory_space<vmem>>, vector<16xf32>,
        tpu.vector_store_idx %arg15[%shift_right_arithmetic3A_7, %and3A_30, %parallel_loop3A_634], %parallel_loop3A_637 : memref<8x8x129xf32, #tpu.memory_space<vmem>>[vector<16xi32>, vector<16xi32>, vector<16xi32>], vector<16xf32>,
        %parallel_loop3A_638 = arith.index_cast %parallel_loop3A_633 : i32 to index
        %parallel_loop3A_639 = arith.constant 16 : index
        %parallel_loop3A_640 = tpu.vector_load %arg11[%parallel_loop3A_638, %parallel_loop3A_639] {strides = array<i32>} : memref<128x64xf32, #tpu.memory_space<vmem>>, vector<16xf32>,
        tpu.vector_store_idx %arg15[%shift_right_arithmetic3A_13, %and3A_36, %parallel_loop3A_634], %parallel_loop3A_640 : memref<8x8x129xf32, #tpu.memory_space<vmem>>[vector<16xi32>, vector<16xi32>, vector<16xi32>], vector<16xf32>,
        %parallel_loop3A_641 = arith.index_cast %parallel_loop3A_633 : i32 to index
        %parallel_loop3A_642 = arith.constant 32 : index
        %parallel_loop3A_643 = tpu.vector_load %arg11[%parallel_loop3A_641, %parallel_loop3A_642] {strides = array<i32>} : memref<128x64xf32, #tpu.memory_space<vmem>>, vector<16xf32>,
        tpu.vector_store_idx %arg15[%shift_right_arithmetic3A_19, %and3A_42, %parallel_loop3A_634], %parallel_loop3A_643 : memref<8x8x129xf32, #tpu.memory_space<vmem>>[vector<16xi32>, vector<16xi32>, vector<16xi32>], vector<16xf32>,
        %parallel_loop3A_644 = arith.index_cast %parallel_loop3A_633 : i32 to index
        %parallel_loop3A_645 = arith.constant 48 : index
        %parallel_loop3A_646 = tpu.vector_load %arg11[%parallel_loop3A_644, %parallel_loop3A_645] {strides = array<i32>} : memref<128x64xf32, #tpu.memory_space<vmem>>, vector<16xf32>,
        tpu.vector_store_idx %arg15[%shift_right_arithmetic3A_25, %and3A_48, %parallel_loop3A_634], %parallel_loop3A_646 : memref<8x8x129xf32, #tpu.memory_space<vmem>>[vector<16xi32>, vector<16xi32>, vector<16xi32>], vector<16xf32>,
      } {sc.loop_unroll_factor = 8 : i64, sc.parallel_access}
      %lt3A_478 = arith.constant 24 : i32
      %lt3A_479 = arith.cmpi slt, %scan3A_212, %lt3A_478 : i32
      %convert_element_type3A_480 = arith.extui %lt3A_479 : i1 to i32
      %cond3A_481 = arith.constant 0 : i32
      %cond3A_482 = arith.cmpi ne, %convert_element_type3A_480, %cond3A_481 : i32
      scf.if %cond3A_482 {
        %add3A_633 = arith.constant 8 : i32
        %add3A_634 = arith.addi %add3A_447, %add3A_633 : i32
        %dma_start3A_635 = arith.constant 0 : i32
        %dma_start3A_636 = tpu.memref_slice %arg5[%add3A_634, %dma_start3A_635] : memref<200x128xi32, #tpu.memory_space<vmem>> -> memref<1x128xi32, #tpu.memory_space<vmem>>
        %dma_start3A_637 = tpu.memref_squeeze %dma_start3A_636 : memref<1x128xi32, #tpu.memory_space<vmem>> -> memref<128xi32, #tpu.memory_space<vmem>>
        %dma_start3A_638 = arith.constant 0 : i32
        %dma_start3A_639 = arith.constant 0 : i32
        %dma_start3A_640 = tpu.memref_slice %arg3[%dma_start3A_638, %dma_start3A_639] : memref<1000000x64xf32, #tpu.memory_space<hbm>> -> memref<1000000x64xf32, #tpu.memory_space<hbm>>
        tpu.enqueue_indirect_dma source(%dma_start3A_640 : memref<1000000x64xf32, #tpu.memory_space<hbm>>) target(%arg11 : memref<128x64xf32, #tpu.memory_space<vmem>>) offsets(%dma_start3A_637 : memref<128xi32, #tpu.memory_space<vmem>>) semaphore(%arg23 : memref<!tpu.dma_semaphore, #tpu.memory_space<semaphore_mem>>)
      } else {
      }
      %sub3A_483 = arith.constant 1 : i32
      %sub3A_484 = arith.subi %add3A_448, %sub3A_483 : i32
      %shift_right_arithmetic3A_485 = arith.constant 7 : i32
      %shift_right_arithmetic3A_486 = arith.shrsi %sub3A_484, %shift_right_arithmetic3A_485 : i32
      %and3A_487 = arith.constant 127 : i32
      %and3A_488 = arith.andi %sub3A_484, %and3A_487 : i32
      %dma_start3A_489 = arith.constant 0 : i32
      %dma_start3A_490 = arith.constant 0 : i32
      %dma_start3A_491 = arith.constant 0 : i32
      %dma_start3A_492 = tpu.memref_slice %arg14[%dma_start3A_489, %dma_start3A_490, %dma_start3A_491] : memref<8x8x129xf32, #tpu.memory_space<vmem>> -> memref<8x8x128xf32, #tpu.memory_space<vmem>>
      %dma_start3A_493 = arith.constant 0 : i32
      %dma_start3A_494 = arith.constant 0 : i32
      %dma_start3A_495 = arith.constant 0 : i32
      %dma_start3A_496 = tpu.memref_slice %arg4[%shift_right_arithmetic3A_486, %dma_start3A_493, %and3A_488, %dma_start3A_494, %dma_start3A_495] : memref<50x8x128x8x128xf32, #tpu.memory_space<hbm>> -> memref<1x8x1x8x128xf32, #tpu.memory_space<hbm>>
      %dma_start3A_497 = tpu.memref_squeeze %dma_start3A_496 : memref<1x8x1x8x128xf32, #tpu.memory_space<hbm>> -> memref<8x8x128xf32, #tpu.memory_space<hbm>>
      %dma_start3A_498 = arith.constant 0 : i32
      %dma_start3A_499 = arith.constant 0 : i32
      %dma_start3A_500 = arith.constant 0 : i32
      %dma_start3A_501 = tpu.memref_slice %arg4[%shift_right_arithmetic3A_486, %dma_start3A_498, %and3A_488, %dma_start3A_499, %dma_start3A_500] : memref<50x8x128x8x128xf32, #tpu.memory_space<hbm>> -> memref<1x8x1x8x128xf32, #tpu.memory_space<hbm>>
      %dma_start3A_502 = tpu.memref_squeeze %dma_start3A_501 : memref<1x8x1x8x128xf32, #tpu.memory_space<hbm>> -> memref<8x8x128xf32, #tpu.memory_space<hbm>>
      %dma_start3A_503 = arith.constant 0 : i32
      %dma_start3A_504 = arith.constant 0 : i32
      %dma_start3A_505 = arith.constant 0 : i32
      %dma_start3A_506 = tpu.memref_slice %arg14[%dma_start3A_503, %dma_start3A_504, %dma_start3A_505] : memref<8x8x129xf32, #tpu.memory_space<vmem>> -> memref<8x8x128xf32, #tpu.memory_space<vmem>>
      tpu.enqueue_dma source(%dma_start3A_506 : memref<8x8x128xf32, #tpu.memory_space<vmem>>) target(%dma_start3A_502 : memref<8x8x128xf32, #tpu.memory_space<hbm>>) target_semaphore(%arg26 : memref<!tpu.dma_semaphore, #tpu.memory_space<semaphore_mem>>)
      %mul3A_507 = arith.constant 8 : i32
      %mul3A_508 = arith.muli %scan3A_212, %mul3A_507 : i32
      %add3A_509 = arith.constant 6 : i32
      %add3A_510 = arith.addi %mul3A_508, %add3A_509 : i32
      %add3A_511 = arith.addi %mul3A_2, %add3A_510 : i32
      %dma_wait3A_512 = arith.constant 0 : i32
      %dma_wait3A_513 = arith.constant 0 : i32
      %dma_wait3A_514 = tpu.memref_slice %arg3[%dma_wait3A_512, %dma_wait3A_513] : memref<1000000x64xf32, #tpu.memory_space<hbm>> -> memref<128x64xf32, #tpu.memory_space<hbm>>
      %dma_wait3A_515 = arith.constant 0 : i32
      %dma_wait3A_516 = arith.constant 0 : i32
      %dma_wait3A_517 = tpu.memref_slice %arg3[%dma_wait3A_515, %dma_wait3A_516] : memref<1000000x64xf32, #tpu.memory_space<hbm>> -> memref<128x64xf32, #tpu.memory_space<hbm>>
      tpu.wait_dma2 semaphore(%arg24 : memref<!tpu.dma_semaphore, #tpu.memory_space<semaphore_mem>>) src(%dma_wait3A_517 : memref<128x64xf32, #tpu.memory_space<hbm>>) dst(%arg12 : memref<128x64xf32, #tpu.memory_space<vmem>>)
      %dma_wait3A_518 = arith.constant 0 : i32
      %dma_wait3A_519 = arith.constant 0 : i32
      %dma_wait3A_520 = arith.constant 0 : i32
      %dma_wait3A_521 = arith.constant 0 : i32
      %dma_wait3A_522 = arith.constant 0 : i32
      %dma_wait3A_523 = tpu.memref_slice %arg16[%dma_wait3A_520, %dma_wait3A_521, %dma_wait3A_522] : memref<8x8x129xf32, #tpu.memory_space<vmem>> -> memref<8x8x128xf32, #tpu.memory_space<vmem>>
      %dma_wait3A_524 = arith.constant 0 : i32
      %dma_wait3A_525 = arith.constant 0 : i32
      %dma_wait3A_526 = arith.constant 0 : i32
      %dma_wait3A_527 = tpu.memref_slice %arg4[%dma_wait3A_518, %dma_wait3A_524, %dma_wait3A_519, %dma_wait3A_525, %dma_wait3A_526] : memref<50x8x128x8x128xf32, #tpu.memory_space<hbm>> -> memref<1x8x1x8x128xf32, #tpu.memory_space<hbm>>
      %dma_wait3A_528 = tpu.memref_squeeze %dma_wait3A_527 : memref<1x8x1x8x128xf32, #tpu.memory_space<hbm>> -> memref<8x8x128xf32, #tpu.memory_space<hbm>>
      %dma_wait3A_529 = arith.constant 0 : i32
      %dma_wait3A_530 = arith.constant 0 : i32
      %dma_wait3A_531 = arith.constant 0 : i32
      %dma_wait3A_532 = tpu.memref_slice %arg4[%dma_wait3A_518, %dma_wait3A_529, %dma_wait3A_519, %dma_wait3A_530, %dma_wait3A_531] : memref<50x8x128x8x128xf32, #tpu.memory_space<hbm>> -> memref<1x8x1x8x128xf32, #tpu.memory_space<hbm>>
      %dma_wait3A_533 = tpu.memref_squeeze %dma_wait3A_532 : memref<1x8x1x8x128xf32, #tpu.memory_space<hbm>> -> memref<8x8x128xf32, #tpu.memory_space<hbm>>
      %dma_wait3A_534 = arith.constant 0 : i32
      %dma_wait3A_535 = arith.constant 0 : i32
      %dma_wait3A_536 = arith.constant 0 : i32
      %dma_wait3A_537 = tpu.memref_slice %arg16[%dma_wait3A_534, %dma_wait3A_535, %dma_wait3A_536] : memref<8x8x129xf32, #tpu.memory_space<vmem>> -> memref<8x8x128xf32, #tpu.memory_space<vmem>>
      tpu.wait_dma2 semaphore(%arg28 : memref<!tpu.dma_semaphore, #tpu.memory_space<semaphore_mem>>) src(%dma_wait3A_537 : memref<8x8x128xf32, #tpu.memory_space<vmem>>) dst(%dma_wait3A_533 : memref<8x8x128xf32, #tpu.memory_space<hbm>>)
      %parallel_loop3A_538 = arith.constant 0 : i32
      %parallel_loop3A_539 = arith.constant 128 : i32
      %parallel_loop3A_540 = arith.constant 1 : i32
      scf.for %parallel_loop3A_633 = %parallel_loop3A_538 to %parallel_loop3A_539 step %parallel_loop3A_540  : i32 {
        %parallel_loop3A_634 = vector.broadcast %parallel_loop3A_633 : i32 to vector<16xi32>
        %parallel_loop3A_635 = arith.index_cast %parallel_loop3A_633 : i32 to index
        %parallel_loop3A_636 = arith.constant 0 : index
        %parallel_loop3A_637 = tpu.vector_load %arg12[%parallel_loop3A_635, %parallel_loop3A_636] {strides = array<i32>} : memref<128x64xf32, #tpu.memory_space<vmem>>, vector<16xf32>,
        tpu.vector_store_idx %arg16[%shift_right_arithmetic3A_7, %and3A_30, %parallel_loop3A_634], %parallel_loop3A_637 : memref<8x8x129xf32, #tpu.memory_space<vmem>>[vector<16xi32>, vector<16xi32>, vector<16xi32>], vector<16xf32>,
        %parallel_loop3A_638 = arith.index_cast %parallel_loop3A_633 : i32 to index
        %parallel_loop3A_639 = arith.constant 16 : index
        %parallel_loop3A_640 = tpu.vector_load %arg12[%parallel_loop3A_638, %parallel_loop3A_639] {strides = array<i32>} : memref<128x64xf32, #tpu.memory_space<vmem>>, vector<16xf32>,
        tpu.vector_store_idx %arg16[%shift_right_arithmetic3A_13, %and3A_36, %parallel_loop3A_634], %parallel_loop3A_640 : memref<8x8x129xf32, #tpu.memory_space<vmem>>[vector<16xi32>, vector<16xi32>, vector<16xi32>], vector<16xf32>,
        %parallel_loop3A_641 = arith.index_cast %parallel_loop3A_633 : i32 to index
        %parallel_loop3A_642 = arith.constant 32 : index
        %parallel_loop3A_643 = tpu.vector_load %arg12[%parallel_loop3A_641, %parallel_loop3A_642] {strides = array<i32>} : memref<128x64xf32, #tpu.memory_space<vmem>>, vector<16xf32>,
        tpu.vector_store_idx %arg16[%shift_right_arithmetic3A_19, %and3A_42, %parallel_loop3A_634], %parallel_loop3A_643 : memref<8x8x129xf32, #tpu.memory_space<vmem>>[vector<16xi32>, vector<16xi32>, vector<16xi32>], vector<16xf32>,
        %parallel_loop3A_644 = arith.index_cast %parallel_loop3A_633 : i32 to index
        %parallel_loop3A_645 = arith.constant 48 : index
        %parallel_loop3A_646 = tpu.vector_load %arg12[%parallel_loop3A_644, %parallel_loop3A_645] {strides = array<i32>} : memref<128x64xf32, #tpu.memory_space<vmem>>, vector<16xf32>,
        tpu.vector_store_idx %arg16[%shift_right_arithmetic3A_25, %and3A_48, %parallel_loop3A_634], %parallel_loop3A_646 : memref<8x8x129xf32, #tpu.memory_space<vmem>>[vector<16xi32>, vector<16xi32>, vector<16xi32>], vector<16xf32>,
      } {sc.loop_unroll_factor = 8 : i64, sc.parallel_access}
      %lt3A_541 = arith.constant 24 : i32
      %lt3A_542 = arith.cmpi slt, %scan3A_212, %lt3A_541 : i32
      %convert_element_type3A_543 = arith.extui %lt3A_542 : i1 to i32
      %cond3A_544 = arith.constant 0 : i32
      %cond3A_545 = arith.cmpi ne, %convert_element_type3A_543, %cond3A_544 : i32
      scf.if %cond3A_545 {
        %add3A_633 = arith.constant 8 : i32
        %add3A_634 = arith.addi %add3A_510, %add3A_633 : i32
        %dma_start3A_635 = arith.constant 0 : i32
        %dma_start3A_636 = tpu.memref_slice %arg5[%add3A_634, %dma_start3A_635] : memref<200x128xi32, #tpu.memory_space<vmem>> -> memref<1x128xi32, #tpu.memory_space<vmem>>
        %dma_start3A_637 = tpu.memref_squeeze %dma_start3A_636 : memref<1x128xi32, #tpu.memory_space<vmem>> -> memref<128xi32, #tpu.memory_space<vmem>>
        %dma_start3A_638 = arith.constant 0 : i32
        %dma_start3A_639 = arith.constant 0 : i32
        %dma_start3A_640 = tpu.memref_slice %arg3[%dma_start3A_638, %dma_start3A_639] : memref<1000000x64xf32, #tpu.memory_space<hbm>> -> memref<1000000x64xf32, #tpu.memory_space<hbm>>
        tpu.enqueue_indirect_dma source(%dma_start3A_640 : memref<1000000x64xf32, #tpu.memory_space<hbm>>) target(%arg12 : memref<128x64xf32, #tpu.memory_space<vmem>>) offsets(%dma_start3A_637 : memref<128xi32, #tpu.memory_space<vmem>>) semaphore(%arg24 : memref<!tpu.dma_semaphore, #tpu.memory_space<semaphore_mem>>)
      } else {
      }
      %sub3A_546 = arith.constant 1 : i32
      %sub3A_547 = arith.subi %add3A_511, %sub3A_546 : i32
      %shift_right_arithmetic3A_548 = arith.constant 7 : i32
      %shift_right_arithmetic3A_549 = arith.shrsi %sub3A_547, %shift_right_arithmetic3A_548 : i32
      %and3A_550 = arith.constant 127 : i32
      %and3A_551 = arith.andi %sub3A_547, %and3A_550 : i32
      %dma_start3A_552 = arith.constant 0 : i32
      %dma_start3A_553 = arith.constant 0 : i32
      %dma_start3A_554 = arith.constant 0 : i32
      %dma_start3A_555 = tpu.memref_slice %arg15[%dma_start3A_552, %dma_start3A_553, %dma_start3A_554] : memref<8x8x129xf32, #tpu.memory_space<vmem>> -> memref<8x8x128xf32, #tpu.memory_space<vmem>>
      %dma_start3A_556 = arith.constant 0 : i32
      %dma_start3A_557 = arith.constant 0 : i32
      %dma_start3A_558 = arith.constant 0 : i32
      %dma_start3A_559 = tpu.memref_slice %arg4[%shift_right_arithmetic3A_549, %dma_start3A_556, %and3A_551, %dma_start3A_557, %dma_start3A_558] : memref<50x8x128x8x128xf32, #tpu.memory_space<hbm>> -> memref<1x8x1x8x128xf32, #tpu.memory_space<hbm>>
      %dma_start3A_560 = tpu.memref_squeeze %dma_start3A_559 : memref<1x8x1x8x128xf32, #tpu.memory_space<hbm>> -> memref<8x8x128xf32, #tpu.memory_space<hbm>>
      %dma_start3A_561 = arith.constant 0 : i32
      %dma_start3A_562 = arith.constant 0 : i32
      %dma_start3A_563 = arith.constant 0 : i32
      %dma_start3A_564 = tpu.memref_slice %arg4[%shift_right_arithmetic3A_549, %dma_start3A_561, %and3A_551, %dma_start3A_562, %dma_start3A_563] : memref<50x8x128x8x128xf32, #tpu.memory_space<hbm>> -> memref<1x8x1x8x128xf32, #tpu.memory_space<hbm>>
      %dma_start3A_565 = tpu.memref_squeeze %dma_start3A_564 : memref<1x8x1x8x128xf32, #tpu.memory_space<hbm>> -> memref<8x8x128xf32, #tpu.memory_space<hbm>>
      %dma_start3A_566 = arith.constant 0 : i32
      %dma_start3A_567 = arith.constant 0 : i32
      %dma_start3A_568 = arith.constant 0 : i32
      %dma_start3A_569 = tpu.memref_slice %arg15[%dma_start3A_566, %dma_start3A_567, %dma_start3A_568] : memref<8x8x129xf32, #tpu.memory_space<vmem>> -> memref<8x8x128xf32, #tpu.memory_space<vmem>>
      tpu.enqueue_dma source(%dma_start3A_569 : memref<8x8x128xf32, #tpu.memory_space<vmem>>) target(%dma_start3A_565 : memref<8x8x128xf32, #tpu.memory_space<hbm>>) target_semaphore(%arg27 : memref<!tpu.dma_semaphore, #tpu.memory_space<semaphore_mem>>)
      %mul3A_570 = arith.constant 8 : i32
      %mul3A_571 = arith.muli %scan3A_212, %mul3A_570 : i32
      %add3A_572 = arith.constant 7 : i32
      %add3A_573 = arith.addi %mul3A_571, %add3A_572 : i32
      %add3A_574 = arith.addi %mul3A_2, %add3A_573 : i32
      %dma_wait3A_575 = arith.constant 0 : i32
      %dma_wait3A_576 = arith.constant 0 : i32
      %dma_wait3A_577 = tpu.memref_slice %arg3[%dma_wait3A_575, %dma_wait3A_576] : memref<1000000x64xf32, #tpu.memory_space<hbm>> -> memref<128x64xf32, #tpu.memory_space<hbm>>
      %dma_wait3A_578 = arith.constant 0 : i32
      %dma_wait3A_579 = arith.constant 0 : i32
      %dma_wait3A_580 = tpu.memref_slice %arg3[%dma_wait3A_578, %dma_wait3A_579] : memref<1000000x64xf32, #tpu.memory_space<hbm>> -> memref<128x64xf32, #tpu.memory_space<hbm>>
      tpu.wait_dma2 semaphore(%arg25 : memref<!tpu.dma_semaphore, #tpu.memory_space<semaphore_mem>>) src(%dma_wait3A_580 : memref<128x64xf32, #tpu.memory_space<hbm>>) dst(%arg13 : memref<128x64xf32, #tpu.memory_space<vmem>>)
      %dma_wait3A_581 = arith.constant 0 : i32
      %dma_wait3A_582 = arith.constant 0 : i32
      %dma_wait3A_583 = arith.constant 0 : i32
      %dma_wait3A_584 = arith.constant 0 : i32
      %dma_wait3A_585 = arith.constant 0 : i32
      %dma_wait3A_586 = tpu.memref_slice %arg17[%dma_wait3A_583, %dma_wait3A_584, %dma_wait3A_585] : memref<8x8x129xf32, #tpu.memory_space<vmem>> -> memref<8x8x128xf32, #tpu.memory_space<vmem>>
      %dma_wait3A_587 = arith.constant 0 : i32
      %dma_wait3A_588 = arith.constant 0 : i32
      %dma_wait3A_589 = arith.constant 0 : i32
      %dma_wait3A_590 = tpu.memref_slice %arg4[%dma_wait3A_581, %dma_wait3A_587, %dma_wait3A_582, %dma_wait3A_588, %dma_wait3A_589] : memref<50x8x128x8x128xf32, #tpu.memory_space<hbm>> -> memref<1x8x1x8x128xf32, #tpu.memory_space<hbm>>
      %dma_wait3A_591 = tpu.memref_squeeze %dma_wait3A_590 : memref<1x8x1x8x128xf32, #tpu.memory_space<hbm>> -> memref<8x8x128xf32, #tpu.memory_space<hbm>>
      %dma_wait3A_592 = arith.constant 0 : i32
      %dma_wait3A_593 = arith.constant 0 : i32
      %dma_wait3A_594 = arith.constant 0 : i32
      %dma_wait3A_595 = tpu.memref_slice %arg4[%dma_wait3A_581, %dma_wait3A_592, %dma_wait3A_582, %dma_wait3A_593, %dma_wait3A_594] : memref<50x8x128x8x128xf32, #tpu.memory_space<hbm>> -> memref<1x8x1x8x128xf32, #tpu.memory_space<hbm>>
      %dma_wait3A_596 = tpu.memref_squeeze %dma_wait3A_595 : memref<1x8x1x8x128xf32, #tpu.memory_space<hbm>> -> memref<8x8x128xf32, #tpu.memory_space<hbm>>
      %dma_wait3A_597 = arith.constant 0 : i32
      %dma_wait3A_598 = arith.constant 0 : i32
      %dma_wait3A_599 = arith.constant 0 : i32
      %dma_wait3A_600 = tpu.memref_slice %arg17[%dma_wait3A_597, %dma_wait3A_598, %dma_wait3A_599] : memref<8x8x129xf32, #tpu.memory_space<vmem>> -> memref<8x8x128xf32, #tpu.memory_space<vmem>>
      tpu.wait_dma2 semaphore(%arg29 : memref<!tpu.dma_semaphore, #tpu.memory_space<semaphore_mem>>) src(%dma_wait3A_600 : memref<8x8x128xf32, #tpu.memory_space<vmem>>) dst(%dma_wait3A_596 : memref<8x8x128xf32, #tpu.memory_space<hbm>>)
      %parallel_loop3A_601 = arith.constant 0 : i32
      %parallel_loop3A_602 = arith.constant 128 : i32
      %parallel_loop3A_603 = arith.constant 1 : i32
      scf.for %parallel_loop3A_633 = %parallel_loop3A_601 to %parallel_loop3A_602 step %parallel_loop3A_603  : i32 {
        %parallel_loop3A_634 = vector.broadcast %parallel_loop3A_633 : i32 to vector<16xi32>
        %parallel_loop3A_635 = arith.index_cast %parallel_loop3A_633 : i32 to index
        %parallel_loop3A_636 = arith.constant 0 : index
        %parallel_loop3A_637 = tpu.vector_load %arg13[%parallel_loop3A_635, %parallel_loop3A_636] {strides = array<i32>} : memref<128x64xf32, #tpu.memory_space<vmem>>, vector<16xf32>,
        tpu.vector_store_idx %arg17[%shift_right_arithmetic3A_7, %and3A_30, %parallel_loop3A_634], %parallel_loop3A_637 : memref<8x8x129xf32, #tpu.memory_space<vmem>>[vector<16xi32>, vector<16xi32>, vector<16xi32>], vector<16xf32>,
        %parallel_loop3A_638 = arith.index_cast %parallel_loop3A_633 : i32 to index
        %parallel_loop3A_639 = arith.constant 16 : index
        %parallel_loop3A_640 = tpu.vector_load %arg13[%parallel_loop3A_638, %parallel_loop3A_639] {strides = array<i32>} : memref<128x64xf32, #tpu.memory_space<vmem>>, vector<16xf32>,
        tpu.vector_store_idx %arg17[%shift_right_arithmetic3A_13, %and3A_36, %parallel_loop3A_634], %parallel_loop3A_640 : memref<8x8x129xf32, #tpu.memory_space<vmem>>[vector<16xi32>, vector<16xi32>, vector<16xi32>], vector<16xf32>,
        %parallel_loop3A_641 = arith.index_cast %parallel_loop3A_633 : i32 to index
        %parallel_loop3A_642 = arith.constant 32 : index
        %parallel_loop3A_643 = tpu.vector_load %arg13[%parallel_loop3A_641, %parallel_loop3A_642] {strides = array<i32>} : memref<128x64xf32, #tpu.memory_space<vmem>>, vector<16xf32>,
        tpu.vector_store_idx %arg17[%shift_right_arithmetic3A_19, %and3A_42, %parallel_loop3A_634], %parallel_loop3A_643 : memref<8x8x129xf32, #tpu.memory_space<vmem>>[vector<16xi32>, vector<16xi32>, vector<16xi32>], vector<16xf32>,
        %parallel_loop3A_644 = arith.index_cast %parallel_loop3A_633 : i32 to index
        %parallel_loop3A_645 = arith.constant 48 : index
        %parallel_loop3A_646 = tpu.vector_load %arg13[%parallel_loop3A_644, %parallel_loop3A_645] {strides = array<i32>} : memref<128x64xf32, #tpu.memory_space<vmem>>, vector<16xf32>,
        tpu.vector_store_idx %arg17[%shift_right_arithmetic3A_25, %and3A_48, %parallel_loop3A_634], %parallel_loop3A_646 : memref<8x8x129xf32, #tpu.memory_space<vmem>>[vector<16xi32>, vector<16xi32>, vector<16xi32>], vector<16xf32>,
      } {sc.loop_unroll_factor = 8 : i64, sc.parallel_access}
      %lt3A_604 = arith.constant 24 : i32
      %lt3A_605 = arith.cmpi slt, %scan3A_212, %lt3A_604 : i32
      %convert_element_type3A_606 = arith.extui %lt3A_605 : i1 to i32
      %cond3A_607 = arith.constant 0 : i32
      %cond3A_608 = arith.cmpi ne, %convert_element_type3A_606, %cond3A_607 : i32
      scf.if %cond3A_608 {
        %add3A_633 = arith.constant 8 : i32
        %add3A_634 = arith.addi %add3A_573, %add3A_633 : i32
        %dma_start3A_635 = arith.constant 0 : i32
        %dma_start3A_636 = tpu.memref_slice %arg5[%add3A_634, %dma_start3A_635] : memref<200x128xi32, #tpu.memory_space<vmem>> -> memref<1x128xi32, #tpu.memory_space<vmem>>
        %dma_start3A_637 = tpu.memref_squeeze %dma_start3A_636 : memref<1x128xi32, #tpu.memory_space<vmem>> -> memref<128xi32, #tpu.memory_space<vmem>>
        %dma_start3A_638 = arith.constant 0 : i32
        %dma_start3A_639 = arith.constant 0 : i32
        %dma_start3A_640 = tpu.memref_slice %arg3[%dma_start3A_638, %dma_start3A_639] : memref<1000000x64xf32, #tpu.memory_space<hbm>> -> memref<1000000x64xf32, #tpu.memory_space<hbm>>
        tpu.enqueue_indirect_dma source(%dma_start3A_640 : memref<1000000x64xf32, #tpu.memory_space<hbm>>) target(%arg13 : memref<128x64xf32, #tpu.memory_space<vmem>>) offsets(%dma_start3A_637 : memref<128xi32, #tpu.memory_space<vmem>>) semaphore(%arg25 : memref<!tpu.dma_semaphore, #tpu.memory_space<semaphore_mem>>)
      } else {
      }
      %sub3A_609 = arith.constant 1 : i32
      %sub3A_610 = arith.subi %add3A_574, %sub3A_609 : i32
      %shift_right_arithmetic3A_611 = arith.constant 7 : i32
      %shift_right_arithmetic3A_612 = arith.shrsi %sub3A_610, %shift_right_arithmetic3A_611 : i32
      %and3A_613 = arith.constant 127 : i32
      %and3A_614 = arith.andi %sub3A_610, %and3A_613 : i32
      %dma_start3A_615 = arith.constant 0 : i32
      %dma_start3A_616 = arith.constant 0 : i32
      %dma_start3A_617 = arith.constant 0 : i32
      %dma_start3A_618 = tpu.memref_slice %arg16[%dma_start3A_615, %dma_start3A_616, %dma_start3A_617] : memref<8x8x129xf32, #tpu.memory_space<vmem>> -> memref<8x8x128xf32, #tpu.memory_space<vmem>>
      %dma_start3A_619 = arith.constant 0 : i32
      %dma_start3A_620 = arith.constant 0 : i32
      %dma_start3A_621 = arith.constant 0 : i32
      %dma_start3A_622 = tpu.memref_slice %arg4[%shift_right_arithmetic3A_612, %dma_start3A_619, %and3A_614, %dma_start3A_620, %dma_start3A_621] : memref<50x8x128x8x128xf32, #tpu.memory_space<hbm>> -> memref<1x8x1x8x128xf32, #tpu.memory_space<hbm>>
      %dma_start3A_623 = tpu.memref_squeeze %dma_start3A_622 : memref<1x8x1x8x128xf32, #tpu.memory_space<hbm>> -> memref<8x8x128xf32, #tpu.memory_space<hbm>>
      %dma_start3A_624 = arith.constant 0 : i32
      %dma_start3A_625 = arith.constant 0 : i32
      %dma_start3A_626 = arith.constant 0 : i32
      %dma_start3A_627 = tpu.memref_slice %arg4[%shift_right_arithmetic3A_612, %dma_start3A_624, %and3A_614, %dma_start3A_625, %dma_start3A_626] : memref<50x8x128x8x128xf32, #tpu.memory_space<hbm>> -> memref<1x8x1x8x128xf32, #tpu.memory_space<hbm>>
      %dma_start3A_628 = tpu.memref_squeeze %dma_start3A_627 : memref<1x8x1x8x128xf32, #tpu.memory_space<hbm>> -> memref<8x8x128xf32, #tpu.memory_space<hbm>>
      %dma_start3A_629 = arith.constant 0 : i32
      %dma_start3A_630 = arith.constant 0 : i32
      %dma_start3A_631 = arith.constant 0 : i32
      %dma_start3A_632 = tpu.memref_slice %arg16[%dma_start3A_629, %dma_start3A_630, %dma_start3A_631] : memref<8x8x129xf32, #tpu.memory_space<vmem>> -> memref<8x8x128xf32, #tpu.memory_space<vmem>>
      tpu.enqueue_dma source(%dma_start3A_632 : memref<8x8x128xf32, #tpu.memory_space<vmem>>) target(%dma_start3A_628 : memref<8x8x128xf32, #tpu.memory_space<hbm>>) target_semaphore(%arg28 : memref<!tpu.dma_semaphore, #tpu.memory_space<semaphore_mem>>)
    }
    %scan3A_107 = arith.constant 25 : i32
    %add3A_108 = arith.constant 200 : i32
    %add3A_109 = arith.addi %mul3A_2, %add3A_108 : i32
    %sub3A = arith.constant 1 : i32
    %sub3A_110 = arith.subi %add3A_109, %sub3A : i32
    %shift_right_arithmetic3A_111 = arith.constant 7 : i32
    %shift_right_arithmetic3A_112 = arith.shrsi %sub3A_110, %shift_right_arithmetic3A_111 : i32
    %and3A_113 = arith.constant 127 : i32
    %and3A_114 = arith.andi %sub3A_110, %and3A_113 : i32
    %dma_start3A_115 = arith.constant 0 : i32
    %dma_start3A_116 = arith.constant 0 : i32
    %dma_start3A_117 = arith.constant 0 : i32
    %dma_start3A_118 = tpu.memref_slice %arg17[%dma_start3A_115, %dma_start3A_116, %dma_start3A_117] : memref<8x8x129xf32, #tpu.memory_space<vmem>> -> memref<8x8x128xf32, #tpu.memory_space<vmem>>
    %dma_start3A_119 = arith.constant 0 : i32
    %dma_start3A_120 = arith.constant 0 : i32
    %dma_start3A_121 = arith.constant 0 : i32
    %dma_start3A_122 = tpu.memref_slice %arg4[%shift_right_arithmetic3A_112, %dma_start3A_119, %and3A_114, %dma_start3A_120, %dma_start3A_121] : memref<50x8x128x8x128xf32, #tpu.memory_space<hbm>> -> memref<1x8x1x8x128xf32, #tpu.memory_space<hbm>>
    %dma_start3A_123 = tpu.memref_squeeze %dma_start3A_122 : memref<1x8x1x8x128xf32, #tpu.memory_space<hbm>> -> memref<8x8x128xf32, #tpu.memory_space<hbm>>
    %dma_start3A_124 = arith.constant 0 : i32
    %dma_start3A_125 = arith.constant 0 : i32
    %dma_start3A_126 = arith.constant 0 : i32
    %dma_start3A_127 = tpu.memref_slice %arg4[%shift_right_arithmetic3A_112, %dma_start3A_124, %and3A_114, %dma_start3A_125, %dma_start3A_126] : memref<50x8x128x8x128xf32, #tpu.memory_space<hbm>> -> memref<1x8x1x8x128xf32, #tpu.memory_space<hbm>>
    %dma_start3A_128 = tpu.memref_squeeze %dma_start3A_127 : memref<1x8x1x8x128xf32, #tpu.memory_space<hbm>> -> memref<8x8x128xf32, #tpu.memory_space<hbm>>
    %dma_start3A_129 = arith.constant 0 : i32
    %dma_start3A_130 = arith.constant 0 : i32
    %dma_start3A_131 = arith.constant 0 : i32
    %dma_start3A_132 = tpu.memref_slice %arg17[%dma_start3A_129, %dma_start3A_130, %dma_start3A_131] : memref<8x8x129xf32, #tpu.memory_space<vmem>> -> memref<8x8x128xf32, #tpu.memory_space<vmem>>
    tpu.enqueue_dma source(%dma_start3A_132 : memref<8x8x128xf32, #tpu.memory_space<vmem>>) target(%dma_start3A_128 : memref<8x8x128xf32, #tpu.memory_space<hbm>>) target_semaphore(%arg29 : memref<!tpu.dma_semaphore, #tpu.memory_space<semaphore_mem>>)
    %dma_wait3A = arith.constant 0 : i32
    %dma_wait3A_133 = arith.constant 0 : i32
    %dma_wait3A_134 = arith.constant 0 : i32
    %dma_wait3A_135 = arith.constant 0 : i32
    %dma_wait3A_136 = arith.constant 0 : i32
    %dma_wait3A_137 = tpu.memref_slice %arg14[%dma_wait3A_134, %dma_wait3A_135, %dma_wait3A_136] : memref<8x8x129xf32, #tpu.memory_space<vmem>> -> memref<8x8x128xf32, #tpu.memory_space<vmem>>
    %dma_wait3A_138 = arith.constant 0 : i32
    %dma_wait3A_139 = arith.constant 0 : i32
    %dma_wait3A_140 = arith.constant 0 : i32
    %dma_wait3A_141 = tpu.memref_slice %arg4[%dma_wait3A, %dma_wait3A_138, %dma_wait3A_133, %dma_wait3A_139, %dma_wait3A_140] : memref<50x8x128x8x128xf32, #tpu.memory_space<hbm>> -> memref<1x8x1x8x128xf32, #tpu.memory_space<hbm>>
    %dma_wait3A_142 = tpu.memref_squeeze %dma_wait3A_141 : memref<1x8x1x8x128xf32, #tpu.memory_space<hbm>> -> memref<8x8x128xf32, #tpu.memory_space<hbm>>
    %dma_wait3A_143 = arith.constant 0 : i32
    %dma_wait3A_144 = arith.constant 0 : i32
    %dma_wait3A_145 = arith.constant 0 : i32
    %dma_wait3A_146 = tpu.memref_slice %arg4[%dma_wait3A, %dma_wait3A_143, %dma_wait3A_133, %dma_wait3A_144, %dma_wait3A_145] : memref<50x8x128x8x128xf32, #tpu.memory_space<hbm>> -> memref<1x8x1x8x128xf32, #tpu.memory_space<hbm>>
    %dma_wait3A_147 = tpu.memref_squeeze %dma_wait3A_146 : memref<1x8x1x8x128xf32, #tpu.memory_space<hbm>> -> memref<8x8x128xf32, #tpu.memory_space<hbm>>
    %dma_wait3A_148 = arith.constant 0 : i32
    %dma_wait3A_149 = arith.constant 0 : i32
    %dma_wait3A_150 = arith.constant 0 : i32
    %dma_wait3A_151 = tpu.memref_slice %arg14[%dma_wait3A_148, %dma_wait3A_149, %dma_wait3A_150] : memref<8x8x129xf32, #tpu.memory_space<vmem>> -> memref<8x8x128xf32, #tpu.memory_space<vmem>>
    tpu.wait_dma2 semaphore(%arg26 : memref<!tpu.dma_semaphore, #tpu.memory_space<semaphore_mem>>) src(%dma_wait3A_151 : memref<8x8x128xf32, #tpu.memory_space<vmem>>) dst(%dma_wait3A_147 : memref<8x8x128xf32, #tpu.memory_space<hbm>>)
    %dma_wait3A_152 = arith.constant 0 : i32
    %dma_wait3A_153 = arith.constant 0 : i32
    %dma_wait3A_154 = arith.constant 0 : i32
    %dma_wait3A_155 = arith.constant 0 : i32
    %dma_wait3A_156 = arith.constant 0 : i32
    %dma_wait3A_157 = tpu.memref_slice %arg15[%dma_wait3A_154, %dma_wait3A_155, %dma_wait3A_156] : memref<8x8x129xf32, #tpu.memory_space<vmem>> -> memref<8x8x128xf32, #tpu.memory_space<vmem>>
    %dma_wait3A_158 = arith.constant 0 : i32
    %dma_wait3A_159 = arith.constant 0 : i32
    %dma_wait3A_160 = arith.constant 0 : i32
    %dma_wait3A_161 = tpu.memref_slice %arg4[%dma_wait3A_152, %dma_wait3A_158, %dma_wait3A_153, %dma_wait3A_159, %dma_wait3A_160] : memref<50x8x128x8x128xf32, #tpu.memory_space<hbm>> -> memref<1x8x1x8x128xf32, #tpu.memory_space<hbm>>
    %dma_wait3A_162 = tpu.memref_squeeze %dma_wait3A_161 : memref<1x8x1x8x128xf32, #tpu.memory_space<hbm>> -> memref<8x8x128xf32, #tpu.memory_space<hbm>>
    %dma_wait3A_163 = arith.constant 0 : i32
    %dma_wait3A_164 = arith.constant 0 : i32
    %dma_wait3A_165 = arith.constant 0 : i32
    %dma_wait3A_166 = tpu.memref_slice %arg4[%dma_wait3A_152, %dma_wait3A_163, %dma_wait3A_153, %dma_wait3A_164, %dma_wait3A_165] : memref<50x8x128x8x128xf32, #tpu.memory_space<hbm>> -> memref<1x8x1x8x128xf32, #tpu.memory_space<hbm>>
    %dma_wait3A_167 = tpu.memref_squeeze %dma_wait3A_166 : memref<1x8x1x8x128xf32, #tpu.memory_space<hbm>> -> memref<8x8x128xf32, #tpu.memory_space<hbm>>
    %dma_wait3A_168 = arith.constant 0 : i32
    %dma_wait3A_169 = arith.constant 0 : i32
    %dma_wait3A_170 = arith.constant 0 : i32
    %dma_wait3A_171 = tpu.memref_slice %arg15[%dma_wait3A_168, %dma_wait3A_169, %dma_wait3A_170] : memref<8x8x129xf32, #tpu.memory_space<vmem>> -> memref<8x8x128xf32, #tpu.memory_space<vmem>>
    tpu.wait_dma2 semaphore(%arg27 : memref<!tpu.dma_semaphore, #tpu.memory_space<semaphore_mem>>) src(%dma_wait3A_171 : memref<8x8x128xf32, #tpu.memory_space<vmem>>) dst(%dma_wait3A_167 : memref<8x8x128xf32, #tpu.memory_space<hbm>>)
    %dma_wait3A_172 = arith.constant 0 : i32
    %dma_wait3A_173 = arith.constant 0 : i32
    %dma_wait3A_174 = arith.constant 0 : i32
    %dma_wait3A_175 = arith.constant 0 : i32
    %dma_wait3A_176 = arith.constant 0 : i32
    %dma_wait3A_177 = tpu.memref_slice %arg16[%dma_wait3A_174, %dma_wait3A_175, %dma_wait3A_176] : memref<8x8x129xf32, #tpu.memory_space<vmem>> -> memref<8x8x128xf32, #tpu.memory_space<vmem>>
    %dma_wait3A_178 = arith.constant 0 : i32
    %dma_wait3A_179 = arith.constant 0 : i32
    %dma_wait3A_180 = arith.constant 0 : i32
    %dma_wait3A_181 = tpu.memref_slice %arg4[%dma_wait3A_172, %dma_wait3A_178, %dma_wait3A_173, %dma_wait3A_179, %dma_wait3A_180] : memref<50x8x128x8x128xf32, #tpu.memory_space<hbm>> -> memref<1x8x1x8x128xf32, #tpu.memory_space<hbm>>
    %dma_wait3A_182 = tpu.memref_squeeze %dma_wait3A_181 : memref<1x8x1x8x128xf32, #tpu.memory_space<hbm>> -> memref<8x8x128xf32, #tpu.memory_space<hbm>>
    %dma_wait3A_183 = arith.constant 0 : i32
    %dma_wait3A_184 = arith.constant 0 : i32
    %dma_wait3A_185 = arith.constant 0 : i32
    %dma_wait3A_186 = tpu.memref_slice %arg4[%dma_wait3A_172, %dma_wait3A_183, %dma_wait3A_173, %dma_wait3A_184, %dma_wait3A_185] : memref<50x8x128x8x128xf32, #tpu.memory_space<hbm>> -> memref<1x8x1x8x128xf32, #tpu.memory_space<hbm>>
    %dma_wait3A_187 = tpu.memref_squeeze %dma_wait3A_186 : memref<1x8x1x8x128xf32, #tpu.memory_space<hbm>> -> memref<8x8x128xf32, #tpu.memory_space<hbm>>
    %dma_wait3A_188 = arith.constant 0 : i32
    %dma_wait3A_189 = arith.constant 0 : i32
    %dma_wait3A_190 = arith.constant 0 : i32
    %dma_wait3A_191 = tpu.memref_slice %arg16[%dma_wait3A_188, %dma_wait3A_189, %dma_wait3A_190] : memref<8x8x129xf32, #tpu.memory_space<vmem>> -> memref<8x8x128xf32, #tpu.memory_space<vmem>>
    tpu.wait_dma2 semaphore(%arg28 : memref<!tpu.dma_semaphore, #tpu.memory_space<semaphore_mem>>) src(%dma_wait3A_191 : memref<8x8x128xf32, #tpu.memory_space<vmem>>) dst(%dma_wait3A_187 : memref<8x8x128xf32, #tpu.memory_space<hbm>>)
    %dma_wait3A_192 = arith.constant 0 : i32
    %dma_wait3A_193 = arith.constant 0 : i32
    %dma_wait3A_194 = arith.constant 0 : i32
    %dma_wait3A_195 = arith.constant 0 : i32
    %dma_wait3A_196 = arith.constant 0 : i32
    %dma_wait3A_197 = tpu.memref_slice %arg17[%dma_wait3A_194, %dma_wait3A_195, %dma_wait3A_196] : memref<8x8x129xf32, #tpu.memory_space<vmem>> -> memref<8x8x128xf32, #tpu.memory_space<vmem>>
    %dma_wait3A_198 = arith.constant 0 : i32
    %dma_wait3A_199 = arith.constant 0 : i32
    %dma_wait3A_200 = arith.constant 0 : i32
    %dma_wait3A_201 = tpu.memref_slice %arg4[%dma_wait3A_192, %dma_wait3A_198, %dma_wait3A_193, %dma_wait3A_199, %dma_wait3A_200] : memref<50x8x128x8x128xf32, #tpu.memory_space<hbm>> -> memref<1x8x1x8x128xf32, #tpu.memory_space<hbm>>
    %dma_wait3A_202 = tpu.memref_squeeze %dma_wait3A_201 : memref<1x8x1x8x128xf32, #tpu.memory_space<hbm>> -> memref<8x8x128xf32, #tpu.memory_space<hbm>>
    %dma_wait3A_203 = arith.constant 0 : i32
    %dma_wait3A_204 = arith.constant 0 : i32
    %dma_wait3A_205 = arith.constant 0 : i32
    %dma_wait3A_206 = tpu.memref_slice %arg4[%dma_wait3A_192, %dma_wait3A_203, %dma_wait3A_193, %dma_wait3A_204, %dma_wait3A_205] : memref<50x8x128x8x128xf32, #tpu.memory_space<hbm>> -> memref<1x8x1x8x128xf32, #tpu.memory_space<hbm>>
    %dma_wait3A_207 = tpu.memref_squeeze %dma_wait3A_206 : memref<1x8x1x8x128xf32, #tpu.memory_space<hbm>> -> memref<8x8x128xf32, #tpu.memory_space<hbm>>
    %dma_wait3A_208 = arith.constant 0 : i32
    %dma_wait3A_209 = arith.constant 0 : i32
    %dma_wait3A_210 = arith.constant 0 : i32
    %dma_wait3A_211 = tpu.memref_slice %arg17[%dma_wait3A_208, %dma_wait3A_209, %dma_wait3A_210] : memref<8x8x129xf32, #tpu.memory_space<vmem>> -> memref<8x8x128xf32, #tpu.memory_space<vmem>>
    tpu.wait_dma2 semaphore(%arg29 : memref<!tpu.dma_semaphore, #tpu.memory_space<semaphore_mem>>) src(%dma_wait3A_211 : memref<8x8x128xf32, #tpu.memory_space<vmem>>) dst(%dma_wait3A_207 : memref<8x8x128xf32, #tpu.memory_space<hbm>>)
    return
  }
}

</mosaic_0001>

<sc_bundles>
// kernel: kernel.3.cloned.1.call-start
scs
__scs_entry_jumppad:
0x0: {  	(pc) =	sbr.rel $0x88, $3  }
0x1: {  	(tag) =	ssettag $0x0;
	lr =	simm.s32 $0x1  }
0x2: {  	[smem:$0x3F9F] =	sst lr;
	_ =	strace $0xD0000000  }
0x3: {  	_ = 	snop  }
0x4: {  	_ = 	snop  }
0x5: {  	_ = 	snop  }
0x6: {  	_ = 	snop  }
0x7: {  	_ = 	snop  }
__scs_overlays_trampoline_lowered:
0x8: {  	[smem:$0x3FAE] =	sst s0  }
0x9: {  	[smem:$0x3FAF] =	sst s1  }
0xa: {  	[smem:$0x3FB0] =	sst s2  }
0xb: {  	[smem:$0x3FB1] =	sst s3  }
0xc: {  	[smem:$0x3FB2] =	sst s4  }
0xd: {  	[smem:$0x3FB3] =	sst s5  }
0xe: {  	[smem:$0x3FB4] =	sst s6  }
0xf: {  	[smem:$0x3FB5] =	sst s7  }
0x10: {  	[smem:$0x3FB6] =	sst s8  }
0x11: {  	[smem:$0x3FB7] =	sst s9;
	s0 =	simm.s32 @!p0 $0x0  }
0x12: {  	s1 =	sld [smem:$0x3F9D];
	s0 =	simm.s32 @p0 $0x1  }
0x13: {  	[smem:$0x3FB8] =	sst s0;
	s0 =	simm.s32 @!p1 $0x0  }
0x14: {  	s2 =	sld [smem:$0x3F9C];
	s0 =	simm.s32 @p1 $0x1  }
0x15: {  	[smem:$0x3FB9] =	sst s0;
	s0 =	simm.s32 @!p2 $0x0  }
0x16: {  	s3 =	sld [smem:$0x3FDB];
	s0 =	simm.s32 @p2 $0x1  }
0x17: {  	s4 =	simm.s32 $0x1BF5;
	[smem:$0x3FBB] =	sst s0  }
0x18: {  	s0 =	sld [smem:$0x3F9E];
	_ =	swait.ge [sflag:s4], $0x0  }
0x19: {  	s7 =	sld [smem:$0x3F9F]  }
0x1a: {  	s8 =	sadd.s32 $0xFFFFE003, lr  }
0x1b: {  	s9 =	sadd.s32 $0xFFFFFEF7, lr;
	s5 =	simm.s32 $0xFFFFFFFF;
	p2 =	slt.u32 s8, $0xFFFFF086  }
0x1c: {  	p1 =	slt.u32 s9, $0xF7A;
	s5 =	simm.s32 @!p2 $0x0  }
0x1d: {  	s5 =	simm.s32 @p1 $0x1;
	p0 =	seq.s32 s7, s2  }
0x1e: {  	s7 =	smul.u32 @!p0 $0xF7A, s2;
	p2 =	seq.s32 @!p0 s5, $0x0  }
0x1f: {  	s9 =	smul.u32 $0xF7A, s1;
	s8 =	simm.s32 @!p0 $0x1BF5;
	p2 =	por !p2, p0  }
0x20: {  	[sflag:s8] =	ssyncset.s32 @!p0 $0xFFFFF086;
	s6 =	sadd.s32 @!p0 s3, s7;
	s7 =	simm.s32 @!p0 $0x108  }
0x21: {  	s3 =	sadd.s32 s3, s9;
	s6 =	sadd.s32 @!p0 $0x88, s6;
	s7 =	simm.s32 @p2 $0x1082  }
0x22: {  	[simem:s7], [sflag:s8] =	dma.local @!p0 [hbm:s6], $0xF7A  }
0x23: {  	s9 =	sor.u32 $0xD0000000, s2;
	s6 =	simm.s32 $0x108;
	_ =	swait.ge @!p0 [sflag:s8], $0x0  }
0x24: {  	s3 =	sadd.s32 $0x88, s3;
	s6 =	simm.s32 @!p1 $0x1082;
	[sflag:s4] =	ssyncset.s32 $0xFFFFF086  }
0x25: {  	[simem:s6], [sflag:s4] =	dma.local [hbm:s3], $0xF7A  }
0x26: {  	[smem:$0x3F9F] =	sst s1;
	(tag) =	ssettag s2;
	_ =	strace s9  }
0x27: {  	s1 =	sld [smem:$0x3FAF]  }
0x28: {  	s2 =	sld [smem:$0x3FB0]  }
0x29: {  	s4 =	sld [smem:$0x3FB2]  }
0x2a: {  	p0 =	seq.s32 s5, $0x0;
	s5 =	sld [smem:$0x3FB3]  }
0x2b: {  	s6 =	sld [smem:$0x3FB4]  }
0x2c: {  	s7 =	sld [smem:$0x3FB5]  }
0x2d: {  	s3 =	simm.s32 $0x108;
	s8 =	sld [smem:$0x3FB6]  }
0x2e: {  	s3 =	simm.s32 @!p0 $0x1082;
	s9 =	sld [smem:$0x3FB7]  }
0x2f: {  	lr =	sadd.s32 s0, s3;
	s0 =	sld [smem:$0x3FAE]  }
0x30: {  	s3 =	sld [smem:$0x3FB1]  }
0x31: {  	[smem:$0x3FBA] =	sst s10  }
0x32: {  	s10 =	sld [smem:$0x3FB8];
	_ =	sdelay $0x3  }
0x33: {  	p0 =	seq.s32 s10, $0x1;
	s10 =	sld [smem:$0x3FBA];
	_ =	sdelay $0x3  }
0x34: {  	[smem:$0x3FBA] =	sst s10  }
0x35: {  	s10 =	sld [smem:$0x3FB9];
	_ =	sdelay $0x3  }
0x36: {  	p1 =	seq.s32 s10, $0x1;
	s10 =	sld [smem:$0x3FBA];
	_ =	sdelay $0x3  }
0x37: {  	[smem:$0x3FBA] =	sst s10  }
0x38: {  	s10 =	sld [smem:$0x3FBB]  }
0x39: {  	_ = 	snop;
	(pc) =	sbr.ind lr, $3  }
0x3a: {  	_ = 	snop  }
0x3b: {  	_ = 	snop  }
0x3c: {  	p2 =	seq.s32 s10, $0x1;
	s10 =	sld [smem:$0x3FBA]  }
0x3d: {  	_ =	shalt  }
0x3e: {  	_ =	shalt  }
0x3f: {  	_ =	shalt  }
0x40: {  	_ =	shalt  }
0x41: {  	_ =	shalt  }
0x42: {  	_ =	shalt  }
0x43: {  	_ =	shalt  }
0x44: {  	_ =	shalt  }
0x45: {  	_ =	shalt  }
0x46: {  	_ =	shalt  }
0x47: {  	_ =	shalt  }
0x48: {  	_ =	shalt  }
0x49: {  	_ =	shalt  }
0x4a: {  	_ =	shalt  }
0x4b: {  	_ =	shalt  }
0x4c: {  	_ =	shalt  }
0x4d: {  	_ =	shalt  }
0x4e: {  	_ =	shalt  }
0x4f: {  	_ =	shalt  }
0x50: {  	_ =	shalt  }
0x51: {  	_ =	shalt  }
0x52: {  	_ =	shalt  }
0x53: {  	_ =	shalt  }
0x54: {  	_ =	shalt  }
0x55: {  	_ =	shalt  }
0x56: {  	_ =	shalt  }
0x57: {  	_ =	shalt  }
0x58: {  	_ =	shalt  }
0x59: {  	_ =	shalt  }
0x5a: {  	_ =	shalt  }
0x5b: {  	_ =	shalt  }
0x5c: {  	_ =	shalt  }
0x5d: {  	_ =	shalt  }
0x5e: {  	_ =	shalt  }
0x5f: {  	_ =	shalt  }
0x60: {  	_ =	shalt  }
0x61: {  	_ =	shalt  }
0x62: {  	_ =	shalt  }
0x63: {  	_ =	shalt  }
0x64: {  	_ =	shalt  }
0x65: {  	_ =	shalt  }
0x66: {  	_ =	shalt  }
0x67: {  	_ =	shalt  }
0x68: {  	_ =	shalt  }
0x69: {  	_ =	shalt  }
0x6a: {  	_ =	shalt  }
0x6b: {  	_ =	shalt  }
0x6c: {  	_ =	shalt  }
0x6d: {  	_ =	shalt  }
0x6e: {  	_ =	shalt  }
0x6f: {  	_ =	shalt  }
0x70: {  	_ =	shalt  }
0x71: {  	_ =	shalt  }
0x72: {  	_ =	shalt  }
0x73: {  	_ =	shalt  }
0x74: {  	_ =	shalt  }
0x75: {  	_ =	shalt  }
0x76: {  	_ =	shalt  }
0x77: {  	_ =	shalt  }
0x78: {  	_ =	shalt  }
0x79: {  	_ =	shalt  }
0x7a: {  	_ =	shalt  }
0x7b: {  	_ =	shalt  }
0x7c: {  	_ =	shalt  }
0x7d: {  	_ =	shalt  }
0x7e: {  	_ =	shalt  }
0x7f: {  	_ =	shalt  }
0x80: {  	_ =	shalt  }
0x81: {  	_ =	shalt  }
0x82: {  	_ =	shalt  }
0x83: {  	_ =	shalt  }
0x84: {  	_ =	shalt  }
0x85: {  	_ =	shalt  }
0x86: {  	_ =	shalt  }
0x87: {  	_ =	shalt  }
.Lfunc_end0:
.L_simem_size_0:
called_computation_lowered:
.L_overlay_start_0:
0x88: {  	s2 =	sld [smem:$0x3FD9]  }
0x89: {  	s3 =	sld [smem:$0x3FFE];
	_ =	sdelay $0x1  }
0x8a: {  	s1 =	srdreg.scid  }
0x8b: {  	s0 =	sand.u32 $0x1, s1  }
0x8c: {  	s17 =	sshll.u32 s0, $0xA;
	s2 =	sadd.s32 s3, s2  }
0x8d: {  	s2 =	sadd.s32 s2, s17  }
0x8e: {  	[smem:$0x3FC6] =	sst s2  }
0x8f: {  	_ = 	snop  }
0x90: {  	s2 =	sld [smem:$0x3FD0];
	(tm) =	ssettm $0x1  }
0x91: {  	s18 =	sld [smem:$0x3FFB];
	_ =	sdelay $0x3  }
0x92: {  	_ =	strace s18  }
0x93: {  	s3 =	sld [smem:$0x3FFC];
	_ =	sdelay $0x3  }
0x94: {  	_ =	strace s3  }
0x95: {  	s3 =	sld [smem:$0x3FFD];
	_ =	sdelay $0x3  }
0x96: {  	_ =	strace s3  }
0x97: {  	_ =	strace $0x8FFFFFFF  }
0x98: {  	s19 =	sld [smem:$0x3FDB];
	_ =	sdelay $0x1  }
0x99: {  	s4 =	simm.s32 $_scs_section_size  }
0x9a: {  	s5 =	simm.s32 $_size__tile_overlayer_lowered;
	s6 =	simm.s32 $_tile_overlayer_lowered  }
0x9b: {  	s22 =	simm.s32 $0x1BFF;
	s21 =	sshll.u32 s6, $0x1;
	s3 =	sadd.s32 s4, s19  }
0x9c: {  	s7 =	simm.s32 $0x0;
	s20 =	sshll.u32 s5, $0x1;
	s5 =	sadd.s32 s21, s3  }
0x9d: {  	[timem:s7], [sflag:s22] =	dma.local [hbm:s5], s20  }
0x9e: {  	_ =	swait.ge [sflag:s22], s20  }
0x9f: {  	s4 =	ssub.s32 $0x0, s20;
	[sflag:s22] =	ssyncset.done $0x0  }
0xa0: {  	[sflag:s22] =	ssyncadd.s32 s4;
	_ =	sdelay $0x1  }
0xa1: {  	s23 =	simm.s32 $0x1B8B  }
0xa2: {  	_ =	swait.ge [sflag:s23], $0x1  }
0xa3: {  	[sflag:s23] =	ssyncset.done $0x0  }
0xa4: {  	s25 =	simm.s32 $0x1B8E;
	s24 =	sld [smem:$0x3FFE];
	[sflag:s23] =	ssyncadd.s32 $0xFFFFFFFF  }
0xa5: {  	s26 =	simm.s32 $execute0_lowered;
	[smem:$0x3FD2] =	sst s25  }
0xa6: {  	s5 =	sshll.u32 s26, $0x1;
	_ =	strace $0x80000046;
	[dreg:$0x1] =	wrdreg $0xFFFFFFFF  }
0xa7: {  	s28 =	simm.s32 $_size_execute0_lowered;
	s3 =	sadd.s32 s3, s5;
	[dreg:$0x0] =	wrdreg $0x0  }
0xa8: {  	s5 =	sshll.u32 s28, $0x1;
	[dreg:$0x2] =	wrdreg s3  }
0xa9: {  	[dreg:$0x3] =	wrdreg s5  }
0xaa: {  	[dreg:$0x4] =	wrdreg $0xC0  }
0xab: {  	_ =	task [dreg:s7], $0x5FFFF  }
0xac: {  	[dreg:$0x1] =	wrdreg $0xFFFFFFFF  }
0xad: {  	[dreg:$0x0] =	wrdreg $0x60  }
0xae: {  	[dreg:$0x2] =	wrdreg s24  }
0xaf: {  	[dreg:$0x3] =	wrdreg s2  }
0xb0: {  	[dreg:$0x4] =	wrdreg $0x9  }
0xb1: {  	_ =	task.clear_ibuf [dreg:s7], $0x5FFFF;
	_ =	strace $0x90000046  }
0xb2: {  	s29 =	simm.s32 $0x9;
	_ =	strace $0x80000048  }
0xb3: {  	_ =	swait.ge [sflag:s29], $0x1  }
0xb4: {  	[sflag:s29] =	ssyncadd.s32 $0xFFFFFFFF  }
0xb5: {  	_ =	strace $0x90000048  }
0xb6: {  	_ =	sfence  }
0xb7: {  	s30 =	sld [smem:$0x0];
	_ =	sdelay $0x2  }
0xb8: {  	s31 =	sshll.u32 s1, $0xD;
	s1 =	sshrl.u32 s1, $0x2  }
0xb9: {  	s3 =	sand.u32 $0x4000, s31;
	s1 =	sadd.s32 s1, s30  }
0xba: {  	s0 =	sor.u32 s3, s0;
	s1 =	sshll.u32 s1, $0x11  }
0xbb: {  	s0 =	sor.u32 s1, s0  }
0xbc: {  	s0 =	sadd.s32 $0x8F2B, s0  }
0xbd: {  	[sflag:s0] =	ssyncadd.remote.s32 $0x1  }
0xbe: {  	_ =	sfence.sel $0xFFFF  }
0xbf: {  	[dreg:$0x0] =	wrdreg $0xFFFFFFFF;
	(pc) =	sbr.abs _section_cstart, $3  }
0xc0: {  	[dreg:$0x1] =	wrdreg $0xFFFFFFFF  }
0xc1: {  	_ =	task.clear_ibuf [dreg:s7], $0x2FFFF;
	_ =	strace $0x9FFFFFFF  }
0xc2: {  	(tm) =	ssettm $0x7FFFFFFF  }
0xc3: {  	_ =	shalt  }
tec
execute0_lowered:
.L_overlay_start_1:
0x0: {  	(tag) =	ssettag $0x1  }
0x1: {  	s0 =	rddreg [dreg:$0x0];
	s1 =	srdreg.scid  }
0x2: {  	s3 =	stileid.u32;
	s2 =	rddreg [dreg:$0x1];
	s18 =	simm.s32 $0x16400  }
0x3: {  	s28 =	simm.s32 $0xA;
	s29 =	simm.s32 $0x7;
	s30 =	simm.s32 $0xB  }
0x4: {  	s31 =	simm.s32 $0x8;
	s1 =	sand.u32 $0x1, s1;
	s4 =	sshll.u32 s3, $0x1  }
0x5: {  	s3 =	simm.s32 $0x0;
	s4 =	sor.u32 s1, s4;
	s1 =	ssub.s32 $0x2, s1  }
0x6: {  	v0 =	vlaneseq.u32;
	[smem:$0x7FF] =	sst s3;
	s5 =	smul.u32 $0xC80, s4;
	s7 =	sshrl.u32 s1, $0x1  }
0x7: {  	v0 =	vmul.u32 $0x88, v0;
	_ =	strace $0x80000047;
	s4 =	smul.u32 $0xC8, s4;
	s19 =	ssub.s32 s1, s7  }
0x8: {  	v1 =	vimm.s32 $0x0;
	vm0 =	vcmask $0x300;
	s7 =	simm.s32 $0x0;
	s6 =	sadd.s32 s5, s0;
	s5 =	sadd.s32 $0xF42A00, s0  }
0x9: {  	v1 =	vsel vm0, $0x3, v1;
	v2 =	vadd.s32 $0x880, v0;
	s21 =	sadd.s32 $0xFFFFFFFF, s4;
	s22 =	sor.u32 $0x1, s4;
	s23 =	sadd.s32 $0xC7, s4  }
0xa: {  	v3 =	vadd.s32 $0x1100, v0;
	v4 =	vadd.s32 $0x1980, v0;
	v5 =	vor.u32 $0x1, v0;
	s24 =	sor.u32 $0x2, s4;
	s25 =	sor.u32 $0x3, s4;
	[dreg:$0x4] =	wrdreg s21  }
0xb: {  	v6 =	vadd.s32 $0x881, v0;
	v7 =	vadd.s32 $0x1101, v0;
	v8 =	vadd.s32 $0x1981, v0;
	s11 =	sor.u32 $0x4, s4;
	s12 =	sor.u32 $0x5, s4;
	[dreg:$0x5] =	wrdreg s22  }
0xc: {  	v9 =	vor.u32 $0x2, v0;
	v10 =	vadd.s32 $0x882, v0;
	v11 =	vadd.s32 $0x1102, v0;
	s13 =	sor.u32 $0x6, s4;
	s0 =	smax.u32 s19, $0x1;
	[dreg:$0x6] =	wrdreg s24  }
0xd: {  	v12 =	vadd.s32 $0x1982, v0;
	v13 =	vor.u32 $0x3, v0;
	v14 =	vadd.s32 $0x883, v0;
	s19 =	simm.s32 $0x18600;
	s20 =	sadd.s32 $0x600, s6;
	[dreg:$0x7] =	wrdreg s25  }
0xe: {  	v15 =	vadd.s32 $0x1103, v0;
	v16 =	vadd.s32 $0x1983, v0;
	v17 =	vor.u32 $0x4, v0;
	s26 =	sshll.u32 s23, $0x7;
	s1 =	sshll.u32 s23, $0xA;
	[dreg:$0x9] =	wrdreg s0  }
0xf: {  	v18 =	vadd.s32 $0x884, v0;
	v19 =	vadd.s32 $0x1104, v0;
	v20 =	vadd.s32 $0x1984, v0;
	s0 =	simm.s32 $0x1;
	s21 =	simm.s32 $0x1A800;
	s22 =	simm.s32 $0x4  }
0x10: {  	v21 =	vor.u32 $0x5, v0;
	v22 =	vadd.s32 $0x885, v0;
	v23 =	vadd.s32 $0x1105, v0;
	s23 =	simm.s32 $0x1CA00;
	s24 =	simm.s32 $0x5;
	s6 =	sand.u32 $0x3F80, s26  }
0x11: {  	v24 =	vadd.s32 $0x1985, v0;
	v25 =	vor.u32 $0x6, v0;
	v26 =	vadd.s32 $0x886, v0;
	s25 =	simm.s32 $0x9;
	s1 =	sand.u32 $0xFE0000, s1;
	s6 =	sadd.s32 s2, s6  }
0x12: {  	v27 =	vadd.s32 $0x1106, v0;
	v28 =	vadd.s32 $0x1986, v0;
	v29 =	vor.u32 $0x7, v0;
	[dreg:$0x3] =	wrdreg s20;
	s20 =	simm.s32 $0x3;
	s1 =	sadd.s32 s1, s6  }
0x13: {  	v30 =	vadd.s32 $0x887, v0;
	v31 =	vadd.s32 $0x1107, v0;
	v32 =	vadd.s32 $0x1987, v0;
	s26 =	simm.s32 $0x6;
	[dreg:$0x8] =	wrdreg s1;
	s1 =	simm.s32 $0xC  }
.LBB2_1:
0x14: {  	[dreg:$0xa] =	wrdreg s7  }
0x15: {  	s6 =	rddreg [dreg:$0x3];
	s7 =	simm.s32 $0xD  }
0x16: {  	[tilespmem:s3], [sflag:$0xD] =	stream.linear.gather [hbm4b:s6+s3], $0x6400, $0x38;
	[tilespmem:$0x1EC00] =	vst v63  }
0x17: {  	_ =	swait.ge [sflag:s7], $0x6400  }
0x18: {  	[sflag:s7] =	ssyncset.done $0x0  }
0x19: {  	s8 =	simm.s32 $0x6400;
	s6 =	simm.s32 $0x80;
	[sflag:s7] =	ssyncadd.s32 $0xFFFF9C00  }
0x1a: {  	[tilespmem:s8], [sflag:$0x1] =	stream.indirect.gather [hbm4b:s5+s6], $0x40, s3, s6, $0xb8;
	[tilespmem:$0x1EC00] =	vst v63  }
0x1b: {  	s9 =	simm.s32 $0x8400  }
0x1c: {  	[tilespmem:s9], [sflag:$0x2] =	stream.indirect.gather [hbm4b:s5+s6], $0x40, s6, s6, $0xb8;
	[tilespmem:$0x1EC00] =	vst v63  }
0x1d: {  	s10 =	simm.s32 $0x100;
	s8 =	simm.s32 $0xA400  }
0x1e: {  	[tilespmem:s8], [sflag:$0x3] =	stream.indirect.gather [hbm4b:s5+s6], $0x40, s10, s6, $0xb8;
	[tilespmem:$0x1EC00] =	vst v63  }
0x1f: {  	s14 =	simm.s32 $0x180;
	s15 =	simm.s32 $0xC400  }
0x20: {  	[tilespmem:s15], [sflag:$0x4] =	stream.indirect.gather [hbm4b:s5+s6], $0x40, s14, s6, $0xb8;
	[tilespmem:$0x1EC00] =	vst v63  }
0x21: {  	s16 =	simm.s32 $0x200;
	s17 =	simm.s32 $0xE400  }
0x22: {  	[tilespmem:s17], [sflag:$0x5] =	stream.indirect.gather [hbm4b:s5+s6], $0x40, s16, s6, $0xb8;
	[tilespmem:$0x1EC00] =	vst v63  }
0x23: {  	s9 =	simm.s32 $0x280;
	s10 =	simm.s32 $0x10400  }
0x24: {  	[tilespmem:s10], [sflag:$0x6] =	stream.indirect.gather [hbm4b:s5+s6], $0x40, s9, s6, $0xb8;
	[tilespmem:$0x1EC00] =	vst v63  }
0x25: {  	s14 =	simm.s32 $0x300;
	s15 =	simm.s32 $0x12400  }
0x26: {  	[tilespmem:s15], [sflag:$0x7] =	stream.indirect.gather [hbm4b:s5+s6], $0x40, s14, s6, $0xb8;
	[tilespmem:$0x1EC00] =	vst v63  }
0x27: {  	s16 =	simm.s32 $0x380;
	s17 =	simm.s32 $0x14400  }
0x28: {  	[tilespmem:s17], [sflag:$0x8] =	stream.indirect.gather [hbm4b:s5+s6], $0x40, s16, s6, $0xb8;
	[tilespmem:$0x1EC00] =	vst v63  }
0x29: {  	s16 =	simm.s32 $0x0  }
.LBB2_2:
0x2a: {  	s6 =	simm.s32 $0x0;
	s14 =	simm.s32 $0x1;
	s7 =	simm.s32 $0x2  }
0x2b: {  	s15 =	simm.s32 $0x3;
	s17 =	simm.s32 $0x4;
	s8 =	simm.s32 $0x7;
	v33 =	vmov s6;
	v34 =	vmov s14;
	v35 =	vmov s7  }
0x2c: {  	_ =	swait.ge [sflag:s0], $0x2000;
	s9 =	simm.s32 $0x5;
	s10 =	simm.s32 $0x6;
	v36 =	vmov s15;
	v37 =	vmov s17;
	v38 =	vmov s8  }
0x2d: {  	p1 =	seq.s32 s16, $0x0;
	[sflag:s0] =	ssyncset.done $0x0;
	v39 =	vmov s9;
	v40 =	vmov s10;
	v33 =	vshrl.u32 v33, $0x3  }
0x2e: {  	s7 =	simm.s32 @!p1 $0x9;
	[sflag:s0] =	ssyncadd.s32 $0xFFFFE000;
	v38 =	vshrl.u32 v38, $0x3;
	v34 =	vshrl.u32 v34, $0x3;
	v35 =	vshrl.u32 v35, $0x3  }
0x2f: {  	v36 =	vshrl.u32 v36, $0x3;
	v37 =	vshrl.u32 v37, $0x3;
	_ =	swait.ge @!p1 [sflag:s7], $0x2000;
	v38 =	vshll.u32 v38, v1  }
0x30: {  	v55 =	vshrl.u32 v39, $0x3;
	v33 =	vshll.u32 v33, v1;
	[sflag:s7] =	ssyncset.done @!p1 $0x0;
	v38 =	vbroadcast v38, $0x0  }
0x31: {  	s15 =	simm.s32 $0x6500;
	v40 =	vshrl.u32 v40, $0x3;
	v34 =	vshll.u32 v34, v1;
	v33 =	vbroadcast v33, $0x0;
	[sflag:s7] =	ssyncadd.s32 @!p1 $0xFFFFE000  }
0x32: {  	v51 =	vshll.u32 v35, v1;
	v47 =	vbroadcast v34, $0x0;
	v41 =	vld [tilespmem:s15+$0xC0];
	v42 =	vadd.s32 v29, v38  }
0x33: {  	v52 =	vshll.u32 v36, v1;
	v53 =	vbroadcast v51, $0x0;
	v43 =	vld [tilespmem:s15+$0xFFFFFF00];
	v44 =	vadd.s32 v0, v33  }
0x34: {  	v54 =	vshll.u32 v37, v1;
	v35 =	vbroadcast v52, $0x0;
	v45 =	vld [tilespmem:s15+$0xFFFFFF40];
	v46 =	vadd.s32 v5, v47  }
0x35: {  	v36 =	vshll.u32 v55, v1;
	v34 =	vbroadcast v54, $0x0;
	v48 =	vld [tilespmem:s15+$0xFFFFFF80];
	v49 =	vadd.s32 v9, v53  }
0x36: {  	v56 =	vshll.u32 v40, v1;
	v37 =	vbroadcast v36, $0x0;
	v39 =	vld [tilespmem:s15+$0xFFFFFFC0];
	v50 =	vadd.s32 v13, v35  }
0x37: {  	v36 =	vbroadcast v56, $0x0;
	v51 =	vld [tilespmem:s15+$0x0];
	v52 =	vadd.s32 v17, v34;
	[tilespmem:v42+s18+$0x0] =	vst.idx.msk $0xffff, v41  }
0x38: {  	v59 =	vld [tilespmem:s15+$0x40];
	v60 =	vadd.s32 v21, v37;
	[tilespmem:v44+s18+$0x0] =	vst.idx.msk $0xffff, v43  }
0x39: {  	v61 =	vld [tilespmem:s15+$0x80];
	v62 =	vadd.s32 v25, v36;
	[tilespmem:v46+s18+$0x0] =	vst.idx.msk $0xffff, v45  }
0x3a: {  	v58 =	vadd.s32 v30, v38;
	[tilespmem:v49+s18+$0x0] =	vst.idx.msk $0xffff, v48;
	v57 =	vld [tilespmem:s15+$0xD0]  }
0x3b: {  	v63 =	vadd.s32 v6, v47;
	[tilespmem:v50+s18+$0x0] =	vst.idx.msk $0xffff, v39;
	v46 =	vld [tilespmem:s15+$0xFFFFFF50]  }
0x3c: {  	v55 =	vadd.s32 v10, v53;
	[tilespmem:v52+s18+$0x0] =	vst.idx.msk $0xffff, v51;
	v54 =	vld [tilespmem:s15+$0xFFFFFF90]  }
0x3d: {  	v56 =	vadd.s32 v14, v35;
	[tilespmem:v60+s18+$0x0] =	vst.idx.msk $0xffff, v59;
	v50 =	vld [tilespmem:s15+$0xFFFFFFD0]  }
0x3e: {  	[tilespmem:v62+s18+$0x0] =	vst.idx.msk $0xffff, v61;
	v45 =	vadd.s32 v22, v37;
	v44 =	vld [tilespmem:s15+$0x50]  }
0x3f: {  	v59 =	vadd.s32 v18, v34;
	[tilespmem:v58+s18+$0x0] =	vst.idx.msk $0xffff, v57;
	v58 =	vld [tilespmem:s15+$0x10]  }
0x40: {  	v57 =	vadd.s32 v31, v38;
	[tilespmem:v63+s18+$0x0] =	vst.idx.msk $0xffff, v46;
	v40 =	vld [tilespmem:s15+$0xE0]  }
0x41: {  	v60 =	vadd.s32 v26, v36;
	[tilespmem:v55+s18+$0x0] =	vst.idx.msk $0xffff, v54;
	v63 =	vld [tilespmem:s15+$0x90]  }
0x42: {  	v62 =	vadd.s32 v2, v33;
	v61 =	vld [tilespmem:s15+$0xFFFFFF10];
	[tilespmem:v56+s18+$0x0] =	vst.idx.msk $0xffff, v50  }
0x43: {  	v51 =	vadd.s32 v7, v47;
	[tilespmem:v45+s18+$0x0] =	vst.idx.msk $0xffff, v44;
	v50 =	vld [tilespmem:s15+$0xFFFFFF60]  }
0x44: {  	v56 =	vadd.s32 v11, v53;
	v55 =	vld [tilespmem:s15+$0xFFFFFFA0];
	[tilespmem:v59+s18+$0x0] =	vst.idx.msk $0xffff, v58  }
0x45: {  	v58 =	vadd.s32 v15, v35;
	[tilespmem:v57+s18+$0x0] =	vst.idx.msk $0xffff, v40;
	v57 =	vld [tilespmem:s15+$0xFFFFFFE0]  }
0x46: {  	[tilespmem:v60+s18+$0x0] =	vst.idx.msk $0xffff, v63;
	v60 =	vadd.s32 v19, v34;
	v59 =	vld [tilespmem:s15+$0x20]  }
0x47: {  	s17 =	simm.s32 $0x9;
	v38 =	vadd.s32 v32, v38;
	[tilespmem:v62+s18+$0x0] =	vst.idx.msk $0xffff, v61;
	v54 =	vld [tilespmem:s15+$0xF0]  }
0x48: {  	s14 =	simm.s32 $0x8;
	v41 =	vadd.s32 v23, v37;
	v52 =	vmov s17;
	[tilespmem:v51+s18+$0x0] =	vst.idx.msk $0xffff, v50;
	v40 =	vld [tilespmem:s15+$0x60]  }
0x49: {  	s8 =	simm.s32 $0xB;
	s9 =	simm.s32 $0xC;
	v43 =	vadd.s32 v27, v36;
	v48 =	vadd.s32 v3, v33;
	v63 =	vmov s14;
	v42 =	vld [tilespmem:s15+$0xA0];
	[tilespmem:v56+s18+$0x0] =	vst.idx.msk $0xffff, v55  }
0x4a: {  	v44 =	vmov s8;
	v46 =	vmov s9;
	v45 =	vld [tilespmem:s15+$0xFFFFFF20];
	s14 =	simm.s32 $0xE;
	v39 =	vshrl.u32 v63, $0x3;
	[tilespmem:v58+s18+$0x0] =	vst.idx.msk $0xffff, v57  }
0x4b: {  	s10 =	simm.s32 $0xD;
	s7 =	simm.s32 $0xA;
	v51 =	vadd.s32 v8, v47;
	v49 =	vld [tilespmem:s15+$0xFFFFFF70];
	v47 =	vshll.u32 v39, v1;
	v39 =	vmov s14;
	[tilespmem:v60+s18+$0x0] =	vst.idx.msk $0xffff, v59  }
0x4c: {  	s6 =	simm.s32 $0xF;
	s17 =	sshll.u32 s16, $0x3;
	v53 =	vadd.s32 v12, v53;
	s14 =	simm.s32 $0x10;
	v50 =	vld [tilespmem:s15+$0xFFFFFFB0];
	[tilespmem:v38+s18+$0x0] =	vst.idx.msk $0xffff, v54;
	v54 =	vmov s7;
	v38 =	vmov s10  }
.LBB2_3:
0x4d: {  	p0 =	slt.u32 s14, $0x78;
	v52 =	vshrl.u32 v52, $0x3;
	v55 =	vmov s6;
	v56 =	vld [tilespmem:s15+$0xFFFFFFF0];
	v35 =	vadd.s32 v16, v35;
	[tilespmem:v41+s18+$0x0] =	vst.idx.msk $0xffff, v40  }
0x4e: {  	v40 =	vshrl.u32 v54, $0x3;
	v34 =	vadd.s32 v20, v34;
	v41 =	vshrl.u32 v55, $0x3;
	v54 =	vld [tilespmem:s15+$0x30];
	[tilespmem:v43+s18+$0x0] =	vst.idx.msk $0xffff, v42  }
0x4f: {  	v37 =	vadd.s32 v24, v37;
	v42 =	vshrl.u32 v44, $0x3;
	v41 =	vshll.u32 v41, v1;
	[tilespmem:v48+s18+$0x0] =	vst.idx.msk $0xffff, v45;
	v43 =	vld [tilespmem:s15+$0x70]  }
0x50: {  	v36 =	vadd.s32 v28, v36;
	v44 =	vshrl.u32 v46, $0x3;
	v41 =	vbroadcast v41, $0x0;
	[tilespmem:v51+s18+$0x0] =	vst.idx.msk $0xffff, v49;
	v45 =	vld [tilespmem:s15+$0xB0]  }
0x51: {  	v46 =	vshll.u32 v52, v1;
	v49 =	vadd.s32 v4, v33;
	v33 =	vbroadcast v47, $0x0;
	v48 =	vld [tilespmem:s15+$0xFFFFFF30];
	[tilespmem:v53+s18+$0x0] =	vst.idx.msk $0xffff, v50;
	s15 =	sadd.s32 $0x200, s15  }
0x52: {  	v40 =	vshll.u32 v40, v1;
	v47 =	vbroadcast v46, $0x0;
	v46 =	vld [tilespmem:s15+$0xC0];
	v50 =	vadd.s32 v29, v41;
	[tilespmem:v35+s18+$0x0] =	vst.idx.msk $0xffff, v56  }
0x53: {  	v53 =	vbroadcast v40, $0x0;
	v52 =	vadd.s32 v0, v33;
	v35 =	vshll.u32 v42, v1;
	v51 =	vld [tilespmem:s15+$0xFFFFFF00];
	[tilespmem:v34+s18+$0x0] =	vst.idx.msk $0xffff, v54  }
0x54: {  	v42 =	vadd.s32 v5, v47;
	v35 =	vbroadcast v35, $0x0;
	v34 =	vshll.u32 v44, v1;
	v40 =	vld [tilespmem:s15+$0xFFFFFF40];
	[tilespmem:v37+s18+$0x0] =	vst.idx.msk $0xffff, v43  }
0x55: {  	v44 =	vadd.s32 v9, v53;
	v34 =	vbroadcast v34, $0x0;
	v37 =	vshrl.u32 v38, $0x3;
	v43 =	vld [tilespmem:s15+$0xFFFFFF80];
	[tilespmem:v36+s18+$0x0] =	vst.idx.msk $0xffff, v45  }
0x56: {  	v39 =	vshrl.u32 v39, $0x3;
	v45 =	vadd.s32 v13, v35;
	v36 =	vshll.u32 v37, v1;
	v38 =	vld [tilespmem:s15+$0xFFFFFFC0];
	[tilespmem:v49+s18+$0x0] =	vst.idx.msk $0xffff, v48  }
0x57: {  	v49 =	vadd.s32 v17, v34;
	v37 =	vbroadcast v36, $0x0;
	v36 =	vshll.u32 v39, v1;
	v48 =	vld [tilespmem:s15+$0x0];
	[tilespmem:v50+s18+$0x0] =	vst.idx.msk $0xffff, v46  }
0x58: {  	v36 =	vbroadcast v36, $0x0;
	v46 =	vadd.s32 v30, v41;
	[tilespmem:v52+s18+$0x0] =	vst.idx.msk $0xffff, v51;
	v39 =	vld [tilespmem:s15+$0xD0]  }
0x59: {  	[tilespmem:v42+s18+$0x0] =	vst.idx.msk $0xffff, v40;
	v40 =	vld [tilespmem:s15+$0x40];
	v42 =	vadd.s32 v21, v37  }
0x5a: {  	[tilespmem:v44+s18+$0x0] =	vst.idx.msk $0xffff, v43;
	v43 =	vld [tilespmem:s15+$0x80];
	v44 =	vadd.s32 v25, v36  }
0x5b: {  	v51 =	vadd.s32 v6, v47;
	v50 =	vld [tilespmem:s15+$0xFFFFFF50];
	[tilespmem:v45+s18+$0x0] =	vst.idx.msk $0xffff, v38  }
0x5c: {  	v45 =	vadd.s32 v10, v53;
	v38 =	vld [tilespmem:s15+$0xFFFFFF90];
	[tilespmem:v49+s18+$0x0] =	vst.idx.msk $0xffff, v48  }
0x5d: {  	v49 =	vadd.s32 v14, v35;
	v48 =	vld [tilespmem:s15+$0xFFFFFFD0];
	[tilespmem:v46+s18+$0x0] =	vst.idx.msk $0xffff, v39  }
0x5e: {  	[tilespmem:v42+s18+$0x0] =	vst.idx.msk $0xffff, v40;
	v39 =	vld [tilespmem:s15+$0xE0];
	v40 =	vadd.s32 v31, v41  }
0x5f: {  	v46 =	vadd.s32 v18, v34;
	v42 =	vld [tilespmem:s15+$0x10];
	[tilespmem:v44+s18+$0x0] =	vst.idx.msk $0xffff, v43  }
0x60: {  	v44 =	vadd.s32 v22, v37;
	[tilespmem:v51+s18+$0x0] =	vst.idx.msk $0xffff, v50;
	v43 =	vld [tilespmem:s15+$0x50]  }
0x61: {  	[tilespmem:v45+s18+$0x0] =	vst.idx.msk $0xffff, v38;
	v38 =	vld [tilespmem:s15+$0x90];
	v45 =	vadd.s32 v26, v36  }
0x62: {  	v51 =	vadd.s32 v2, v33;
	v50 =	vld [tilespmem:s15+$0xFFFFFF10];
	[tilespmem:v49+s18+$0x0] =	vst.idx.msk $0xffff, v48  }
0x63: {  	v49 =	vadd.s32 v7, v47;
	v48 =	vld [tilespmem:s15+$0xFFFFFF60];
	[tilespmem:v40+s18+$0x0] =	vst.idx.msk $0xffff, v39  }
0x64: {  	[tilespmem:v46+s18+$0x0] =	vst.idx.msk $0xffff, v42;
	v39 =	vld [tilespmem:s15+$0xF0];
	v46 =	vadd.s32 v32, v41  }
0x65: {  	v56 =	vadd.s32 v11, v53;
	v55 =	vld [tilespmem:s15+$0xFFFFFFA0];
	[tilespmem:v44+s18+$0x0] =	vst.idx.msk $0xffff, v43  }
0x66: {  	v58 =	vadd.s32 v15, v35;
	v57 =	vld [tilespmem:s15+$0xFFFFFFE0];
	[tilespmem:v45+s18+$0x0] =	vst.idx.msk $0xffff, v38  }
0x67: {  	v60 =	vadd.s32 v19, v34;
	[tilespmem:v51+s18+$0x0] =	vst.idx.msk $0xffff, v50;
	v59 =	vld [tilespmem:s15+$0x20]  }
.Ltmp0:
0x68: {  	s6 =	sadd.s32 $0x1, s14;
	v41 =	vadd.s32 v23, v37;
	v38 =	vmov s14;
	[tilespmem:v49+s18+$0x0] =	vst.idx.msk $0xffff, v48;
	v40 =	vld [tilespmem:s15+$0x60];
	(pc) =	sbr.rel @p0 .LBB2_3-.Ltmp0, $4  }
0x69: {  	s7 =	sadd.s32 $0x3, s14;
	v52 =	vmov s6;
	s6 =	sadd.s32 $0x2, s14;
	v43 =	vadd.s32 v27, v36;
	v50 =	vshrl.u32 v38, $0x3;
	v42 =	vld [tilespmem:s15+$0xA0];
	[tilespmem:v46+s18+$0x0] =	vst.idx.msk $0xffff, v39  }
0x6a: {  	v54 =	vmov s6;
	s6 =	sadd.s32 $0x4, s14;
	v44 =	vmov s7;
	s7 =	sadd.s32 $0x5, s14;
	v48 =	vadd.s32 v3, v33;
	v45 =	vld [tilespmem:s15+$0xFFFFFF20];
	[tilespmem:v56+s18+$0x0] =	vst.idx.msk $0xffff, v55  }
0x6b: {  	v38 =	vmov s7;
	v51 =	vadd.s32 v8, v47;
	v46 =	vmov s6;
	s6 =	sadd.s32 $0x6, s14;
	v49 =	vld [tilespmem:s15+$0xFFFFFF70];
	[tilespmem:v58+s18+$0x0] =	vst.idx.msk $0xffff, v57  }
0x6c: {  	v53 =	vadd.s32 v12, v53;
	v47 =	vshll.u32 v50, v1;
	v39 =	vmov s6;
	s6 =	sadd.s32 $0x7, s14;
	s14 =	sadd.s32 $0x8, s14;
	v50 =	vld [tilespmem:s15+$0xFFFFFFB0];
	[tilespmem:v60+s18+$0x0] =	vst.idx.msk $0xffff, v59  }
0x6d: {  	_ =	sdelay $0x2  }
0x6e: {  	v52 =	vshrl.u32 v52, $0x3  }
0x6f: {  	v55 =	vmov s6;
	v56 =	vld [tilespmem:s15+$0xFFFFFFF0];
	v35 =	vadd.s32 v16, v35;
	[tilespmem:v41+s18+$0x0] =	vst.idx.msk $0xffff, v40;
	v57 =	vshrl.u32 v54, $0x3  }
0x70: {  	v59 =	vld [tilespmem:s15+$0x30];
	v34 =	vadd.s32 v20, v34;
	v60 =	vshrl.u32 v44, $0x3;
	v58 =	vshrl.u32 v55, $0x3;
	[tilespmem:v43+s18+$0x0] =	vst.idx.msk $0xffff, v42  }
0x71: {  	v37 =	vadd.s32 v24, v37;
	v62 =	vshrl.u32 v46, $0x3;
	v61 =	vld [tilespmem:s15+$0x70];
	v41 =	vshll.u32 v58, v1;
	[tilespmem:v48+s18+$0x0] =	vst.idx.msk $0xffff, v45  }
0x72: {  	v36 =	vadd.s32 v28, v36;
	v46 =	vbroadcast v47, $0x0;
	v63 =	vld [tilespmem:s15+$0xB0];
	v41 =	vbroadcast v41, $0x0;
	[tilespmem:v51+s18+$0x0] =	vst.idx.msk $0xffff, v49  }
0x73: {  	v33 =	vadd.s32 v4, v33;
	s7 =	sadd.s32 $0x200, s15;
	v38 =	vshrl.u32 v38, $0x3;
	v55 =	vshll.u32 v52, v1;
	v48 =	vld [tilespmem:s15+$0xFFFFFF30];
	[tilespmem:v53+s18+$0x0] =	vst.idx.msk $0xffff, v50  }
0x74: {  	v40 =	vshll.u32 v57, v1;
	v47 =	vbroadcast v55, $0x0;
	v49 =	vld [tilespmem:s7+$0xC0];
	v50 =	vadd.s32 v29, v41;
	[tilespmem:v35+s18+$0x0] =	vst.idx.msk $0xffff, v56  }
0x75: {  	v42 =	vshll.u32 v60, v1;
	v40 =	vbroadcast v40, $0x0;
	v35 =	vld [tilespmem:s7+$0xFFFFFF00];
	v56 =	vadd.s32 v0, v46;
	[tilespmem:v34+s18+$0x0] =	vst.idx.msk $0xffff, v59  }
0x76: {  	v57 =	vld [tilespmem:s7+$0xFFFFFF40];
	v44 =	vshll.u32 v62, v1;
	v42 =	vbroadcast v42, $0x0;
	v58 =	vadd.s32 v5, v47;
	[tilespmem:v37+s18+$0x0] =	vst.idx.msk $0xffff, v61  }
0x77: {  	v38 =	vshll.u32 v38, v1;
	v44 =	vbroadcast v44, $0x0;
	v60 =	vadd.s32 v9, v40;
	v59 =	vld [tilespmem:s7+$0xFFFFFF80];
	[tilespmem:v36+s18+$0x0] =	vst.idx.msk $0xffff, v63  }
0x78: {  	v38 =	vbroadcast v38, $0x0;
	v62 =	vadd.s32 v13, v42;
	v61 =	vld [tilespmem:s7+$0xFFFFFFC0];
	[tilespmem:v33+s18+$0x0] =	vst.idx.msk $0xffff, v48  }
0x79: {  	v39 =	vshrl.u32 v39, $0x3;
	v63 =	vadd.s32 v17, v44;
	v33 =	vld [tilespmem:s7+$0x0];
	[tilespmem:v50+s18+$0x0] =	vst.idx.msk $0xffff, v49  }
0x7a: {  	v39 =	vshll.u32 v39, v1;
	v34 =	vld [tilespmem:s7+$0x40];
	[tilespmem:v56+s18+$0x0] =	vst.idx.msk $0xffff, v35;
	v56 =	vadd.s32 v21, v38  }
0x7b: {  	[tilespmem:v58+s18+$0x0] =	vst.idx.msk $0xffff, v57;
	v35 =	vbroadcast v39, $0x0;
	v49 =	vadd.s32 v30, v41;
	v39 =	vld [tilespmem:s7+$0xD0]  }
0x7c: {  	[tilespmem:v60+s18+$0x0] =	vst.idx.msk $0xffff, v59;
	v59 =	vld [tilespmem:s7+$0xFFFFFF50];
	v60 =	vadd.s32 v6, v47  }
0x7d: {  	v57 =	vld [tilespmem:s7+$0x80];
	[tilespmem:v62+s18+$0x0] =	vst.idx.msk $0xffff, v61;
	v58 =	vadd.s32 v25, v35  }
0x7e: {  	v61 =	vld [tilespmem:s7+$0xFFFFFF90];
	v62 =	vadd.s32 v10, v40;
	[tilespmem:v63+s18+$0x0] =	vst.idx.msk $0xffff, v33  }
0x7f: {  	v33 =	vld [tilespmem:s7+$0xFFFFFFD0];
	v63 =	vadd.s32 v14, v42;
	[tilespmem:v56+s18+$0x0] =	vst.idx.msk $0xffff, v34  }
0x80: {  	v56 =	vadd.s32 v18, v44;
	[tilespmem:v49+s18+$0x0] =	vst.idx.msk $0xffff, v39;
	v49 =	vld [tilespmem:s7+$0x10]  }
0x81: {  	[tilespmem:v60+s18+$0x0] =	vst.idx.msk $0xffff, v59;
	v39 =	vadd.s32 v31, v41;
	v34 =	vld [tilespmem:s7+$0xE0]  }
0x82: {  	[tilespmem:v58+s18+$0x0] =	vst.idx.msk $0xffff, v57;
	v57 =	vld [tilespmem:s7+$0x50];
	v58 =	vadd.s32 v22, v38  }
0x83: {  	[tilespmem:v62+s18+$0x0] =	vst.idx.msk $0xffff, v61;
	v61 =	vld [tilespmem:s7+$0xFFFFFF10];
	v62 =	vadd.s32 v2, v46  }
0x84: {  	v60 =	vadd.s32 v26, v35;
	v59 =	vld [tilespmem:s7+$0x90];
	[tilespmem:v63+s18+$0x0] =	vst.idx.msk $0xffff, v33  }
0x85: {  	v55 =	vadd.s32 v11, v40;
	v54 =	vadd.s32 v32, v41;
	v41 =	vld [tilespmem:s7+$0xFFFFFFA0];
	[tilespmem:v56+s18+$0x0] =	vst.idx.msk $0xffff, v49  }
0x86: {  	v53 =	vadd.s32 v7, v47;
	v63 =	vld [tilespmem:s7+$0xFFFFFF60];
	[tilespmem:v39+s18+$0x0] =	vst.idx.msk $0xffff, v34  }
0x87: {  	v56 =	vld [tilespmem:s7+$0xFFFFFFE0];
	[tilespmem:v58+s18+$0x0] =	vst.idx.msk $0xffff, v57;
	v57 =	vadd.s32 v15, v42  }
0x88: {  	[tilespmem:v62+s18+$0x0] =	vst.idx.msk $0xffff, v61;
	v34 =	vld [tilespmem:s7+$0xF0]  }
0x89: {  	v58 =	vld [tilespmem:s7+$0x20];
	[tilespmem:v60+s18+$0x0] =	vst.idx.msk $0xffff, v59;
	v59 =	vadd.s32 v19, v44  }
0x8a: {  	v61 =	vadd.s32 v23, v38;
	[tilespmem:v55+s18+$0x0] =	vst.idx.msk $0xffff, v41;
	v60 =	vld [tilespmem:s7+$0x60]  }
0x8b: {  	[tilespmem:v53+s18+$0x0] =	vst.idx.msk $0xffff, v63;
	v63 =	vadd.s32 v27, v35;
	v62 =	vld [tilespmem:s7+$0xA0]  }
0x8c: {  	v47 =	vadd.s32 v8, v47;
	v55 =	vld [tilespmem:s7+$0xFFFFFF70];
	[tilespmem:v57+s18+$0x0] =	vst.idx.msk $0xffff, v56  }
0x8d: {  	v53 =	vld [tilespmem:s7+$0xFFFFFF20];
	[tilespmem:v54+s18+$0x0] =	vst.idx.msk $0xffff, v34;
	v54 =	vadd.s32 v3, v46  }
0x8e: {  	v40 =	vadd.s32 v12, v40;
	v56 =	vld [tilespmem:s7+$0xFFFFFFB0];
	[tilespmem:v59+s18+$0x0] =	vst.idx.msk $0xffff, v58  }
0x8f: {  	v42 =	vadd.s32 v16, v42;
	v57 =	vld [tilespmem:s7+$0xFFFFFFF0];
	[tilespmem:v61+s18+$0x0] =	vst.idx.msk $0xffff, v60  }
0x90: {  	v59 =	vadd.s32 v20, v44;
	v58 =	vld [tilespmem:s7+$0x30];
	[tilespmem:v63+s18+$0x0] =	vst.idx.msk $0xffff, v62  }
0x91: {  	v38 =	vadd.s32 v24, v38;
	v60 =	vld [tilespmem:s7+$0x70];
	[tilespmem:v47+s18+$0x0] =	vst.idx.msk $0xffff, v55  }
0x92: {  	p0 =	seq.s32 s16, $0x18;
	v35 =	vadd.s32 v28, v35;
	v61 =	vld [tilespmem:s7+$0xB0];
	[tilespmem:v54+s18+$0x0] =	vst.idx.msk $0xffff, v53  }
0x93: {  	p2 =	seq.s32 @!p0 s16, $0x0;
	v63 =	vadd.s32 v4, v46;
	[tilespmem:v40+s18+$0x0] =	vst.idx.msk $0xffff, v56;
	v62 =	vld [tilespmem:s7+$0xFFFFFF30]  }
0x94: {  	p2 =	por p0, !p2;
	[tilespmem:v42+s18+$0x0] =	vst.idx.msk $0xffff, v57  }
.Ltmp1:
0x95: {  	[tilespmem:v59+s18+$0x0] =	vst.idx.msk $0xffff, v58;
	(pc) =	sbr.rel @!p2 .LBB2_5-.Ltmp1, $4  }
0x96: {  	s6 =	sshll.u32 @!p0 s16, $0xA;
	[tilespmem:v38+s18+$0x0] =	vst.idx.msk $0xffff, v60  }
0x97: {  	s15 =	sand.u32 @!p0 $0x3FFFFC00, s6;
	[tilespmem:v35+s18+$0x0] =	vst.idx.msk $0xffff, v61  }
0x98: {  	s8 =	simm.s32 @!p0 $0x6400;
	s6 =	sadd.s32 @!p0 $0x400, s15;
	s7 =	simm.s32 @!p0 $0x80;
	[tilespmem:v63+s18+$0x0] =	vst.idx.msk $0xffff, v62  }
0x99: {  	[tilespmem:s8], [sflag:$0x1] =	stream.indirect.gather @!p0 [hbm4b:s5+s7], $0x40, s6, s7, $0xb8;
	[tilespmem:$0x1EC00] =	vst v63  }
0x9a: {  	s6 =	rddreg [dreg:$0x4]  }
0x9b: {  	s6 =	sadd.s32 s17, s6  }
0x9c: {  	s7 =	sshll.u32 s6, $0xD;
	s6 =	sshll.u32 s6, $0xA  }
0x9d: {  	s7 =	sand.u32 $0xFFF00000, s7;
	s6 =	sand.u32 $0x1FC00, s6  }
0x9e: {  	s6 =	sor.u32 s6, s7  }
0x9f: {  	s6 =	sshrl.u32 s6, $0x3  }
0xa0: {  	s10 =	simm.s32 $0x1CA00;
	s14 =	sadd.s32 s2, s6  }
0xa1: {  	[hbm4b:s14+s3] =	stream.linear.scatter [tilespmem:s10], [sflag:$0xC], $0x80, $0x38;
	[tilespmem:$0x1EC00] =	vst v63  }
0xa2: {  	s7 =	simm.s32 $0x1CA88;
	s8 =	sadd.s32 $0x10, s14  }
0xa3: {  	[hbm4b:s8+s3] =	stream.linear.scatter [tilespmem:s7], [sflag:$0xC], $0x80, $0x38;
	[tilespmem:$0x1EC00] =	vst v63  }
0xa4: {  	s9 =	simm.s32 $0x1CB10;
	s10 =	sadd.s32 $0x20, s14  }
0xa5: {  	[hbm4b:s10+s3] =	stream.linear.scatter [tilespmem:s9], [sflag:$0xC], $0x80, $0x38;
	[tilespmem:$0x1EC00] =	vst v63  }
0xa6: {  	s7 =	simm.s32 $0x1CB98;
	s8 =	sadd.s32 $0x30, s14  }
0xa7: {  	[hbm4b:s8+s3] =	stream.linear.scatter [tilespmem:s7], [sflag:$0xC], $0x80, $0x38;
	[tilespmem:$0x1EC00] =	vst v63  }
0xa8: {  	s9 =	simm.s32 $0x1CC20;
	s10 =	sadd.s32 $0x40, s14  }
0xa9: {  	[hbm4b:s10+s3] =	stream.linear.scatter [tilespmem:s9], [sflag:$0xC], $0x80, $0x38;
	[tilespmem:$0x1EC00] =	vst v63  }
0xaa: {  	s6 =	simm.s32 $0x2200;
	s7 =	simm.s32 $0x1CCA8;
	s8 =	sadd.s32 $0x50, s14  }
0xab: {  	[hbm4b:s8+s3] =	stream.linear.scatter [tilespmem:s7], [sflag:$0xC], $0x80, $0x38;
	[tilespmem:$0x1EC00] =	vst v63  }
0xac: {  	s9 =	simm.s32 $0x1CD30;
	s10 =	sadd.s32 $0x60, s14;
	s7 =	simm.s32 $0x440  }
0xad: {  	[hbm4b:s10+s3] =	stream.linear.scatter [tilespmem:s9], [sflag:$0xC], $0x80, $0x38;
	[tilespmem:$0x1EC00] =	vst v63  }
0xae: {  	s8 =	simm.s32 $0x1CDB8;
	s9 =	sadd.s32 $0x70, s14;
	s14 =	sadd.s32 $0x4000, s14  }
.LBB2_7:
0xaf: {  	[hbm4b:s9+s3] =	stream.linear.scatter [tilespmem:s8], [sflag:$0xC], $0x80, $0x38;
	[tilespmem:$0x1EC00] =	vst v63  }
0xb0: {  	s8 =	smov.u32 s7;
	s7 =	smov.u32 s6  }
0xb1: {  	s10 =	sadd.s32 $0x1100, s6;
	s7 =	sshra.s32 s7, $0x2;
	s9 =	sadd.s32 $0x1CA00, s8  }
0xb2: {  	[hbm4b:s14+s3] =	stream.linear.scatter [tilespmem:s9], [sflag:$0xC], $0x80, $0x38;
	[tilespmem:$0x1EC00] =	vst v63  }
0xb3: {  	p2 =	sne.s32 s6, $0x7700;
	s6 =	sadd.s32 $0x1CA88, s8;
	s9 =	sadd.s32 $0x10, s14  }
0xb4: {  	[hbm4b:s9+s3] =	stream.linear.scatter [tilespmem:s6], [sflag:$0xC], $0x80, $0x38;
	[tilespmem:$0x1EC00] =	vst v63  }
0xb5: {  	s6 =	sadd.s32 $0x1CB10, s8;
	s9 =	sadd.s32 $0x20, s14  }
0xb6: {  	[hbm4b:s9+s3] =	stream.linear.scatter [tilespmem:s6], [sflag:$0xC], $0x80, $0x38;
	[tilespmem:$0x1EC00] =	vst v63  }
0xb7: {  	s6 =	sadd.s32 $0x1CB98, s8;
	s9 =	sadd.s32 $0x30, s14  }
0xb8: {  	[hbm4b:s9+s3] =	stream.linear.scatter [tilespmem:s6], [sflag:$0xC], $0x80, $0x38;
	[tilespmem:$0x1EC00] =	vst v63  }
0xb9: {  	s6 =	sadd.s32 $0x1CC20, s8;
	s9 =	sadd.s32 $0x40, s14  }
0xba: {  	[hbm4b:s9+s3] =	stream.linear.scatter [tilespmem:s6], [sflag:$0xC], $0x80, $0x38;
	[tilespmem:$0x1EC00] =	vst v63  }
.Ltmp2:
0xbb: {  	s6 =	sadd.s32 $0x1CCA8, s8;
	s9 =	sadd.s32 $0x50, s14;
	(pc) =	sbr.rel @p2 .LBB2_7-.Ltmp2, $4  }
0xbc: {  	[hbm4b:s9+s3] =	stream.linear.scatter [tilespmem:s6], [sflag:$0xC], $0x80, $0x38;
	[tilespmem:$0x1EC00] =	vst v63  }
0xbd: {  	s6 =	sadd.s32 $0x1CD30, s8;
	s9 =	sadd.s32 $0x60, s14;
	s8 =	sadd.s32 $0x1CDB8, s8  }
0xbe: {  	[hbm4b:s9+s3] =	stream.linear.scatter [tilespmem:s6], [sflag:$0xC], $0x80, $0x38;
	[tilespmem:$0x1EC00] =	vst v63  }
0xbf: {  	s9 =	sadd.s32 $0x70, s14;
	s14 =	sadd.s32 $0x4000, s14;
	s6 =	smov.u32 s10  }
0xc0: {  	[hbm4b:s9+s3] =	stream.linear.scatter [tilespmem:s8], [sflag:$0xC], $0x80, $0x38;
	[tilespmem:$0x1EC00] =	vst v63  }
0xc1: {  	s6 =	sadd.s32 $0x1CA00, s7  }
0xc2: {  	[hbm4b:s14+s3] =	stream.linear.scatter [tilespmem:s6], [sflag:$0xC], $0x80, $0x38;
	[tilespmem:$0x1EC00] =	vst v63  }
0xc3: {  	s9 =	sadd.s32 $0x1CA88, s7;
	s10 =	sadd.s32 $0x10, s14  }
0xc4: {  	[hbm4b:s10+s3] =	stream.linear.scatter [tilespmem:s9], [sflag:$0xC], $0x80, $0x38;
	[tilespmem:$0x1EC00] =	vst v63  }
0xc5: {  	s9 =	sadd.s32 $0x1CB10, s7;
	s10 =	sadd.s32 $0x20, s14  }
0xc6: {  	[hbm4b:s10+s3] =	stream.linear.scatter [tilespmem:s9], [sflag:$0xC], $0x80, $0x38;
	[tilespmem:$0x1EC00] =	vst v63  }
0xc7: {  	s9 =	sadd.s32 $0x1CB98, s7;
	s10 =	sadd.s32 $0x30, s14  }
0xc8: {  	[hbm4b:s10+s3] =	stream.linear.scatter [tilespmem:s9], [sflag:$0xC], $0x80, $0x38;
	[tilespmem:$0x1EC00] =	vst v63  }
0xc9: {  	s9 =	sadd.s32 $0x1CC20, s7;
	s10 =	sadd.s32 $0x40, s14  }
0xca: {  	[hbm4b:s10+s3] =	stream.linear.scatter [tilespmem:s9], [sflag:$0xC], $0x80, $0x38;
	[tilespmem:$0x1EC00] =	vst v63  }
0xcb: {  	s9 =	sadd.s32 $0x1CCA8, s7;
	s10 =	sadd.s32 $0x50, s14  }
0xcc: {  	[hbm4b:s10+s3] =	stream.linear.scatter [tilespmem:s9], [sflag:$0xC], $0x80, $0x38;
	[tilespmem:$0x1EC00] =	vst v63  }
0xcd: {  	s9 =	sadd.s32 $0x1CD30, s7;
	s10 =	sadd.s32 $0x60, s14  }
0xce: {  	[hbm4b:s10+s3] =	stream.linear.scatter [tilespmem:s9], [sflag:$0xC], $0x80, $0x38;
	[tilespmem:$0x1EC00] =	vst v63  }
0xcf: {  	s9 =	sadd.s32 $0x1CDB8, s7;
	s10 =	sadd.s32 $0x70, s14  }
0xd0: {  	[hbm4b:s10+s3] =	stream.linear.scatter [tilespmem:s9], [sflag:$0xC], $0x80, $0x38;
	[tilespmem:$0x1EC00] =	vst v63  }
.Ltmp3:
0xd1: {  	_ = 	snop;
	(pc) =	sbr.rel @!p1 .LBB2_9-.Ltmp3, $4  }
.Ltmp4:
0xd2: {  	s14 =	simm.s32 $0x2;
	(pc) =	sbr.rel @p1 .LBB2_10-.Ltmp4, $4  }
0xd3: {  	_ =	swait.ge [sflag:s14], $0x2000  }
0xd4: {  	[sflag:s14] =	ssyncset.done $0x0  }
0xd5: {  	s6 =	simm.s32 $0xA;
	[sflag:s14] =	ssyncadd.s32 $0xFFFFE000  }
0xd6: {  	_ = 	snop  }
.LBB2_5:
0xd7: {  	s6 =	simm.s32 @!p0 $0x2  }
.LBB2_9:
0xd8: {  	_ =	swait.ge [sflag:s6], $0x2000  }
0xd9: {  	[sflag:s6] =	ssyncset.done $0x0  }
0xda: {  	[sflag:s6] =	ssyncadd.s32 $0xFFFFE000  }
.LBB2_10:
0xdb: {  	s6 =	simm.s32 $0x0;
	s10 =	simm.s32 $0x1;
	s7 =	simm.s32 $0x2  }
0xdc: {  	s14 =	simm.s32 $0x3;
	s9 =	simm.s32 $0x4;
	s8 =	simm.s32 $0x7;
	v33 =	vmov s6;
	v34 =	vmov s10;
	v35 =	vmov s7  }
0xdd: {  	v36 =	vmov s14;
	s10 =	simm.s32 $0x5;
	v37 =	vmov s9;
	v38 =	vmov s8  }
0xde: {  	s14 =	simm.s32 $0x6;
	v33 =	vshrl.u32 v33, $0x3;
	v39 =	vmov s10;
	v38 =	vshrl.u32 v38, $0x3  }
0xdf: {  	v40 =	vmov s14;
	v34 =	vshrl.u32 v34, $0x3;
	v35 =	vshrl.u32 v35, $0x3  }
0xe0: {  	v36 =	vshrl.u32 v36, $0x3;
	v37 =	vshrl.u32 v37, $0x3;
	v38 =	vshll.u32 v38, v1  }
0xe1: {  	v33 =	vshll.u32 v33, v1;
	v34 =	vshll.u32 v34, v1;
	v38 =	vbroadcast v38, $0x0  }
0xe2: {  	s14 =	simm.s32 $0x8500;
	v52 =	vshll.u32 v35, v1;
	v53 =	vshll.u32 v36, v1;
	v33 =	vbroadcast v33, $0x0  }
0xe3: {  	v41 =	vld [tilespmem:s14+$0xC0];
	v54 =	vshll.u32 v37, v1;
	v45 =	vbroadcast v34, $0x0;
	v42 =	vadd.s32 v29, v38  }
0xe4: {  	v43 =	vld [tilespmem:s14+$0xFFFFFF00];
	v55 =	vshrl.u32 v39, $0x3;
	v52 =	vbroadcast v52, $0x0;
	v44 =	vadd.s32 v0, v33  }
0xe5: {  	v46 =	vld [tilespmem:s14+$0xFFFFFF40];
	v40 =	vshrl.u32 v40, $0x3;
	v35 =	vbroadcast v53, $0x0;
	v47 =	vadd.s32 v5, v45  }
0xe6: {  	v48 =	vld [tilespmem:s14+$0xFFFFFF80];
	v34 =	vbroadcast v54, $0x0;
	v36 =	vshll.u32 v55, v1;
	v49 =	vadd.s32 v9, v52  }
0xe7: {  	v39 =	vld [tilespmem:s14+$0xFFFFFFC0];
	v56 =	vshll.u32 v40, v1;
	v37 =	vbroadcast v36, $0x0;
	v50 =	vadd.s32 v13, v35  }
0xe8: {  	v51 =	vld [tilespmem:s14+$0x0];
	v36 =	vbroadcast v56, $0x0;
	v53 =	vadd.s32 v17, v34;
	[tilespmem:v42+s19+$0x0] =	vst.idx.msk $0xffff, v41  }
0xe9: {  	v59 =	vld [tilespmem:s14+$0x40];
	v60 =	vadd.s32 v21, v37;
	[tilespmem:v44+s19+$0x0] =	vst.idx.msk $0xffff, v43  }
0xea: {  	v61 =	vld [tilespmem:s14+$0x80];
	v62 =	vadd.s32 v25, v36;
	[tilespmem:v47+s19+$0x0] =	vst.idx.msk $0xffff, v46  }
0xeb: {  	v58 =	vadd.s32 v30, v38;
	[tilespmem:v49+s19+$0x0] =	vst.idx.msk $0xffff, v48;
	v57 =	vld [tilespmem:s14+$0xD0]  }
0xec: {  	v63 =	vadd.s32 v6, v45;
	[tilespmem:v50+s19+$0x0] =	vst.idx.msk $0xffff, v39;
	v47 =	vld [tilespmem:s14+$0xFFFFFF50]  }
0xed: {  	v55 =	vadd.s32 v10, v52;
	[tilespmem:v53+s19+$0x0] =	vst.idx.msk $0xffff, v51;
	v54 =	vld [tilespmem:s14+$0xFFFFFF90]  }
0xee: {  	v56 =	vadd.s32 v14, v35;
	v50 =	vld [tilespmem:s14+$0xFFFFFFD0];
	[tilespmem:v60+s19+$0x0] =	vst.idx.msk $0xffff, v59  }
0xef: {  	[tilespmem:v62+s19+$0x0] =	vst.idx.msk $0xffff, v61;
	v61 =	vld [tilespmem:s14+$0xFFFFFF10];
	v62 =	vadd.s32 v2, v33  }
0xf0: {  	v59 =	vadd.s32 v18, v34;
	[tilespmem:v58+s19+$0x0] =	vst.idx.msk $0xffff, v57;
	v58 =	vld [tilespmem:s14+$0x10]  }
0xf1: {  	v57 =	vadd.s32 v31, v38;
	[tilespmem:v63+s19+$0x0] =	vst.idx.msk $0xffff, v47;
	v40 =	vld [tilespmem:s14+$0xE0]  }
0xf2: {  	v46 =	vadd.s32 v22, v37;
	v44 =	vld [tilespmem:s14+$0x50];
	[tilespmem:v55+s19+$0x0] =	vst.idx.msk $0xffff, v54  }
0xf3: {  	v60 =	vadd.s32 v26, v36;
	v63 =	vld [tilespmem:s14+$0x90];
	[tilespmem:v56+s19+$0x0] =	vst.idx.msk $0xffff, v50  }
0xf4: {  	v51 =	vadd.s32 v7, v45;
	[tilespmem:v62+s19+$0x0] =	vst.idx.msk $0xffff, v61;
	v50 =	vld [tilespmem:s14+$0xFFFFFF60]  }
0xf5: {  	v56 =	vadd.s32 v11, v52;
	v55 =	vld [tilespmem:s14+$0xFFFFFFA0];
	[tilespmem:v59+s19+$0x0] =	vst.idx.msk $0xffff, v58  }
0xf6: {  	v58 =	vadd.s32 v15, v35;
	[tilespmem:v57+s19+$0x0] =	vst.idx.msk $0xffff, v40;
	v57 =	vld [tilespmem:s14+$0xFFFFFFE0]  }
0xf7: {  	v38 =	vadd.s32 v32, v38;
	[tilespmem:v46+s19+$0x0] =	vst.idx.msk $0xffff, v44;
	v54 =	vld [tilespmem:s14+$0xF0]  }
0xf8: {  	s8 =	simm.s32 $0x9;
	[tilespmem:v60+s19+$0x0] =	vst.idx.msk $0xffff, v63;
	v60 =	vadd.s32 v19, v34;
	v59 =	vld [tilespmem:s14+$0x20]  }
0xf9: {  	v41 =	vadd.s32 v23, v37;
	v53 =	vmov s8;
	s8 =	simm.s32 $0xC;
	[tilespmem:v51+s19+$0x0] =	vst.idx.msk $0xffff, v50;
	v40 =	vld [tilespmem:s14+$0x60]  }
0xfa: {  	s7 =	simm.s32 $0x8;
	s10 =	simm.s32 $0xB;
	v43 =	vadd.s32 v27, v36;
	v48 =	vadd.s32 v3, v33;
	v47 =	vmov s8;
	v42 =	vld [tilespmem:s14+$0xA0];
	[tilespmem:v56+s19+$0x0] =	vst.idx.msk $0xffff, v55  }
0xfb: {  	s9 =	simm.s32 $0xA;
	v52 =	vadd.s32 v12, v52;
	v44 =	vmov s10;
	v46 =	vld [tilespmem:s14+$0xFFFFFF20];
	v63 =	vmov s7;
	[tilespmem:v58+s19+$0x0] =	vst.idx.msk $0xffff, v57  }
0xfc: {  	s10 =	simm.s32 $0xE;
	v39 =	vshrl.u32 v63, $0x3;
	v51 =	vadd.s32 v8, v45;
	v49 =	vld [tilespmem:s14+$0xFFFFFF70];
	[tilespmem:v38+s19+$0x0] =	vst.idx.msk $0xffff, v54;
	v54 =	vmov s9;
	s9 =	simm.s32 $0xD  }
0xfd: {  	s6 =	simm.s32 $0xF;
	s7 =	simm.s32 $0x10;
	v45 =	vshll.u32 v39, v1;
	v39 =	vmov s10;
	v50 =	vld [tilespmem:s14+$0xFFFFFFB0];
	[tilespmem:v60+s19+$0x0] =	vst.idx.msk $0xffff, v59;
	v38 =	vmov s9  }
.LBB2_11:
0xfe: {  	p2 =	slt.u32 s7, $0x78;
	v53 =	vshrl.u32 v53, $0x3;
	v55 =	vmov s6;
	v56 =	vld [tilespmem:s14+$0xFFFFFFF0];
	v35 =	vadd.s32 v16, v35;
	[tilespmem:v41+s19+$0x0] =	vst.idx.msk $0xffff, v40  }
0xff: {  	v40 =	vshrl.u32 v54, $0x3;
	v34 =	vadd.s32 v20, v34;
	v41 =	vshrl.u32 v55, $0x3;
	v54 =	vld [tilespmem:s14+$0x30];
	[tilespmem:v43+s19+$0x0] =	vst.idx.msk $0xffff, v42  }
0x100: {  	v37 =	vadd.s32 v24, v37;
	v42 =	vshrl.u32 v44, $0x3;
	v41 =	vshll.u32 v41, v1;
	[tilespmem:v48+s19+$0x0] =	vst.idx.msk $0xffff, v46;
	v43 =	vld [tilespmem:s14+$0x70]  }
0x101: {  	v36 =	vadd.s32 v28, v36;
	v44 =	vshrl.u32 v47, $0x3;
	v41 =	vbroadcast v41, $0x0;
	[tilespmem:v51+s19+$0x0] =	vst.idx.msk $0xffff, v49;
	v46 =	vld [tilespmem:s14+$0xB0]  }
0x102: {  	v47 =	vshll.u32 v53, v1;
	v49 =	vadd.s32 v4, v33;
	v33 =	vbroadcast v45, $0x0;
	v48 =	vld [tilespmem:s14+$0xFFFFFF30];
	[tilespmem:v52+s19+$0x0] =	vst.idx.msk $0xffff, v50;
	s14 =	sadd.s32 $0x200, s14  }
0x103: {  	v40 =	vshll.u32 v40, v1;
	v45 =	vbroadcast v47, $0x0;
	v47 =	vld [tilespmem:s14+$0xC0];
	v50 =	vadd.s32 v29, v41;
	[tilespmem:v35+s19+$0x0] =	vst.idx.msk $0xffff, v56  }
0x104: {  	v55 =	vbroadcast v40, $0x0;
	v52 =	vadd.s32 v0, v33;
	v35 =	vshll.u32 v42, v1;
	v51 =	vld [tilespmem:s14+$0xFFFFFF00];
	[tilespmem:v34+s19+$0x0] =	vst.idx.msk $0xffff, v54  }
0x105: {  	v42 =	vadd.s32 v5, v45;
	v35 =	vbroadcast v35, $0x0;
	v34 =	vshll.u32 v44, v1;
	v40 =	vld [tilespmem:s14+$0xFFFFFF40];
	[tilespmem:v37+s19+$0x0] =	vst.idx.msk $0xffff, v43  }
0x106: {  	v44 =	vadd.s32 v9, v55;
	v34 =	vbroadcast v34, $0x0;
	v37 =	vshrl.u32 v38, $0x3;
	v43 =	vld [tilespmem:s14+$0xFFFFFF80];
	[tilespmem:v36+s19+$0x0] =	vst.idx.msk $0xffff, v46  }
0x107: {  	v39 =	vshrl.u32 v39, $0x3;
	v46 =	vadd.s32 v13, v35;
	v36 =	vshll.u32 v37, v1;
	v38 =	vld [tilespmem:s14+$0xFFFFFFC0];
	[tilespmem:v49+s19+$0x0] =	vst.idx.msk $0xffff, v48  }
0x108: {  	v49 =	vadd.s32 v17, v34;
	v37 =	vbroadcast v36, $0x0;
	v36 =	vshll.u32 v39, v1;
	v48 =	vld [tilespmem:s14+$0x0];
	[tilespmem:v50+s19+$0x0] =	vst.idx.msk $0xffff, v47  }
0x109: {  	v36 =	vbroadcast v36, $0x0;
	v47 =	vadd.s32 v30, v41;
	[tilespmem:v52+s19+$0x0] =	vst.idx.msk $0xffff, v51;
	v39 =	vld [tilespmem:s14+$0xD0]  }
0x10a: {  	[tilespmem:v42+s19+$0x0] =	vst.idx.msk $0xffff, v40;
	v40 =	vld [tilespmem:s14+$0x40];
	v42 =	vadd.s32 v21, v37  }
0x10b: {  	[tilespmem:v44+s19+$0x0] =	vst.idx.msk $0xffff, v43;
	v43 =	vld [tilespmem:s14+$0x80];
	v44 =	vadd.s32 v25, v36  }
0x10c: {  	v51 =	vadd.s32 v6, v45;
	v50 =	vld [tilespmem:s14+$0xFFFFFF50];
	[tilespmem:v46+s19+$0x0] =	vst.idx.msk $0xffff, v38  }
0x10d: {  	v46 =	vadd.s32 v10, v55;
	v38 =	vld [tilespmem:s14+$0xFFFFFF90];
	[tilespmem:v49+s19+$0x0] =	vst.idx.msk $0xffff, v48  }
0x10e: {  	v49 =	vadd.s32 v14, v35;
	v48 =	vld [tilespmem:s14+$0xFFFFFFD0];
	[tilespmem:v47+s19+$0x0] =	vst.idx.msk $0xffff, v39  }
0x10f: {  	[tilespmem:v42+s19+$0x0] =	vst.idx.msk $0xffff, v40;
	v39 =	vld [tilespmem:s14+$0xE0];
	v40 =	vadd.s32 v31, v41  }
0x110: {  	v47 =	vadd.s32 v18, v34;
	v42 =	vld [tilespmem:s14+$0x10];
	[tilespmem:v44+s19+$0x0] =	vst.idx.msk $0xffff, v43  }
0x111: {  	v44 =	vadd.s32 v22, v37;
	[tilespmem:v51+s19+$0x0] =	vst.idx.msk $0xffff, v50;
	v43 =	vld [tilespmem:s14+$0x50]  }
0x112: {  	[tilespmem:v46+s19+$0x0] =	vst.idx.msk $0xffff, v38;
	v38 =	vld [tilespmem:s14+$0x90];
	v46 =	vadd.s32 v26, v36  }
0x113: {  	v51 =	vadd.s32 v2, v33;
	v50 =	vld [tilespmem:s14+$0xFFFFFF10];
	[tilespmem:v49+s19+$0x0] =	vst.idx.msk $0xffff, v48  }
0x114: {  	v49 =	vadd.s32 v7, v45;
	v48 =	vld [tilespmem:s14+$0xFFFFFF60];
	[tilespmem:v40+s19+$0x0] =	vst.idx.msk $0xffff, v39  }
0x115: {  	[tilespmem:v47+s19+$0x0] =	vst.idx.msk $0xffff, v42;
	v39 =	vld [tilespmem:s14+$0xF0];
	v47 =	vadd.s32 v32, v41  }
0x116: {  	v56 =	vadd.s32 v11, v55;
	v52 =	vld [tilespmem:s14+$0xFFFFFFA0];
	[tilespmem:v44+s19+$0x0] =	vst.idx.msk $0xffff, v43  }
0x117: {  	v58 =	vadd.s32 v15, v35;
	v57 =	vld [tilespmem:s14+$0xFFFFFFE0];
	[tilespmem:v46+s19+$0x0] =	vst.idx.msk $0xffff, v38  }
0x118: {  	v60 =	vadd.s32 v19, v34;
	[tilespmem:v51+s19+$0x0] =	vst.idx.msk $0xffff, v50;
	v59 =	vld [tilespmem:s14+$0x20]  }
.Ltmp5:
0x119: {  	s6 =	sadd.s32 $0x1, s7;
	v41 =	vadd.s32 v23, v37;
	v38 =	vmov s7;
	[tilespmem:v49+s19+$0x0] =	vst.idx.msk $0xffff, v48;
	v40 =	vld [tilespmem:s14+$0x60];
	(pc) =	sbr.rel @p2 .LBB2_11-.Ltmp5, $4  }
0x11a: {  	s8 =	sadd.s32 $0x3, s7;
	v53 =	vmov s6;
	s6 =	sadd.s32 $0x2, s7;
	v43 =	vadd.s32 v27, v36;
	v50 =	vshrl.u32 v38, $0x3;
	v42 =	vld [tilespmem:s14+$0xA0];
	[tilespmem:v47+s19+$0x0] =	vst.idx.msk $0xffff, v39  }
0x11b: {  	v54 =	vmov s6;
	s6 =	sadd.s32 $0x4, s7;
	v44 =	vmov s8;
	s8 =	sadd.s32 $0x5, s7;
	v48 =	vadd.s32 v3, v33;
	v46 =	vld [tilespmem:s14+$0xFFFFFF20];
	[tilespmem:v56+s19+$0x0] =	vst.idx.msk $0xffff, v52  }
0x11c: {  	v38 =	vmov s8;
	v51 =	vadd.s32 v8, v45;
	v47 =	vmov s6;
	s6 =	sadd.s32 $0x6, s7;
	v49 =	vld [tilespmem:s14+$0xFFFFFF70];
	[tilespmem:v58+s19+$0x0] =	vst.idx.msk $0xffff, v57  }
0x11d: {  	v45 =	vshll.u32 v50, v1;
	v39 =	vmov s6;
	s6 =	sadd.s32 $0x7, s7;
	s7 =	sadd.s32 $0x8, s7;
	v52 =	vadd.s32 v12, v55;
	v50 =	vld [tilespmem:s14+$0xFFFFFFB0];
	[tilespmem:v60+s19+$0x0] =	vst.idx.msk $0xffff, v59  }
0x11e: {  	_ =	sdelay $0x2  }
0x11f: {  	v53 =	vshrl.u32 v53, $0x3  }
0x120: {  	v55 =	vmov s6;
	v56 =	vld [tilespmem:s14+$0xFFFFFFF0];
	v35 =	vadd.s32 v16, v35;
	[tilespmem:v41+s19+$0x0] =	vst.idx.msk $0xffff, v40;
	v57 =	vshrl.u32 v54, $0x3  }
0x121: {  	v59 =	vld [tilespmem:s14+$0x30];
	v34 =	vadd.s32 v20, v34;
	v60 =	vshrl.u32 v44, $0x3;
	v58 =	vshrl.u32 v55, $0x3;
	[tilespmem:v43+s19+$0x0] =	vst.idx.msk $0xffff, v42  }
0x122: {  	v37 =	vadd.s32 v24, v37;
	v62 =	vshrl.u32 v47, $0x3;
	v61 =	vld [tilespmem:s14+$0x70];
	v41 =	vshll.u32 v58, v1;
	[tilespmem:v48+s19+$0x0] =	vst.idx.msk $0xffff, v46  }
0x123: {  	v36 =	vadd.s32 v28, v36;
	v45 =	vbroadcast v45, $0x0;
	v63 =	vld [tilespmem:s14+$0xB0];
	v41 =	vbroadcast v41, $0x0;
	[tilespmem:v51+s19+$0x0] =	vst.idx.msk $0xffff, v49  }
0x124: {  	v33 =	vadd.s32 v4, v33;
	s7 =	sadd.s32 $0x200, s14;
	v38 =	vshrl.u32 v38, $0x3;
	v55 =	vshll.u32 v53, v1;
	v48 =	vld [tilespmem:s14+$0xFFFFFF30];
	[tilespmem:v52+s19+$0x0] =	vst.idx.msk $0xffff, v50  }
0x125: {  	v40 =	vshll.u32 v57, v1;
	v47 =	vbroadcast v55, $0x0;
	v49 =	vld [tilespmem:s7+$0xC0];
	v50 =	vadd.s32 v29, v41;
	[tilespmem:v35+s19+$0x0] =	vst.idx.msk $0xffff, v56  }
0x126: {  	v42 =	vshll.u32 v60, v1;
	v40 =	vbroadcast v40, $0x0;
	v35 =	vld [tilespmem:s7+$0xFFFFFF00];
	v56 =	vadd.s32 v0, v45;
	[tilespmem:v34+s19+$0x0] =	vst.idx.msk $0xffff, v59  }
0x127: {  	v57 =	vld [tilespmem:s7+$0xFFFFFF40];
	v44 =	vshll.u32 v62, v1;
	v42 =	vbroadcast v42, $0x0;
	v58 =	vadd.s32 v5, v47;
	[tilespmem:v37+s19+$0x0] =	vst.idx.msk $0xffff, v61  }
0x128: {  	v38 =	vshll.u32 v38, v1;
	v44 =	vbroadcast v44, $0x0;
	v60 =	vadd.s32 v9, v40;
	v59 =	vld [tilespmem:s7+$0xFFFFFF80];
	[tilespmem:v36+s19+$0x0] =	vst.idx.msk $0xffff, v63  }
0x129: {  	v38 =	vbroadcast v38, $0x0;
	v62 =	vadd.s32 v13, v42;
	v61 =	vld [tilespmem:s7+$0xFFFFFFC0];
	[tilespmem:v33+s19+$0x0] =	vst.idx.msk $0xffff, v48  }
0x12a: {  	v39 =	vshrl.u32 v39, $0x3;
	v63 =	vadd.s32 v17, v44;
	v33 =	vld [tilespmem:s7+$0x0];
	[tilespmem:v50+s19+$0x0] =	vst.idx.msk $0xffff, v49  }
0x12b: {  	v39 =	vshll.u32 v39, v1;
	v34 =	vld [tilespmem:s7+$0x40];
	[tilespmem:v56+s19+$0x0] =	vst.idx.msk $0xffff, v35;
	v56 =	vadd.s32 v21, v38  }
0x12c: {  	[tilespmem:v58+s19+$0x0] =	vst.idx.msk $0xffff, v57;
	v35 =	vbroadcast v39, $0x0;
	v49 =	vadd.s32 v30, v41;
	v39 =	vld [tilespmem:s7+$0xD0]  }
0x12d: {  	[tilespmem:v60+s19+$0x0] =	vst.idx.msk $0xffff, v59;
	v59 =	vld [tilespmem:s7+$0xFFFFFF50];
	v60 =	vadd.s32 v6, v47  }
0x12e: {  	v57 =	vld [tilespmem:s7+$0x80];
	[tilespmem:v62+s19+$0x0] =	vst.idx.msk $0xffff, v61;
	v58 =	vadd.s32 v25, v35  }
0x12f: {  	v61 =	vld [tilespmem:s7+$0xFFFFFF90];
	v62 =	vadd.s32 v10, v40;
	[tilespmem:v63+s19+$0x0] =	vst.idx.msk $0xffff, v33  }
0x130: {  	v33 =	vld [tilespmem:s7+$0xFFFFFFD0];
	v63 =	vadd.s32 v14, v42;
	[tilespmem:v56+s19+$0x0] =	vst.idx.msk $0xffff, v34  }
0x131: {  	v56 =	vadd.s32 v18, v44;
	[tilespmem:v49+s19+$0x0] =	vst.idx.msk $0xffff, v39;
	v49 =	vld [tilespmem:s7+$0x10]  }
0x132: {  	[tilespmem:v60+s19+$0x0] =	vst.idx.msk $0xffff, v59;
	v39 =	vadd.s32 v31, v41;
	v34 =	vld [tilespmem:s7+$0xE0]  }
0x133: {  	[tilespmem:v58+s19+$0x0] =	vst.idx.msk $0xffff, v57;
	v57 =	vld [tilespmem:s7+$0x50];
	v58 =	vadd.s32 v22, v38  }
0x134: {  	[tilespmem:v62+s19+$0x0] =	vst.idx.msk $0xffff, v61;
	v61 =	vld [tilespmem:s7+$0xFFFFFF10];
	v62 =	vadd.s32 v2, v45  }
0x135: {  	v60 =	vadd.s32 v26, v35;
	v59 =	vld [tilespmem:s7+$0x90];
	[tilespmem:v63+s19+$0x0] =	vst.idx.msk $0xffff, v33  }
0x136: {  	v55 =	vadd.s32 v11, v40;
	v54 =	vadd.s32 v32, v41;
	v41 =	vld [tilespmem:s7+$0xFFFFFFA0];
	[tilespmem:v56+s19+$0x0] =	vst.idx.msk $0xffff, v49  }
0x137: {  	v53 =	vadd.s32 v7, v47;
	v63 =	vld [tilespmem:s7+$0xFFFFFF60];
	[tilespmem:v39+s19+$0x0] =	vst.idx.msk $0xffff, v34  }
0x138: {  	v56 =	vld [tilespmem:s7+$0xFFFFFFE0];
	[tilespmem:v58+s19+$0x0] =	vst.idx.msk $0xffff, v57;
	v57 =	vadd.s32 v15, v42  }
0x139: {  	[tilespmem:v62+s19+$0x0] =	vst.idx.msk $0xffff, v61;
	v34 =	vld [tilespmem:s7+$0xF0]  }
0x13a: {  	v58 =	vld [tilespmem:s7+$0x20];
	[tilespmem:v60+s19+$0x0] =	vst.idx.msk $0xffff, v59;
	v59 =	vadd.s32 v19, v44  }
0x13b: {  	v61 =	vadd.s32 v23, v38;
	[tilespmem:v55+s19+$0x0] =	vst.idx.msk $0xffff, v41;
	v60 =	vld [tilespmem:s7+$0x60]  }
0x13c: {  	[tilespmem:v53+s19+$0x0] =	vst.idx.msk $0xffff, v63;
	v63 =	vadd.s32 v27, v35;
	v62 =	vld [tilespmem:s7+$0xA0]  }
0x13d: {  	v47 =	vadd.s32 v8, v47;
	v55 =	vld [tilespmem:s7+$0xFFFFFF70];
	[tilespmem:v57+s19+$0x0] =	vst.idx.msk $0xffff, v56  }
0x13e: {  	v53 =	vld [tilespmem:s7+$0xFFFFFF20];
	[tilespmem:v54+s19+$0x0] =	vst.idx.msk $0xffff, v34;
	v54 =	vadd.s32 v3, v45  }
0x13f: {  	v40 =	vadd.s32 v12, v40;
	v56 =	vld [tilespmem:s7+$0xFFFFFFB0];
	[tilespmem:v59+s19+$0x0] =	vst.idx.msk $0xffff, v58  }
0x140: {  	v42 =	vadd.s32 v16, v42;
	v57 =	vld [tilespmem:s7+$0xFFFFFFF0];
	[tilespmem:v61+s19+$0x0] =	vst.idx.msk $0xffff, v60  }
0x141: {  	v59 =	vadd.s32 v20, v44;
	v58 =	vld [tilespmem:s7+$0x30];
	[tilespmem:v63+s19+$0x0] =	vst.idx.msk $0xffff, v62  }
0x142: {  	v38 =	vadd.s32 v24, v38;
	v60 =	vld [tilespmem:s7+$0x70];
	[tilespmem:v47+s19+$0x0] =	vst.idx.msk $0xffff, v55  }
0x143: {  	v35 =	vadd.s32 v28, v35;
	v61 =	vld [tilespmem:s7+$0xB0];
	[tilespmem:v54+s19+$0x0] =	vst.idx.msk $0xffff, v53  }
0x144: {  	v63 =	vadd.s32 v4, v45;
	[tilespmem:v40+s19+$0x0] =	vst.idx.msk $0xffff, v56;
	v62 =	vld [tilespmem:s7+$0xFFFFFF30]  }
0x145: {  	[tilespmem:v42+s19+$0x0] =	vst.idx.msk $0xffff, v57  }
0x146: {  	[tilespmem:v59+s19+$0x0] =	vst.idx.msk $0xffff, v58  }
0x147: {  	[tilespmem:v38+s19+$0x0] =	vst.idx.msk $0xffff, v60  }
0x148: {  	s6 =	sadd.s32 @!p0 $0x480, s15;
	s10 =	sadd.s32 s4, s17;
	[tilespmem:v35+s19+$0x0] =	vst.idx.msk $0xffff, v61  }
0x149: {  	s8 =	simm.s32 @!p0 $0x8400;
	s14 =	sshll.u32 s10, $0x7;
	s7 =	simm.s32 @!p0 $0x80;
	[tilespmem:v63+s19+$0x0] =	vst.idx.msk $0xffff, v62  }
0x14a: {  	[tilespmem:s8], [sflag:$0x2] =	stream.indirect.gather @!p0 [hbm4b:s5+s7], $0x40, s6, s7, $0xb8;
	[tilespmem:$0x1EC00] =	vst v63  }
0x14b: {  	s6 =	sshll.u32 s10, $0xA;
	s7 =	sand.u32 $0x3C00, s14  }
0x14c: {  	s6 =	sand.u32 $0xFFE0000, s6;
	s7 =	sadd.s32 s2, s7  }
0x14d: {  	s10 =	sadd.s32 s6, s7;
	s7 =	simm.s32 $0x16400  }
0x14e: {  	[hbm4b:s10+s3] =	stream.linear.scatter [tilespmem:s7], [sflag:$0x9], $0x80, $0x38;
	[tilespmem:$0x1EC00] =	vst v63  }
0x14f: {  	s8 =	simm.s32 $0x16488;
	s7 =	sadd.s32 $0x10, s10  }
0x150: {  	[hbm4b:s7+s3] =	stream.linear.scatter [tilespmem:s8], [sflag:$0x9], $0x80, $0x38;
	[tilespmem:$0x1EC00] =	vst v63  }
0x151: {  	s9 =	simm.s32 $0x16510;
	s14 =	sadd.s32 $0x20, s10  }
0x152: {  	[hbm4b:s14+s3] =	stream.linear.scatter [tilespmem:s9], [sflag:$0x9], $0x80, $0x38;
	[tilespmem:$0x1EC00] =	vst v63  }
0x153: {  	s7 =	simm.s32 $0x16598;
	s8 =	sadd.s32 $0x30, s10  }
0x154: {  	[hbm4b:s8+s3] =	stream.linear.scatter [tilespmem:s7], [sflag:$0x9], $0x80, $0x38;
	[tilespmem:$0x1EC00] =	vst v63  }
0x155: {  	s9 =	simm.s32 $0x16620;
	s14 =	sadd.s32 $0x40, s10  }
0x156: {  	[hbm4b:s14+s3] =	stream.linear.scatter [tilespmem:s9], [sflag:$0x9], $0x80, $0x38;
	[tilespmem:$0x1EC00] =	vst v63  }
0x157: {  	s6 =	simm.s32 $0x2200;
	s7 =	simm.s32 $0x166A8;
	s8 =	sadd.s32 $0x50, s10  }
0x158: {  	[hbm4b:s8+s3] =	stream.linear.scatter [tilespmem:s7], [sflag:$0x9], $0x80, $0x38;
	[tilespmem:$0x1EC00] =	vst v63  }
0x159: {  	s9 =	simm.s32 $0x16730;
	s14 =	sadd.s32 $0x60, s10;
	s7 =	simm.s32 $0x440  }
0x15a: {  	[hbm4b:s14+s3] =	stream.linear.scatter [tilespmem:s9], [sflag:$0x9], $0x80, $0x38;
	[tilespmem:$0x1EC00] =	vst v63  }
0x15b: {  	s8 =	simm.s32 $0x167B8;
	s9 =	sadd.s32 $0x70, s10;
	s14 =	sadd.s32 $0x4000, s10  }
.LBB2_13:
0x15c: {  	[hbm4b:s9+s3] =	stream.linear.scatter [tilespmem:s8], [sflag:$0x9], $0x80, $0x38;
	[tilespmem:$0x1EC00] =	vst v63  }
0x15d: {  	s8 =	smov.u32 s7;
	s7 =	smov.u32 s6  }
0x15e: {  	s10 =	sadd.s32 $0x1100, s6;
	s7 =	sshra.s32 s7, $0x2;
	s9 =	sadd.s32 $0x16400, s8  }
0x15f: {  	[hbm4b:s14+s3] =	stream.linear.scatter [tilespmem:s9], [sflag:$0x9], $0x80, $0x38;
	[tilespmem:$0x1EC00] =	vst v63  }
0x160: {  	p2 =	sne.s32 s6, $0x7700;
	s6 =	sadd.s32 $0x16488, s8;
	s9 =	sadd.s32 $0x10, s14  }
0x161: {  	[hbm4b:s9+s3] =	stream.linear.scatter [tilespmem:s6], [sflag:$0x9], $0x80, $0x38;
	[tilespmem:$0x1EC00] =	vst v63  }
0x162: {  	s6 =	sadd.s32 $0x16510, s8;
	s9 =	sadd.s32 $0x20, s14  }
0x163: {  	[hbm4b:s9+s3] =	stream.linear.scatter [tilespmem:s6], [sflag:$0x9], $0x80, $0x38;
	[tilespmem:$0x1EC00] =	vst v63  }
0x164: {  	s6 =	sadd.s32 $0x16598, s8;
	s9 =	sadd.s32 $0x30, s14  }
0x165: {  	[hbm4b:s9+s3] =	stream.linear.scatter [tilespmem:s6], [sflag:$0x9], $0x80, $0x38;
	[tilespmem:$0x1EC00] =	vst v63  }
0x166: {  	s6 =	sadd.s32 $0x16620, s8;
	s9 =	sadd.s32 $0x40, s14  }
0x167: {  	[hbm4b:s9+s3] =	stream.linear.scatter [tilespmem:s6], [sflag:$0x9], $0x80, $0x38;
	[tilespmem:$0x1EC00] =	vst v63  }
.Ltmp6:
0x168: {  	s6 =	sadd.s32 $0x166A8, s8;
	s9 =	sadd.s32 $0x50, s14;
	(pc) =	sbr.rel @p2 .LBB2_13-.Ltmp6, $4  }
0x169: {  	[hbm4b:s9+s3] =	stream.linear.scatter [tilespmem:s6], [sflag:$0x9], $0x80, $0x38;
	[tilespmem:$0x1EC00] =	vst v63  }
0x16a: {  	s6 =	sadd.s32 $0x16730, s8;
	s9 =	sadd.s32 $0x60, s14;
	s8 =	sadd.s32 $0x167B8, s8  }
0x16b: {  	[hbm4b:s9+s3] =	stream.linear.scatter [tilespmem:s6], [sflag:$0x9], $0x80, $0x38;
	[tilespmem:$0x1EC00] =	vst v63  }
0x16c: {  	s9 =	sadd.s32 $0x70, s14;
	s14 =	sadd.s32 $0x4000, s14;
	s6 =	smov.u32 s10  }
0x16d: {  	[hbm4b:s9+s3] =	stream.linear.scatter [tilespmem:s8], [sflag:$0x9], $0x80, $0x38;
	[tilespmem:$0x1EC00] =	vst v63  }
0x16e: {  	s6 =	sadd.s32 $0x16400, s7  }
0x16f: {  	[hbm4b:s14+s3] =	stream.linear.scatter [tilespmem:s6], [sflag:$0x9], $0x80, $0x38;
	[tilespmem:$0x1EC00] =	vst v63  }
0x170: {  	s9 =	sadd.s32 $0x16488, s7;
	s10 =	sadd.s32 $0x10, s14  }
0x171: {  	[hbm4b:s10+s3] =	stream.linear.scatter [tilespmem:s9], [sflag:$0x9], $0x80, $0x38;
	[tilespmem:$0x1EC00] =	vst v63  }
0x172: {  	s9 =	sadd.s32 $0x16510, s7;
	s10 =	sadd.s32 $0x20, s14  }
0x173: {  	[hbm4b:s10+s3] =	stream.linear.scatter [tilespmem:s9], [sflag:$0x9], $0x80, $0x38;
	[tilespmem:$0x1EC00] =	vst v63  }
0x174: {  	s9 =	sadd.s32 $0x16598, s7;
	s10 =	sadd.s32 $0x30, s14  }
0x175: {  	[hbm4b:s10+s3] =	stream.linear.scatter [tilespmem:s9], [sflag:$0x9], $0x80, $0x38;
	[tilespmem:$0x1EC00] =	vst v63  }
0x176: {  	s9 =	sadd.s32 $0x16620, s7;
	s10 =	sadd.s32 $0x40, s14  }
0x177: {  	[hbm4b:s10+s3] =	stream.linear.scatter [tilespmem:s9], [sflag:$0x9], $0x80, $0x38;
	[tilespmem:$0x1EC00] =	vst v63  }
0x178: {  	s9 =	sadd.s32 $0x166A8, s7;
	s10 =	sadd.s32 $0x50, s14  }
0x179: {  	[hbm4b:s10+s3] =	stream.linear.scatter [tilespmem:s9], [sflag:$0x9], $0x80, $0x38;
	[tilespmem:$0x1EC00] =	vst v63  }
0x17a: {  	s8 =	sadd.s32 $0x16730, s7;
	s9 =	sadd.s32 $0x60, s14  }
0x17b: {  	[hbm4b:s9+s3] =	stream.linear.scatter [tilespmem:s8], [sflag:$0x9], $0x80, $0x38;
	[tilespmem:$0x1EC00] =	vst v63  }
0x17c: {  	s10 =	sadd.s32 $0x167B8, s7;
	s8 =	simm.s32 $0x0;
	s9 =	simm.s32 $0x1  }
0x17d: {  	s14 =	sadd.s32 $0x70, s14;
	v33 =	vmov s8;
	v34 =	vmov s9;
	s8 =	simm.s32 $0x4;
	s9 =	simm.s32 $0x7  }
0x17e: {  	[hbm4b:s14+s3] =	stream.linear.scatter [tilespmem:s10], [sflag:$0x9], $0x80, $0x38;
	v33 =	vshrl.u32 v33, $0x3;
	[tilespmem:$0x1EC00] =	vst v63  }
0x17f: {  	s10 =	simm.s32 $0x2;
	s14 =	simm.s32 $0x3;
	v37 =	vmov s8;
	v38 =	vmov s9;
	v34 =	vshrl.u32 v34, $0x3;
	_ =	swait.ge [sflag:s20], $0x2000  }
0x180: {  	s7 =	simm.s32 @!p1 $0xB;
	v35 =	vmov s10;
	v36 =	vmov s14;
	v33 =	vshll.u32 v33, v1;
	[sflag:s20] =	ssyncset.done $0x0  }
0x181: {  	s10 =	simm.s32 $0x5;
	s14 =	simm.s32 $0x6;
	v38 =	vshrl.u32 v38, $0x3;
	v37 =	vshrl.u32 v37, $0x3;
	v34 =	vshll.u32 v34, v1;
	[sflag:s20] =	ssyncadd.s32 $0xFFFFE000  }
0x182: {  	v39 =	vmov s10;
	v40 =	vmov s14;
	v38 =	vshll.u32 v38, v1;
	_ =	swait.ge @!p1 [sflag:s7], $0x2000  }
0x183: {  	v35 =	vshrl.u32 v35, $0x3;
	v36 =	vshrl.u32 v36, $0x3;
	v38 =	vbroadcast v38, $0x0;
	[sflag:s7] =	ssyncset.done @!p1 $0x0  }
0x184: {  	s14 =	simm.s32 $0xA500;
	v33 =	vbroadcast v33, $0x0;
	v45 =	vbroadcast v34, $0x0;
	v54 =	vshll.u32 v37, v1;
	[sflag:s7] =	ssyncadd.s32 @!p1 $0xFFFFE000  }
0x185: {  	v52 =	vshll.u32 v35, v1;
	v53 =	vshll.u32 v36, v1;
	v42 =	vadd.s32 v29, v38;
	v41 =	vld [tilespmem:s14+$0xC0]  }
0x186: {  	v34 =	vbroadcast v54, $0x0;
	v44 =	vadd.s32 v0, v33;
	v52 =	vbroadcast v52, $0x0;
	v43 =	vld [tilespmem:s14+$0xFFFFFF00]  }
0x187: {  	v55 =	vshrl.u32 v39, $0x3;
	v47 =	vadd.s32 v5, v45;
	v35 =	vbroadcast v53, $0x0;
	v46 =	vld [tilespmem:s14+$0xFFFFFF40]  }
0x188: {  	v40 =	vshrl.u32 v40, $0x3;
	v36 =	vshll.u32 v55, v1;
	v49 =	vadd.s32 v9, v52;
	v48 =	vld [tilespmem:s14+$0xFFFFFF80]  }
0x189: {  	v56 =	vshll.u32 v40, v1;
	v37 =	vbroadcast v36, $0x0;
	v50 =	vadd.s32 v13, v35;
	v39 =	vld [tilespmem:s14+$0xFFFFFFC0]  }
0x18a: {  	v53 =	vadd.s32 v17, v34;
	v36 =	vbroadcast v56, $0x0;
	v51 =	vld [tilespmem:s14+$0x0];
	[tilespmem:v42+s21+$0x0] =	vst.idx.msk $0xffff, v41  }
0x18b: {  	v59 =	vld [tilespmem:s14+$0x40];
	v60 =	vadd.s32 v21, v37;
	[tilespmem:v44+s21+$0x0] =	vst.idx.msk $0xffff, v43  }
0x18c: {  	v61 =	vld [tilespmem:s14+$0x80];
	v62 =	vadd.s32 v25, v36;
	[tilespmem:v47+s21+$0x0] =	vst.idx.msk $0xffff, v46  }
0x18d: {  	v58 =	vadd.s32 v30, v38;
	[tilespmem:v49+s21+$0x0] =	vst.idx.msk $0xffff, v48;
	v57 =	vld [tilespmem:s14+$0xD0]  }
0x18e: {  	v63 =	vadd.s32 v6, v45;
	[tilespmem:v50+s21+$0x0] =	vst.idx.msk $0xffff, v39;
	v47 =	vld [tilespmem:s14+$0xFFFFFF50]  }
0x18f: {  	v55 =	vadd.s32 v10, v52;
	[tilespmem:v53+s21+$0x0] =	vst.idx.msk $0xffff, v51;
	v54 =	vld [tilespmem:s14+$0xFFFFFF90]  }
0x190: {  	v56 =	vadd.s32 v14, v35;
	[tilespmem:v60+s21+$0x0] =	vst.idx.msk $0xffff, v59;
	v50 =	vld [tilespmem:s14+$0xFFFFFFD0]  }
0x191: {  	[tilespmem:v62+s21+$0x0] =	vst.idx.msk $0xffff, v61;
	v46 =	vadd.s32 v22, v37;
	v44 =	vld [tilespmem:s14+$0x50]  }
0x192: {  	v59 =	vadd.s32 v18, v34;
	[tilespmem:v58+s21+$0x0] =	vst.idx.msk $0xffff, v57;
	v58 =	vld [tilespmem:s14+$0x10]  }
0x193: {  	v57 =	vadd.s32 v31, v38;
	[tilespmem:v63+s21+$0x0] =	vst.idx.msk $0xffff, v47;
	v40 =	vld [tilespmem:s14+$0xE0]  }
0x194: {  	v62 =	vadd.s32 v2, v33;
	v61 =	vld [tilespmem:s14+$0xFFFFFF10];
	[tilespmem:v55+s21+$0x0] =	vst.idx.msk $0xffff, v54  }
0x195: {  	v60 =	vadd.s32 v26, v36;
	v63 =	vld [tilespmem:s14+$0x90];
	[tilespmem:v56+s21+$0x0] =	vst.idx.msk $0xffff, v50  }
0x196: {  	v51 =	vadd.s32 v7, v45;
	[tilespmem:v46+s21+$0x0] =	vst.idx.msk $0xffff, v44;
	v50 =	vld [tilespmem:s14+$0xFFFFFF60]  }
0x197: {  	v56 =	vadd.s32 v11, v52;
	v55 =	vld [tilespmem:s14+$0xFFFFFFA0];
	[tilespmem:v59+s21+$0x0] =	vst.idx.msk $0xffff, v58  }
0x198: {  	v58 =	vadd.s32 v15, v35;
	[tilespmem:v57+s21+$0x0] =	vst.idx.msk $0xffff, v40;
	v57 =	vld [tilespmem:s14+$0xFFFFFFE0]  }
0x199: {  	v38 =	vadd.s32 v32, v38;
	[tilespmem:v62+s21+$0x0] =	vst.idx.msk $0xffff, v61;
	v54 =	vld [tilespmem:s14+$0xF0]  }
0x19a: {  	s8 =	simm.s32 $0x9;
	[tilespmem:v60+s21+$0x0] =	vst.idx.msk $0xffff, v63;
	v60 =	vadd.s32 v19, v34;
	v59 =	vld [tilespmem:s14+$0x20]  }
0x19b: {  	s10 =	simm.s32 $0xB;
	v41 =	vadd.s32 v23, v37;
	v53 =	vmov s8;
	[tilespmem:v51+s21+$0x0] =	vst.idx.msk $0xffff, v50;
	v40 =	vld [tilespmem:s14+$0x60]  }
0x19c: {  	s7 =	simm.s32 $0x8;
	v43 =	vadd.s32 v27, v36;
	s8 =	simm.s32 $0xC;
	v48 =	vadd.s32 v3, v33;
	v44 =	vmov s10;
	v42 =	vld [tilespmem:s14+$0xA0];
	[tilespmem:v56+s21+$0x0] =	vst.idx.msk $0xffff, v55  }
0x19d: {  	s9 =	simm.s32 $0xA;
	v47 =	vmov s8;
	v52 =	vadd.s32 v12, v52;
	v46 =	vld [tilespmem:s14+$0xFFFFFF20];
	v63 =	vmov s7;
	[tilespmem:v58+s21+$0x0] =	vst.idx.msk $0xffff, v57  }
0x19e: {  	s10 =	simm.s32 $0xE;
	v39 =	vshrl.u32 v63, $0x3;
	v51 =	vadd.s32 v8, v45;
	v49 =	vld [tilespmem:s14+$0xFFFFFF70];
	[tilespmem:v38+s21+$0x0] =	vst.idx.msk $0xffff, v54;
	v54 =	vmov s9;
	s9 =	simm.s32 $0xD  }
0x19f: {  	s6 =	simm.s32 $0xF;
	s7 =	simm.s32 $0x10;
	v45 =	vshll.u32 v39, v1;
	v39 =	vmov s10;
	v50 =	vld [tilespmem:s14+$0xFFFFFFB0];
	[tilespmem:v60+s21+$0x0] =	vst.idx.msk $0xffff, v59;
	v38 =	vmov s9  }
.LBB2_15:
0x1a0: {  	p2 =	slt.u32 s7, $0x78;
	v53 =	vshrl.u32 v53, $0x3;
	v55 =	vmov s6;
	v56 =	vld [tilespmem:s14+$0xFFFFFFF0];
	v35 =	vadd.s32 v16, v35;
	[tilespmem:v41+s21+$0x0] =	vst.idx.msk $0xffff, v40  }
0x1a1: {  	v40 =	vshrl.u32 v54, $0x3;
	v34 =	vadd.s32 v20, v34;
	v41 =	vshrl.u32 v55, $0x3;
	v54 =	vld [tilespmem:s14+$0x30];
	[tilespmem:v43+s21+$0x0] =	vst.idx.msk $0xffff, v42  }
0x1a2: {  	v37 =	vadd.s32 v24, v37;
	v42 =	vshrl.u32 v44, $0x3;
	v41 =	vshll.u32 v41, v1;
	[tilespmem:v48+s21+$0x0] =	vst.idx.msk $0xffff, v46;
	v43 =	vld [tilespmem:s14+$0x70]  }
0x1a3: {  	v36 =	vadd.s32 v28, v36;
	v44 =	vshrl.u32 v47, $0x3;
	v41 =	vbroadcast v41, $0x0;
	[tilespmem:v51+s21+$0x0] =	vst.idx.msk $0xffff, v49;
	v46 =	vld [tilespmem:s14+$0xB0]  }
0x1a4: {  	v47 =	vshll.u32 v53, v1;
	v49 =	vadd.s32 v4, v33;
	v33 =	vbroadcast v45, $0x0;
	v48 =	vld [tilespmem:s14+$0xFFFFFF30];
	[tilespmem:v52+s21+$0x0] =	vst.idx.msk $0xffff, v50;
	s14 =	sadd.s32 $0x200, s14  }
0x1a5: {  	v40 =	vshll.u32 v40, v1;
	v45 =	vbroadcast v47, $0x0;
	v47 =	vld [tilespmem:s14+$0xC0];
	v50 =	vadd.s32 v29, v41;
	[tilespmem:v35+s21+$0x0] =	vst.idx.msk $0xffff, v56  }
0x1a6: {  	v55 =	vbroadcast v40, $0x0;
	v52 =	vadd.s32 v0, v33;
	v35 =	vshll.u32 v42, v1;
	v51 =	vld [tilespmem:s14+$0xFFFFFF00];
	[tilespmem:v34+s21+$0x0] =	vst.idx.msk $0xffff, v54  }
0x1a7: {  	v42 =	vadd.s32 v5, v45;
	v35 =	vbroadcast v35, $0x0;
	v34 =	vshll.u32 v44, v1;
	v40 =	vld [tilespmem:s14+$0xFFFFFF40];
	[tilespmem:v37+s21+$0x0] =	vst.idx.msk $0xffff, v43  }
0x1a8: {  	v44 =	vadd.s32 v9, v55;
	v34 =	vbroadcast v34, $0x0;
	v37 =	vshrl.u32 v38, $0x3;
	v43 =	vld [tilespmem:s14+$0xFFFFFF80];
	[tilespmem:v36+s21+$0x0] =	vst.idx.msk $0xffff, v46  }
0x1a9: {  	v39 =	vshrl.u32 v39, $0x3;
	v46 =	vadd.s32 v13, v35;
	v36 =	vshll.u32 v37, v1;
	v38 =	vld [tilespmem:s14+$0xFFFFFFC0];
	[tilespmem:v49+s21+$0x0] =	vst.idx.msk $0xffff, v48  }
0x1aa: {  	v49 =	vadd.s32 v17, v34;
	v37 =	vbroadcast v36, $0x0;
	v36 =	vshll.u32 v39, v1;
	v48 =	vld [tilespmem:s14+$0x0];
	[tilespmem:v50+s21+$0x0] =	vst.idx.msk $0xffff, v47  }
0x1ab: {  	v36 =	vbroadcast v36, $0x0;
	v47 =	vadd.s32 v30, v41;
	[tilespmem:v52+s21+$0x0] =	vst.idx.msk $0xffff, v51;
	v39 =	vld [tilespmem:s14+$0xD0]  }
0x1ac: {  	[tilespmem:v42+s21+$0x0] =	vst.idx.msk $0xffff, v40;
	v40 =	vld [tilespmem:s14+$0x40];
	v42 =	vadd.s32 v21, v37  }
0x1ad: {  	[tilespmem:v44+s21+$0x0] =	vst.idx.msk $0xffff, v43;
	v43 =	vld [tilespmem:s14+$0x80];
	v44 =	vadd.s32 v25, v36  }
0x1ae: {  	v51 =	vadd.s32 v6, v45;
	v50 =	vld [tilespmem:s14+$0xFFFFFF50];
	[tilespmem:v46+s21+$0x0] =	vst.idx.msk $0xffff, v38  }
0x1af: {  	v46 =	vadd.s32 v10, v55;
	v38 =	vld [tilespmem:s14+$0xFFFFFF90];
	[tilespmem:v49+s21+$0x0] =	vst.idx.msk $0xffff, v48  }
0x1b0: {  	v49 =	vadd.s32 v14, v35;
	v48 =	vld [tilespmem:s14+$0xFFFFFFD0];
	[tilespmem:v47+s21+$0x0] =	vst.idx.msk $0xffff, v39  }
0x1b1: {  	[tilespmem:v42+s21+$0x0] =	vst.idx.msk $0xffff, v40;
	v39 =	vld [tilespmem:s14+$0xE0];
	v40 =	vadd.s32 v31, v41  }
0x1b2: {  	v47 =	vadd.s32 v18, v34;
	v42 =	vld [tilespmem:s14+$0x10];
	[tilespmem:v44+s21+$0x0] =	vst.idx.msk $0xffff, v43  }
0x1b3: {  	v44 =	vadd.s32 v22, v37;
	[tilespmem:v51+s21+$0x0] =	vst.idx.msk $0xffff, v50;
	v43 =	vld [tilespmem:s14+$0x50]  }
0x1b4: {  	[tilespmem:v46+s21+$0x0] =	vst.idx.msk $0xffff, v38;
	v38 =	vld [tilespmem:s14+$0x90];
	v46 =	vadd.s32 v26, v36  }
0x1b5: {  	v51 =	vadd.s32 v2, v33;
	v50 =	vld [tilespmem:s14+$0xFFFFFF10];
	[tilespmem:v49+s21+$0x0] =	vst.idx.msk $0xffff, v48  }
0x1b6: {  	v49 =	vadd.s32 v7, v45;
	v48 =	vld [tilespmem:s14+$0xFFFFFF60];
	[tilespmem:v40+s21+$0x0] =	vst.idx.msk $0xffff, v39  }
0x1b7: {  	[tilespmem:v47+s21+$0x0] =	vst.idx.msk $0xffff, v42;
	v39 =	vld [tilespmem:s14+$0xF0];
	v47 =	vadd.s32 v32, v41  }
0x1b8: {  	v56 =	vadd.s32 v11, v55;
	v52 =	vld [tilespmem:s14+$0xFFFFFFA0];
	[tilespmem:v44+s21+$0x0] =	vst.idx.msk $0xffff, v43  }
0x1b9: {  	v58 =	vadd.s32 v15, v35;
	v57 =	vld [tilespmem:s14+$0xFFFFFFE0];
	[tilespmem:v46+s21+$0x0] =	vst.idx.msk $0xffff, v38  }
0x1ba: {  	v60 =	vadd.s32 v19, v34;
	[tilespmem:v51+s21+$0x0] =	vst.idx.msk $0xffff, v50;
	v59 =	vld [tilespmem:s14+$0x20]  }
.Ltmp7:
0x1bb: {  	s6 =	sadd.s32 $0x1, s7;
	v41 =	vadd.s32 v23, v37;
	v38 =	vmov s7;
	[tilespmem:v49+s21+$0x0] =	vst.idx.msk $0xffff, v48;
	v40 =	vld [tilespmem:s14+$0x60];
	(pc) =	sbr.rel @p2 .LBB2_15-.Ltmp7, $4  }
0x1bc: {  	s8 =	sadd.s32 $0x3, s7;
	v53 =	vmov s6;
	s6 =	sadd.s32 $0x2, s7;
	v43 =	vadd.s32 v27, v36;
	v50 =	vshrl.u32 v38, $0x3;
	v42 =	vld [tilespmem:s14+$0xA0];
	[tilespmem:v47+s21+$0x0] =	vst.idx.msk $0xffff, v39  }
0x1bd: {  	v54 =	vmov s6;
	s6 =	sadd.s32 $0x4, s7;
	v44 =	vmov s8;
	s8 =	sadd.s32 $0x5, s7;
	v48 =	vadd.s32 v3, v33;
	v46 =	vld [tilespmem:s14+$0xFFFFFF20];
	[tilespmem:v56+s21+$0x0] =	vst.idx.msk $0xffff, v52  }
0x1be: {  	v38 =	vmov s8;
	v51 =	vadd.s32 v8, v45;
	v47 =	vmov s6;
	s6 =	sadd.s32 $0x6, s7;
	v49 =	vld [tilespmem:s14+$0xFFFFFF70];
	[tilespmem:v58+s21+$0x0] =	vst.idx.msk $0xffff, v57  }
0x1bf: {  	v45 =	vshll.u32 v50, v1;
	v39 =	vmov s6;
	s6 =	sadd.s32 $0x7, s7;
	s7 =	sadd.s32 $0x8, s7;
	v52 =	vadd.s32 v12, v55;
	v50 =	vld [tilespmem:s14+$0xFFFFFFB0];
	[tilespmem:v60+s21+$0x0] =	vst.idx.msk $0xffff, v59  }
0x1c0: {  	_ =	sdelay $0x2  }
0x1c1: {  	v53 =	vshrl.u32 v53, $0x3  }
0x1c2: {  	v55 =	vmov s6;
	v56 =	vld [tilespmem:s14+$0xFFFFFFF0];
	v35 =	vadd.s32 v16, v35;
	[tilespmem:v41+s21+$0x0] =	vst.idx.msk $0xffff, v40;
	v57 =	vshrl.u32 v54, $0x3  }
0x1c3: {  	v59 =	vld [tilespmem:s14+$0x30];
	v34 =	vadd.s32 v20, v34;
	v60 =	vshrl.u32 v44, $0x3;
	v58 =	vshrl.u32 v55, $0x3;
	[tilespmem:v43+s21+$0x0] =	vst.idx.msk $0xffff, v42  }
0x1c4: {  	v37 =	vadd.s32 v24, v37;
	v62 =	vshrl.u32 v47, $0x3;
	v61 =	vld [tilespmem:s14+$0x70];
	v41 =	vshll.u32 v58, v1;
	[tilespmem:v48+s21+$0x0] =	vst.idx.msk $0xffff, v46  }
0x1c5: {  	v36 =	vadd.s32 v28, v36;
	v45 =	vbroadcast v45, $0x0;
	v63 =	vld [tilespmem:s14+$0xB0];
	v41 =	vbroadcast v41, $0x0;
	[tilespmem:v51+s21+$0x0] =	vst.idx.msk $0xffff, v49  }
0x1c6: {  	v33 =	vadd.s32 v4, v33;
	s7 =	sadd.s32 $0x200, s14;
	v38 =	vshrl.u32 v38, $0x3;
	v55 =	vshll.u32 v53, v1;
	v48 =	vld [tilespmem:s14+$0xFFFFFF30];
	[tilespmem:v52+s21+$0x0] =	vst.idx.msk $0xffff, v50  }
0x1c7: {  	v40 =	vshll.u32 v57, v1;
	v47 =	vbroadcast v55, $0x0;
	v49 =	vld [tilespmem:s7+$0xC0];
	v50 =	vadd.s32 v29, v41;
	[tilespmem:v35+s21+$0x0] =	vst.idx.msk $0xffff, v56  }
0x1c8: {  	v42 =	vshll.u32 v60, v1;
	v40 =	vbroadcast v40, $0x0;
	v35 =	vld [tilespmem:s7+$0xFFFFFF00];
	v56 =	vadd.s32 v0, v45;
	[tilespmem:v34+s21+$0x0] =	vst.idx.msk $0xffff, v59  }
0x1c9: {  	v57 =	vld [tilespmem:s7+$0xFFFFFF40];
	v44 =	vshll.u32 v62, v1;
	v42 =	vbroadcast v42, $0x0;
	v58 =	vadd.s32 v5, v47;
	[tilespmem:v37+s21+$0x0] =	vst.idx.msk $0xffff, v61  }
0x1ca: {  	v38 =	vshll.u32 v38, v1;
	v44 =	vbroadcast v44, $0x0;
	v60 =	vadd.s32 v9, v40;
	v59 =	vld [tilespmem:s7+$0xFFFFFF80];
	[tilespmem:v36+s21+$0x0] =	vst.idx.msk $0xffff, v63  }
0x1cb: {  	v38 =	vbroadcast v38, $0x0;
	v62 =	vadd.s32 v13, v42;
	v61 =	vld [tilespmem:s7+$0xFFFFFFC0];
	[tilespmem:v33+s21+$0x0] =	vst.idx.msk $0xffff, v48  }
0x1cc: {  	v39 =	vshrl.u32 v39, $0x3;
	v63 =	vadd.s32 v17, v44;
	v33 =	vld [tilespmem:s7+$0x0];
	[tilespmem:v50+s21+$0x0] =	vst.idx.msk $0xffff, v49  }
0x1cd: {  	v39 =	vshll.u32 v39, v1;
	v34 =	vld [tilespmem:s7+$0x40];
	[tilespmem:v56+s21+$0x0] =	vst.idx.msk $0xffff, v35;
	v56 =	vadd.s32 v21, v38  }
0x1ce: {  	[tilespmem:v58+s21+$0x0] =	vst.idx.msk $0xffff, v57;
	v35 =	vbroadcast v39, $0x0;
	v49 =	vadd.s32 v30, v41;
	v39 =	vld [tilespmem:s7+$0xD0]  }
0x1cf: {  	[tilespmem:v60+s21+$0x0] =	vst.idx.msk $0xffff, v59;
	v59 =	vld [tilespmem:s7+$0xFFFFFF50];
	v60 =	vadd.s32 v6, v47  }
0x1d0: {  	v57 =	vld [tilespmem:s7+$0x80];
	[tilespmem:v62+s21+$0x0] =	vst.idx.msk $0xffff, v61;
	v58 =	vadd.s32 v25, v35  }
0x1d1: {  	v61 =	vld [tilespmem:s7+$0xFFFFFF90];
	v62 =	vadd.s32 v10, v40;
	[tilespmem:v63+s21+$0x0] =	vst.idx.msk $0xffff, v33  }
0x1d2: {  	v33 =	vld [tilespmem:s7+$0xFFFFFFD0];
	v63 =	vadd.s32 v14, v42;
	[tilespmem:v56+s21+$0x0] =	vst.idx.msk $0xffff, v34  }
0x1d3: {  	v56 =	vadd.s32 v18, v44;
	[tilespmem:v49+s21+$0x0] =	vst.idx.msk $0xffff, v39;
	v49 =	vld [tilespmem:s7+$0x10]  }
0x1d4: {  	[tilespmem:v60+s21+$0x0] =	vst.idx.msk $0xffff, v59;
	v39 =	vadd.s32 v31, v41;
	v34 =	vld [tilespmem:s7+$0xE0]  }
0x1d5: {  	[tilespmem:v58+s21+$0x0] =	vst.idx.msk $0xffff, v57;
	v57 =	vld [tilespmem:s7+$0x50];
	v58 =	vadd.s32 v22, v38  }
0x1d6: {  	[tilespmem:v62+s21+$0x0] =	vst.idx.msk $0xffff, v61;
	v61 =	vld [tilespmem:s7+$0xFFFFFF10];
	v62 =	vadd.s32 v2, v45  }
0x1d7: {  	v60 =	vadd.s32 v26, v35;
	v59 =	vld [tilespmem:s7+$0x90];
	[tilespmem:v63+s21+$0x0] =	vst.idx.msk $0xffff, v33  }
0x1d8: {  	v55 =	vadd.s32 v11, v40;
	v54 =	vadd.s32 v32, v41;
	v41 =	vld [tilespmem:s7+$0xFFFFFFA0];
	[tilespmem:v56+s21+$0x0] =	vst.idx.msk $0xffff, v49  }
0x1d9: {  	v53 =	vadd.s32 v7, v47;
	v63 =	vld [tilespmem:s7+$0xFFFFFF60];
	[tilespmem:v39+s21+$0x0] =	vst.idx.msk $0xffff, v34  }
0x1da: {  	v56 =	vld [tilespmem:s7+$0xFFFFFFE0];
	[tilespmem:v58+s21+$0x0] =	vst.idx.msk $0xffff, v57;
	v57 =	vadd.s32 v15, v42  }
0x1db: {  	[tilespmem:v62+s21+$0x0] =	vst.idx.msk $0xffff, v61;
	v34 =	vld [tilespmem:s7+$0xF0]  }
0x1dc: {  	v58 =	vld [tilespmem:s7+$0x20];
	[tilespmem:v60+s21+$0x0] =	vst.idx.msk $0xffff, v59;
	v59 =	vadd.s32 v19, v44  }
0x1dd: {  	v61 =	vadd.s32 v23, v38;
	[tilespmem:v55+s21+$0x0] =	vst.idx.msk $0xffff, v41;
	v60 =	vld [tilespmem:s7+$0x60]  }
0x1de: {  	[tilespmem:v53+s21+$0x0] =	vst.idx.msk $0xffff, v63;
	v63 =	vadd.s32 v27, v35;
	v62 =	vld [tilespmem:s7+$0xA0]  }
0x1df: {  	v47 =	vadd.s32 v8, v47;
	v55 =	vld [tilespmem:s7+$0xFFFFFF70];
	[tilespmem:v57+s21+$0x0] =	vst.idx.msk $0xffff, v56  }
0x1e0: {  	v53 =	vld [tilespmem:s7+$0xFFFFFF20];
	[tilespmem:v54+s21+$0x0] =	vst.idx.msk $0xffff, v34;
	v54 =	vadd.s32 v3, v45  }
0x1e1: {  	v40 =	vadd.s32 v12, v40;
	v56 =	vld [tilespmem:s7+$0xFFFFFFB0];
	[tilespmem:v59+s21+$0x0] =	vst.idx.msk $0xffff, v58  }
0x1e2: {  	v42 =	vadd.s32 v16, v42;
	v57 =	vld [tilespmem:s7+$0xFFFFFFF0];
	[tilespmem:v61+s21+$0x0] =	vst.idx.msk $0xffff, v60  }
0x1e3: {  	v59 =	vadd.s32 v20, v44;
	v58 =	vld [tilespmem:s7+$0x30];
	[tilespmem:v63+s21+$0x0] =	vst.idx.msk $0xffff, v62  }
0x1e4: {  	v38 =	vadd.s32 v24, v38;
	v60 =	vld [tilespmem:s7+$0x70];
	[tilespmem:v47+s21+$0x0] =	vst.idx.msk $0xffff, v55  }
0x1e5: {  	v35 =	vadd.s32 v28, v35;
	v61 =	vld [tilespmem:s7+$0xB0];
	[tilespmem:v54+s21+$0x0] =	vst.idx.msk $0xffff, v53  }
0x1e6: {  	v63 =	vadd.s32 v4, v45;
	[tilespmem:v40+s21+$0x0] =	vst.idx.msk $0xffff, v56;
	v62 =	vld [tilespmem:s7+$0xFFFFFF30]  }
0x1e7: {  	[tilespmem:v42+s21+$0x0] =	vst.idx.msk $0xffff, v57  }
0x1e8: {  	[tilespmem:v59+s21+$0x0] =	vst.idx.msk $0xffff, v58  }
0x1e9: {  	[tilespmem:v38+s21+$0x0] =	vst.idx.msk $0xffff, v60  }
0x1ea: {  	[tilespmem:v35+s21+$0x0] =	vst.idx.msk $0xffff, v61  }
0x1eb: {  	s6 =	sadd.s32 @!p0 $0x500, s15;
	s8 =	simm.s32 @!p0 $0xA400;
	s7 =	simm.s32 @!p0 $0x80;
	[tilespmem:v63+s21+$0x0] =	vst.idx.msk $0xffff, v62  }
0x1ec: {  	[tilespmem:s8], [sflag:$0x3] =	stream.indirect.gather @!p0 [hbm4b:s5+s7], $0x40, s6, s7, $0xb8;
	[tilespmem:$0x1EC00] =	vst v63  }
0x1ed: {  	s10 =	rddreg [dreg:$0x5]  }
0x1ee: {  	s6 =	sadd.s32 s17, s10  }
0x1ef: {  	s14 =	sshll.u32 s6, $0x7  }
0x1f0: {  	s6 =	sshll.u32 s6, $0xA;
	s7 =	sand.u32 $0x3C80, s14  }
0x1f1: {  	s6 =	sand.u32 $0xFFE0000, s6;
	s7 =	sadd.s32 s2, s7  }
0x1f2: {  	s10 =	sadd.s32 s6, s7;
	s7 =	simm.s32 $0x18600  }
0x1f3: {  	[hbm4b:s10+s3] =	stream.linear.scatter [tilespmem:s7], [sflag:$0xA], $0x80, $0x38;
	[tilespmem:$0x1EC00] =	vst v63  }
0x1f4: {  	s8 =	simm.s32 $0x18688;
	s7 =	sadd.s32 $0x10, s10  }
0x1f5: {  	[hbm4b:s7+s3] =	stream.linear.scatter [tilespmem:s8], [sflag:$0xA], $0x80, $0x38;
	[tilespmem:$0x1EC00] =	vst v63  }
0x1f6: {  	s9 =	simm.s32 $0x18710;
	s14 =	sadd.s32 $0x20, s10  }
0x1f7: {  	[hbm4b:s14+s3] =	stream.linear.scatter [tilespmem:s9], [sflag:$0xA], $0x80, $0x38;
	[tilespmem:$0x1EC00] =	vst v63  }
0x1f8: {  	s7 =	simm.s32 $0x18798;
	s8 =	sadd.s32 $0x30, s10  }
0x1f9: {  	[hbm4b:s8+s3] =	stream.linear.scatter [tilespmem:s7], [sflag:$0xA], $0x80, $0x38;
	[tilespmem:$0x1EC00] =	vst v63  }
0x1fa: {  	s9 =	simm.s32 $0x18820;
	s14 =	sadd.s32 $0x40, s10  }
0x1fb: {  	[hbm4b:s14+s3] =	stream.linear.scatter [tilespmem:s9], [sflag:$0xA], $0x80, $0x38;
	[tilespmem:$0x1EC00] =	vst v63  }
0x1fc: {  	s6 =	simm.s32 $0x2200;
	s7 =	simm.s32 $0x188A8;
	s8 =	sadd.s32 $0x50, s10  }
0x1fd: {  	[hbm4b:s8+s3] =	stream.linear.scatter [tilespmem:s7], [sflag:$0xA], $0x80, $0x38;
	[tilespmem:$0x1EC00] =	vst v63  }
0x1fe: {  	s9 =	simm.s32 $0x18930;
	s14 =	sadd.s32 $0x60, s10;
	s7 =	simm.s32 $0x440  }
0x1ff: {  	[hbm4b:s14+s3] =	stream.linear.scatter [tilespmem:s9], [sflag:$0xA], $0x80, $0x38;
	[tilespmem:$0x1EC00] =	vst v63  }
0x200: {  	s8 =	simm.s32 $0x189B8;
	s9 =	sadd.s32 $0x70, s10;
	s14 =	sadd.s32 $0x4000, s10  }
.LBB2_17:
0x201: {  	[hbm4b:s9+s3] =	stream.linear.scatter [tilespmem:s8], [sflag:$0xA], $0x80, $0x38;
	[tilespmem:$0x1EC00] =	vst v63  }
0x202: {  	s8 =	smov.u32 s7;
	s7 =	smov.u32 s6  }
0x203: {  	s10 =	sadd.s32 $0x1100, s6;
	s7 =	sshra.s32 s7, $0x2;
	s9 =	sadd.s32 $0x18600, s8  }
0x204: {  	[hbm4b:s14+s3] =	stream.linear.scatter [tilespmem:s9], [sflag:$0xA], $0x80, $0x38;
	[tilespmem:$0x1EC00] =	vst v63  }
0x205: {  	p2 =	sne.s32 s6, $0x7700;
	s6 =	sadd.s32 $0x18688, s8;
	s9 =	sadd.s32 $0x10, s14  }
0x206: {  	[hbm4b:s9+s3] =	stream.linear.scatter [tilespmem:s6], [sflag:$0xA], $0x80, $0x38;
	[tilespmem:$0x1EC00] =	vst v63  }
0x207: {  	s6 =	sadd.s32 $0x18710, s8;
	s9 =	sadd.s32 $0x20, s14  }
0x208: {  	[hbm4b:s9+s3] =	stream.linear.scatter [tilespmem:s6], [sflag:$0xA], $0x80, $0x38;
	[tilespmem:$0x1EC00] =	vst v63  }
0x209: {  	s6 =	sadd.s32 $0x18798, s8;
	s9 =	sadd.s32 $0x30, s14  }
0x20a: {  	[hbm4b:s9+s3] =	stream.linear.scatter [tilespmem:s6], [sflag:$0xA], $0x80, $0x38;
	[tilespmem:$0x1EC00] =	vst v63  }
0x20b: {  	s6 =	sadd.s32 $0x18820, s8;
	s9 =	sadd.s32 $0x40, s14  }
0x20c: {  	[hbm4b:s9+s3] =	stream.linear.scatter [tilespmem:s6], [sflag:$0xA], $0x80, $0x38;
	[tilespmem:$0x1EC00] =	vst v63  }
.Ltmp8:
0x20d: {  	s6 =	sadd.s32 $0x188A8, s8;
	s9 =	sadd.s32 $0x50, s14;
	(pc) =	sbr.rel @p2 .LBB2_17-.Ltmp8, $4  }
0x20e: {  	[hbm4b:s9+s3] =	stream.linear.scatter [tilespmem:s6], [sflag:$0xA], $0x80, $0x38;
	[tilespmem:$0x1EC00] =	vst v63  }
0x20f: {  	s6 =	sadd.s32 $0x18930, s8;
	s9 =	sadd.s32 $0x60, s14;
	s8 =	sadd.s32 $0x189B8, s8  }
0x210: {  	[hbm4b:s9+s3] =	stream.linear.scatter [tilespmem:s6], [sflag:$0xA], $0x80, $0x38;
	[tilespmem:$0x1EC00] =	vst v63  }
0x211: {  	s9 =	sadd.s32 $0x70, s14;
	s14 =	sadd.s32 $0x4000, s14;
	s6 =	smov.u32 s10  }
0x212: {  	[hbm4b:s9+s3] =	stream.linear.scatter [tilespmem:s8], [sflag:$0xA], $0x80, $0x38;
	[tilespmem:$0x1EC00] =	vst v63  }
0x213: {  	s6 =	sadd.s32 $0x18600, s7  }
0x214: {  	[hbm4b:s14+s3] =	stream.linear.scatter [tilespmem:s6], [sflag:$0xA], $0x80, $0x38;
	[tilespmem:$0x1EC00] =	vst v63  }
0x215: {  	s9 =	sadd.s32 $0x18688, s7;
	s10 =	sadd.s32 $0x10, s14  }
0x216: {  	[hbm4b:s10+s3] =	stream.linear.scatter [tilespmem:s9], [sflag:$0xA], $0x80, $0x38;
	[tilespmem:$0x1EC00] =	vst v63  }
0x217: {  	s9 =	sadd.s32 $0x18710, s7;
	s10 =	sadd.s32 $0x20, s14  }
0x218: {  	[hbm4b:s10+s3] =	stream.linear.scatter [tilespmem:s9], [sflag:$0xA], $0x80, $0x38;
	[tilespmem:$0x1EC00] =	vst v63  }
0x219: {  	s9 =	sadd.s32 $0x18798, s7;
	s10 =	sadd.s32 $0x30, s14  }
0x21a: {  	[hbm4b:s10+s3] =	stream.linear.scatter [tilespmem:s9], [sflag:$0xA], $0x80, $0x38;
	[tilespmem:$0x1EC00] =	vst v63  }
0x21b: {  	s9 =	sadd.s32 $0x18820, s7;
	s10 =	sadd.s32 $0x40, s14  }
0x21c: {  	[hbm4b:s10+s3] =	stream.linear.scatter [tilespmem:s9], [sflag:$0xA], $0x80, $0x38;
	[tilespmem:$0x1EC00] =	vst v63  }
0x21d: {  	s9 =	sadd.s32 $0x188A8, s7;
	s10 =	sadd.s32 $0x50, s14  }
0x21e: {  	[hbm4b:s10+s3] =	stream.linear.scatter [tilespmem:s9], [sflag:$0xA], $0x80, $0x38;
	[tilespmem:$0x1EC00] =	vst v63  }
0x21f: {  	s8 =	sadd.s32 $0x18930, s7;
	s9 =	sadd.s32 $0x60, s14  }
0x220: {  	[hbm4b:s9+s3] =	stream.linear.scatter [tilespmem:s8], [sflag:$0xA], $0x80, $0x38;
	[tilespmem:$0x1EC00] =	vst v63  }
0x221: {  	s10 =	sadd.s32 $0x189B8, s7;
	s8 =	simm.s32 $0x0;
	s9 =	simm.s32 $0x1  }
0x222: {  	s14 =	sadd.s32 $0x70, s14;
	v33 =	vmov s8;
	v34 =	vmov s9;
	s8 =	simm.s32 $0x4;
	s9 =	simm.s32 $0x7  }
0x223: {  	[hbm4b:s14+s3] =	stream.linear.scatter [tilespmem:s10], [sflag:$0xA], $0x80, $0x38;
	v33 =	vshrl.u32 v33, $0x3;
	[tilespmem:$0x1EC00] =	vst v63  }
0x224: {  	s10 =	simm.s32 $0x2;
	s14 =	simm.s32 $0x3;
	v37 =	vmov s8;
	v38 =	vmov s9;
	v34 =	vshrl.u32 v34, $0x3;
	_ =	swait.ge [sflag:s22], $0x2000  }
0x225: {  	s7 =	simm.s32 @!p1 $0xC;
	v35 =	vmov s10;
	v36 =	vmov s14;
	v33 =	vshll.u32 v33, v1;
	[sflag:s22] =	ssyncset.done $0x0  }
0x226: {  	s10 =	simm.s32 $0x5;
	s14 =	simm.s32 $0x6;
	v38 =	vshrl.u32 v38, $0x3;
	v37 =	vshrl.u32 v37, $0x3;
	v34 =	vshll.u32 v34, v1;
	[sflag:s22] =	ssyncadd.s32 $0xFFFFE000  }
0x227: {  	v39 =	vmov s10;
	v40 =	vmov s14;
	v38 =	vshll.u32 v38, v1;
	_ =	swait.ge @!p1 [sflag:s7], $0x2000  }
0x228: {  	v35 =	vshrl.u32 v35, $0x3;
	v36 =	vshrl.u32 v36, $0x3;
	v38 =	vbroadcast v38, $0x0;
	[sflag:s7] =	ssyncset.done @!p1 $0x0  }
0x229: {  	s14 =	simm.s32 $0xC500;
	v33 =	vbroadcast v33, $0x0;
	v45 =	vbroadcast v34, $0x0;
	v54 =	vshll.u32 v37, v1;
	[sflag:s7] =	ssyncadd.s32 @!p1 $0xFFFFE000  }
0x22a: {  	v52 =	vshll.u32 v35, v1;
	v53 =	vshll.u32 v36, v1;
	v42 =	vadd.s32 v29, v38;
	v41 =	vld [tilespmem:s14+$0xC0]  }
0x22b: {  	v34 =	vbroadcast v54, $0x0;
	v44 =	vadd.s32 v0, v33;
	v52 =	vbroadcast v52, $0x0;
	v43 =	vld [tilespmem:s14+$0xFFFFFF00]  }
0x22c: {  	v55 =	vshrl.u32 v39, $0x3;
	v47 =	vadd.s32 v5, v45;
	v35 =	vbroadcast v53, $0x0;
	v46 =	vld [tilespmem:s14+$0xFFFFFF40]  }
0x22d: {  	v40 =	vshrl.u32 v40, $0x3;
	v36 =	vshll.u32 v55, v1;
	v49 =	vadd.s32 v9, v52;
	v48 =	vld [tilespmem:s14+$0xFFFFFF80]  }
0x22e: {  	v56 =	vshll.u32 v40, v1;
	v37 =	vbroadcast v36, $0x0;
	v50 =	vadd.s32 v13, v35;
	v39 =	vld [tilespmem:s14+$0xFFFFFFC0]  }
0x22f: {  	v53 =	vadd.s32 v17, v34;
	v36 =	vbroadcast v56, $0x0;
	v51 =	vld [tilespmem:s14+$0x0];
	[tilespmem:v42+s23+$0x0] =	vst.idx.msk $0xffff, v41  }
0x230: {  	v59 =	vld [tilespmem:s14+$0x40];
	v60 =	vadd.s32 v21, v37;
	[tilespmem:v44+s23+$0x0] =	vst.idx.msk $0xffff, v43  }
0x231: {  	v61 =	vld [tilespmem:s14+$0x80];
	v62 =	vadd.s32 v25, v36;
	[tilespmem:v47+s23+$0x0] =	vst.idx.msk $0xffff, v46  }
0x232: {  	v58 =	vadd.s32 v30, v38;
	[tilespmem:v49+s23+$0x0] =	vst.idx.msk $0xffff, v48;
	v57 =	vld [tilespmem:s14+$0xD0]  }
0x233: {  	v63 =	vadd.s32 v6, v45;
	[tilespmem:v50+s23+$0x0] =	vst.idx.msk $0xffff, v39;
	v47 =	vld [tilespmem:s14+$0xFFFFFF50]  }
0x234: {  	v55 =	vadd.s32 v10, v52;
	[tilespmem:v53+s23+$0x0] =	vst.idx.msk $0xffff, v51;
	v54 =	vld [tilespmem:s14+$0xFFFFFF90]  }
0x235: {  	v56 =	vadd.s32 v14, v35;
	[tilespmem:v60+s23+$0x0] =	vst.idx.msk $0xffff, v59;
	v50 =	vld [tilespmem:s14+$0xFFFFFFD0]  }
0x236: {  	[tilespmem:v62+s23+$0x0] =	vst.idx.msk $0xffff, v61;
	v46 =	vadd.s32 v22, v37;
	v44 =	vld [tilespmem:s14+$0x50]  }
0x237: {  	v59 =	vadd.s32 v18, v34;
	[tilespmem:v58+s23+$0x0] =	vst.idx.msk $0xffff, v57;
	v58 =	vld [tilespmem:s14+$0x10]  }
0x238: {  	v57 =	vadd.s32 v31, v38;
	[tilespmem:v63+s23+$0x0] =	vst.idx.msk $0xffff, v47;
	v40 =	vld [tilespmem:s14+$0xE0]  }
0x239: {  	v62 =	vadd.s32 v2, v33;
	v61 =	vld [tilespmem:s14+$0xFFFFFF10];
	[tilespmem:v55+s23+$0x0] =	vst.idx.msk $0xffff, v54  }
0x23a: {  	v60 =	vadd.s32 v26, v36;
	v63 =	vld [tilespmem:s14+$0x90];
	[tilespmem:v56+s23+$0x0] =	vst.idx.msk $0xffff, v50  }
0x23b: {  	v51 =	vadd.s32 v7, v45;
	[tilespmem:v46+s23+$0x0] =	vst.idx.msk $0xffff, v44;
	v50 =	vld [tilespmem:s14+$0xFFFFFF60]  }
0x23c: {  	v56 =	vadd.s32 v11, v52;
	v55 =	vld [tilespmem:s14+$0xFFFFFFA0];
	[tilespmem:v59+s23+$0x0] =	vst.idx.msk $0xffff, v58  }
0x23d: {  	v58 =	vadd.s32 v15, v35;
	[tilespmem:v57+s23+$0x0] =	vst.idx.msk $0xffff, v40;
	v57 =	vld [tilespmem:s14+$0xFFFFFFE0]  }
0x23e: {  	v38 =	vadd.s32 v32, v38;
	[tilespmem:v62+s23+$0x0] =	vst.idx.msk $0xffff, v61;
	v54 =	vld [tilespmem:s14+$0xF0]  }
0x23f: {  	s8 =	simm.s32 $0x9;
	[tilespmem:v60+s23+$0x0] =	vst.idx.msk $0xffff, v63;
	v60 =	vadd.s32 v19, v34;
	v59 =	vld [tilespmem:s14+$0x20]  }
0x240: {  	s10 =	simm.s32 $0xB;
	v41 =	vadd.s32 v23, v37;
	v53 =	vmov s8;
	[tilespmem:v51+s23+$0x0] =	vst.idx.msk $0xffff, v50;
	v40 =	vld [tilespmem:s14+$0x60]  }
0x241: {  	s7 =	simm.s32 $0x8;
	v43 =	vadd.s32 v27, v36;
	s8 =	simm.s32 $0xC;
	v48 =	vadd.s32 v3, v33;
	v44 =	vmov s10;
	v42 =	vld [tilespmem:s14+$0xA0];
	[tilespmem:v56+s23+$0x0] =	vst.idx.msk $0xffff, v55  }
0x242: {  	s9 =	simm.s32 $0xA;
	v47 =	vmov s8;
	v52 =	vadd.s32 v12, v52;
	v46 =	vld [tilespmem:s14+$0xFFFFFF20];
	v63 =	vmov s7;
	[tilespmem:v58+s23+$0x0] =	vst.idx.msk $0xffff, v57  }
0x243: {  	s10 =	simm.s32 $0xE;
	v39 =	vshrl.u32 v63, $0x3;
	v51 =	vadd.s32 v8, v45;
	v49 =	vld [tilespmem:s14+$0xFFFFFF70];
	[tilespmem:v38+s23+$0x0] =	vst.idx.msk $0xffff, v54;
	v54 =	vmov s9;
	s9 =	simm.s32 $0xD  }
0x244: {  	s6 =	simm.s32 $0xF;
	s7 =	simm.s32 $0x10;
	v45 =	vshll.u32 v39, v1;
	v39 =	vmov s10;
	v50 =	vld [tilespmem:s14+$0xFFFFFFB0];
	[tilespmem:v60+s23+$0x0] =	vst.idx.msk $0xffff, v59;
	v38 =	vmov s9  }
.LBB2_19:
0x245: {  	p1 =	slt.u32 s7, $0x78;
	v53 =	vshrl.u32 v53, $0x3;
	v55 =	vmov s6;
	v56 =	vld [tilespmem:s14+$0xFFFFFFF0];
	v35 =	vadd.s32 v16, v35;
	[tilespmem:v41+s23+$0x0] =	vst.idx.msk $0xffff, v40  }
0x246: {  	v40 =	vshrl.u32 v54, $0x3;
	v34 =	vadd.s32 v20, v34;
	v41 =	vshrl.u32 v55, $0x3;
	v54 =	vld [tilespmem:s14+$0x30];
	[tilespmem:v43+s23+$0x0] =	vst.idx.msk $0xffff, v42  }
0x247: {  	v37 =	vadd.s32 v24, v37;
	v42 =	vshrl.u32 v44, $0x3;
	v41 =	vshll.u32 v41, v1;
	[tilespmem:v48+s23+$0x0] =	vst.idx.msk $0xffff, v46;
	v43 =	vld [tilespmem:s14+$0x70]  }
0x248: {  	v36 =	vadd.s32 v28, v36;
	v44 =	vshrl.u32 v47, $0x3;
	v41 =	vbroadcast v41, $0x0;
	[tilespmem:v51+s23+$0x0] =	vst.idx.msk $0xffff, v49;
	v46 =	vld [tilespmem:s14+$0xB0]  }
0x249: {  	v47 =	vshll.u32 v53, v1;
	v49 =	vadd.s32 v4, v33;
	v33 =	vbroadcast v45, $0x0;
	v48 =	vld [tilespmem:s14+$0xFFFFFF30];
	[tilespmem:v52+s23+$0x0] =	vst.idx.msk $0xffff, v50;
	s14 =	sadd.s32 $0x200, s14  }
0x24a: {  	v40 =	vshll.u32 v40, v1;
	v45 =	vbroadcast v47, $0x0;
	v47 =	vld [tilespmem:s14+$0xC0];
	v50 =	vadd.s32 v29, v41;
	[tilespmem:v35+s23+$0x0] =	vst.idx.msk $0xffff, v56  }
0x24b: {  	v55 =	vbroadcast v40, $0x0;
	v52 =	vadd.s32 v0, v33;
	v35 =	vshll.u32 v42, v1;
	v51 =	vld [tilespmem:s14+$0xFFFFFF00];
	[tilespmem:v34+s23+$0x0] =	vst.idx.msk $0xffff, v54  }
0x24c: {  	v42 =	vadd.s32 v5, v45;
	v35 =	vbroadcast v35, $0x0;
	v34 =	vshll.u32 v44, v1;
	v40 =	vld [tilespmem:s14+$0xFFFFFF40];
	[tilespmem:v37+s23+$0x0] =	vst.idx.msk $0xffff, v43  }
0x24d: {  	v44 =	vadd.s32 v9, v55;
	v34 =	vbroadcast v34, $0x0;
	v37 =	vshrl.u32 v38, $0x3;
	v43 =	vld [tilespmem:s14+$0xFFFFFF80];
	[tilespmem:v36+s23+$0x0] =	vst.idx.msk $0xffff, v46  }
0x24e: {  	v39 =	vshrl.u32 v39, $0x3;
	v46 =	vadd.s32 v13, v35;
	v36 =	vshll.u32 v37, v1;
	v38 =	vld [tilespmem:s14+$0xFFFFFFC0];
	[tilespmem:v49+s23+$0x0] =	vst.idx.msk $0xffff, v48  }
0x24f: {  	v49 =	vadd.s32 v17, v34;
	v37 =	vbroadcast v36, $0x0;
	v36 =	vshll.u32 v39, v1;
	v48 =	vld [tilespmem:s14+$0x0];
	[tilespmem:v50+s23+$0x0] =	vst.idx.msk $0xffff, v47  }
0x250: {  	v36 =	vbroadcast v36, $0x0;
	v47 =	vadd.s32 v30, v41;
	[tilespmem:v52+s23+$0x0] =	vst.idx.msk $0xffff, v51;
	v39 =	vld [tilespmem:s14+$0xD0]  }
0x251: {  	[tilespmem:v42+s23+$0x0] =	vst.idx.msk $0xffff, v40;
	v40 =	vld [tilespmem:s14+$0x40];
	v42 =	vadd.s32 v21, v37  }
0x252: {  	[tilespmem:v44+s23+$0x0] =	vst.idx.msk $0xffff, v43;
	v43 =	vld [tilespmem:s14+$0x80];
	v44 =	vadd.s32 v25, v36  }
0x253: {  	v51 =	vadd.s32 v6, v45;
	v50 =	vld [tilespmem:s14+$0xFFFFFF50];
	[tilespmem:v46+s23+$0x0] =	vst.idx.msk $0xffff, v38  }
0x254: {  	v46 =	vadd.s32 v10, v55;
	v38 =	vld [tilespmem:s14+$0xFFFFFF90];
	[tilespmem:v49+s23+$0x0] =	vst.idx.msk $0xffff, v48  }
0x255: {  	v49 =	vadd.s32 v14, v35;
	v48 =	vld [tilespmem:s14+$0xFFFFFFD0];
	[tilespmem:v47+s23+$0x0] =	vst.idx.msk $0xffff, v39  }
0x256: {  	[tilespmem:v42+s23+$0x0] =	vst.idx.msk $0xffff, v40;
	v39 =	vld [tilespmem:s14+$0xE0];
	v40 =	vadd.s32 v31, v41  }
0x257: {  	v47 =	vadd.s32 v18, v34;
	v42 =	vld [tilespmem:s14+$0x10];
	[tilespmem:v44+s23+$0x0] =	vst.idx.msk $0xffff, v43  }
0x258: {  	v44 =	vadd.s32 v22, v37;
	[tilespmem:v51+s23+$0x0] =	vst.idx.msk $0xffff, v50;
	v43 =	vld [tilespmem:s14+$0x50]  }
0x259: {  	[tilespmem:v46+s23+$0x0] =	vst.idx.msk $0xffff, v38;
	v38 =	vld [tilespmem:s14+$0x90];
	v46 =	vadd.s32 v26, v36  }
0x25a: {  	v51 =	vadd.s32 v2, v33;
	v50 =	vld [tilespmem:s14+$0xFFFFFF10];
	[tilespmem:v49+s23+$0x0] =	vst.idx.msk $0xffff, v48  }
0x25b: {  	v49 =	vadd.s32 v7, v45;
	v48 =	vld [tilespmem:s14+$0xFFFFFF60];
	[tilespmem:v40+s23+$0x0] =	vst.idx.msk $0xffff, v39  }
0x25c: {  	[tilespmem:v47+s23+$0x0] =	vst.idx.msk $0xffff, v42;
	v39 =	vld [tilespmem:s14+$0xF0];
	v47 =	vadd.s32 v32, v41  }
0x25d: {  	v56 =	vadd.s32 v11, v55;
	v52 =	vld [tilespmem:s14+$0xFFFFFFA0];
	[tilespmem:v44+s23+$0x0] =	vst.idx.msk $0xffff, v43  }
0x25e: {  	v58 =	vadd.s32 v15, v35;
	v57 =	vld [tilespmem:s14+$0xFFFFFFE0];
	[tilespmem:v46+s23+$0x0] =	vst.idx.msk $0xffff, v38  }
0x25f: {  	v60 =	vadd.s32 v19, v34;
	[tilespmem:v51+s23+$0x0] =	vst.idx.msk $0xffff, v50;
	v59 =	vld [tilespmem:s14+$0x20]  }
.Ltmp9:
0x260: {  	s6 =	sadd.s32 $0x1, s7;
	v41 =	vadd.s32 v23, v37;
	v38 =	vmov s7;
	[tilespmem:v49+s23+$0x0] =	vst.idx.msk $0xffff, v48;
	v40 =	vld [tilespmem:s14+$0x60];
	(pc) =	sbr.rel @p1 .LBB2_19-.Ltmp9, $4  }
0x261: {  	s8 =	sadd.s32 $0x3, s7;
	v53 =	vmov s6;
	s6 =	sadd.s32 $0x2, s7;
	v43 =	vadd.s32 v27, v36;
	v50 =	vshrl.u32 v38, $0x3;
	v42 =	vld [tilespmem:s14+$0xA0];
	[tilespmem:v47+s23+$0x0] =	vst.idx.msk $0xffff, v39  }
0x262: {  	v54 =	vmov s6;
	s6 =	sadd.s32 $0x4, s7;
	v44 =	vmov s8;
	s8 =	sadd.s32 $0x5, s7;
	v48 =	vadd.s32 v3, v33;
	v46 =	vld [tilespmem:s14+$0xFFFFFF20];
	[tilespmem:v56+s23+$0x0] =	vst.idx.msk $0xffff, v52  }
0x263: {  	v38 =	vmov s8;
	v51 =	vadd.s32 v8, v45;
	v47 =	vmov s6;
	s6 =	sadd.s32 $0x6, s7;
	v49 =	vld [tilespmem:s14+$0xFFFFFF70];
	[tilespmem:v58+s23+$0x0] =	vst.idx.msk $0xffff, v57  }
0x264: {  	v45 =	vshll.u32 v50, v1;
	v39 =	vmov s6;
	s6 =	sadd.s32 $0x7, s7;
	s7 =	sadd.s32 $0x8, s7;
	v52 =	vadd.s32 v12, v55;
	v50 =	vld [tilespmem:s14+$0xFFFFFFB0];
	[tilespmem:v60+s23+$0x0] =	vst.idx.msk $0xffff, v59  }
0x265: {  	_ =	sdelay $0x2  }
0x266: {  	v53 =	vshrl.u32 v53, $0x3  }
0x267: {  	v55 =	vmov s6;
	v56 =	vld [tilespmem:s14+$0xFFFFFFF0];
	v35 =	vadd.s32 v16, v35;
	[tilespmem:v41+s23+$0x0] =	vst.idx.msk $0xffff, v40;
	v57 =	vshrl.u32 v54, $0x3  }
0x268: {  	v59 =	vld [tilespmem:s14+$0x30];
	v34 =	vadd.s32 v20, v34;
	v60 =	vshrl.u32 v44, $0x3;
	v58 =	vshrl.u32 v55, $0x3;
	[tilespmem:v43+s23+$0x0] =	vst.idx.msk $0xffff, v42  }
0x269: {  	v37 =	vadd.s32 v24, v37;
	v62 =	vshrl.u32 v47, $0x3;
	v61 =	vld [tilespmem:s14+$0x70];
	v41 =	vshll.u32 v58, v1;
	[tilespmem:v48+s23+$0x0] =	vst.idx.msk $0xffff, v46  }
0x26a: {  	v36 =	vadd.s32 v28, v36;
	v45 =	vbroadcast v45, $0x0;
	v63 =	vld [tilespmem:s14+$0xB0];
	v41 =	vbroadcast v41, $0x0;
	[tilespmem:v51+s23+$0x0] =	vst.idx.msk $0xffff, v49  }
0x26b: {  	v33 =	vadd.s32 v4, v33;
	s7 =	sadd.s32 $0x200, s14;
	v38 =	vshrl.u32 v38, $0x3;
	v55 =	vshll.u32 v53, v1;
	v48 =	vld [tilespmem:s14+$0xFFFFFF30];
	[tilespmem:v52+s23+$0x0] =	vst.idx.msk $0xffff, v50  }
0x26c: {  	v40 =	vshll.u32 v57, v1;
	v47 =	vbroadcast v55, $0x0;
	v49 =	vld [tilespmem:s7+$0xC0];
	v50 =	vadd.s32 v29, v41;
	[tilespmem:v35+s23+$0x0] =	vst.idx.msk $0xffff, v56  }
0x26d: {  	v42 =	vshll.u32 v60, v1;
	v40 =	vbroadcast v40, $0x0;
	v35 =	vld [tilespmem:s7+$0xFFFFFF00];
	v56 =	vadd.s32 v0, v45;
	[tilespmem:v34+s23+$0x0] =	vst.idx.msk $0xffff, v59  }
0x26e: {  	v57 =	vld [tilespmem:s7+$0xFFFFFF40];
	v44 =	vshll.u32 v62, v1;
	v42 =	vbroadcast v42, $0x0;
	v58 =	vadd.s32 v5, v47;
	[tilespmem:v37+s23+$0x0] =	vst.idx.msk $0xffff, v61  }
0x26f: {  	v38 =	vshll.u32 v38, v1;
	v44 =	vbroadcast v44, $0x0;
	v60 =	vadd.s32 v9, v40;
	v59 =	vld [tilespmem:s7+$0xFFFFFF80];
	[tilespmem:v36+s23+$0x0] =	vst.idx.msk $0xffff, v63  }
0x270: {  	v38 =	vbroadcast v38, $0x0;
	v62 =	vadd.s32 v13, v42;
	v61 =	vld [tilespmem:s7+$0xFFFFFFC0];
	[tilespmem:v33+s23+$0x0] =	vst.idx.msk $0xffff, v48  }
0x271: {  	v39 =	vshrl.u32 v39, $0x3;
	v63 =	vadd.s32 v17, v44;
	v33 =	vld [tilespmem:s7+$0x0];
	[tilespmem:v50+s23+$0x0] =	vst.idx.msk $0xffff, v49  }
0x272: {  	v39 =	vshll.u32 v39, v1;
	v34 =	vld [tilespmem:s7+$0x40];
	[tilespmem:v56+s23+$0x0] =	vst.idx.msk $0xffff, v35;
	v56 =	vadd.s32 v21, v38  }
0x273: {  	[tilespmem:v58+s23+$0x0] =	vst.idx.msk $0xffff, v57;
	v35 =	vbroadcast v39, $0x0;
	v49 =	vadd.s32 v30, v41;
	v39 =	vld [tilespmem:s7+$0xD0]  }
0x274: {  	[tilespmem:v60+s23+$0x0] =	vst.idx.msk $0xffff, v59;
	v59 =	vld [tilespmem:s7+$0xFFFFFF50];
	v60 =	vadd.s32 v6, v47  }
0x275: {  	v57 =	vld [tilespmem:s7+$0x80];
	[tilespmem:v62+s23+$0x0] =	vst.idx.msk $0xffff, v61;
	v58 =	vadd.s32 v25, v35  }
0x276: {  	v61 =	vld [tilespmem:s7+$0xFFFFFF90];
	v62 =	vadd.s32 v10, v40;
	[tilespmem:v63+s23+$0x0] =	vst.idx.msk $0xffff, v33  }
0x277: {  	v33 =	vld [tilespmem:s7+$0xFFFFFFD0];
	v63 =	vadd.s32 v14, v42;
	[tilespmem:v56+s23+$0x0] =	vst.idx.msk $0xffff, v34  }
0x278: {  	v56 =	vadd.s32 v18, v44;
	[tilespmem:v49+s23+$0x0] =	vst.idx.msk $0xffff, v39;
	v49 =	vld [tilespmem:s7+$0x10]  }
0x279: {  	[tilespmem:v60+s23+$0x0] =	vst.idx.msk $0xffff, v59;
	v39 =	vadd.s32 v31, v41;
	v34 =	vld [tilespmem:s7+$0xE0]  }
0x27a: {  	[tilespmem:v58+s23+$0x0] =	vst.idx.msk $0xffff, v57;
	v57 =	vld [tilespmem:s7+$0x50];
	v58 =	vadd.s32 v22, v38  }
0x27b: {  	[tilespmem:v62+s23+$0x0] =	vst.idx.msk $0xffff, v61;
	v61 =	vld [tilespmem:s7+$0xFFFFFF10];
	v62 =	vadd.s32 v2, v45  }
0x27c: {  	v60 =	vadd.s32 v26, v35;
	v59 =	vld [tilespmem:s7+$0x90];
	[tilespmem:v63+s23+$0x0] =	vst.idx.msk $0xffff, v33  }
0x27d: {  	v55 =	vadd.s32 v11, v40;
	v54 =	vadd.s32 v32, v41;
	v41 =	vld [tilespmem:s7+$0xFFFFFFA0];
	[tilespmem:v56+s23+$0x0] =	vst.idx.msk $0xffff, v49  }
0x27e: {  	v53 =	vadd.s32 v7, v47;
	v63 =	vld [tilespmem:s7+$0xFFFFFF60];
	[tilespmem:v39+s23+$0x0] =	vst.idx.msk $0xffff, v34  }
0x27f: {  	v56 =	vld [tilespmem:s7+$0xFFFFFFE0];
	[tilespmem:v58+s23+$0x0] =	vst.idx.msk $0xffff, v57;
	v57 =	vadd.s32 v15, v42  }
0x280: {  	[tilespmem:v62+s23+$0x0] =	vst.idx.msk $0xffff, v61;
	v34 =	vld [tilespmem:s7+$0xF0]  }
0x281: {  	v58 =	vld [tilespmem:s7+$0x20];
	[tilespmem:v60+s23+$0x0] =	vst.idx.msk $0xffff, v59;
	v59 =	vadd.s32 v19, v44  }
0x282: {  	v61 =	vadd.s32 v23, v38;
	[tilespmem:v55+s23+$0x0] =	vst.idx.msk $0xffff, v41;
	v60 =	vld [tilespmem:s7+$0x60]  }
0x283: {  	[tilespmem:v53+s23+$0x0] =	vst.idx.msk $0xffff, v63;
	v63 =	vadd.s32 v27, v35;
	v62 =	vld [tilespmem:s7+$0xA0]  }
0x284: {  	v47 =	vadd.s32 v8, v47;
	v55 =	vld [tilespmem:s7+$0xFFFFFF70];
	[tilespmem:v57+s23+$0x0] =	vst.idx.msk $0xffff, v56  }
0x285: {  	v53 =	vld [tilespmem:s7+$0xFFFFFF20];
	[tilespmem:v54+s23+$0x0] =	vst.idx.msk $0xffff, v34;
	v54 =	vadd.s32 v3, v45  }
0x286: {  	v40 =	vadd.s32 v12, v40;
	v56 =	vld [tilespmem:s7+$0xFFFFFFB0];
	[tilespmem:v59+s23+$0x0] =	vst.idx.msk $0xffff, v58  }
0x287: {  	v42 =	vadd.s32 v16, v42;
	v57 =	vld [tilespmem:s7+$0xFFFFFFF0];
	[tilespmem:v61+s23+$0x0] =	vst.idx.msk $0xffff, v60  }
0x288: {  	v59 =	vadd.s32 v20, v44;
	v58 =	vld [tilespmem:s7+$0x30];
	[tilespmem:v63+s23+$0x0] =	vst.idx.msk $0xffff, v62  }
0x289: {  	v38 =	vadd.s32 v24, v38;
	v60 =	vld [tilespmem:s7+$0x70];
	[tilespmem:v47+s23+$0x0] =	vst.idx.msk $0xffff, v55  }
0x28a: {  	v35 =	vadd.s32 v28, v35;
	v61 =	vld [tilespmem:s7+$0xB0];
	[tilespmem:v54+s23+$0x0] =	vst.idx.msk $0xffff, v53  }
0x28b: {  	v63 =	vadd.s32 v4, v45;
	[tilespmem:v40+s23+$0x0] =	vst.idx.msk $0xffff, v56;
	v62 =	vld [tilespmem:s7+$0xFFFFFF30]  }
0x28c: {  	[tilespmem:v42+s23+$0x0] =	vst.idx.msk $0xffff, v57  }
0x28d: {  	[tilespmem:v59+s23+$0x0] =	vst.idx.msk $0xffff, v58  }
0x28e: {  	[tilespmem:v38+s23+$0x0] =	vst.idx.msk $0xffff, v60  }
0x28f: {  	[tilespmem:v35+s23+$0x0] =	vst.idx.msk $0xffff, v61  }
0x290: {  	s6 =	sadd.s32 @!p0 $0x580, s15;
	s8 =	simm.s32 @!p0 $0xC400;
	s7 =	simm.s32 @!p0 $0x80;
	[tilespmem:v63+s23+$0x0] =	vst.idx.msk $0xffff, v62  }
0x291: {  	[tilespmem:s8], [sflag:$0x4] =	stream.indirect.gather @!p0 [hbm4b:s5+s7], $0x40, s6, s7, $0xb8;
	[tilespmem:$0x1EC00] =	vst v63  }
0x292: {  	s10 =	rddreg [dreg:$0x6]  }
0x293: {  	s6 =	sadd.s32 s17, s10  }
0x294: {  	s14 =	sshll.u32 s6, $0x7  }
0x295: {  	s6 =	sshll.u32 s6, $0xA;
	s7 =	sand.u32 $0x3D00, s14  }
0x296: {  	s6 =	sand.u32 $0xFFE0000, s6;
	s7 =	sadd.s32 s2, s7  }
0x297: {  	s10 =	sadd.s32 s6, s7;
	s7 =	simm.s32 $0x1A800  }
0x298: {  	[hbm4b:s10+s3] =	stream.linear.scatter [tilespmem:s7], [sflag:$0xB], $0x80, $0x38;
	[tilespmem:$0x1EC00] =	vst v63  }
0x299: {  	s8 =	simm.s32 $0x1A888;
	s7 =	sadd.s32 $0x10, s10  }
0x29a: {  	[hbm4b:s7+s3] =	stream.linear.scatter [tilespmem:s8], [sflag:$0xB], $0x80, $0x38;
	[tilespmem:$0x1EC00] =	vst v63  }
0x29b: {  	s9 =	simm.s32 $0x1A910;
	s14 =	sadd.s32 $0x20, s10  }
0x29c: {  	[hbm4b:s14+s3] =	stream.linear.scatter [tilespmem:s9], [sflag:$0xB], $0x80, $0x38;
	[tilespmem:$0x1EC00] =	vst v63  }
0x29d: {  	s7 =	simm.s32 $0x1A998;
	s8 =	sadd.s32 $0x30, s10  }
0x29e: {  	[hbm4b:s8+s3] =	stream.linear.scatter [tilespmem:s7], [sflag:$0xB], $0x80, $0x38;
	[tilespmem:$0x1EC00] =	vst v63  }
0x29f: {  	s9 =	simm.s32 $0x1AA20;
	s14 =	sadd.s32 $0x40, s10  }
0x2a0: {  	[hbm4b:s14+s3] =	stream.linear.scatter [tilespmem:s9], [sflag:$0xB], $0x80, $0x38;
	[tilespmem:$0x1EC00] =	vst v63  }
0x2a1: {  	s6 =	simm.s32 $0x2200;
	s7 =	simm.s32 $0x1AAA8;
	s8 =	sadd.s32 $0x50, s10  }
0x2a2: {  	[hbm4b:s8+s3] =	stream.linear.scatter [tilespmem:s7], [sflag:$0xB], $0x80, $0x38;
	[tilespmem:$0x1EC00] =	vst v63  }
0x2a3: {  	s9 =	simm.s32 $0x1AB30;
	s14 =	sadd.s32 $0x60, s10;
	s7 =	simm.s32 $0x440  }
0x2a4: {  	[hbm4b:s14+s3] =	stream.linear.scatter [tilespmem:s9], [sflag:$0xB], $0x80, $0x38;
	[tilespmem:$0x1EC00] =	vst v63  }
0x2a5: {  	s8 =	simm.s32 $0x1ABB8;
	s9 =	sadd.s32 $0x70, s10;
	s14 =	sadd.s32 $0x4000, s10  }
.LBB2_21:
0x2a6: {  	[hbm4b:s9+s3] =	stream.linear.scatter [tilespmem:s8], [sflag:$0xB], $0x80, $0x38;
	[tilespmem:$0x1EC00] =	vst v63  }
0x2a7: {  	s8 =	smov.u32 s7;
	s7 =	smov.u32 s6  }
0x2a8: {  	s10 =	sadd.s32 $0x1100, s6;
	s7 =	sshra.s32 s7, $0x2;
	s9 =	sadd.s32 $0x1A800, s8  }
0x2a9: {  	[hbm4b:s14+s3] =	stream.linear.scatter [tilespmem:s9], [sflag:$0xB], $0x80, $0x38;
	[tilespmem:$0x1EC00] =	vst v63  }
0x2aa: {  	p1 =	sne.s32 s6, $0x7700;
	s6 =	sadd.s32 $0x1A888, s8;
	s9 =	sadd.s32 $0x10, s14  }
0x2ab: {  	[hbm4b:s9+s3] =	stream.linear.scatter [tilespmem:s6], [sflag:$0xB], $0x80, $0x38;
	[tilespmem:$0x1EC00] =	vst v63  }
0x2ac: {  	s6 =	sadd.s32 $0x1A910, s8;
	s9 =	sadd.s32 $0x20, s14  }
0x2ad: {  	[hbm4b:s9+s3] =	stream.linear.scatter [tilespmem:s6], [sflag:$0xB], $0x80, $0x38;
	[tilespmem:$0x1EC00] =	vst v63  }
0x2ae: {  	s6 =	sadd.s32 $0x1A998, s8;
	s9 =	sadd.s32 $0x30, s14  }
0x2af: {  	[hbm4b:s9+s3] =	stream.linear.scatter [tilespmem:s6], [sflag:$0xB], $0x80, $0x38;
	[tilespmem:$0x1EC00] =	vst v63  }
0x2b0: {  	s6 =	sadd.s32 $0x1AA20, s8;
	s9 =	sadd.s32 $0x40, s14  }
0x2b1: {  	[hbm4b:s9+s3] =	stream.linear.scatter [tilespmem:s6], [sflag:$0xB], $0x80, $0x38;
	[tilespmem:$0x1EC00] =	vst v63  }
.Ltmp10:
0x2b2: {  	s6 =	sadd.s32 $0x1AAA8, s8;
	s9 =	sadd.s32 $0x50, s14;
	(pc) =	sbr.rel @p1 .LBB2_21-.Ltmp10, $4  }
0x2b3: {  	[hbm4b:s9+s3] =	stream.linear.scatter [tilespmem:s6], [sflag:$0xB], $0x80, $0x38;
	[tilespmem:$0x1EC00] =	vst v63  }
0x2b4: {  	s6 =	sadd.s32 $0x1AB30, s8;
	s9 =	sadd.s32 $0x60, s14;
	s8 =	sadd.s32 $0x1ABB8, s8  }
0x2b5: {  	[hbm4b:s9+s3] =	stream.linear.scatter [tilespmem:s6], [sflag:$0xB], $0x80, $0x38;
	[tilespmem:$0x1EC00] =	vst v63  }
0x2b6: {  	s9 =	sadd.s32 $0x70, s14;
	s14 =	sadd.s32 $0x4000, s14;
	s6 =	smov.u32 s10  }
0x2b7: {  	[hbm4b:s9+s3] =	stream.linear.scatter [tilespmem:s8], [sflag:$0xB], $0x80, $0x38;
	[tilespmem:$0x1EC00] =	vst v63  }
0x2b8: {  	s6 =	sadd.s32 $0x1A800, s7  }
0x2b9: {  	[hbm4b:s14+s3] =	stream.linear.scatter [tilespmem:s6], [sflag:$0xB], $0x80, $0x38;
	[tilespmem:$0x1EC00] =	vst v63  }
0x2ba: {  	s9 =	sadd.s32 $0x1A888, s7;
	s10 =	sadd.s32 $0x10, s14  }
0x2bb: {  	[hbm4b:s10+s3] =	stream.linear.scatter [tilespmem:s9], [sflag:$0xB], $0x80, $0x38;
	[tilespmem:$0x1EC00] =	vst v63  }
0x2bc: {  	s9 =	sadd.s32 $0x1A910, s7;
	s10 =	sadd.s32 $0x20, s14  }
0x2bd: {  	[hbm4b:s10+s3] =	stream.linear.scatter [tilespmem:s9], [sflag:$0xB], $0x80, $0x38;
	[tilespmem:$0x1EC00] =	vst v63  }
0x2be: {  	s9 =	sadd.s32 $0x1A998, s7;
	s10 =	sadd.s32 $0x30, s14  }
0x2bf: {  	[hbm4b:s10+s3] =	stream.linear.scatter [tilespmem:s9], [sflag:$0xB], $0x80, $0x38;
	[tilespmem:$0x1EC00] =	vst v63  }
0x2c0: {  	s9 =	sadd.s32 $0x1AA20, s7;
	s10 =	sadd.s32 $0x40, s14  }
0x2c1: {  	[hbm4b:s10+s3] =	stream.linear.scatter [tilespmem:s9], [sflag:$0xB], $0x80, $0x38;
	[tilespmem:$0x1EC00] =	vst v63  }
0x2c2: {  	s9 =	sadd.s32 $0x1AAA8, s7;
	s10 =	sadd.s32 $0x50, s14  }
0x2c3: {  	[hbm4b:s10+s3] =	stream.linear.scatter [tilespmem:s9], [sflag:$0xB], $0x80, $0x38;
	[tilespmem:$0x1EC00] =	vst v63  }
0x2c4: {  	s8 =	sadd.s32 $0x1AB30, s7;
	s9 =	sadd.s32 $0x60, s14  }
0x2c5: {  	[hbm4b:s9+s3] =	stream.linear.scatter [tilespmem:s8], [sflag:$0xB], $0x80, $0x38;
	[tilespmem:$0x1EC00] =	vst v63  }
0x2c6: {  	s10 =	sadd.s32 $0x1ABB8, s7;
	s8 =	simm.s32 $0x0;
	s9 =	simm.s32 $0x1  }
0x2c7: {  	s14 =	sadd.s32 $0x70, s14;
	v33 =	vmov s8;
	v34 =	vmov s9;
	s8 =	simm.s32 $0x4;
	s9 =	simm.s32 $0x7  }
0x2c8: {  	[hbm4b:s14+s3] =	stream.linear.scatter [tilespmem:s10], [sflag:$0xB], $0x80, $0x38;
	v33 =	vshrl.u32 v33, $0x3;
	[tilespmem:$0x1EC00] =	vst v63  }
0x2c9: {  	s10 =	simm.s32 $0x2;
	s14 =	simm.s32 $0x3;
	v37 =	vmov s8;
	v38 =	vmov s9;
	v34 =	vshrl.u32 v34, $0x3;
	_ =	swait.ge [sflag:s24], $0x2000  }
0x2ca: {  	v35 =	vmov s10;
	v36 =	vmov s14;
	v33 =	vshll.u32 v33, v1;
	[sflag:s24] =	ssyncset.done $0x0  }
0x2cb: {  	s10 =	simm.s32 $0x5;
	s14 =	simm.s32 $0x6;
	v38 =	vshrl.u32 v38, $0x3;
	v37 =	vshrl.u32 v37, $0x3;
	v34 =	vshll.u32 v34, v1;
	[sflag:s24] =	ssyncadd.s32 $0xFFFFE000  }
0x2cc: {  	v39 =	vmov s10;
	v40 =	vmov s14;
	v38 =	vshll.u32 v38, v1;
	_ =	swait.ge [sflag:s25], $0x2000  }
0x2cd: {  	v35 =	vshrl.u32 v35, $0x3;
	v36 =	vshrl.u32 v36, $0x3;
	v38 =	vbroadcast v38, $0x0;
	[sflag:s25] =	ssyncset.done $0x0  }
0x2ce: {  	s14 =	simm.s32 $0xE500;
	v33 =	vbroadcast v33, $0x0;
	v45 =	vbroadcast v34, $0x0;
	v54 =	vshll.u32 v37, v1;
	[sflag:s25] =	ssyncadd.s32 $0xFFFFE000  }
0x2cf: {  	v52 =	vshll.u32 v35, v1;
	v53 =	vshll.u32 v36, v1;
	v42 =	vadd.s32 v29, v38;
	v41 =	vld [tilespmem:s14+$0xC0]  }
0x2d0: {  	v34 =	vbroadcast v54, $0x0;
	v44 =	vadd.s32 v0, v33;
	v52 =	vbroadcast v52, $0x0;
	v43 =	vld [tilespmem:s14+$0xFFFFFF00]  }
0x2d1: {  	v55 =	vshrl.u32 v39, $0x3;
	v47 =	vadd.s32 v5, v45;
	v35 =	vbroadcast v53, $0x0;
	v46 =	vld [tilespmem:s14+$0xFFFFFF40]  }
0x2d2: {  	v40 =	vshrl.u32 v40, $0x3;
	v36 =	vshll.u32 v55, v1;
	v49 =	vadd.s32 v9, v52;
	v48 =	vld [tilespmem:s14+$0xFFFFFF80]  }
0x2d3: {  	v56 =	vshll.u32 v40, v1;
	v37 =	vbroadcast v36, $0x0;
	v50 =	vadd.s32 v13, v35;
	v39 =	vld [tilespmem:s14+$0xFFFFFFC0]  }
0x2d4: {  	v53 =	vadd.s32 v17, v34;
	v36 =	vbroadcast v56, $0x0;
	v51 =	vld [tilespmem:s14+$0x0];
	[tilespmem:v42+s18+$0x0] =	vst.idx.msk $0xffff, v41  }
0x2d5: {  	v59 =	vld [tilespmem:s14+$0x40];
	v60 =	vadd.s32 v21, v37;
	[tilespmem:v44+s18+$0x0] =	vst.idx.msk $0xffff, v43  }
0x2d6: {  	v61 =	vld [tilespmem:s14+$0x80];
	v62 =	vadd.s32 v25, v36;
	[tilespmem:v47+s18+$0x0] =	vst.idx.msk $0xffff, v46  }
0x2d7: {  	v58 =	vadd.s32 v30, v38;
	[tilespmem:v49+s18+$0x0] =	vst.idx.msk $0xffff, v48;
	v57 =	vld [tilespmem:s14+$0xD0]  }
0x2d8: {  	v63 =	vadd.s32 v6, v45;
	[tilespmem:v50+s18+$0x0] =	vst.idx.msk $0xffff, v39;
	v47 =	vld [tilespmem:s14+$0xFFFFFF50]  }
0x2d9: {  	v55 =	vadd.s32 v10, v52;
	[tilespmem:v53+s18+$0x0] =	vst.idx.msk $0xffff, v51;
	v54 =	vld [tilespmem:s14+$0xFFFFFF90]  }
0x2da: {  	v56 =	vadd.s32 v14, v35;
	[tilespmem:v60+s18+$0x0] =	vst.idx.msk $0xffff, v59;
	v50 =	vld [tilespmem:s14+$0xFFFFFFD0]  }
0x2db: {  	[tilespmem:v62+s18+$0x0] =	vst.idx.msk $0xffff, v61;
	v46 =	vadd.s32 v22, v37;
	v44 =	vld [tilespmem:s14+$0x50]  }
0x2dc: {  	v59 =	vadd.s32 v18, v34;
	[tilespmem:v58+s18+$0x0] =	vst.idx.msk $0xffff, v57;
	v58 =	vld [tilespmem:s14+$0x10]  }
0x2dd: {  	v57 =	vadd.s32 v31, v38;
	[tilespmem:v63+s18+$0x0] =	vst.idx.msk $0xffff, v47;
	v40 =	vld [tilespmem:s14+$0xE0]  }
0x2de: {  	v62 =	vadd.s32 v2, v33;
	v61 =	vld [tilespmem:s14+$0xFFFFFF10];
	[tilespmem:v55+s18+$0x0] =	vst.idx.msk $0xffff, v54  }
0x2df: {  	v60 =	vadd.s32 v26, v36;
	v63 =	vld [tilespmem:s14+$0x90];
	[tilespmem:v56+s18+$0x0] =	vst.idx.msk $0xffff, v50  }
0x2e0: {  	v51 =	vadd.s32 v7, v45;
	[tilespmem:v46+s18+$0x0] =	vst.idx.msk $0xffff, v44;
	v50 =	vld [tilespmem:s14+$0xFFFFFF60]  }
0x2e1: {  	v56 =	vadd.s32 v11, v52;
	v55 =	vld [tilespmem:s14+$0xFFFFFFA0];
	[tilespmem:v59+s18+$0x0] =	vst.idx.msk $0xffff, v58  }
0x2e2: {  	v58 =	vadd.s32 v15, v35;
	[tilespmem:v57+s18+$0x0] =	vst.idx.msk $0xffff, v40;
	v57 =	vld [tilespmem:s14+$0xFFFFFFE0]  }
0x2e3: {  	v38 =	vadd.s32 v32, v38;
	[tilespmem:v62+s18+$0x0] =	vst.idx.msk $0xffff, v61;
	v54 =	vld [tilespmem:s14+$0xF0]  }
0x2e4: {  	s8 =	simm.s32 $0x9;
	[tilespmem:v60+s18+$0x0] =	vst.idx.msk $0xffff, v63;
	v60 =	vadd.s32 v19, v34;
	v59 =	vld [tilespmem:s14+$0x20]  }
0x2e5: {  	s10 =	simm.s32 $0xB;
	v41 =	vadd.s32 v23, v37;
	v53 =	vmov s8;
	[tilespmem:v51+s18+$0x0] =	vst.idx.msk $0xffff, v50;
	v40 =	vld [tilespmem:s14+$0x60]  }
0x2e6: {  	s7 =	simm.s32 $0x8;
	v43 =	vadd.s32 v27, v36;
	s8 =	simm.s32 $0xC;
	v48 =	vadd.s32 v3, v33;
	v44 =	vmov s10;
	v42 =	vld [tilespmem:s14+$0xA0];
	[tilespmem:v56+s18+$0x0] =	vst.idx.msk $0xffff, v55  }
0x2e7: {  	s9 =	simm.s32 $0xA;
	v47 =	vmov s8;
	v52 =	vadd.s32 v12, v52;
	v46 =	vld [tilespmem:s14+$0xFFFFFF20];
	v63 =	vmov s7;
	[tilespmem:v58+s18+$0x0] =	vst.idx.msk $0xffff, v57  }
0x2e8: {  	s10 =	simm.s32 $0xE;
	v39 =	vshrl.u32 v63, $0x3;
	v51 =	vadd.s32 v8, v45;
	v49 =	vld [tilespmem:s14+$0xFFFFFF70];
	[tilespmem:v38+s18+$0x0] =	vst.idx.msk $0xffff, v54;
	v54 =	vmov s9;
	s9 =	simm.s32 $0xD  }
0x2e9: {  	s6 =	simm.s32 $0xF;
	s7 =	simm.s32 $0x10;
	v45 =	vshll.u32 v39, v1;
	v39 =	vmov s10;
	v50 =	vld [tilespmem:s14+$0xFFFFFFB0];
	[tilespmem:v60+s18+$0x0] =	vst.idx.msk $0xffff, v59;
	v38 =	vmov s9  }
.LBB2_23:
0x2ea: {  	p1 =	slt.u32 s7, $0x78;
	v53 =	vshrl.u32 v53, $0x3;
	v55 =	vmov s6;
	v56 =	vld [tilespmem:s14+$0xFFFFFFF0];
	v35 =	vadd.s32 v16, v35;
	[tilespmem:v41+s18+$0x0] =	vst.idx.msk $0xffff, v40  }
0x2eb: {  	v40 =	vshrl.u32 v54, $0x3;
	v34 =	vadd.s32 v20, v34;
	v41 =	vshrl.u32 v55, $0x3;
	v54 =	vld [tilespmem:s14+$0x30];
	[tilespmem:v43+s18+$0x0] =	vst.idx.msk $0xffff, v42  }
0x2ec: {  	v37 =	vadd.s32 v24, v37;
	v42 =	vshrl.u32 v44, $0x3;
	v41 =	vshll.u32 v41, v1;
	[tilespmem:v48+s18+$0x0] =	vst.idx.msk $0xffff, v46;
	v43 =	vld [tilespmem:s14+$0x70]  }
0x2ed: {  	v36 =	vadd.s32 v28, v36;
	v44 =	vshrl.u32 v47, $0x3;
	v41 =	vbroadcast v41, $0x0;
	[tilespmem:v51+s18+$0x0] =	vst.idx.msk $0xffff, v49;
	v46 =	vld [tilespmem:s14+$0xB0]  }
0x2ee: {  	v47 =	vshll.u32 v53, v1;
	v49 =	vadd.s32 v4, v33;
	v33 =	vbroadcast v45, $0x0;
	v48 =	vld [tilespmem:s14+$0xFFFFFF30];
	[tilespmem:v52+s18+$0x0] =	vst.idx.msk $0xffff, v50;
	s14 =	sadd.s32 $0x200, s14  }
0x2ef: {  	v40 =	vshll.u32 v40, v1;
	v45 =	vbroadcast v47, $0x0;
	v47 =	vld [tilespmem:s14+$0xC0];
	v50 =	vadd.s32 v29, v41;
	[tilespmem:v35+s18+$0x0] =	vst.idx.msk $0xffff, v56  }
0x2f0: {  	v55 =	vbroadcast v40, $0x0;
	v52 =	vadd.s32 v0, v33;
	v35 =	vshll.u32 v42, v1;
	v51 =	vld [tilespmem:s14+$0xFFFFFF00];
	[tilespmem:v34+s18+$0x0] =	vst.idx.msk $0xffff, v54  }
0x2f1: {  	v42 =	vadd.s32 v5, v45;
	v35 =	vbroadcast v35, $0x0;
	v34 =	vshll.u32 v44, v1;
	v40 =	vld [tilespmem:s14+$0xFFFFFF40];
	[tilespmem:v37+s18+$0x0] =	vst.idx.msk $0xffff, v43  }
0x2f2: {  	v44 =	vadd.s32 v9, v55;
	v34 =	vbroadcast v34, $0x0;
	v37 =	vshrl.u32 v38, $0x3;
	v43 =	vld [tilespmem:s14+$0xFFFFFF80];
	[tilespmem:v36+s18+$0x0] =	vst.idx.msk $0xffff, v46  }
0x2f3: {  	v39 =	vshrl.u32 v39, $0x3;
	v46 =	vadd.s32 v13, v35;
	v36 =	vshll.u32 v37, v1;
	v38 =	vld [tilespmem:s14+$0xFFFFFFC0];
	[tilespmem:v49+s18+$0x0] =	vst.idx.msk $0xffff, v48  }
0x2f4: {  	v49 =	vadd.s32 v17, v34;
	v37 =	vbroadcast v36, $0x0;
	v36 =	vshll.u32 v39, v1;
	v48 =	vld [tilespmem:s14+$0x0];
	[tilespmem:v50+s18+$0x0] =	vst.idx.msk $0xffff, v47  }
0x2f5: {  	v36 =	vbroadcast v36, $0x0;
	v47 =	vadd.s32 v30, v41;
	[tilespmem:v52+s18+$0x0] =	vst.idx.msk $0xffff, v51;
	v39 =	vld [tilespmem:s14+$0xD0]  }
0x2f6: {  	[tilespmem:v42+s18+$0x0] =	vst.idx.msk $0xffff, v40;
	v40 =	vld [tilespmem:s14+$0x40];
	v42 =	vadd.s32 v21, v37  }
0x2f7: {  	[tilespmem:v44+s18+$0x0] =	vst.idx.msk $0xffff, v43;
	v43 =	vld [tilespmem:s14+$0x80];
	v44 =	vadd.s32 v25, v36  }
0x2f8: {  	v51 =	vadd.s32 v6, v45;
	v50 =	vld [tilespmem:s14+$0xFFFFFF50];
	[tilespmem:v46+s18+$0x0] =	vst.idx.msk $0xffff, v38  }
0x2f9: {  	v46 =	vadd.s32 v10, v55;
	v38 =	vld [tilespmem:s14+$0xFFFFFF90];
	[tilespmem:v49+s18+$0x0] =	vst.idx.msk $0xffff, v48  }
0x2fa: {  	v49 =	vadd.s32 v14, v35;
	v48 =	vld [tilespmem:s14+$0xFFFFFFD0];
	[tilespmem:v47+s18+$0x0] =	vst.idx.msk $0xffff, v39  }
0x2fb: {  	[tilespmem:v42+s18+$0x0] =	vst.idx.msk $0xffff, v40;
	v39 =	vld [tilespmem:s14+$0xE0];
	v40 =	vadd.s32 v31, v41  }
0x2fc: {  	v47 =	vadd.s32 v18, v34;
	v42 =	vld [tilespmem:s14+$0x10];
	[tilespmem:v44+s18+$0x0] =	vst.idx.msk $0xffff, v43  }
0x2fd: {  	v44 =	vadd.s32 v22, v37;
	[tilespmem:v51+s18+$0x0] =	vst.idx.msk $0xffff, v50;
	v43 =	vld [tilespmem:s14+$0x50]  }
0x2fe: {  	[tilespmem:v46+s18+$0x0] =	vst.idx.msk $0xffff, v38;
	v38 =	vld [tilespmem:s14+$0x90];
	v46 =	vadd.s32 v26, v36  }
0x2ff: {  	v51 =	vadd.s32 v2, v33;
	v50 =	vld [tilespmem:s14+$0xFFFFFF10];
	[tilespmem:v49+s18+$0x0] =	vst.idx.msk $0xffff, v48  }
0x300: {  	v49 =	vadd.s32 v7, v45;
	v48 =	vld [tilespmem:s14+$0xFFFFFF60];
	[tilespmem:v40+s18+$0x0] =	vst.idx.msk $0xffff, v39  }
0x301: {  	[tilespmem:v47+s18+$0x0] =	vst.idx.msk $0xffff, v42;
	v39 =	vld [tilespmem:s14+$0xF0];
	v47 =	vadd.s32 v32, v41  }
0x302: {  	v56 =	vadd.s32 v11, v55;
	v52 =	vld [tilespmem:s14+$0xFFFFFFA0];
	[tilespmem:v44+s18+$0x0] =	vst.idx.msk $0xffff, v43  }
0x303: {  	v58 =	vadd.s32 v15, v35;
	v57 =	vld [tilespmem:s14+$0xFFFFFFE0];
	[tilespmem:v46+s18+$0x0] =	vst.idx.msk $0xffff, v38  }
0x304: {  	v60 =	vadd.s32 v19, v34;
	[tilespmem:v51+s18+$0x0] =	vst.idx.msk $0xffff, v50;
	v59 =	vld [tilespmem:s14+$0x20]  }
.Ltmp11:
0x305: {  	s6 =	sadd.s32 $0x1, s7;
	v41 =	vadd.s32 v23, v37;
	v38 =	vmov s7;
	[tilespmem:v49+s18+$0x0] =	vst.idx.msk $0xffff, v48;
	v40 =	vld [tilespmem:s14+$0x60];
	(pc) =	sbr.rel @p1 .LBB2_23-.Ltmp11, $4  }
0x306: {  	s8 =	sadd.s32 $0x3, s7;
	v53 =	vmov s6;
	s6 =	sadd.s32 $0x2, s7;
	v43 =	vadd.s32 v27, v36;
	v50 =	vshrl.u32 v38, $0x3;
	v42 =	vld [tilespmem:s14+$0xA0];
	[tilespmem:v47+s18+$0x0] =	vst.idx.msk $0xffff, v39  }
0x307: {  	v54 =	vmov s6;
	s6 =	sadd.s32 $0x4, s7;
	v44 =	vmov s8;
	s8 =	sadd.s32 $0x5, s7;
	v48 =	vadd.s32 v3, v33;
	v46 =	vld [tilespmem:s14+$0xFFFFFF20];
	[tilespmem:v56+s18+$0x0] =	vst.idx.msk $0xffff, v52  }
0x308: {  	v38 =	vmov s8;
	v51 =	vadd.s32 v8, v45;
	v47 =	vmov s6;
	s6 =	sadd.s32 $0x6, s7;
	v49 =	vld [tilespmem:s14+$0xFFFFFF70];
	[tilespmem:v58+s18+$0x0] =	vst.idx.msk $0xffff, v57  }
0x309: {  	v45 =	vshll.u32 v50, v1;
	v39 =	vmov s6;
	s6 =	sadd.s32 $0x7, s7;
	s7 =	sadd.s32 $0x8, s7;
	v52 =	vadd.s32 v12, v55;
	v50 =	vld [tilespmem:s14+$0xFFFFFFB0];
	[tilespmem:v60+s18+$0x0] =	vst.idx.msk $0xffff, v59  }
0x30a: {  	_ =	sdelay $0x2  }
0x30b: {  	v53 =	vshrl.u32 v53, $0x3  }
0x30c: {  	v55 =	vmov s6;
	v56 =	vld [tilespmem:s14+$0xFFFFFFF0];
	v35 =	vadd.s32 v16, v35;
	[tilespmem:v41+s18+$0x0] =	vst.idx.msk $0xffff, v40;
	v57 =	vshrl.u32 v54, $0x3  }
0x30d: {  	v59 =	vld [tilespmem:s14+$0x30];
	v34 =	vadd.s32 v20, v34;
	v60 =	vshrl.u32 v44, $0x3;
	v58 =	vshrl.u32 v55, $0x3;
	[tilespmem:v43+s18+$0x0] =	vst.idx.msk $0xffff, v42  }
0x30e: {  	v37 =	vadd.s32 v24, v37;
	v62 =	vshrl.u32 v47, $0x3;
	v61 =	vld [tilespmem:s14+$0x70];
	v41 =	vshll.u32 v58, v1;
	[tilespmem:v48+s18+$0x0] =	vst.idx.msk $0xffff, v46  }
0x30f: {  	v36 =	vadd.s32 v28, v36;
	v45 =	vbroadcast v45, $0x0;
	v63 =	vld [tilespmem:s14+$0xB0];
	v41 =	vbroadcast v41, $0x0;
	[tilespmem:v51+s18+$0x0] =	vst.idx.msk $0xffff, v49  }
0x310: {  	v33 =	vadd.s32 v4, v33;
	s7 =	sadd.s32 $0x200, s14;
	v38 =	vshrl.u32 v38, $0x3;
	v55 =	vshll.u32 v53, v1;
	v48 =	vld [tilespmem:s14+$0xFFFFFF30];
	[tilespmem:v52+s18+$0x0] =	vst.idx.msk $0xffff, v50  }
0x311: {  	v40 =	vshll.u32 v57, v1;
	v47 =	vbroadcast v55, $0x0;
	v49 =	vld [tilespmem:s7+$0xC0];
	v50 =	vadd.s32 v29, v41;
	[tilespmem:v35+s18+$0x0] =	vst.idx.msk $0xffff, v56  }
0x312: {  	v42 =	vshll.u32 v60, v1;
	v40 =	vbroadcast v40, $0x0;
	v35 =	vld [tilespmem:s7+$0xFFFFFF00];
	v56 =	vadd.s32 v0, v45;
	[tilespmem:v34+s18+$0x0] =	vst.idx.msk $0xffff, v59  }
0x313: {  	v57 =	vld [tilespmem:s7+$0xFFFFFF40];
	v44 =	vshll.u32 v62, v1;
	v42 =	vbroadcast v42, $0x0;
	v58 =	vadd.s32 v5, v47;
	[tilespmem:v37+s18+$0x0] =	vst.idx.msk $0xffff, v61  }
0x314: {  	v38 =	vshll.u32 v38, v1;
	v44 =	vbroadcast v44, $0x0;
	v60 =	vadd.s32 v9, v40;
	v59 =	vld [tilespmem:s7+$0xFFFFFF80];
	[tilespmem:v36+s18+$0x0] =	vst.idx.msk $0xffff, v63  }
0x315: {  	v38 =	vbroadcast v38, $0x0;
	v62 =	vadd.s32 v13, v42;
	v61 =	vld [tilespmem:s7+$0xFFFFFFC0];
	[tilespmem:v33+s18+$0x0] =	vst.idx.msk $0xffff, v48  }
0x316: {  	v39 =	vshrl.u32 v39, $0x3;
	v63 =	vadd.s32 v17, v44;
	v33 =	vld [tilespmem:s7+$0x0];
	[tilespmem:v50+s18+$0x0] =	vst.idx.msk $0xffff, v49  }
0x317: {  	v39 =	vshll.u32 v39, v1;
	v34 =	vld [tilespmem:s7+$0x40];
	[tilespmem:v56+s18+$0x0] =	vst.idx.msk $0xffff, v35;
	v56 =	vadd.s32 v21, v38  }
0x318: {  	[tilespmem:v58+s18+$0x0] =	vst.idx.msk $0xffff, v57;
	v35 =	vbroadcast v39, $0x0;
	v49 =	vadd.s32 v30, v41;
	v39 =	vld [tilespmem:s7+$0xD0]  }
0x319: {  	[tilespmem:v60+s18+$0x0] =	vst.idx.msk $0xffff, v59;
	v59 =	vld [tilespmem:s7+$0xFFFFFF50];
	v60 =	vadd.s32 v6, v47  }
0x31a: {  	v57 =	vld [tilespmem:s7+$0x80];
	[tilespmem:v62+s18+$0x0] =	vst.idx.msk $0xffff, v61;
	v58 =	vadd.s32 v25, v35  }
0x31b: {  	v61 =	vld [tilespmem:s7+$0xFFFFFF90];
	v62 =	vadd.s32 v10, v40;
	[tilespmem:v63+s18+$0x0] =	vst.idx.msk $0xffff, v33  }
0x31c: {  	v33 =	vld [tilespmem:s7+$0xFFFFFFD0];
	v63 =	vadd.s32 v14, v42;
	[tilespmem:v56+s18+$0x0] =	vst.idx.msk $0xffff, v34  }
0x31d: {  	v56 =	vadd.s32 v18, v44;
	[tilespmem:v49+s18+$0x0] =	vst.idx.msk $0xffff, v39;
	v49 =	vld [tilespmem:s7+$0x10]  }
0x31e: {  	[tilespmem:v60+s18+$0x0] =	vst.idx.msk $0xffff, v59;
	v39 =	vadd.s32 v31, v41;
	v34 =	vld [tilespmem:s7+$0xE0]  }
0x31f: {  	[tilespmem:v58+s18+$0x0] =	vst.idx.msk $0xffff, v57;
	v57 =	vld [tilespmem:s7+$0x50];
	v58 =	vadd.s32 v22, v38  }
0x320: {  	[tilespmem:v62+s18+$0x0] =	vst.idx.msk $0xffff, v61;
	v61 =	vld [tilespmem:s7+$0xFFFFFF10];
	v62 =	vadd.s32 v2, v45  }
0x321: {  	v60 =	vadd.s32 v26, v35;
	v59 =	vld [tilespmem:s7+$0x90];
	[tilespmem:v63+s18+$0x0] =	vst.idx.msk $0xffff, v33  }
0x322: {  	v55 =	vadd.s32 v11, v40;
	v54 =	vadd.s32 v32, v41;
	v41 =	vld [tilespmem:s7+$0xFFFFFFA0];
	[tilespmem:v56+s18+$0x0] =	vst.idx.msk $0xffff, v49  }
0x323: {  	v53 =	vadd.s32 v7, v47;
	v63 =	vld [tilespmem:s7+$0xFFFFFF60];
	[tilespmem:v39+s18+$0x0] =	vst.idx.msk $0xffff, v34  }
0x324: {  	v56 =	vld [tilespmem:s7+$0xFFFFFFE0];
	[tilespmem:v58+s18+$0x0] =	vst.idx.msk $0xffff, v57;
	v57 =	vadd.s32 v15, v42  }
0x325: {  	[tilespmem:v62+s18+$0x0] =	vst.idx.msk $0xffff, v61;
	v34 =	vld [tilespmem:s7+$0xF0]  }
0x326: {  	v58 =	vld [tilespmem:s7+$0x20];
	[tilespmem:v60+s18+$0x0] =	vst.idx.msk $0xffff, v59;
	v59 =	vadd.s32 v19, v44  }
0x327: {  	v61 =	vadd.s32 v23, v38;
	[tilespmem:v55+s18+$0x0] =	vst.idx.msk $0xffff, v41;
	v60 =	vld [tilespmem:s7+$0x60]  }
0x328: {  	[tilespmem:v53+s18+$0x0] =	vst.idx.msk $0xffff, v63;
	v63 =	vadd.s32 v27, v35;
	v62 =	vld [tilespmem:s7+$0xA0]  }
0x329: {  	v47 =	vadd.s32 v8, v47;
	v55 =	vld [tilespmem:s7+$0xFFFFFF70];
	[tilespmem:v57+s18+$0x0] =	vst.idx.msk $0xffff, v56  }
0x32a: {  	v53 =	vld [tilespmem:s7+$0xFFFFFF20];
	[tilespmem:v54+s18+$0x0] =	vst.idx.msk $0xffff, v34;
	v54 =	vadd.s32 v3, v45  }
0x32b: {  	v40 =	vadd.s32 v12, v40;
	v56 =	vld [tilespmem:s7+$0xFFFFFFB0];
	[tilespmem:v59+s18+$0x0] =	vst.idx.msk $0xffff, v58  }
0x32c: {  	v42 =	vadd.s32 v16, v42;
	v57 =	vld [tilespmem:s7+$0xFFFFFFF0];
	[tilespmem:v61+s18+$0x0] =	vst.idx.msk $0xffff, v60  }
0x32d: {  	v59 =	vadd.s32 v20, v44;
	v58 =	vld [tilespmem:s7+$0x30];
	[tilespmem:v63+s18+$0x0] =	vst.idx.msk $0xffff, v62  }
0x32e: {  	v38 =	vadd.s32 v24, v38;
	v60 =	vld [tilespmem:s7+$0x70];
	[tilespmem:v47+s18+$0x0] =	vst.idx.msk $0xffff, v55  }
0x32f: {  	v35 =	vadd.s32 v28, v35;
	v61 =	vld [tilespmem:s7+$0xB0];
	[tilespmem:v54+s18+$0x0] =	vst.idx.msk $0xffff, v53  }
0x330: {  	v63 =	vadd.s32 v4, v45;
	[tilespmem:v40+s18+$0x0] =	vst.idx.msk $0xffff, v56;
	v62 =	vld [tilespmem:s7+$0xFFFFFF30]  }
0x331: {  	[tilespmem:v42+s18+$0x0] =	vst.idx.msk $0xffff, v57  }
0x332: {  	[tilespmem:v59+s18+$0x0] =	vst.idx.msk $0xffff, v58  }
0x333: {  	[tilespmem:v38+s18+$0x0] =	vst.idx.msk $0xffff, v60  }
0x334: {  	[tilespmem:v35+s18+$0x0] =	vst.idx.msk $0xffff, v61  }
0x335: {  	s6 =	sadd.s32 @!p0 $0x600, s15;
	s8 =	simm.s32 @!p0 $0xE400;
	s7 =	simm.s32 @!p0 $0x80;
	[tilespmem:v63+s18+$0x0] =	vst.idx.msk $0xffff, v62  }
0x336: {  	[tilespmem:s8], [sflag:$0x5] =	stream.indirect.gather @!p0 [hbm4b:s5+s7], $0x40, s6, s7, $0xb8;
	[tilespmem:$0x1EC00] =	vst v63  }
0x337: {  	s10 =	rddreg [dreg:$0x7]  }
0x338: {  	s6 =	sadd.s32 s17, s10  }
0x339: {  	s14 =	sshll.u32 s6, $0x7  }
0x33a: {  	s6 =	sshll.u32 s6, $0xA;
	s7 =	sand.u32 $0x3D80, s14  }
0x33b: {  	s6 =	sand.u32 $0xFFE0000, s6;
	s7 =	sadd.s32 s2, s7  }
0x33c: {  	s10 =	sadd.s32 s6, s7;
	s7 =	simm.s32 $0x1CA00  }
0x33d: {  	[hbm4b:s10+s3] =	stream.linear.scatter [tilespmem:s7], [sflag:$0xC], $0x80, $0x38;
	[tilespmem:$0x1EC00] =	vst v63  }
0x33e: {  	s8 =	simm.s32 $0x1CA88;
	s7 =	sadd.s32 $0x10, s10  }
0x33f: {  	[hbm4b:s7+s3] =	stream.linear.scatter [tilespmem:s8], [sflag:$0xC], $0x80, $0x38;
	[tilespmem:$0x1EC00] =	vst v63  }
0x340: {  	s9 =	simm.s32 $0x1CB10;
	s14 =	sadd.s32 $0x20, s10  }
0x341: {  	[hbm4b:s14+s3] =	stream.linear.scatter [tilespmem:s9], [sflag:$0xC], $0x80, $0x38;
	[tilespmem:$0x1EC00] =	vst v63  }
0x342: {  	s7 =	simm.s32 $0x1CB98;
	s8 =	sadd.s32 $0x30, s10  }
0x343: {  	[hbm4b:s8+s3] =	stream.linear.scatter [tilespmem:s7], [sflag:$0xC], $0x80, $0x38;
	[tilespmem:$0x1EC00] =	vst v63  }
0x344: {  	s9 =	simm.s32 $0x1CC20;
	s14 =	sadd.s32 $0x40, s10  }
0x345: {  	[hbm4b:s14+s3] =	stream.linear.scatter [tilespmem:s9], [sflag:$0xC], $0x80, $0x38;
	[tilespmem:$0x1EC00] =	vst v63  }
0x346: {  	s6 =	simm.s32 $0x2200;
	s7 =	simm.s32 $0x1CCA8;
	s8 =	sadd.s32 $0x50, s10  }
0x347: {  	[hbm4b:s8+s3] =	stream.linear.scatter [tilespmem:s7], [sflag:$0xC], $0x80, $0x38;
	[tilespmem:$0x1EC00] =	vst v63  }
0x348: {  	s9 =	simm.s32 $0x1CD30;
	s14 =	sadd.s32 $0x60, s10;
	s7 =	simm.s32 $0x440  }
0x349: {  	[hbm4b:s14+s3] =	stream.linear.scatter [tilespmem:s9], [sflag:$0xC], $0x80, $0x38;
	[tilespmem:$0x1EC00] =	vst v63  }
0x34a: {  	s8 =	simm.s32 $0x1CDB8;
	s9 =	sadd.s32 $0x70, s10;
	s14 =	sadd.s32 $0x4000, s10  }
.LBB2_25:
0x34b: {  	[hbm4b:s9+s3] =	stream.linear.scatter [tilespmem:s8], [sflag:$0xC], $0x80, $0x38;
	[tilespmem:$0x1EC00] =	vst v63  }
0x34c: {  	s8 =	smov.u32 s7;
	s7 =	smov.u32 s6  }
0x34d: {  	s10 =	sadd.s32 $0x1100, s6;
	s7 =	sshra.s32 s7, $0x2;
	s9 =	sadd.s32 $0x1CA00, s8  }
0x34e: {  	[hbm4b:s14+s3] =	stream.linear.scatter [tilespmem:s9], [sflag:$0xC], $0x80, $0x38;
	[tilespmem:$0x1EC00] =	vst v63  }
0x34f: {  	p1 =	sne.s32 s6, $0x7700;
	s6 =	sadd.s32 $0x1CA88, s8;
	s9 =	sadd.s32 $0x10, s14  }
0x350: {  	[hbm4b:s9+s3] =	stream.linear.scatter [tilespmem:s6], [sflag:$0xC], $0x80, $0x38;
	[tilespmem:$0x1EC00] =	vst v63  }
0x351: {  	s6 =	sadd.s32 $0x1CB10, s8;
	s9 =	sadd.s32 $0x20, s14  }
0x352: {  	[hbm4b:s9+s3] =	stream.linear.scatter [tilespmem:s6], [sflag:$0xC], $0x80, $0x38;
	[tilespmem:$0x1EC00] =	vst v63  }
0x353: {  	s6 =	sadd.s32 $0x1CB98, s8;
	s9 =	sadd.s32 $0x30, s14  }
0x354: {  	[hbm4b:s9+s3] =	stream.linear.scatter [tilespmem:s6], [sflag:$0xC], $0x80, $0x38;
	[tilespmem:$0x1EC00] =	vst v63  }
0x355: {  	s6 =	sadd.s32 $0x1CC20, s8;
	s9 =	sadd.s32 $0x40, s14  }
0x356: {  	[hbm4b:s9+s3] =	stream.linear.scatter [tilespmem:s6], [sflag:$0xC], $0x80, $0x38;
	[tilespmem:$0x1EC00] =	vst v63  }
.Ltmp12:
0x357: {  	s6 =	sadd.s32 $0x1CCA8, s8;
	s9 =	sadd.s32 $0x50, s14;
	(pc) =	sbr.rel @p1 .LBB2_25-.Ltmp12, $4  }
0x358: {  	[hbm4b:s9+s3] =	stream.linear.scatter [tilespmem:s6], [sflag:$0xC], $0x80, $0x38;
	[tilespmem:$0x1EC00] =	vst v63  }
0x359: {  	s6 =	sadd.s32 $0x1CD30, s8;
	s9 =	sadd.s32 $0x60, s14;
	s8 =	sadd.s32 $0x1CDB8, s8  }
0x35a: {  	[hbm4b:s9+s3] =	stream.linear.scatter [tilespmem:s6], [sflag:$0xC], $0x80, $0x38;
	[tilespmem:$0x1EC00] =	vst v63  }
0x35b: {  	s9 =	sadd.s32 $0x70, s14;
	s14 =	sadd.s32 $0x4000, s14;
	s6 =	smov.u32 s10  }
0x35c: {  	[hbm4b:s9+s3] =	stream.linear.scatter [tilespmem:s8], [sflag:$0xC], $0x80, $0x38;
	[tilespmem:$0x1EC00] =	vst v63  }
0x35d: {  	s6 =	sadd.s32 $0x1CA00, s7  }
0x35e: {  	[hbm4b:s14+s3] =	stream.linear.scatter [tilespmem:s6], [sflag:$0xC], $0x80, $0x38;
	[tilespmem:$0x1EC00] =	vst v63  }
0x35f: {  	s9 =	sadd.s32 $0x1CA88, s7;
	s10 =	sadd.s32 $0x10, s14  }
0x360: {  	[hbm4b:s10+s3] =	stream.linear.scatter [tilespmem:s9], [sflag:$0xC], $0x80, $0x38;
	[tilespmem:$0x1EC00] =	vst v63  }
0x361: {  	s9 =	sadd.s32 $0x1CB10, s7;
	s10 =	sadd.s32 $0x20, s14  }
0x362: {  	[hbm4b:s10+s3] =	stream.linear.scatter [tilespmem:s9], [sflag:$0xC], $0x80, $0x38;
	[tilespmem:$0x1EC00] =	vst v63  }
0x363: {  	s9 =	sadd.s32 $0x1CB98, s7;
	s10 =	sadd.s32 $0x30, s14  }
0x364: {  	[hbm4b:s10+s3] =	stream.linear.scatter [tilespmem:s9], [sflag:$0xC], $0x80, $0x38;
	[tilespmem:$0x1EC00] =	vst v63  }
0x365: {  	s9 =	sadd.s32 $0x1CC20, s7;
	s10 =	sadd.s32 $0x40, s14  }
0x366: {  	[hbm4b:s10+s3] =	stream.linear.scatter [tilespmem:s9], [sflag:$0xC], $0x80, $0x38;
	[tilespmem:$0x1EC00] =	vst v63  }
0x367: {  	s9 =	sadd.s32 $0x1CCA8, s7;
	s10 =	sadd.s32 $0x50, s14  }
0x368: {  	[hbm4b:s10+s3] =	stream.linear.scatter [tilespmem:s9], [sflag:$0xC], $0x80, $0x38;
	[tilespmem:$0x1EC00] =	vst v63  }
0x369: {  	s8 =	sadd.s32 $0x1CD30, s7;
	s9 =	sadd.s32 $0x60, s14  }
0x36a: {  	[hbm4b:s9+s3] =	stream.linear.scatter [tilespmem:s8], [sflag:$0xC], $0x80, $0x38;
	[tilespmem:$0x1EC00] =	vst v63  }
0x36b: {  	s10 =	sadd.s32 $0x1CDB8, s7;
	s8 =	simm.s32 $0x0;
	s9 =	simm.s32 $0x1  }
0x36c: {  	s14 =	sadd.s32 $0x70, s14;
	v33 =	vmov s8;
	v34 =	vmov s9;
	s8 =	simm.s32 $0x4;
	s9 =	simm.s32 $0x7  }
0x36d: {  	[hbm4b:s14+s3] =	stream.linear.scatter [tilespmem:s10], [sflag:$0xC], $0x80, $0x38;
	v33 =	vshrl.u32 v33, $0x3;
	[tilespmem:$0x1EC00] =	vst v63  }
0x36e: {  	s10 =	simm.s32 $0x2;
	s14 =	simm.s32 $0x3;
	v37 =	vmov s8;
	v38 =	vmov s9;
	v34 =	vshrl.u32 v34, $0x3;
	_ =	swait.ge [sflag:s26], $0x2000  }
0x36f: {  	v35 =	vmov s10;
	v36 =	vmov s14;
	v33 =	vshll.u32 v33, v1;
	[sflag:s26] =	ssyncset.done $0x0  }
0x370: {  	s10 =	simm.s32 $0x5;
	s14 =	simm.s32 $0x6;
	v38 =	vshrl.u32 v38, $0x3;
	v37 =	vshrl.u32 v37, $0x3;
	v34 =	vshll.u32 v34, v1;
	[sflag:s26] =	ssyncadd.s32 $0xFFFFE000  }
0x371: {  	v39 =	vmov s10;
	v40 =	vmov s14;
	v38 =	vshll.u32 v38, v1;
	_ =	swait.ge [sflag:s28], $0x2000  }
0x372: {  	v35 =	vshrl.u32 v35, $0x3;
	v36 =	vshrl.u32 v36, $0x3;
	v38 =	vbroadcast v38, $0x0;
	[sflag:s28] =	ssyncset.done $0x0  }
0x373: {  	s14 =	simm.s32 $0x10500;
	v33 =	vbroadcast v33, $0x0;
	v45 =	vbroadcast v34, $0x0;
	v54 =	vshll.u32 v37, v1;
	[sflag:s28] =	ssyncadd.s32 $0xFFFFE000  }
0x374: {  	v52 =	vshll.u32 v35, v1;
	v53 =	vshll.u32 v36, v1;
	v42 =	vadd.s32 v29, v38;
	v41 =	vld [tilespmem:s14+$0xC0]  }
0x375: {  	v34 =	vbroadcast v54, $0x0;
	v44 =	vadd.s32 v0, v33;
	v52 =	vbroadcast v52, $0x0;
	v43 =	vld [tilespmem:s14+$0xFFFFFF00]  }
0x376: {  	v55 =	vshrl.u32 v39, $0x3;
	v47 =	vadd.s32 v5, v45;
	v35 =	vbroadcast v53, $0x0;
	v46 =	vld [tilespmem:s14+$0xFFFFFF40]  }
0x377: {  	v40 =	vshrl.u32 v40, $0x3;
	v36 =	vshll.u32 v55, v1;
	v49 =	vadd.s32 v9, v52;
	v48 =	vld [tilespmem:s14+$0xFFFFFF80]  }
0x378: {  	v56 =	vshll.u32 v40, v1;
	v37 =	vbroadcast v36, $0x0;
	v50 =	vadd.s32 v13, v35;
	v39 =	vld [tilespmem:s14+$0xFFFFFFC0]  }
0x379: {  	v53 =	vadd.s32 v17, v34;
	v36 =	vbroadcast v56, $0x0;
	v51 =	vld [tilespmem:s14+$0x0];
	[tilespmem:v42+s19+$0x0] =	vst.idx.msk $0xffff, v41  }
0x37a: {  	v59 =	vld [tilespmem:s14+$0x40];
	v60 =	vadd.s32 v21, v37;
	[tilespmem:v44+s19+$0x0] =	vst.idx.msk $0xffff, v43  }
0x37b: {  	v61 =	vld [tilespmem:s14+$0x80];
	v62 =	vadd.s32 v25, v36;
	[tilespmem:v47+s19+$0x0] =	vst.idx.msk $0xffff, v46  }
0x37c: {  	v58 =	vadd.s32 v30, v38;
	[tilespmem:v49+s19+$0x0] =	vst.idx.msk $0xffff, v48;
	v57 =	vld [tilespmem:s14+$0xD0]  }
0x37d: {  	v63 =	vadd.s32 v6, v45;
	[tilespmem:v50+s19+$0x0] =	vst.idx.msk $0xffff, v39;
	v47 =	vld [tilespmem:s14+$0xFFFFFF50]  }
0x37e: {  	v55 =	vadd.s32 v10, v52;
	[tilespmem:v53+s19+$0x0] =	vst.idx.msk $0xffff, v51;
	v54 =	vld [tilespmem:s14+$0xFFFFFF90]  }
0x37f: {  	v56 =	vadd.s32 v14, v35;
	[tilespmem:v60+s19+$0x0] =	vst.idx.msk $0xffff, v59;
	v50 =	vld [tilespmem:s14+$0xFFFFFFD0]  }
0x380: {  	[tilespmem:v62+s19+$0x0] =	vst.idx.msk $0xffff, v61;
	v46 =	vadd.s32 v22, v37;
	v44 =	vld [tilespmem:s14+$0x50]  }
0x381: {  	v59 =	vadd.s32 v18, v34;
	[tilespmem:v58+s19+$0x0] =	vst.idx.msk $0xffff, v57;
	v58 =	vld [tilespmem:s14+$0x10]  }
0x382: {  	v57 =	vadd.s32 v31, v38;
	[tilespmem:v63+s19+$0x0] =	vst.idx.msk $0xffff, v47;
	v40 =	vld [tilespmem:s14+$0xE0]  }
0x383: {  	v62 =	vadd.s32 v2, v33;
	v61 =	vld [tilespmem:s14+$0xFFFFFF10];
	[tilespmem:v55+s19+$0x0] =	vst.idx.msk $0xffff, v54  }
0x384: {  	v60 =	vadd.s32 v26, v36;
	v63 =	vld [tilespmem:s14+$0x90];
	[tilespmem:v56+s19+$0x0] =	vst.idx.msk $0xffff, v50  }
0x385: {  	v51 =	vadd.s32 v7, v45;
	[tilespmem:v46+s19+$0x0] =	vst.idx.msk $0xffff, v44;
	v50 =	vld [tilespmem:s14+$0xFFFFFF60]  }
0x386: {  	v56 =	vadd.s32 v11, v52;
	v55 =	vld [tilespmem:s14+$0xFFFFFFA0];
	[tilespmem:v59+s19+$0x0] =	vst.idx.msk $0xffff, v58  }
0x387: {  	v58 =	vadd.s32 v15, v35;
	[tilespmem:v57+s19+$0x0] =	vst.idx.msk $0xffff, v40;
	v57 =	vld [tilespmem:s14+$0xFFFFFFE0]  }
0x388: {  	v38 =	vadd.s32 v32, v38;
	[tilespmem:v62+s19+$0x0] =	vst.idx.msk $0xffff, v61;
	v54 =	vld [tilespmem:s14+$0xF0]  }
0x389: {  	s8 =	simm.s32 $0x9;
	[tilespmem:v60+s19+$0x0] =	vst.idx.msk $0xffff, v63;
	v60 =	vadd.s32 v19, v34;
	v59 =	vld [tilespmem:s14+$0x20]  }
0x38a: {  	s10 =	simm.s32 $0xB;
	v41 =	vadd.s32 v23, v37;
	v53 =	vmov s8;
	[tilespmem:v51+s19+$0x0] =	vst.idx.msk $0xffff, v50;
	v40 =	vld [tilespmem:s14+$0x60]  }
0x38b: {  	s7 =	simm.s32 $0x8;
	v43 =	vadd.s32 v27, v36;
	s8 =	simm.s32 $0xC;
	v48 =	vadd.s32 v3, v33;
	v44 =	vmov s10;
	v42 =	vld [tilespmem:s14+$0xA0];
	[tilespmem:v56+s19+$0x0] =	vst.idx.msk $0xffff, v55  }
0x38c: {  	s9 =	simm.s32 $0xA;
	v47 =	vmov s8;
	v52 =	vadd.s32 v12, v52;
	v46 =	vld [tilespmem:s14+$0xFFFFFF20];
	v63 =	vmov s7;
	[tilespmem:v58+s19+$0x0] =	vst.idx.msk $0xffff, v57  }
0x38d: {  	s10 =	simm.s32 $0xE;
	v39 =	vshrl.u32 v63, $0x3;
	v51 =	vadd.s32 v8, v45;
	v49 =	vld [tilespmem:s14+$0xFFFFFF70];
	[tilespmem:v38+s19+$0x0] =	vst.idx.msk $0xffff, v54;
	v54 =	vmov s9;
	s9 =	simm.s32 $0xD  }
0x38e: {  	s6 =	simm.s32 $0xF;
	s7 =	simm.s32 $0x10;
	v45 =	vshll.u32 v39, v1;
	v39 =	vmov s10;
	v50 =	vld [tilespmem:s14+$0xFFFFFFB0];
	[tilespmem:v60+s19+$0x0] =	vst.idx.msk $0xffff, v59;
	v38 =	vmov s9  }
.LBB2_27:
0x38f: {  	p1 =	slt.u32 s7, $0x78;
	v53 =	vshrl.u32 v53, $0x3;
	v55 =	vmov s6;
	v56 =	vld [tilespmem:s14+$0xFFFFFFF0];
	v35 =	vadd.s32 v16, v35;
	[tilespmem:v41+s19+$0x0] =	vst.idx.msk $0xffff, v40  }
0x390: {  	v40 =	vshrl.u32 v54, $0x3;
	v34 =	vadd.s32 v20, v34;
	v41 =	vshrl.u32 v55, $0x3;
	v54 =	vld [tilespmem:s14+$0x30];
	[tilespmem:v43+s19+$0x0] =	vst.idx.msk $0xffff, v42  }
0x391: {  	v37 =	vadd.s32 v24, v37;
	v42 =	vshrl.u32 v44, $0x3;
	v41 =	vshll.u32 v41, v1;
	[tilespmem:v48+s19+$0x0] =	vst.idx.msk $0xffff, v46;
	v43 =	vld [tilespmem:s14+$0x70]  }
0x392: {  	v36 =	vadd.s32 v28, v36;
	v44 =	vshrl.u32 v47, $0x3;
	v41 =	vbroadcast v41, $0x0;
	[tilespmem:v51+s19+$0x0] =	vst.idx.msk $0xffff, v49;
	v46 =	vld [tilespmem:s14+$0xB0]  }
0x393: {  	v47 =	vshll.u32 v53, v1;
	v49 =	vadd.s32 v4, v33;
	v33 =	vbroadcast v45, $0x0;
	v48 =	vld [tilespmem:s14+$0xFFFFFF30];
	[tilespmem:v52+s19+$0x0] =	vst.idx.msk $0xffff, v50;
	s14 =	sadd.s32 $0x200, s14  }
0x394: {  	v40 =	vshll.u32 v40, v1;
	v45 =	vbroadcast v47, $0x0;
	v47 =	vld [tilespmem:s14+$0xC0];
	v50 =	vadd.s32 v29, v41;
	[tilespmem:v35+s19+$0x0] =	vst.idx.msk $0xffff, v56  }
0x395: {  	v55 =	vbroadcast v40, $0x0;
	v52 =	vadd.s32 v0, v33;
	v35 =	vshll.u32 v42, v1;
	v51 =	vld [tilespmem:s14+$0xFFFFFF00];
	[tilespmem:v34+s19+$0x0] =	vst.idx.msk $0xffff, v54  }
0x396: {  	v42 =	vadd.s32 v5, v45;
	v35 =	vbroadcast v35, $0x0;
	v34 =	vshll.u32 v44, v1;
	v40 =	vld [tilespmem:s14+$0xFFFFFF40];
	[tilespmem:v37+s19+$0x0] =	vst.idx.msk $0xffff, v43  }
0x397: {  	v44 =	vadd.s32 v9, v55;
	v34 =	vbroadcast v34, $0x0;
	v37 =	vshrl.u32 v38, $0x3;
	v43 =	vld [tilespmem:s14+$0xFFFFFF80];
	[tilespmem:v36+s19+$0x0] =	vst.idx.msk $0xffff, v46  }
0x398: {  	v39 =	vshrl.u32 v39, $0x3;
	v46 =	vadd.s32 v13, v35;
	v36 =	vshll.u32 v37, v1;
	v38 =	vld [tilespmem:s14+$0xFFFFFFC0];
	[tilespmem:v49+s19+$0x0] =	vst.idx.msk $0xffff, v48  }
0x399: {  	v49 =	vadd.s32 v17, v34;
	v37 =	vbroadcast v36, $0x0;
	v36 =	vshll.u32 v39, v1;
	v48 =	vld [tilespmem:s14+$0x0];
	[tilespmem:v50+s19+$0x0] =	vst.idx.msk $0xffff, v47  }
0x39a: {  	v36 =	vbroadcast v36, $0x0;
	v47 =	vadd.s32 v30, v41;
	[tilespmem:v52+s19+$0x0] =	vst.idx.msk $0xffff, v51;
	v39 =	vld [tilespmem:s14+$0xD0]  }
0x39b: {  	[tilespmem:v42+s19+$0x0] =	vst.idx.msk $0xffff, v40;
	v40 =	vld [tilespmem:s14+$0x40];
	v42 =	vadd.s32 v21, v37  }
0x39c: {  	[tilespmem:v44+s19+$0x0] =	vst.idx.msk $0xffff, v43;
	v43 =	vld [tilespmem:s14+$0x80];
	v44 =	vadd.s32 v25, v36  }
0x39d: {  	v51 =	vadd.s32 v6, v45;
	v50 =	vld [tilespmem:s14+$0xFFFFFF50];
	[tilespmem:v46+s19+$0x0] =	vst.idx.msk $0xffff, v38  }
0x39e: {  	v46 =	vadd.s32 v10, v55;
	v38 =	vld [tilespmem:s14+$0xFFFFFF90];
	[tilespmem:v49+s19+$0x0] =	vst.idx.msk $0xffff, v48  }
0x39f: {  	v49 =	vadd.s32 v14, v35;
	v48 =	vld [tilespmem:s14+$0xFFFFFFD0];
	[tilespmem:v47+s19+$0x0] =	vst.idx.msk $0xffff, v39  }
0x3a0: {  	[tilespmem:v42+s19+$0x0] =	vst.idx.msk $0xffff, v40;
	v39 =	vld [tilespmem:s14+$0xE0];
	v40 =	vadd.s32 v31, v41  }
0x3a1: {  	v47 =	vadd.s32 v18, v34;
	v42 =	vld [tilespmem:s14+$0x10];
	[tilespmem:v44+s19+$0x0] =	vst.idx.msk $0xffff, v43  }
0x3a2: {  	v44 =	vadd.s32 v22, v37;
	[tilespmem:v51+s19+$0x0] =	vst.idx.msk $0xffff, v50;
	v43 =	vld [tilespmem:s14+$0x50]  }
0x3a3: {  	[tilespmem:v46+s19+$0x0] =	vst.idx.msk $0xffff, v38;
	v38 =	vld [tilespmem:s14+$0x90];
	v46 =	vadd.s32 v26, v36  }
0x3a4: {  	v51 =	vadd.s32 v2, v33;
	v50 =	vld [tilespmem:s14+$0xFFFFFF10];
	[tilespmem:v49+s19+$0x0] =	vst.idx.msk $0xffff, v48  }
0x3a5: {  	v49 =	vadd.s32 v7, v45;
	v48 =	vld [tilespmem:s14+$0xFFFFFF60];
	[tilespmem:v40+s19+$0x0] =	vst.idx.msk $0xffff, v39  }
0x3a6: {  	[tilespmem:v47+s19+$0x0] =	vst.idx.msk $0xffff, v42;
	v39 =	vld [tilespmem:s14+$0xF0];
	v47 =	vadd.s32 v32, v41  }
0x3a7: {  	v56 =	vadd.s32 v11, v55;
	v52 =	vld [tilespmem:s14+$0xFFFFFFA0];
	[tilespmem:v44+s19+$0x0] =	vst.idx.msk $0xffff, v43  }
0x3a8: {  	v58 =	vadd.s32 v15, v35;
	v57 =	vld [tilespmem:s14+$0xFFFFFFE0];
	[tilespmem:v46+s19+$0x0] =	vst.idx.msk $0xffff, v38  }
0x3a9: {  	v60 =	vadd.s32 v19, v34;
	[tilespmem:v51+s19+$0x0] =	vst.idx.msk $0xffff, v50;
	v59 =	vld [tilespmem:s14+$0x20]  }
.Ltmp13:
0x3aa: {  	s6 =	sadd.s32 $0x1, s7;
	v41 =	vadd.s32 v23, v37;
	v38 =	vmov s7;
	[tilespmem:v49+s19+$0x0] =	vst.idx.msk $0xffff, v48;
	v40 =	vld [tilespmem:s14+$0x60];
	(pc) =	sbr.rel @p1 .LBB2_27-.Ltmp13, $4  }
0x3ab: {  	s8 =	sadd.s32 $0x3, s7;
	v53 =	vmov s6;
	s6 =	sadd.s32 $0x2, s7;
	v43 =	vadd.s32 v27, v36;
	v50 =	vshrl.u32 v38, $0x3;
	v42 =	vld [tilespmem:s14+$0xA0];
	[tilespmem:v47+s19+$0x0] =	vst.idx.msk $0xffff, v39  }
0x3ac: {  	v54 =	vmov s6;
	s6 =	sadd.s32 $0x4, s7;
	v44 =	vmov s8;
	s8 =	sadd.s32 $0x5, s7;
	v48 =	vadd.s32 v3, v33;
	v46 =	vld [tilespmem:s14+$0xFFFFFF20];
	[tilespmem:v56+s19+$0x0] =	vst.idx.msk $0xffff, v52  }
0x3ad: {  	v38 =	vmov s8;
	v51 =	vadd.s32 v8, v45;
	v47 =	vmov s6;
	s6 =	sadd.s32 $0x6, s7;
	v49 =	vld [tilespmem:s14+$0xFFFFFF70];
	[tilespmem:v58+s19+$0x0] =	vst.idx.msk $0xffff, v57  }
0x3ae: {  	v45 =	vshll.u32 v50, v1;
	v39 =	vmov s6;
	s6 =	sadd.s32 $0x7, s7;
	s7 =	sadd.s32 $0x8, s7;
	v52 =	vadd.s32 v12, v55;
	v50 =	vld [tilespmem:s14+$0xFFFFFFB0];
	[tilespmem:v60+s19+$0x0] =	vst.idx.msk $0xffff, v59  }
0x3af: {  	_ =	sdelay $0x2  }
0x3b0: {  	v53 =	vshrl.u32 v53, $0x3  }
0x3b1: {  	v55 =	vmov s6;
	v56 =	vld [tilespmem:s14+$0xFFFFFFF0];
	v35 =	vadd.s32 v16, v35;
	[tilespmem:v41+s19+$0x0] =	vst.idx.msk $0xffff, v40;
	v57 =	vshrl.u32 v54, $0x3  }
0x3b2: {  	v59 =	vld [tilespmem:s14+$0x30];
	v34 =	vadd.s32 v20, v34;
	v60 =	vshrl.u32 v44, $0x3;
	v58 =	vshrl.u32 v55, $0x3;
	[tilespmem:v43+s19+$0x0] =	vst.idx.msk $0xffff, v42  }
0x3b3: {  	v37 =	vadd.s32 v24, v37;
	v62 =	vshrl.u32 v47, $0x3;
	v61 =	vld [tilespmem:s14+$0x70];
	v41 =	vshll.u32 v58, v1;
	[tilespmem:v48+s19+$0x0] =	vst.idx.msk $0xffff, v46  }
0x3b4: {  	v36 =	vadd.s32 v28, v36;
	v45 =	vbroadcast v45, $0x0;
	v63 =	vld [tilespmem:s14+$0xB0];
	v41 =	vbroadcast v41, $0x0;
	[tilespmem:v51+s19+$0x0] =	vst.idx.msk $0xffff, v49  }
0x3b5: {  	v33 =	vadd.s32 v4, v33;
	s7 =	sadd.s32 $0x200, s14;
	v38 =	vshrl.u32 v38, $0x3;
	v55 =	vshll.u32 v53, v1;
	v48 =	vld [tilespmem:s14+$0xFFFFFF30];
	[tilespmem:v52+s19+$0x0] =	vst.idx.msk $0xffff, v50  }
0x3b6: {  	v40 =	vshll.u32 v57, v1;
	v47 =	vbroadcast v55, $0x0;
	v49 =	vld [tilespmem:s7+$0xC0];
	v50 =	vadd.s32 v29, v41;
	[tilespmem:v35+s19+$0x0] =	vst.idx.msk $0xffff, v56  }
0x3b7: {  	v42 =	vshll.u32 v60, v1;
	v40 =	vbroadcast v40, $0x0;
	v35 =	vld [tilespmem:s7+$0xFFFFFF00];
	v56 =	vadd.s32 v0, v45;
	[tilespmem:v34+s19+$0x0] =	vst.idx.msk $0xffff, v59  }
0x3b8: {  	v57 =	vld [tilespmem:s7+$0xFFFFFF40];
	v44 =	vshll.u32 v62, v1;
	v42 =	vbroadcast v42, $0x0;
	v58 =	vadd.s32 v5, v47;
	[tilespmem:v37+s19+$0x0] =	vst.idx.msk $0xffff, v61  }
0x3b9: {  	v38 =	vshll.u32 v38, v1;
	v44 =	vbroadcast v44, $0x0;
	v60 =	vadd.s32 v9, v40;
	v59 =	vld [tilespmem:s7+$0xFFFFFF80];
	[tilespmem:v36+s19+$0x0] =	vst.idx.msk $0xffff, v63  }
0x3ba: {  	v38 =	vbroadcast v38, $0x0;
	v62 =	vadd.s32 v13, v42;
	v61 =	vld [tilespmem:s7+$0xFFFFFFC0];
	[tilespmem:v33+s19+$0x0] =	vst.idx.msk $0xffff, v48  }
0x3bb: {  	v39 =	vshrl.u32 v39, $0x3;
	v63 =	vadd.s32 v17, v44;
	v33 =	vld [tilespmem:s7+$0x0];
	[tilespmem:v50+s19+$0x0] =	vst.idx.msk $0xffff, v49  }
0x3bc: {  	v39 =	vshll.u32 v39, v1;
	v34 =	vld [tilespmem:s7+$0x40];
	[tilespmem:v56+s19+$0x0] =	vst.idx.msk $0xffff, v35;
	v56 =	vadd.s32 v21, v38  }
0x3bd: {  	[tilespmem:v58+s19+$0x0] =	vst.idx.msk $0xffff, v57;
	v35 =	vbroadcast v39, $0x0;
	v49 =	vadd.s32 v30, v41;
	v39 =	vld [tilespmem:s7+$0xD0]  }
0x3be: {  	[tilespmem:v60+s19+$0x0] =	vst.idx.msk $0xffff, v59;
	v59 =	vld [tilespmem:s7+$0xFFFFFF50];
	v60 =	vadd.s32 v6, v47  }
0x3bf: {  	v57 =	vld [tilespmem:s7+$0x80];
	[tilespmem:v62+s19+$0x0] =	vst.idx.msk $0xffff, v61;
	v58 =	vadd.s32 v25, v35  }
0x3c0: {  	v61 =	vld [tilespmem:s7+$0xFFFFFF90];
	v62 =	vadd.s32 v10, v40;
	[tilespmem:v63+s19+$0x0] =	vst.idx.msk $0xffff, v33  }
0x3c1: {  	v33 =	vld [tilespmem:s7+$0xFFFFFFD0];
	v63 =	vadd.s32 v14, v42;
	[tilespmem:v56+s19+$0x0] =	vst.idx.msk $0xffff, v34  }
0x3c2: {  	v56 =	vadd.s32 v18, v44;
	[tilespmem:v49+s19+$0x0] =	vst.idx.msk $0xffff, v39;
	v49 =	vld [tilespmem:s7+$0x10]  }
0x3c3: {  	[tilespmem:v60+s19+$0x0] =	vst.idx.msk $0xffff, v59;
	v39 =	vadd.s32 v31, v41;
	v34 =	vld [tilespmem:s7+$0xE0]  }
0x3c4: {  	[tilespmem:v58+s19+$0x0] =	vst.idx.msk $0xffff, v57;
	v57 =	vld [tilespmem:s7+$0x50];
	v58 =	vadd.s32 v22, v38  }
0x3c5: {  	[tilespmem:v62+s19+$0x0] =	vst.idx.msk $0xffff, v61;
	v61 =	vld [tilespmem:s7+$0xFFFFFF10];
	v62 =	vadd.s32 v2, v45  }
0x3c6: {  	v60 =	vadd.s32 v26, v35;
	v59 =	vld [tilespmem:s7+$0x90];
	[tilespmem:v63+s19+$0x0] =	vst.idx.msk $0xffff, v33  }
0x3c7: {  	v55 =	vadd.s32 v11, v40;
	v54 =	vadd.s32 v32, v41;
	v41 =	vld [tilespmem:s7+$0xFFFFFFA0];
	[tilespmem:v56+s19+$0x0] =	vst.idx.msk $0xffff, v49  }
0x3c8: {  	v53 =	vadd.s32 v7, v47;
	v63 =	vld [tilespmem:s7+$0xFFFFFF60];
	[tilespmem:v39+s19+$0x0] =	vst.idx.msk $0xffff, v34  }
0x3c9: {  	v56 =	vld [tilespmem:s7+$0xFFFFFFE0];
	[tilespmem:v58+s19+$0x0] =	vst.idx.msk $0xffff, v57;
	v57 =	vadd.s32 v15, v42  }
0x3ca: {  	[tilespmem:v62+s19+$0x0] =	vst.idx.msk $0xffff, v61;
	v34 =	vld [tilespmem:s7+$0xF0]  }
0x3cb: {  	v58 =	vld [tilespmem:s7+$0x20];
	[tilespmem:v60+s19+$0x0] =	vst.idx.msk $0xffff, v59;
	v59 =	vadd.s32 v19, v44  }
0x3cc: {  	v61 =	vadd.s32 v23, v38;
	[tilespmem:v55+s19+$0x0] =	vst.idx.msk $0xffff, v41;
	v60 =	vld [tilespmem:s7+$0x60]  }
0x3cd: {  	[tilespmem:v53+s19+$0x0] =	vst.idx.msk $0xffff, v63;
	v63 =	vadd.s32 v27, v35;
	v62 =	vld [tilespmem:s7+$0xA0]  }
0x3ce: {  	v47 =	vadd.s32 v8, v47;
	v55 =	vld [tilespmem:s7+$0xFFFFFF70];
	[tilespmem:v57+s19+$0x0] =	vst.idx.msk $0xffff, v56  }
0x3cf: {  	v53 =	vld [tilespmem:s7+$0xFFFFFF20];
	[tilespmem:v54+s19+$0x0] =	vst.idx.msk $0xffff, v34;
	v54 =	vadd.s32 v3, v45  }
0x3d0: {  	v40 =	vadd.s32 v12, v40;
	v56 =	vld [tilespmem:s7+$0xFFFFFFB0];
	[tilespmem:v59+s19+$0x0] =	vst.idx.msk $0xffff, v58  }
0x3d1: {  	v42 =	vadd.s32 v16, v42;
	v57 =	vld [tilespmem:s7+$0xFFFFFFF0];
	[tilespmem:v61+s19+$0x0] =	vst.idx.msk $0xffff, v60  }
0x3d2: {  	v59 =	vadd.s32 v20, v44;
	v58 =	vld [tilespmem:s7+$0x30];
	[tilespmem:v63+s19+$0x0] =	vst.idx.msk $0xffff, v62  }
0x3d3: {  	v38 =	vadd.s32 v24, v38;
	v60 =	vld [tilespmem:s7+$0x70];
	[tilespmem:v47+s19+$0x0] =	vst.idx.msk $0xffff, v55  }
0x3d4: {  	v35 =	vadd.s32 v28, v35;
	v61 =	vld [tilespmem:s7+$0xB0];
	[tilespmem:v54+s19+$0x0] =	vst.idx.msk $0xffff, v53  }
0x3d5: {  	v63 =	vadd.s32 v4, v45;
	[tilespmem:v40+s19+$0x0] =	vst.idx.msk $0xffff, v56;
	v62 =	vld [tilespmem:s7+$0xFFFFFF30]  }
0x3d6: {  	[tilespmem:v42+s19+$0x0] =	vst.idx.msk $0xffff, v57  }
0x3d7: {  	[tilespmem:v59+s19+$0x0] =	vst.idx.msk $0xffff, v58  }
0x3d8: {  	[tilespmem:v38+s19+$0x0] =	vst.idx.msk $0xffff, v60  }
0x3d9: {  	s6 =	sadd.s32 @!p0 $0x680, s15;
	s10 =	sadd.s32 s17, s11;
	[tilespmem:v35+s19+$0x0] =	vst.idx.msk $0xffff, v61  }
0x3da: {  	s8 =	simm.s32 @!p0 $0x10400;
	s14 =	sshll.u32 s10, $0x7;
	s7 =	simm.s32 @!p0 $0x80;
	[tilespmem:v63+s19+$0x0] =	vst.idx.msk $0xffff, v62  }
0x3db: {  	[tilespmem:s8], [sflag:$0x6] =	stream.indirect.gather @!p0 [hbm4b:s5+s7], $0x40, s6, s7, $0xb8;
	[tilespmem:$0x1EC00] =	vst v63  }
0x3dc: {  	s6 =	sshll.u32 s10, $0xA;
	s7 =	sand.u32 $0x3E00, s14  }
0x3dd: {  	s6 =	sand.u32 $0xFFE0000, s6;
	s7 =	sadd.s32 s2, s7  }
0x3de: {  	s10 =	sadd.s32 s6, s7;
	s7 =	simm.s32 $0x16400  }
0x3df: {  	[hbm4b:s10+s3] =	stream.linear.scatter [tilespmem:s7], [sflag:$0x9], $0x80, $0x38;
	[tilespmem:$0x1EC00] =	vst v63  }
0x3e0: {  	s8 =	simm.s32 $0x16488;
	s7 =	sadd.s32 $0x10, s10  }
0x3e1: {  	[hbm4b:s7+s3] =	stream.linear.scatter [tilespmem:s8], [sflag:$0x9], $0x80, $0x38;
	[tilespmem:$0x1EC00] =	vst v63  }
0x3e2: {  	s9 =	simm.s32 $0x16510;
	s14 =	sadd.s32 $0x20, s10  }
0x3e3: {  	[hbm4b:s14+s3] =	stream.linear.scatter [tilespmem:s9], [sflag:$0x9], $0x80, $0x38;
	[tilespmem:$0x1EC00] =	vst v63  }
0x3e4: {  	s7 =	simm.s32 $0x16598;
	s8 =	sadd.s32 $0x30, s10  }
0x3e5: {  	[hbm4b:s8+s3] =	stream.linear.scatter [tilespmem:s7], [sflag:$0x9], $0x80, $0x38;
	[tilespmem:$0x1EC00] =	vst v63  }
0x3e6: {  	s9 =	simm.s32 $0x16620;
	s14 =	sadd.s32 $0x40, s10  }
0x3e7: {  	[hbm4b:s14+s3] =	stream.linear.scatter [tilespmem:s9], [sflag:$0x9], $0x80, $0x38;
	[tilespmem:$0x1EC00] =	vst v63  }
0x3e8: {  	s6 =	simm.s32 $0x2200;
	s7 =	simm.s32 $0x166A8;
	s8 =	sadd.s32 $0x50, s10  }
0x3e9: {  	[hbm4b:s8+s3] =	stream.linear.scatter [tilespmem:s7], [sflag:$0x9], $0x80, $0x38;
	[tilespmem:$0x1EC00] =	vst v63  }
0x3ea: {  	s9 =	simm.s32 $0x16730;
	s14 =	sadd.s32 $0x60, s10;
	s7 =	simm.s32 $0x440  }
0x3eb: {  	[hbm4b:s14+s3] =	stream.linear.scatter [tilespmem:s9], [sflag:$0x9], $0x80, $0x38;
	[tilespmem:$0x1EC00] =	vst v63  }
0x3ec: {  	s8 =	simm.s32 $0x167B8;
	s9 =	sadd.s32 $0x70, s10;
	s14 =	sadd.s32 $0x4000, s10  }
.LBB2_29:
0x3ed: {  	[hbm4b:s9+s3] =	stream.linear.scatter [tilespmem:s8], [sflag:$0x9], $0x80, $0x38;
	[tilespmem:$0x1EC00] =	vst v63  }
0x3ee: {  	s8 =	smov.u32 s7;
	s7 =	smov.u32 s6  }
0x3ef: {  	s10 =	sadd.s32 $0x1100, s6;
	s7 =	sshra.s32 s7, $0x2;
	s9 =	sadd.s32 $0x16400, s8  }
0x3f0: {  	[hbm4b:s14+s3] =	stream.linear.scatter [tilespmem:s9], [sflag:$0x9], $0x80, $0x38;
	[tilespmem:$0x1EC00] =	vst v63  }
0x3f1: {  	p1 =	sne.s32 s6, $0x7700;
	s6 =	sadd.s32 $0x16488, s8;
	s9 =	sadd.s32 $0x10, s14  }
0x3f2: {  	[hbm4b:s9+s3] =	stream.linear.scatter [tilespmem:s6], [sflag:$0x9], $0x80, $0x38;
	[tilespmem:$0x1EC00] =	vst v63  }
0x3f3: {  	s6 =	sadd.s32 $0x16510, s8;
	s9 =	sadd.s32 $0x20, s14  }
0x3f4: {  	[hbm4b:s9+s3] =	stream.linear.scatter [tilespmem:s6], [sflag:$0x9], $0x80, $0x38;
	[tilespmem:$0x1EC00] =	vst v63  }
0x3f5: {  	s6 =	sadd.s32 $0x16598, s8;
	s9 =	sadd.s32 $0x30, s14  }
0x3f6: {  	[hbm4b:s9+s3] =	stream.linear.scatter [tilespmem:s6], [sflag:$0x9], $0x80, $0x38;
	[tilespmem:$0x1EC00] =	vst v63  }
0x3f7: {  	s6 =	sadd.s32 $0x16620, s8;
	s9 =	sadd.s32 $0x40, s14  }
0x3f8: {  	[hbm4b:s9+s3] =	stream.linear.scatter [tilespmem:s6], [sflag:$0x9], $0x80, $0x38;
	[tilespmem:$0x1EC00] =	vst v63  }
.Ltmp14:
0x3f9: {  	s6 =	sadd.s32 $0x166A8, s8;
	s9 =	sadd.s32 $0x50, s14;
	(pc) =	sbr.rel @p1 .LBB2_29-.Ltmp14, $4  }
0x3fa: {  	[hbm4b:s9+s3] =	stream.linear.scatter [tilespmem:s6], [sflag:$0x9], $0x80, $0x38;
	[tilespmem:$0x1EC00] =	vst v63  }
0x3fb: {  	s6 =	sadd.s32 $0x16730, s8;
	s9 =	sadd.s32 $0x60, s14;
	s8 =	sadd.s32 $0x167B8, s8  }
0x3fc: {  	[hbm4b:s9+s3] =	stream.linear.scatter [tilespmem:s6], [sflag:$0x9], $0x80, $0x38;
	[tilespmem:$0x1EC00] =	vst v63  }
0x3fd: {  	s9 =	sadd.s32 $0x70, s14;
	s14 =	sadd.s32 $0x4000, s14;
	s6 =	smov.u32 s10  }
0x3fe: {  	[hbm4b:s9+s3] =	stream.linear.scatter [tilespmem:s8], [sflag:$0x9], $0x80, $0x38;
	[tilespmem:$0x1EC00] =	vst v63  }
0x3ff: {  	s6 =	sadd.s32 $0x16400, s7  }
0x400: {  	[hbm4b:s14+s3] =	stream.linear.scatter [tilespmem:s6], [sflag:$0x9], $0x80, $0x38;
	[tilespmem:$0x1EC00] =	vst v63  }
0x401: {  	s9 =	sadd.s32 $0x16488, s7;
	s10 =	sadd.s32 $0x10, s14  }
0x402: {  	[hbm4b:s10+s3] =	stream.linear.scatter [tilespmem:s9], [sflag:$0x9], $0x80, $0x38;
	[tilespmem:$0x1EC00] =	vst v63  }
0x403: {  	s9 =	sadd.s32 $0x16510, s7;
	s10 =	sadd.s32 $0x20, s14  }
0x404: {  	[hbm4b:s10+s3] =	stream.linear.scatter [tilespmem:s9], [sflag:$0x9], $0x80, $0x38;
	[tilespmem:$0x1EC00] =	vst v63  }
0x405: {  	s9 =	sadd.s32 $0x16598, s7;
	s10 =	sadd.s32 $0x30, s14  }
0x406: {  	[hbm4b:s10+s3] =	stream.linear.scatter [tilespmem:s9], [sflag:$0x9], $0x80, $0x38;
	[tilespmem:$0x1EC00] =	vst v63  }
0x407: {  	s9 =	sadd.s32 $0x16620, s7;
	s10 =	sadd.s32 $0x40, s14  }
0x408: {  	[hbm4b:s10+s3] =	stream.linear.scatter [tilespmem:s9], [sflag:$0x9], $0x80, $0x38;
	[tilespmem:$0x1EC00] =	vst v63  }
0x409: {  	s9 =	sadd.s32 $0x166A8, s7;
	s10 =	sadd.s32 $0x50, s14  }
0x40a: {  	[hbm4b:s10+s3] =	stream.linear.scatter [tilespmem:s9], [sflag:$0x9], $0x80, $0x38;
	[tilespmem:$0x1EC00] =	vst v63  }
0x40b: {  	s8 =	sadd.s32 $0x16730, s7;
	s9 =	sadd.s32 $0x60, s14  }
0x40c: {  	[hbm4b:s9+s3] =	stream.linear.scatter [tilespmem:s8], [sflag:$0x9], $0x80, $0x38;
	[tilespmem:$0x1EC00] =	vst v63  }
0x40d: {  	s10 =	sadd.s32 $0x167B8, s7;
	s8 =	simm.s32 $0x0;
	s9 =	simm.s32 $0x1  }
0x40e: {  	s14 =	sadd.s32 $0x70, s14;
	v33 =	vmov s8;
	v34 =	vmov s9;
	s8 =	simm.s32 $0x4;
	s9 =	simm.s32 $0x7  }
0x40f: {  	[hbm4b:s14+s3] =	stream.linear.scatter [tilespmem:s10], [sflag:$0x9], $0x80, $0x38;
	v33 =	vshrl.u32 v33, $0x3;
	[tilespmem:$0x1EC00] =	vst v63  }
0x410: {  	s10 =	simm.s32 $0x2;
	s14 =	simm.s32 $0x3;
	v37 =	vmov s8;
	v38 =	vmov s9;
	v34 =	vshrl.u32 v34, $0x3;
	_ =	swait.ge [sflag:s29], $0x2000  }
0x411: {  	v35 =	vmov s10;
	v36 =	vmov s14;
	v33 =	vshll.u32 v33, v1;
	[sflag:s29] =	ssyncset.done $0x0  }
0x412: {  	s10 =	simm.s32 $0x5;
	s14 =	simm.s32 $0x6;
	v38 =	vshrl.u32 v38, $0x3;
	v37 =	vshrl.u32 v37, $0x3;
	v34 =	vshll.u32 v34, v1;
	[sflag:s29] =	ssyncadd.s32 $0xFFFFE000  }
0x413: {  	v39 =	vmov s10;
	v40 =	vmov s14;
	v38 =	vshll.u32 v38, v1;
	_ =	swait.ge [sflag:s30], $0x2000  }
0x414: {  	v35 =	vshrl.u32 v35, $0x3;
	v36 =	vshrl.u32 v36, $0x3;
	v38 =	vbroadcast v38, $0x0;
	[sflag:s30] =	ssyncset.done $0x0  }
0x415: {  	s14 =	simm.s32 $0x12500;
	v33 =	vbroadcast v33, $0x0;
	v45 =	vbroadcast v34, $0x0;
	v54 =	vshll.u32 v37, v1;
	[sflag:s30] =	ssyncadd.s32 $0xFFFFE000  }
0x416: {  	v52 =	vshll.u32 v35, v1;
	v53 =	vshll.u32 v36, v1;
	v42 =	vadd.s32 v29, v38;
	v41 =	vld [tilespmem:s14+$0xC0]  }
0x417: {  	v34 =	vbroadcast v54, $0x0;
	v44 =	vadd.s32 v0, v33;
	v52 =	vbroadcast v52, $0x0;
	v43 =	vld [tilespmem:s14+$0xFFFFFF00]  }
0x418: {  	v55 =	vshrl.u32 v39, $0x3;
	v47 =	vadd.s32 v5, v45;
	v35 =	vbroadcast v53, $0x0;
	v46 =	vld [tilespmem:s14+$0xFFFFFF40]  }
0x419: {  	v40 =	vshrl.u32 v40, $0x3;
	v36 =	vshll.u32 v55, v1;
	v49 =	vadd.s32 v9, v52;
	v48 =	vld [tilespmem:s14+$0xFFFFFF80]  }
0x41a: {  	v56 =	vshll.u32 v40, v1;
	v37 =	vbroadcast v36, $0x0;
	v50 =	vadd.s32 v13, v35;
	v39 =	vld [tilespmem:s14+$0xFFFFFFC0]  }
0x41b: {  	v53 =	vadd.s32 v17, v34;
	v36 =	vbroadcast v56, $0x0;
	v51 =	vld [tilespmem:s14+$0x0];
	[tilespmem:v42+s21+$0x0] =	vst.idx.msk $0xffff, v41  }
0x41c: {  	v59 =	vld [tilespmem:s14+$0x40];
	v60 =	vadd.s32 v21, v37;
	[tilespmem:v44+s21+$0x0] =	vst.idx.msk $0xffff, v43  }
0x41d: {  	v61 =	vld [tilespmem:s14+$0x80];
	v62 =	vadd.s32 v25, v36;
	[tilespmem:v47+s21+$0x0] =	vst.idx.msk $0xffff, v46  }
0x41e: {  	v58 =	vadd.s32 v30, v38;
	[tilespmem:v49+s21+$0x0] =	vst.idx.msk $0xffff, v48;
	v57 =	vld [tilespmem:s14+$0xD0]  }
0x41f: {  	v63 =	vadd.s32 v6, v45;
	[tilespmem:v50+s21+$0x0] =	vst.idx.msk $0xffff, v39;
	v47 =	vld [tilespmem:s14+$0xFFFFFF50]  }
0x420: {  	v55 =	vadd.s32 v10, v52;
	[tilespmem:v53+s21+$0x0] =	vst.idx.msk $0xffff, v51;
	v54 =	vld [tilespmem:s14+$0xFFFFFF90]  }
0x421: {  	v56 =	vadd.s32 v14, v35;
	[tilespmem:v60+s21+$0x0] =	vst.idx.msk $0xffff, v59;
	v50 =	vld [tilespmem:s14+$0xFFFFFFD0]  }
0x422: {  	[tilespmem:v62+s21+$0x0] =	vst.idx.msk $0xffff, v61;
	v46 =	vadd.s32 v22, v37;
	v44 =	vld [tilespmem:s14+$0x50]  }
0x423: {  	v59 =	vadd.s32 v18, v34;
	[tilespmem:v58+s21+$0x0] =	vst.idx.msk $0xffff, v57;
	v58 =	vld [tilespmem:s14+$0x10]  }
0x424: {  	v57 =	vadd.s32 v31, v38;
	[tilespmem:v63+s21+$0x0] =	vst.idx.msk $0xffff, v47;
	v40 =	vld [tilespmem:s14+$0xE0]  }
0x425: {  	v62 =	vadd.s32 v2, v33;
	v61 =	vld [tilespmem:s14+$0xFFFFFF10];
	[tilespmem:v55+s21+$0x0] =	vst.idx.msk $0xffff, v54  }
0x426: {  	v60 =	vadd.s32 v26, v36;
	v63 =	vld [tilespmem:s14+$0x90];
	[tilespmem:v56+s21+$0x0] =	vst.idx.msk $0xffff, v50  }
0x427: {  	v51 =	vadd.s32 v7, v45;
	[tilespmem:v46+s21+$0x0] =	vst.idx.msk $0xffff, v44;
	v50 =	vld [tilespmem:s14+$0xFFFFFF60]  }
0x428: {  	v56 =	vadd.s32 v11, v52;
	v55 =	vld [tilespmem:s14+$0xFFFFFFA0];
	[tilespmem:v59+s21+$0x0] =	vst.idx.msk $0xffff, v58  }
0x429: {  	v58 =	vadd.s32 v15, v35;
	[tilespmem:v57+s21+$0x0] =	vst.idx.msk $0xffff, v40;
	v57 =	vld [tilespmem:s14+$0xFFFFFFE0]  }
0x42a: {  	v38 =	vadd.s32 v32, v38;
	[tilespmem:v62+s21+$0x0] =	vst.idx.msk $0xffff, v61;
	v54 =	vld [tilespmem:s14+$0xF0]  }
0x42b: {  	s8 =	simm.s32 $0x9;
	[tilespmem:v60+s21+$0x0] =	vst.idx.msk $0xffff, v63;
	v60 =	vadd.s32 v19, v34;
	v59 =	vld [tilespmem:s14+$0x20]  }
0x42c: {  	s10 =	simm.s32 $0xB;
	v41 =	vadd.s32 v23, v37;
	v53 =	vmov s8;
	[tilespmem:v51+s21+$0x0] =	vst.idx.msk $0xffff, v50;
	v40 =	vld [tilespmem:s14+$0x60]  }
0x42d: {  	s7 =	simm.s32 $0x8;
	v43 =	vadd.s32 v27, v36;
	s8 =	simm.s32 $0xC;
	v48 =	vadd.s32 v3, v33;
	v44 =	vmov s10;
	v42 =	vld [tilespmem:s14+$0xA0];
	[tilespmem:v56+s21+$0x0] =	vst.idx.msk $0xffff, v55  }
0x42e: {  	s9 =	simm.s32 $0xA;
	v47 =	vmov s8;
	v52 =	vadd.s32 v12, v52;
	v46 =	vld [tilespmem:s14+$0xFFFFFF20];
	v63 =	vmov s7;
	[tilespmem:v58+s21+$0x0] =	vst.idx.msk $0xffff, v57  }
0x42f: {  	s10 =	simm.s32 $0xE;
	v39 =	vshrl.u32 v63, $0x3;
	v51 =	vadd.s32 v8, v45;
	v49 =	vld [tilespmem:s14+$0xFFFFFF70];
	[tilespmem:v38+s21+$0x0] =	vst.idx.msk $0xffff, v54;
	v54 =	vmov s9;
	s9 =	simm.s32 $0xD  }
0x430: {  	s6 =	simm.s32 $0xF;
	s7 =	simm.s32 $0x10;
	v45 =	vshll.u32 v39, v1;
	v39 =	vmov s10;
	v50 =	vld [tilespmem:s14+$0xFFFFFFB0];
	[tilespmem:v60+s21+$0x0] =	vst.idx.msk $0xffff, v59;
	v38 =	vmov s9  }
.LBB2_31:
0x431: {  	p1 =	slt.u32 s7, $0x78;
	v53 =	vshrl.u32 v53, $0x3;
	v55 =	vmov s6;
	v56 =	vld [tilespmem:s14+$0xFFFFFFF0];
	v35 =	vadd.s32 v16, v35;
	[tilespmem:v41+s21+$0x0] =	vst.idx.msk $0xffff, v40  }
0x432: {  	v40 =	vshrl.u32 v54, $0x3;
	v34 =	vadd.s32 v20, v34;
	v41 =	vshrl.u32 v55, $0x3;
	v54 =	vld [tilespmem:s14+$0x30];
	[tilespmem:v43+s21+$0x0] =	vst.idx.msk $0xffff, v42  }
0x433: {  	v37 =	vadd.s32 v24, v37;
	v42 =	vshrl.u32 v44, $0x3;
	v41 =	vshll.u32 v41, v1;
	[tilespmem:v48+s21+$0x0] =	vst.idx.msk $0xffff, v46;
	v43 =	vld [tilespmem:s14+$0x70]  }
0x434: {  	v36 =	vadd.s32 v28, v36;
	v44 =	vshrl.u32 v47, $0x3;
	v41 =	vbroadcast v41, $0x0;
	[tilespmem:v51+s21+$0x0] =	vst.idx.msk $0xffff, v49;
	v46 =	vld [tilespmem:s14+$0xB0]  }
0x435: {  	v47 =	vshll.u32 v53, v1;
	v49 =	vadd.s32 v4, v33;
	v33 =	vbroadcast v45, $0x0;
	v48 =	vld [tilespmem:s14+$0xFFFFFF30];
	[tilespmem:v52+s21+$0x0] =	vst.idx.msk $0xffff, v50;
	s14 =	sadd.s32 $0x200, s14  }
0x436: {  	v40 =	vshll.u32 v40, v1;
	v45 =	vbroadcast v47, $0x0;
	v47 =	vld [tilespmem:s14+$0xC0];
	v50 =	vadd.s32 v29, v41;
	[tilespmem:v35+s21+$0x0] =	vst.idx.msk $0xffff, v56  }
0x437: {  	v55 =	vbroadcast v40, $0x0;
	v52 =	vadd.s32 v0, v33;
	v35 =	vshll.u32 v42, v1;
	v51 =	vld [tilespmem:s14+$0xFFFFFF00];
	[tilespmem:v34+s21+$0x0] =	vst.idx.msk $0xffff, v54  }
0x438: {  	v42 =	vadd.s32 v5, v45;
	v35 =	vbroadcast v35, $0x0;
	v34 =	vshll.u32 v44, v1;
	v40 =	vld [tilespmem:s14+$0xFFFFFF40];
	[tilespmem:v37+s21+$0x0] =	vst.idx.msk $0xffff, v43  }
0x439: {  	v44 =	vadd.s32 v9, v55;
	v34 =	vbroadcast v34, $0x0;
	v37 =	vshrl.u32 v38, $0x3;
	v43 =	vld [tilespmem:s14+$0xFFFFFF80];
	[tilespmem:v36+s21+$0x0] =	vst.idx.msk $0xffff, v46  }
0x43a: {  	v39 =	vshrl.u32 v39, $0x3;
	v46 =	vadd.s32 v13, v35;
	v36 =	vshll.u32 v37, v1;
	v38 =	vld [tilespmem:s14+$0xFFFFFFC0];
	[tilespmem:v49+s21+$0x0] =	vst.idx.msk $0xffff, v48  }
0x43b: {  	v49 =	vadd.s32 v17, v34;
	v37 =	vbroadcast v36, $0x0;
	v36 =	vshll.u32 v39, v1;
	v48 =	vld [tilespmem:s14+$0x0];
	[tilespmem:v50+s21+$0x0] =	vst.idx.msk $0xffff, v47  }
0x43c: {  	v36 =	vbroadcast v36, $0x0;
	v47 =	vadd.s32 v30, v41;
	[tilespmem:v52+s21+$0x0] =	vst.idx.msk $0xffff, v51;
	v39 =	vld [tilespmem:s14+$0xD0]  }
0x43d: {  	[tilespmem:v42+s21+$0x0] =	vst.idx.msk $0xffff, v40;
	v40 =	vld [tilespmem:s14+$0x40];
	v42 =	vadd.s32 v21, v37  }
0x43e: {  	[tilespmem:v44+s21+$0x0] =	vst.idx.msk $0xffff, v43;
	v43 =	vld [tilespmem:s14+$0x80];
	v44 =	vadd.s32 v25, v36  }
0x43f: {  	v51 =	vadd.s32 v6, v45;
	v50 =	vld [tilespmem:s14+$0xFFFFFF50];
	[tilespmem:v46+s21+$0x0] =	vst.idx.msk $0xffff, v38  }
0x440: {  	v46 =	vadd.s32 v10, v55;
	v38 =	vld [tilespmem:s14+$0xFFFFFF90];
	[tilespmem:v49+s21+$0x0] =	vst.idx.msk $0xffff, v48  }
0x441: {  	v49 =	vadd.s32 v14, v35;
	v48 =	vld [tilespmem:s14+$0xFFFFFFD0];
	[tilespmem:v47+s21+$0x0] =	vst.idx.msk $0xffff, v39  }
0x442: {  	[tilespmem:v42+s21+$0x0] =	vst.idx.msk $0xffff, v40;
	v39 =	vld [tilespmem:s14+$0xE0];
	v40 =	vadd.s32 v31, v41  }
0x443: {  	v47 =	vadd.s32 v18, v34;
	v42 =	vld [tilespmem:s14+$0x10];
	[tilespmem:v44+s21+$0x0] =	vst.idx.msk $0xffff, v43  }
0x444: {  	v44 =	vadd.s32 v22, v37;
	[tilespmem:v51+s21+$0x0] =	vst.idx.msk $0xffff, v50;
	v43 =	vld [tilespmem:s14+$0x50]  }
0x445: {  	[tilespmem:v46+s21+$0x0] =	vst.idx.msk $0xffff, v38;
	v38 =	vld [tilespmem:s14+$0x90];
	v46 =	vadd.s32 v26, v36  }
0x446: {  	v51 =	vadd.s32 v2, v33;
	v50 =	vld [tilespmem:s14+$0xFFFFFF10];
	[tilespmem:v49+s21+$0x0] =	vst.idx.msk $0xffff, v48  }
0x447: {  	v49 =	vadd.s32 v7, v45;
	v48 =	vld [tilespmem:s14+$0xFFFFFF60];
	[tilespmem:v40+s21+$0x0] =	vst.idx.msk $0xffff, v39  }
0x448: {  	[tilespmem:v47+s21+$0x0] =	vst.idx.msk $0xffff, v42;
	v39 =	vld [tilespmem:s14+$0xF0];
	v47 =	vadd.s32 v32, v41  }
0x449: {  	v56 =	vadd.s32 v11, v55;
	v52 =	vld [tilespmem:s14+$0xFFFFFFA0];
	[tilespmem:v44+s21+$0x0] =	vst.idx.msk $0xffff, v43  }
0x44a: {  	v58 =	vadd.s32 v15, v35;
	v57 =	vld [tilespmem:s14+$0xFFFFFFE0];
	[tilespmem:v46+s21+$0x0] =	vst.idx.msk $0xffff, v38  }
0x44b: {  	v60 =	vadd.s32 v19, v34;
	[tilespmem:v51+s21+$0x0] =	vst.idx.msk $0xffff, v50;
	v59 =	vld [tilespmem:s14+$0x20]  }
.Ltmp15:
0x44c: {  	s6 =	sadd.s32 $0x1, s7;
	v41 =	vadd.s32 v23, v37;
	v38 =	vmov s7;
	[tilespmem:v49+s21+$0x0] =	vst.idx.msk $0xffff, v48;
	v40 =	vld [tilespmem:s14+$0x60];
	(pc) =	sbr.rel @p1 .LBB2_31-.Ltmp15, $4  }
0x44d: {  	s8 =	sadd.s32 $0x3, s7;
	v53 =	vmov s6;
	s6 =	sadd.s32 $0x2, s7;
	v43 =	vadd.s32 v27, v36;
	v50 =	vshrl.u32 v38, $0x3;
	v42 =	vld [tilespmem:s14+$0xA0];
	[tilespmem:v47+s21+$0x0] =	vst.idx.msk $0xffff, v39  }
0x44e: {  	v54 =	vmov s6;
	s6 =	sadd.s32 $0x4, s7;
	v44 =	vmov s8;
	s8 =	sadd.s32 $0x5, s7;
	v48 =	vadd.s32 v3, v33;
	v46 =	vld [tilespmem:s14+$0xFFFFFF20];
	[tilespmem:v56+s21+$0x0] =	vst.idx.msk $0xffff, v52  }
0x44f: {  	v38 =	vmov s8;
	v51 =	vadd.s32 v8, v45;
	v47 =	vmov s6;
	s6 =	sadd.s32 $0x6, s7;
	v49 =	vld [tilespmem:s14+$0xFFFFFF70];
	[tilespmem:v58+s21+$0x0] =	vst.idx.msk $0xffff, v57  }
0x450: {  	v45 =	vshll.u32 v50, v1;
	v39 =	vmov s6;
	s6 =	sadd.s32 $0x7, s7;
	s7 =	sadd.s32 $0x8, s7;
	v52 =	vadd.s32 v12, v55;
	v50 =	vld [tilespmem:s14+$0xFFFFFFB0];
	[tilespmem:v60+s21+$0x0] =	vst.idx.msk $0xffff, v59  }
0x451: {  	_ =	sdelay $0x2  }
0x452: {  	v53 =	vshrl.u32 v53, $0x3  }
0x453: {  	v55 =	vmov s6;
	v56 =	vld [tilespmem:s14+$0xFFFFFFF0];
	v35 =	vadd.s32 v16, v35;
	[tilespmem:v41+s21+$0x0] =	vst.idx.msk $0xffff, v40;
	v57 =	vshrl.u32 v54, $0x3  }
0x454: {  	v59 =	vld [tilespmem:s14+$0x30];
	v34 =	vadd.s32 v20, v34;
	v60 =	vshrl.u32 v44, $0x3;
	v58 =	vshrl.u32 v55, $0x3;
	[tilespmem:v43+s21+$0x0] =	vst.idx.msk $0xffff, v42  }
0x455: {  	v37 =	vadd.s32 v24, v37;
	v62 =	vshrl.u32 v47, $0x3;
	v61 =	vld [tilespmem:s14+$0x70];
	v41 =	vshll.u32 v58, v1;
	[tilespmem:v48+s21+$0x0] =	vst.idx.msk $0xffff, v46  }
0x456: {  	v36 =	vadd.s32 v28, v36;
	v45 =	vbroadcast v45, $0x0;
	v63 =	vld [tilespmem:s14+$0xB0];
	v41 =	vbroadcast v41, $0x0;
	[tilespmem:v51+s21+$0x0] =	vst.idx.msk $0xffff, v49  }
0x457: {  	v33 =	vadd.s32 v4, v33;
	s7 =	sadd.s32 $0x200, s14;
	v38 =	vshrl.u32 v38, $0x3;
	v55 =	vshll.u32 v53, v1;
	v48 =	vld [tilespmem:s14+$0xFFFFFF30];
	[tilespmem:v52+s21+$0x0] =	vst.idx.msk $0xffff, v50  }
0x458: {  	v40 =	vshll.u32 v57, v1;
	v47 =	vbroadcast v55, $0x0;
	v49 =	vld [tilespmem:s7+$0xC0];
	v50 =	vadd.s32 v29, v41;
	[tilespmem:v35+s21+$0x0] =	vst.idx.msk $0xffff, v56  }
0x459: {  	v42 =	vshll.u32 v60, v1;
	v40 =	vbroadcast v40, $0x0;
	v35 =	vld [tilespmem:s7+$0xFFFFFF00];
	v56 =	vadd.s32 v0, v45;
	[tilespmem:v34+s21+$0x0] =	vst.idx.msk $0xffff, v59  }
0x45a: {  	v57 =	vld [tilespmem:s7+$0xFFFFFF40];
	v44 =	vshll.u32 v62, v1;
	v42 =	vbroadcast v42, $0x0;
	v58 =	vadd.s32 v5, v47;
	[tilespmem:v37+s21+$0x0] =	vst.idx.msk $0xffff, v61  }
0x45b: {  	v38 =	vshll.u32 v38, v1;
	v44 =	vbroadcast v44, $0x0;
	v60 =	vadd.s32 v9, v40;
	v59 =	vld [tilespmem:s7+$0xFFFFFF80];
	[tilespmem:v36+s21+$0x0] =	vst.idx.msk $0xffff, v63  }
0x45c: {  	v38 =	vbroadcast v38, $0x0;
	v62 =	vadd.s32 v13, v42;
	v61 =	vld [tilespmem:s7+$0xFFFFFFC0];
	[tilespmem:v33+s21+$0x0] =	vst.idx.msk $0xffff, v48  }
0x45d: {  	v39 =	vshrl.u32 v39, $0x3;
	v63 =	vadd.s32 v17, v44;
	v33 =	vld [tilespmem:s7+$0x0];
	[tilespmem:v50+s21+$0x0] =	vst.idx.msk $0xffff, v49  }
0x45e: {  	v39 =	vshll.u32 v39, v1;
	v34 =	vld [tilespmem:s7+$0x40];
	[tilespmem:v56+s21+$0x0] =	vst.idx.msk $0xffff, v35;
	v56 =	vadd.s32 v21, v38  }
0x45f: {  	[tilespmem:v58+s21+$0x0] =	vst.idx.msk $0xffff, v57;
	v35 =	vbroadcast v39, $0x0;
	v49 =	vadd.s32 v30, v41;
	v39 =	vld [tilespmem:s7+$0xD0]  }
0x460: {  	[tilespmem:v60+s21+$0x0] =	vst.idx.msk $0xffff, v59;
	v59 =	vld [tilespmem:s7+$0xFFFFFF50];
	v60 =	vadd.s32 v6, v47  }
0x461: {  	v57 =	vld [tilespmem:s7+$0x80];
	[tilespmem:v62+s21+$0x0] =	vst.idx.msk $0xffff, v61;
	v58 =	vadd.s32 v25, v35  }
0x462: {  	v61 =	vld [tilespmem:s7+$0xFFFFFF90];
	v62 =	vadd.s32 v10, v40;
	[tilespmem:v63+s21+$0x0] =	vst.idx.msk $0xffff, v33  }
0x463: {  	v33 =	vld [tilespmem:s7+$0xFFFFFFD0];
	v63 =	vadd.s32 v14, v42;
	[tilespmem:v56+s21+$0x0] =	vst.idx.msk $0xffff, v34  }
0x464: {  	v56 =	vadd.s32 v18, v44;
	[tilespmem:v49+s21+$0x0] =	vst.idx.msk $0xffff, v39;
	v49 =	vld [tilespmem:s7+$0x10]  }
0x465: {  	[tilespmem:v60+s21+$0x0] =	vst.idx.msk $0xffff, v59;
	v39 =	vadd.s32 v31, v41;
	v34 =	vld [tilespmem:s7+$0xE0]  }
0x466: {  	[tilespmem:v58+s21+$0x0] =	vst.idx.msk $0xffff, v57;
	v57 =	vld [tilespmem:s7+$0x50];
	v58 =	vadd.s32 v22, v38  }
0x467: {  	[tilespmem:v62+s21+$0x0] =	vst.idx.msk $0xffff, v61;
	v61 =	vld [tilespmem:s7+$0xFFFFFF10];
	v62 =	vadd.s32 v2, v45  }
0x468: {  	v60 =	vadd.s32 v26, v35;
	v59 =	vld [tilespmem:s7+$0x90];
	[tilespmem:v63+s21+$0x0] =	vst.idx.msk $0xffff, v33  }
0x469: {  	v55 =	vadd.s32 v11, v40;
	v54 =	vadd.s32 v32, v41;
	v41 =	vld [tilespmem:s7+$0xFFFFFFA0];
	[tilespmem:v56+s21+$0x0] =	vst.idx.msk $0xffff, v49  }
0x46a: {  	v53 =	vadd.s32 v7, v47;
	v63 =	vld [tilespmem:s7+$0xFFFFFF60];
	[tilespmem:v39+s21+$0x0] =	vst.idx.msk $0xffff, v34  }
0x46b: {  	v56 =	vld [tilespmem:s7+$0xFFFFFFE0];
	[tilespmem:v58+s21+$0x0] =	vst.idx.msk $0xffff, v57;
	v57 =	vadd.s32 v15, v42  }
0x46c: {  	[tilespmem:v62+s21+$0x0] =	vst.idx.msk $0xffff, v61;
	v34 =	vld [tilespmem:s7+$0xF0]  }
0x46d: {  	v58 =	vld [tilespmem:s7+$0x20];
	[tilespmem:v60+s21+$0x0] =	vst.idx.msk $0xffff, v59;
	v59 =	vadd.s32 v19, v44  }
0x46e: {  	v61 =	vadd.s32 v23, v38;
	[tilespmem:v55+s21+$0x0] =	vst.idx.msk $0xffff, v41;
	v60 =	vld [tilespmem:s7+$0x60]  }
0x46f: {  	[tilespmem:v53+s21+$0x0] =	vst.idx.msk $0xffff, v63;
	v63 =	vadd.s32 v27, v35;
	v62 =	vld [tilespmem:s7+$0xA0]  }
0x470: {  	v47 =	vadd.s32 v8, v47;
	v55 =	vld [tilespmem:s7+$0xFFFFFF70];
	[tilespmem:v57+s21+$0x0] =	vst.idx.msk $0xffff, v56  }
0x471: {  	v53 =	vld [tilespmem:s7+$0xFFFFFF20];
	[tilespmem:v54+s21+$0x0] =	vst.idx.msk $0xffff, v34;
	v54 =	vadd.s32 v3, v45  }
0x472: {  	v40 =	vadd.s32 v12, v40;
	v56 =	vld [tilespmem:s7+$0xFFFFFFB0];
	[tilespmem:v59+s21+$0x0] =	vst.idx.msk $0xffff, v58  }
0x473: {  	v42 =	vadd.s32 v16, v42;
	v57 =	vld [tilespmem:s7+$0xFFFFFFF0];
	[tilespmem:v61+s21+$0x0] =	vst.idx.msk $0xffff, v60  }
0x474: {  	v59 =	vadd.s32 v20, v44;
	v58 =	vld [tilespmem:s7+$0x30];
	[tilespmem:v63+s21+$0x0] =	vst.idx.msk $0xffff, v62  }
0x475: {  	v38 =	vadd.s32 v24, v38;
	v60 =	vld [tilespmem:s7+$0x70];
	[tilespmem:v47+s21+$0x0] =	vst.idx.msk $0xffff, v55  }
0x476: {  	v35 =	vadd.s32 v28, v35;
	v61 =	vld [tilespmem:s7+$0xB0];
	[tilespmem:v54+s21+$0x0] =	vst.idx.msk $0xffff, v53  }
0x477: {  	v63 =	vadd.s32 v4, v45;
	[tilespmem:v40+s21+$0x0] =	vst.idx.msk $0xffff, v56;
	v62 =	vld [tilespmem:s7+$0xFFFFFF30]  }
0x478: {  	[tilespmem:v42+s21+$0x0] =	vst.idx.msk $0xffff, v57  }
0x479: {  	[tilespmem:v59+s21+$0x0] =	vst.idx.msk $0xffff, v58  }
0x47a: {  	[tilespmem:v38+s21+$0x0] =	vst.idx.msk $0xffff, v60  }
0x47b: {  	s6 =	sadd.s32 @!p0 $0x700, s15;
	s10 =	sadd.s32 s17, s12;
	[tilespmem:v35+s21+$0x0] =	vst.idx.msk $0xffff, v61  }
0x47c: {  	s8 =	simm.s32 @!p0 $0x12400;
	s14 =	sshll.u32 s10, $0x7;
	s7 =	simm.s32 @!p0 $0x80;
	[tilespmem:v63+s21+$0x0] =	vst.idx.msk $0xffff, v62  }
0x47d: {  	[tilespmem:s8], [sflag:$0x7] =	stream.indirect.gather @!p0 [hbm4b:s5+s7], $0x40, s6, s7, $0xb8;
	[tilespmem:$0x1EC00] =	vst v63  }
0x47e: {  	s6 =	sshll.u32 s10, $0xA;
	s7 =	sand.u32 $0x3E80, s14  }
0x47f: {  	s6 =	sand.u32 $0xFFE0000, s6;
	s7 =	sadd.s32 s2, s7  }
0x480: {  	s10 =	sadd.s32 s6, s7;
	s7 =	simm.s32 $0x18600  }
0x481: {  	[hbm4b:s10+s3] =	stream.linear.scatter [tilespmem:s7], [sflag:$0xA], $0x80, $0x38;
	[tilespmem:$0x1EC00] =	vst v63  }
0x482: {  	s8 =	simm.s32 $0x18688;
	s7 =	sadd.s32 $0x10, s10  }
0x483: {  	[hbm4b:s7+s3] =	stream.linear.scatter [tilespmem:s8], [sflag:$0xA], $0x80, $0x38;
	[tilespmem:$0x1EC00] =	vst v63  }
0x484: {  	s9 =	simm.s32 $0x18710;
	s14 =	sadd.s32 $0x20, s10  }
0x485: {  	[hbm4b:s14+s3] =	stream.linear.scatter [tilespmem:s9], [sflag:$0xA], $0x80, $0x38;
	[tilespmem:$0x1EC00] =	vst v63  }
0x486: {  	s7 =	simm.s32 $0x18798;
	s8 =	sadd.s32 $0x30, s10  }
0x487: {  	[hbm4b:s8+s3] =	stream.linear.scatter [tilespmem:s7], [sflag:$0xA], $0x80, $0x38;
	[tilespmem:$0x1EC00] =	vst v63  }
0x488: {  	s9 =	simm.s32 $0x18820;
	s14 =	sadd.s32 $0x40, s10  }
0x489: {  	[hbm4b:s14+s3] =	stream.linear.scatter [tilespmem:s9], [sflag:$0xA], $0x80, $0x38;
	[tilespmem:$0x1EC00] =	vst v63  }
0x48a: {  	s6 =	simm.s32 $0x2200;
	s7 =	simm.s32 $0x188A8;
	s8 =	sadd.s32 $0x50, s10  }
0x48b: {  	[hbm4b:s8+s3] =	stream.linear.scatter [tilespmem:s7], [sflag:$0xA], $0x80, $0x38;
	[tilespmem:$0x1EC00] =	vst v63  }
0x48c: {  	s9 =	simm.s32 $0x18930;
	s14 =	sadd.s32 $0x60, s10;
	s7 =	simm.s32 $0x440  }
0x48d: {  	[hbm4b:s14+s3] =	stream.linear.scatter [tilespmem:s9], [sflag:$0xA], $0x80, $0x38;
	[tilespmem:$0x1EC00] =	vst v63  }
0x48e: {  	s8 =	simm.s32 $0x189B8;
	s9 =	sadd.s32 $0x70, s10;
	s14 =	sadd.s32 $0x4000, s10  }
.LBB2_33:
0x48f: {  	[hbm4b:s9+s3] =	stream.linear.scatter [tilespmem:s8], [sflag:$0xA], $0x80, $0x38;
	[tilespmem:$0x1EC00] =	vst v63  }
0x490: {  	s8 =	smov.u32 s7;
	s7 =	smov.u32 s6  }
0x491: {  	s10 =	sadd.s32 $0x1100, s6;
	s7 =	sshra.s32 s7, $0x2;
	s9 =	sadd.s32 $0x18600, s8  }
0x492: {  	[hbm4b:s14+s3] =	stream.linear.scatter [tilespmem:s9], [sflag:$0xA], $0x80, $0x38;
	[tilespmem:$0x1EC00] =	vst v63  }
0x493: {  	p1 =	sne.s32 s6, $0x7700;
	s6 =	sadd.s32 $0x18688, s8;
	s9 =	sadd.s32 $0x10, s14  }
0x494: {  	[hbm4b:s9+s3] =	stream.linear.scatter [tilespmem:s6], [sflag:$0xA], $0x80, $0x38;
	[tilespmem:$0x1EC00] =	vst v63  }
0x495: {  	s6 =	sadd.s32 $0x18710, s8;
	s9 =	sadd.s32 $0x20, s14  }
0x496: {  	[hbm4b:s9+s3] =	stream.linear.scatter [tilespmem:s6], [sflag:$0xA], $0x80, $0x38;
	[tilespmem:$0x1EC00] =	vst v63  }
0x497: {  	s6 =	sadd.s32 $0x18798, s8;
	s9 =	sadd.s32 $0x30, s14  }
0x498: {  	[hbm4b:s9+s3] =	stream.linear.scatter [tilespmem:s6], [sflag:$0xA], $0x80, $0x38;
	[tilespmem:$0x1EC00] =	vst v63  }
0x499: {  	s6 =	sadd.s32 $0x18820, s8;
	s9 =	sadd.s32 $0x40, s14  }
0x49a: {  	[hbm4b:s9+s3] =	stream.linear.scatter [tilespmem:s6], [sflag:$0xA], $0x80, $0x38;
	[tilespmem:$0x1EC00] =	vst v63  }
.Ltmp16:
0x49b: {  	s6 =	sadd.s32 $0x188A8, s8;
	s9 =	sadd.s32 $0x50, s14;
	(pc) =	sbr.rel @p1 .LBB2_33-.Ltmp16, $4  }
0x49c: {  	[hbm4b:s9+s3] =	stream.linear.scatter [tilespmem:s6], [sflag:$0xA], $0x80, $0x38;
	[tilespmem:$0x1EC00] =	vst v63  }
0x49d: {  	s6 =	sadd.s32 $0x18930, s8;
	s9 =	sadd.s32 $0x60, s14;
	s8 =	sadd.s32 $0x189B8, s8  }
0x49e: {  	[hbm4b:s9+s3] =	stream.linear.scatter [tilespmem:s6], [sflag:$0xA], $0x80, $0x38;
	[tilespmem:$0x1EC00] =	vst v63  }
0x49f: {  	s9 =	sadd.s32 $0x70, s14;
	s14 =	sadd.s32 $0x4000, s14;
	s6 =	smov.u32 s10  }
0x4a0: {  	[hbm4b:s9+s3] =	stream.linear.scatter [tilespmem:s8], [sflag:$0xA], $0x80, $0x38;
	[tilespmem:$0x1EC00] =	vst v63  }
0x4a1: {  	s6 =	sadd.s32 $0x18600, s7  }
0x4a2: {  	[hbm4b:s14+s3] =	stream.linear.scatter [tilespmem:s6], [sflag:$0xA], $0x80, $0x38;
	[tilespmem:$0x1EC00] =	vst v63  }
0x4a3: {  	s9 =	sadd.s32 $0x18688, s7;
	s10 =	sadd.s32 $0x10, s14  }
0x4a4: {  	[hbm4b:s10+s3] =	stream.linear.scatter [tilespmem:s9], [sflag:$0xA], $0x80, $0x38;
	[tilespmem:$0x1EC00] =	vst v63  }
0x4a5: {  	s9 =	sadd.s32 $0x18710, s7;
	s10 =	sadd.s32 $0x20, s14  }
0x4a6: {  	[hbm4b:s10+s3] =	stream.linear.scatter [tilespmem:s9], [sflag:$0xA], $0x80, $0x38;
	[tilespmem:$0x1EC00] =	vst v63  }
0x4a7: {  	s9 =	sadd.s32 $0x18798, s7;
	s10 =	sadd.s32 $0x30, s14  }
0x4a8: {  	[hbm4b:s10+s3] =	stream.linear.scatter [tilespmem:s9], [sflag:$0xA], $0x80, $0x38;
	[tilespmem:$0x1EC00] =	vst v63  }
0x4a9: {  	s9 =	sadd.s32 $0x18820, s7;
	s10 =	sadd.s32 $0x40, s14  }
0x4aa: {  	[hbm4b:s10+s3] =	stream.linear.scatter [tilespmem:s9], [sflag:$0xA], $0x80, $0x38;
	[tilespmem:$0x1EC00] =	vst v63  }
0x4ab: {  	s9 =	sadd.s32 $0x188A8, s7;
	s10 =	sadd.s32 $0x50, s14  }
0x4ac: {  	[hbm4b:s10+s3] =	stream.linear.scatter [tilespmem:s9], [sflag:$0xA], $0x80, $0x38;
	[tilespmem:$0x1EC00] =	vst v63  }
0x4ad: {  	s8 =	sadd.s32 $0x18930, s7;
	s9 =	sadd.s32 $0x60, s14  }
0x4ae: {  	[hbm4b:s9+s3] =	stream.linear.scatter [tilespmem:s8], [sflag:$0xA], $0x80, $0x38;
	[tilespmem:$0x1EC00] =	vst v63  }
0x4af: {  	s10 =	sadd.s32 $0x189B8, s7;
	s8 =	simm.s32 $0x0;
	s9 =	simm.s32 $0x1  }
0x4b0: {  	s14 =	sadd.s32 $0x70, s14;
	v33 =	vmov s8;
	v34 =	vmov s9;
	s8 =	simm.s32 $0x4;
	s9 =	simm.s32 $0x7  }
0x4b1: {  	[hbm4b:s14+s3] =	stream.linear.scatter [tilespmem:s10], [sflag:$0xA], $0x80, $0x38;
	v33 =	vshrl.u32 v33, $0x3;
	[tilespmem:$0x1EC00] =	vst v63  }
0x4b2: {  	s10 =	simm.s32 $0x2;
	s14 =	simm.s32 $0x3;
	v37 =	vmov s8;
	v38 =	vmov s9;
	v34 =	vshrl.u32 v34, $0x3;
	_ =	swait.ge [sflag:s31], $0x2000  }
0x4b3: {  	v35 =	vmov s10;
	v36 =	vmov s14;
	v33 =	vshll.u32 v33, v1;
	[sflag:s31] =	ssyncset.done $0x0  }
0x4b4: {  	s10 =	simm.s32 $0x5;
	s14 =	simm.s32 $0x6;
	v38 =	vshrl.u32 v38, $0x3;
	v37 =	vshrl.u32 v37, $0x3;
	v34 =	vshll.u32 v34, v1;
	[sflag:s31] =	ssyncadd.s32 $0xFFFFE000  }
0x4b5: {  	v39 =	vmov s10;
	v40 =	vmov s14;
	v38 =	vshll.u32 v38, v1;
	_ =	swait.ge [sflag:s1], $0x2000  }
0x4b6: {  	v35 =	vshrl.u32 v35, $0x3;
	v36 =	vshrl.u32 v36, $0x3;
	v38 =	vbroadcast v38, $0x0;
	[sflag:s1] =	ssyncset.done $0x0  }
0x4b7: {  	s14 =	simm.s32 $0x14500;
	v33 =	vbroadcast v33, $0x0;
	v45 =	vbroadcast v34, $0x0;
	v54 =	vshll.u32 v37, v1;
	[sflag:s1] =	ssyncadd.s32 $0xFFFFE000  }
0x4b8: {  	v52 =	vshll.u32 v35, v1;
	v53 =	vshll.u32 v36, v1;
	v42 =	vadd.s32 v29, v38;
	v41 =	vld [tilespmem:s14+$0xC0]  }
0x4b9: {  	v34 =	vbroadcast v54, $0x0;
	v44 =	vadd.s32 v0, v33;
	v52 =	vbroadcast v52, $0x0;
	v43 =	vld [tilespmem:s14+$0xFFFFFF00]  }
0x4ba: {  	v55 =	vshrl.u32 v39, $0x3;
	v47 =	vadd.s32 v5, v45;
	v35 =	vbroadcast v53, $0x0;
	v46 =	vld [tilespmem:s14+$0xFFFFFF40]  }
0x4bb: {  	v40 =	vshrl.u32 v40, $0x3;
	v36 =	vshll.u32 v55, v1;
	v49 =	vadd.s32 v9, v52;
	v48 =	vld [tilespmem:s14+$0xFFFFFF80]  }
0x4bc: {  	v56 =	vshll.u32 v40, v1;
	v37 =	vbroadcast v36, $0x0;
	v50 =	vadd.s32 v13, v35;
	v39 =	vld [tilespmem:s14+$0xFFFFFFC0]  }
0x4bd: {  	v53 =	vadd.s32 v17, v34;
	v36 =	vbroadcast v56, $0x0;
	v51 =	vld [tilespmem:s14+$0x0];
	[tilespmem:v42+s23+$0x0] =	vst.idx.msk $0xffff, v41  }
0x4be: {  	v59 =	vld [tilespmem:s14+$0x40];
	v60 =	vadd.s32 v21, v37;
	[tilespmem:v44+s23+$0x0] =	vst.idx.msk $0xffff, v43  }
0x4bf: {  	v61 =	vld [tilespmem:s14+$0x80];
	v62 =	vadd.s32 v25, v36;
	[tilespmem:v47+s23+$0x0] =	vst.idx.msk $0xffff, v46  }
0x4c0: {  	v58 =	vadd.s32 v30, v38;
	[tilespmem:v49+s23+$0x0] =	vst.idx.msk $0xffff, v48;
	v57 =	vld [tilespmem:s14+$0xD0]  }
0x4c1: {  	v63 =	vadd.s32 v6, v45;
	[tilespmem:v50+s23+$0x0] =	vst.idx.msk $0xffff, v39;
	v47 =	vld [tilespmem:s14+$0xFFFFFF50]  }
0x4c2: {  	v55 =	vadd.s32 v10, v52;
	[tilespmem:v53+s23+$0x0] =	vst.idx.msk $0xffff, v51;
	v54 =	vld [tilespmem:s14+$0xFFFFFF90]  }
0x4c3: {  	v56 =	vadd.s32 v14, v35;
	[tilespmem:v60+s23+$0x0] =	vst.idx.msk $0xffff, v59;
	v50 =	vld [tilespmem:s14+$0xFFFFFFD0]  }
0x4c4: {  	[tilespmem:v62+s23+$0x0] =	vst.idx.msk $0xffff, v61;
	v46 =	vadd.s32 v22, v37;
	v44 =	vld [tilespmem:s14+$0x50]  }
0x4c5: {  	v59 =	vadd.s32 v18, v34;
	[tilespmem:v58+s23+$0x0] =	vst.idx.msk $0xffff, v57;
	v58 =	vld [tilespmem:s14+$0x10]  }
0x4c6: {  	v57 =	vadd.s32 v31, v38;
	[tilespmem:v63+s23+$0x0] =	vst.idx.msk $0xffff, v47;
	v40 =	vld [tilespmem:s14+$0xE0]  }
0x4c7: {  	v62 =	vadd.s32 v2, v33;
	v61 =	vld [tilespmem:s14+$0xFFFFFF10];
	[tilespmem:v55+s23+$0x0] =	vst.idx.msk $0xffff, v54  }
0x4c8: {  	v60 =	vadd.s32 v26, v36;
	v63 =	vld [tilespmem:s14+$0x90];
	[tilespmem:v56+s23+$0x0] =	vst.idx.msk $0xffff, v50  }
0x4c9: {  	v51 =	vadd.s32 v7, v45;
	[tilespmem:v46+s23+$0x0] =	vst.idx.msk $0xffff, v44;
	v50 =	vld [tilespmem:s14+$0xFFFFFF60]  }
0x4ca: {  	v56 =	vadd.s32 v11, v52;
	v55 =	vld [tilespmem:s14+$0xFFFFFFA0];
	[tilespmem:v59+s23+$0x0] =	vst.idx.msk $0xffff, v58  }
0x4cb: {  	v58 =	vadd.s32 v15, v35;
	[tilespmem:v57+s23+$0x0] =	vst.idx.msk $0xffff, v40;
	v57 =	vld [tilespmem:s14+$0xFFFFFFE0]  }
0x4cc: {  	v38 =	vadd.s32 v32, v38;
	[tilespmem:v62+s23+$0x0] =	vst.idx.msk $0xffff, v61;
	v54 =	vld [tilespmem:s14+$0xF0]  }
0x4cd: {  	s8 =	simm.s32 $0x9;
	[tilespmem:v60+s23+$0x0] =	vst.idx.msk $0xffff, v63;
	v60 =	vadd.s32 v19, v34;
	v59 =	vld [tilespmem:s14+$0x20]  }
0x4ce: {  	s10 =	simm.s32 $0xB;
	v41 =	vadd.s32 v23, v37;
	v53 =	vmov s8;
	[tilespmem:v51+s23+$0x0] =	vst.idx.msk $0xffff, v50;
	v40 =	vld [tilespmem:s14+$0x60]  }
0x4cf: {  	s7 =	simm.s32 $0x8;
	v43 =	vadd.s32 v27, v36;
	s8 =	simm.s32 $0xC;
	v48 =	vadd.s32 v3, v33;
	v44 =	vmov s10;
	v42 =	vld [tilespmem:s14+$0xA0];
	[tilespmem:v56+s23+$0x0] =	vst.idx.msk $0xffff, v55  }
0x4d0: {  	s9 =	simm.s32 $0xA;
	v47 =	vmov s8;
	v52 =	vadd.s32 v12, v52;
	v46 =	vld [tilespmem:s14+$0xFFFFFF20];
	v63 =	vmov s7;
	[tilespmem:v58+s23+$0x0] =	vst.idx.msk $0xffff, v57  }
0x4d1: {  	s10 =	simm.s32 $0xE;
	v39 =	vshrl.u32 v63, $0x3;
	v51 =	vadd.s32 v8, v45;
	v49 =	vld [tilespmem:s14+$0xFFFFFF70];
	[tilespmem:v38+s23+$0x0] =	vst.idx.msk $0xffff, v54;
	v54 =	vmov s9;
	s9 =	simm.s32 $0xD  }
0x4d2: {  	s6 =	simm.s32 $0xF;
	s7 =	simm.s32 $0x10;
	v45 =	vshll.u32 v39, v1;
	v39 =	vmov s10;
	v50 =	vld [tilespmem:s14+$0xFFFFFFB0];
	[tilespmem:v60+s23+$0x0] =	vst.idx.msk $0xffff, v59;
	v38 =	vmov s9  }
.LBB2_35:
0x4d3: {  	p1 =	slt.u32 s7, $0x78;
	v53 =	vshrl.u32 v53, $0x3;
	v55 =	vmov s6;
	v56 =	vld [tilespmem:s14+$0xFFFFFFF0];
	v35 =	vadd.s32 v16, v35;
	[tilespmem:v41+s23+$0x0] =	vst.idx.msk $0xffff, v40  }
0x4d4: {  	v40 =	vshrl.u32 v54, $0x3;
	v34 =	vadd.s32 v20, v34;
	v41 =	vshrl.u32 v55, $0x3;
	v54 =	vld [tilespmem:s14+$0x30];
	[tilespmem:v43+s23+$0x0] =	vst.idx.msk $0xffff, v42  }
0x4d5: {  	v37 =	vadd.s32 v24, v37;
	v42 =	vshrl.u32 v44, $0x3;
	v41 =	vshll.u32 v41, v1;
	[tilespmem:v48+s23+$0x0] =	vst.idx.msk $0xffff, v46;
	v43 =	vld [tilespmem:s14+$0x70]  }
0x4d6: {  	v36 =	vadd.s32 v28, v36;
	v44 =	vshrl.u32 v47, $0x3;
	v41 =	vbroadcast v41, $0x0;
	[tilespmem:v51+s23+$0x0] =	vst.idx.msk $0xffff, v49;
	v46 =	vld [tilespmem:s14+$0xB0]  }
0x4d7: {  	v47 =	vshll.u32 v53, v1;
	v49 =	vadd.s32 v4, v33;
	v33 =	vbroadcast v45, $0x0;
	v48 =	vld [tilespmem:s14+$0xFFFFFF30];
	[tilespmem:v52+s23+$0x0] =	vst.idx.msk $0xffff, v50;
	s14 =	sadd.s32 $0x200, s14  }
0x4d8: {  	v40 =	vshll.u32 v40, v1;
	v45 =	vbroadcast v47, $0x0;
	v47 =	vld [tilespmem:s14+$0xC0];
	v50 =	vadd.s32 v29, v41;
	[tilespmem:v35+s23+$0x0] =	vst.idx.msk $0xffff, v56  }
0x4d9: {  	v55 =	vbroadcast v40, $0x0;
	v52 =	vadd.s32 v0, v33;
	v35 =	vshll.u32 v42, v1;
	v51 =	vld [tilespmem:s14+$0xFFFFFF00];
	[tilespmem:v34+s23+$0x0] =	vst.idx.msk $0xffff, v54  }
0x4da: {  	v42 =	vadd.s32 v5, v45;
	v35 =	vbroadcast v35, $0x0;
	v34 =	vshll.u32 v44, v1;
	v40 =	vld [tilespmem:s14+$0xFFFFFF40];
	[tilespmem:v37+s23+$0x0] =	vst.idx.msk $0xffff, v43  }
0x4db: {  	v44 =	vadd.s32 v9, v55;
	v34 =	vbroadcast v34, $0x0;
	v37 =	vshrl.u32 v38, $0x3;
	v43 =	vld [tilespmem:s14+$0xFFFFFF80];
	[tilespmem:v36+s23+$0x0] =	vst.idx.msk $0xffff, v46  }
0x4dc: {  	v39 =	vshrl.u32 v39, $0x3;
	v46 =	vadd.s32 v13, v35;
	v36 =	vshll.u32 v37, v1;
	v38 =	vld [tilespmem:s14+$0xFFFFFFC0];
	[tilespmem:v49+s23+$0x0] =	vst.idx.msk $0xffff, v48  }
0x4dd: {  	v49 =	vadd.s32 v17, v34;
	v37 =	vbroadcast v36, $0x0;
	v36 =	vshll.u32 v39, v1;
	v48 =	vld [tilespmem:s14+$0x0];
	[tilespmem:v50+s23+$0x0] =	vst.idx.msk $0xffff, v47  }
0x4de: {  	v36 =	vbroadcast v36, $0x0;
	v47 =	vadd.s32 v30, v41;
	[tilespmem:v52+s23+$0x0] =	vst.idx.msk $0xffff, v51;
	v39 =	vld [tilespmem:s14+$0xD0]  }
0x4df: {  	[tilespmem:v42+s23+$0x0] =	vst.idx.msk $0xffff, v40;
	v40 =	vld [tilespmem:s14+$0x40];
	v42 =	vadd.s32 v21, v37  }
0x4e0: {  	[tilespmem:v44+s23+$0x0] =	vst.idx.msk $0xffff, v43;
	v43 =	vld [tilespmem:s14+$0x80];
	v44 =	vadd.s32 v25, v36  }
0x4e1: {  	v51 =	vadd.s32 v6, v45;
	v50 =	vld [tilespmem:s14+$0xFFFFFF50];
	[tilespmem:v46+s23+$0x0] =	vst.idx.msk $0xffff, v38  }
0x4e2: {  	v46 =	vadd.s32 v10, v55;
	v38 =	vld [tilespmem:s14+$0xFFFFFF90];
	[tilespmem:v49+s23+$0x0] =	vst.idx.msk $0xffff, v48  }
0x4e3: {  	v49 =	vadd.s32 v14, v35;
	v48 =	vld [tilespmem:s14+$0xFFFFFFD0];
	[tilespmem:v47+s23+$0x0] =	vst.idx.msk $0xffff, v39  }
0x4e4: {  	[tilespmem:v42+s23+$0x0] =	vst.idx.msk $0xffff, v40;
	v39 =	vld [tilespmem:s14+$0xE0];
	v40 =	vadd.s32 v31, v41  }
0x4e5: {  	v47 =	vadd.s32 v18, v34;
	v42 =	vld [tilespmem:s14+$0x10];
	[tilespmem:v44+s23+$0x0] =	vst.idx.msk $0xffff, v43  }
0x4e6: {  	v44 =	vadd.s32 v22, v37;
	[tilespmem:v51+s23+$0x0] =	vst.idx.msk $0xffff, v50;
	v43 =	vld [tilespmem:s14+$0x50]  }
0x4e7: {  	[tilespmem:v46+s23+$0x0] =	vst.idx.msk $0xffff, v38;
	v38 =	vld [tilespmem:s14+$0x90];
	v46 =	vadd.s32 v26, v36  }
0x4e8: {  	v51 =	vadd.s32 v2, v33;
	v50 =	vld [tilespmem:s14+$0xFFFFFF10];
	[tilespmem:v49+s23+$0x0] =	vst.idx.msk $0xffff, v48  }
0x4e9: {  	v49 =	vadd.s32 v7, v45;
	v48 =	vld [tilespmem:s14+$0xFFFFFF60];
	[tilespmem:v40+s23+$0x0] =	vst.idx.msk $0xffff, v39  }
0x4ea: {  	[tilespmem:v47+s23+$0x0] =	vst.idx.msk $0xffff, v42;
	v39 =	vld [tilespmem:s14+$0xF0];
	v47 =	vadd.s32 v32, v41  }
0x4eb: {  	v56 =	vadd.s32 v11, v55;
	v52 =	vld [tilespmem:s14+$0xFFFFFFA0];
	[tilespmem:v44+s23+$0x0] =	vst.idx.msk $0xffff, v43  }
0x4ec: {  	v58 =	vadd.s32 v15, v35;
	v57 =	vld [tilespmem:s14+$0xFFFFFFE0];
	[tilespmem:v46+s23+$0x0] =	vst.idx.msk $0xffff, v38  }
0x4ed: {  	v60 =	vadd.s32 v19, v34;
	[tilespmem:v51+s23+$0x0] =	vst.idx.msk $0xffff, v50;
	v59 =	vld [tilespmem:s14+$0x20]  }
.Ltmp17:
0x4ee: {  	s6 =	sadd.s32 $0x1, s7;
	v41 =	vadd.s32 v23, v37;
	v38 =	vmov s7;
	[tilespmem:v49+s23+$0x0] =	vst.idx.msk $0xffff, v48;
	v40 =	vld [tilespmem:s14+$0x60];
	(pc) =	sbr.rel @p1 .LBB2_35-.Ltmp17, $4  }
0x4ef: {  	s8 =	sadd.s32 $0x3, s7;
	v53 =	vmov s6;
	s6 =	sadd.s32 $0x2, s7;
	v43 =	vadd.s32 v27, v36;
	v50 =	vshrl.u32 v38, $0x3;
	v42 =	vld [tilespmem:s14+$0xA0];
	[tilespmem:v47+s23+$0x0] =	vst.idx.msk $0xffff, v39  }
0x4f0: {  	v54 =	vmov s6;
	s6 =	sadd.s32 $0x4, s7;
	v44 =	vmov s8;
	s8 =	sadd.s32 $0x5, s7;
	v48 =	vadd.s32 v3, v33;
	v46 =	vld [tilespmem:s14+$0xFFFFFF20];
	[tilespmem:v56+s23+$0x0] =	vst.idx.msk $0xffff, v52  }
0x4f1: {  	v38 =	vmov s8;
	v51 =	vadd.s32 v8, v45;
	v47 =	vmov s6;
	s6 =	sadd.s32 $0x6, s7;
	v49 =	vld [tilespmem:s14+$0xFFFFFF70];
	[tilespmem:v58+s23+$0x0] =	vst.idx.msk $0xffff, v57  }
0x4f2: {  	v45 =	vshll.u32 v50, v1;
	v39 =	vmov s6;
	s6 =	sadd.s32 $0x7, s7;
	s7 =	sadd.s32 $0x8, s7;
	v52 =	vadd.s32 v12, v55;
	v50 =	vld [tilespmem:s14+$0xFFFFFFB0];
	[tilespmem:v60+s23+$0x0] =	vst.idx.msk $0xffff, v59  }
0x4f3: {  	_ =	sdelay $0x2  }
0x4f4: {  	v53 =	vshrl.u32 v53, $0x3  }
0x4f5: {  	v55 =	vmov s6;
	v56 =	vld [tilespmem:s14+$0xFFFFFFF0];
	v35 =	vadd.s32 v16, v35;
	[tilespmem:v41+s23+$0x0] =	vst.idx.msk $0xffff, v40;
	v57 =	vshrl.u32 v54, $0x3  }
0x4f6: {  	v59 =	vld [tilespmem:s14+$0x30];
	v34 =	vadd.s32 v20, v34;
	v60 =	vshrl.u32 v44, $0x3;
	v58 =	vshrl.u32 v55, $0x3;
	[tilespmem:v43+s23+$0x0] =	vst.idx.msk $0xffff, v42  }
0x4f7: {  	v37 =	vadd.s32 v24, v37;
	v62 =	vshrl.u32 v47, $0x3;
	v61 =	vld [tilespmem:s14+$0x70];
	v41 =	vshll.u32 v58, v1;
	[tilespmem:v48+s23+$0x0] =	vst.idx.msk $0xffff, v46  }
0x4f8: {  	v36 =	vadd.s32 v28, v36;
	v45 =	vbroadcast v45, $0x0;
	v63 =	vld [tilespmem:s14+$0xB0];
	v41 =	vbroadcast v41, $0x0;
	[tilespmem:v51+s23+$0x0] =	vst.idx.msk $0xffff, v49  }
0x4f9: {  	v33 =	vadd.s32 v4, v33;
	s7 =	sadd.s32 $0x200, s14;
	v38 =	vshrl.u32 v38, $0x3;
	v55 =	vshll.u32 v53, v1;
	v48 =	vld [tilespmem:s14+$0xFFFFFF30];
	[tilespmem:v52+s23+$0x0] =	vst.idx.msk $0xffff, v50  }
0x4fa: {  	v40 =	vshll.u32 v57, v1;
	v47 =	vbroadcast v55, $0x0;
	v49 =	vld [tilespmem:s7+$0xC0];
	v50 =	vadd.s32 v29, v41;
	[tilespmem:v35+s23+$0x0] =	vst.idx.msk $0xffff, v56  }
0x4fb: {  	v42 =	vshll.u32 v60, v1;
	v40 =	vbroadcast v40, $0x0;
	v35 =	vld [tilespmem:s7+$0xFFFFFF00];
	v56 =	vadd.s32 v0, v45;
	[tilespmem:v34+s23+$0x0] =	vst.idx.msk $0xffff, v59  }
0x4fc: {  	v57 =	vld [tilespmem:s7+$0xFFFFFF40];
	v44 =	vshll.u32 v62, v1;
	v42 =	vbroadcast v42, $0x0;
	v58 =	vadd.s32 v5, v47;
	[tilespmem:v37+s23+$0x0] =	vst.idx.msk $0xffff, v61  }
0x4fd: {  	v38 =	vshll.u32 v38, v1;
	v44 =	vbroadcast v44, $0x0;
	v60 =	vadd.s32 v9, v40;
	v59 =	vld [tilespmem:s7+$0xFFFFFF80];
	[tilespmem:v36+s23+$0x0] =	vst.idx.msk $0xffff, v63  }
0x4fe: {  	v38 =	vbroadcast v38, $0x0;
	v62 =	vadd.s32 v13, v42;
	v61 =	vld [tilespmem:s7+$0xFFFFFFC0];
	[tilespmem:v33+s23+$0x0] =	vst.idx.msk $0xffff, v48  }
0x4ff: {  	v39 =	vshrl.u32 v39, $0x3;
	v63 =	vadd.s32 v17, v44;
	v33 =	vld [tilespmem:s7+$0x0];
	[tilespmem:v50+s23+$0x0] =	vst.idx.msk $0xffff, v49  }
0x500: {  	v39 =	vshll.u32 v39, v1;
	v34 =	vld [tilespmem:s7+$0x40];
	[tilespmem:v56+s23+$0x0] =	vst.idx.msk $0xffff, v35;
	v56 =	vadd.s32 v21, v38  }
0x501: {  	[tilespmem:v58+s23+$0x0] =	vst.idx.msk $0xffff, v57;
	v35 =	vbroadcast v39, $0x0;
	v49 =	vadd.s32 v30, v41;
	v39 =	vld [tilespmem:s7+$0xD0]  }
0x502: {  	[tilespmem:v60+s23+$0x0] =	vst.idx.msk $0xffff, v59;
	v59 =	vld [tilespmem:s7+$0xFFFFFF50];
	v60 =	vadd.s32 v6, v47  }
0x503: {  	v57 =	vld [tilespmem:s7+$0x80];
	[tilespmem:v62+s23+$0x0] =	vst.idx.msk $0xffff, v61;
	v58 =	vadd.s32 v25, v35  }
0x504: {  	v61 =	vld [tilespmem:s7+$0xFFFFFF90];
	v62 =	vadd.s32 v10, v40;
	[tilespmem:v63+s23+$0x0] =	vst.idx.msk $0xffff, v33  }
0x505: {  	v33 =	vld [tilespmem:s7+$0xFFFFFFD0];
	v63 =	vadd.s32 v14, v42;
	[tilespmem:v56+s23+$0x0] =	vst.idx.msk $0xffff, v34  }
0x506: {  	v56 =	vadd.s32 v18, v44;
	[tilespmem:v49+s23+$0x0] =	vst.idx.msk $0xffff, v39;
	v49 =	vld [tilespmem:s7+$0x10]  }
0x507: {  	[tilespmem:v60+s23+$0x0] =	vst.idx.msk $0xffff, v59;
	v39 =	vadd.s32 v31, v41;
	v34 =	vld [tilespmem:s7+$0xE0]  }
0x508: {  	[tilespmem:v58+s23+$0x0] =	vst.idx.msk $0xffff, v57;
	v57 =	vld [tilespmem:s7+$0x50];
	v58 =	vadd.s32 v22, v38  }
0x509: {  	[tilespmem:v62+s23+$0x0] =	vst.idx.msk $0xffff, v61;
	v61 =	vld [tilespmem:s7+$0xFFFFFF10];
	v62 =	vadd.s32 v2, v45  }
0x50a: {  	v60 =	vadd.s32 v26, v35;
	v59 =	vld [tilespmem:s7+$0x90];
	[tilespmem:v63+s23+$0x0] =	vst.idx.msk $0xffff, v33  }
0x50b: {  	v55 =	vadd.s32 v11, v40;
	v54 =	vadd.s32 v32, v41;
	v41 =	vld [tilespmem:s7+$0xFFFFFFA0];
	[tilespmem:v56+s23+$0x0] =	vst.idx.msk $0xffff, v49  }
0x50c: {  	v53 =	vadd.s32 v7, v47;
	v63 =	vld [tilespmem:s7+$0xFFFFFF60];
	[tilespmem:v39+s23+$0x0] =	vst.idx.msk $0xffff, v34  }
0x50d: {  	v56 =	vld [tilespmem:s7+$0xFFFFFFE0];
	[tilespmem:v58+s23+$0x0] =	vst.idx.msk $0xffff, v57;
	v57 =	vadd.s32 v15, v42  }
0x50e: {  	[tilespmem:v62+s23+$0x0] =	vst.idx.msk $0xffff, v61;
	v34 =	vld [tilespmem:s7+$0xF0]  }
0x50f: {  	v58 =	vld [tilespmem:s7+$0x20];
	[tilespmem:v60+s23+$0x0] =	vst.idx.msk $0xffff, v59;
	v59 =	vadd.s32 v19, v44  }
0x510: {  	v61 =	vadd.s32 v23, v38;
	[tilespmem:v55+s23+$0x0] =	vst.idx.msk $0xffff, v41;
	v60 =	vld [tilespmem:s7+$0x60]  }
0x511: {  	[tilespmem:v53+s23+$0x0] =	vst.idx.msk $0xffff, v63;
	v63 =	vadd.s32 v27, v35;
	v62 =	vld [tilespmem:s7+$0xA0]  }
0x512: {  	v47 =	vadd.s32 v8, v47;
	v55 =	vld [tilespmem:s7+$0xFFFFFF70];
	[tilespmem:v57+s23+$0x0] =	vst.idx.msk $0xffff, v56  }
0x513: {  	v53 =	vld [tilespmem:s7+$0xFFFFFF20];
	[tilespmem:v54+s23+$0x0] =	vst.idx.msk $0xffff, v34;
	v54 =	vadd.s32 v3, v45  }
0x514: {  	v40 =	vadd.s32 v12, v40;
	v56 =	vld [tilespmem:s7+$0xFFFFFFB0];
	[tilespmem:v59+s23+$0x0] =	vst.idx.msk $0xffff, v58  }
0x515: {  	v42 =	vadd.s32 v16, v42;
	v57 =	vld [tilespmem:s7+$0xFFFFFFF0];
	[tilespmem:v61+s23+$0x0] =	vst.idx.msk $0xffff, v60  }
0x516: {  	v59 =	vadd.s32 v20, v44;
	v58 =	vld [tilespmem:s7+$0x30];
	[tilespmem:v63+s23+$0x0] =	vst.idx.msk $0xffff, v62  }
0x517: {  	v38 =	vadd.s32 v24, v38;
	v60 =	vld [tilespmem:s7+$0x70];
	[tilespmem:v47+s23+$0x0] =	vst.idx.msk $0xffff, v55  }
0x518: {  	v35 =	vadd.s32 v28, v35;
	v61 =	vld [tilespmem:s7+$0xB0];
	[tilespmem:v54+s23+$0x0] =	vst.idx.msk $0xffff, v53  }
0x519: {  	v63 =	vadd.s32 v4, v45;
	[tilespmem:v40+s23+$0x0] =	vst.idx.msk $0xffff, v56;
	v62 =	vld [tilespmem:s7+$0xFFFFFF30]  }
0x51a: {  	[tilespmem:v42+s23+$0x0] =	vst.idx.msk $0xffff, v57  }
0x51b: {  	[tilespmem:v59+s23+$0x0] =	vst.idx.msk $0xffff, v58  }
0x51c: {  	[tilespmem:v38+s23+$0x0] =	vst.idx.msk $0xffff, v60  }
0x51d: {  	s6 =	sadd.s32 @!p0 $0x780, s15;
	s15 =	sadd.s32 s17, s13;
	[tilespmem:v35+s23+$0x0] =	vst.idx.msk $0xffff, v61  }
0x51e: {  	s8 =	simm.s32 @!p0 $0x14400;
	s17 =	sshll.u32 s15, $0x7;
	s7 =	simm.s32 @!p0 $0x80;
	[tilespmem:v63+s23+$0x0] =	vst.idx.msk $0xffff, v62  }
0x51f: {  	[tilespmem:s8], [sflag:$0x8] =	stream.indirect.gather @!p0 [hbm4b:s5+s7], $0x40, s6, s7, $0xb8;
	[tilespmem:$0x1EC00] =	vst v63  }
0x520: {  	s6 =	sshll.u32 s15, $0xA;
	s7 =	sand.u32 $0x3F00, s17  }
0x521: {  	s6 =	sand.u32 $0xFFE0000, s6;
	s7 =	sadd.s32 s2, s7  }
0x522: {  	s10 =	sadd.s32 s6, s7;
	s7 =	simm.s32 $0x1A800  }
0x523: {  	[hbm4b:s10+s3] =	stream.linear.scatter [tilespmem:s7], [sflag:$0xB], $0x80, $0x38;
	[tilespmem:$0x1EC00] =	vst v63  }
0x524: {  	s8 =	simm.s32 $0x1A888;
	s7 =	sadd.s32 $0x10, s10  }
0x525: {  	[hbm4b:s7+s3] =	stream.linear.scatter [tilespmem:s8], [sflag:$0xB], $0x80, $0x38;
	[tilespmem:$0x1EC00] =	vst v63  }
0x526: {  	s9 =	simm.s32 $0x1A910;
	s15 =	simm.s32 $0x1A998;
	s14 =	sadd.s32 $0x20, s10  }
0x527: {  	[hbm4b:s14+s3] =	stream.linear.scatter [tilespmem:s9], [sflag:$0xB], $0x80, $0x38;
	[tilespmem:$0x1EC00] =	vst v63  }
0x528: {  	s6 =	simm.s32 $0x2200;
	s17 =	sadd.s32 $0x30, s10;
	s7 =	simm.s32 $0x1AA20  }
0x529: {  	[hbm4b:s17+s3] =	stream.linear.scatter [tilespmem:s15], [sflag:$0xB], $0x80, $0x38;
	[tilespmem:$0x1EC00] =	vst v63  }
0x52a: {  	s8 =	sadd.s32 $0x40, s10;
	s9 =	simm.s32 $0x1AAA8;
	s14 =	sadd.s32 $0x50, s10  }
0x52b: {  	[hbm4b:s8+s3] =	stream.linear.scatter [tilespmem:s7], [sflag:$0xB], $0x80, $0x38;
	[tilespmem:$0x1EC00] =	vst v63  }
0x52c: {  	s15 =	simm.s32 $0x1AB30;
	s17 =	sadd.s32 $0x60, s10;
	s7 =	simm.s32 $0x440  }
0x52d: {  	[hbm4b:s14+s3] =	stream.linear.scatter [tilespmem:s9], [sflag:$0xB], $0x80, $0x38;
	[tilespmem:$0x1EC00] =	vst v63  }
0x52e: {  	s8 =	simm.s32 $0x1ABB8;
	s9 =	sadd.s32 $0x70, s10;
	s14 =	sadd.s32 $0x4000, s10  }
0x52f: {  	[hbm4b:s17+s3] =	stream.linear.scatter [tilespmem:s15], [sflag:$0xB], $0x80, $0x38;
	[tilespmem:$0x1EC00] =	vst v63  }
.LBB2_37:
0x530: {  	[hbm4b:s9+s3] =	stream.linear.scatter [tilespmem:s8], [sflag:$0xB], $0x80, $0x38;
	[tilespmem:$0x1EC00] =	vst v63  }
0x531: {  	s8 =	smov.u32 s7;
	s7 =	smov.u32 s6  }
0x532: {  	s10 =	sadd.s32 $0x1100, s6;
	s7 =	sshra.s32 s7, $0x2;
	s9 =	sadd.s32 $0x1A800, s8  }
0x533: {  	[hbm4b:s14+s3] =	stream.linear.scatter [tilespmem:s9], [sflag:$0xB], $0x80, $0x38;
	[tilespmem:$0x1EC00] =	vst v63  }
0x534: {  	p0 =	sne.s32 s6, $0x7700;
	s6 =	sadd.s32 $0x1A888, s8;
	s9 =	sadd.s32 $0x10, s14  }
0x535: {  	[hbm4b:s9+s3] =	stream.linear.scatter [tilespmem:s6], [sflag:$0xB], $0x80, $0x38;
	[tilespmem:$0x1EC00] =	vst v63  }
0x536: {  	s6 =	sadd.s32 $0x1A910, s8;
	s9 =	sadd.s32 $0x20, s14  }
0x537: {  	[hbm4b:s9+s3] =	stream.linear.scatter [tilespmem:s6], [sflag:$0xB], $0x80, $0x38;
	[tilespmem:$0x1EC00] =	vst v63  }
0x538: {  	s6 =	sadd.s32 $0x1A998, s8;
	s9 =	sadd.s32 $0x30, s14  }
0x539: {  	[hbm4b:s9+s3] =	stream.linear.scatter [tilespmem:s6], [sflag:$0xB], $0x80, $0x38;
	[tilespmem:$0x1EC00] =	vst v63  }
0x53a: {  	s6 =	sadd.s32 $0x1AA20, s8;
	s9 =	sadd.s32 $0x40, s14  }
0x53b: {  	[hbm4b:s9+s3] =	stream.linear.scatter [tilespmem:s6], [sflag:$0xB], $0x80, $0x38;
	[tilespmem:$0x1EC00] =	vst v63  }
.Ltmp18:
0x53c: {  	s6 =	sadd.s32 $0x1AAA8, s8;
	s9 =	sadd.s32 $0x50, s14;
	(pc) =	sbr.rel @p0 .LBB2_37-.Ltmp18, $4  }
0x53d: {  	[hbm4b:s9+s3] =	stream.linear.scatter [tilespmem:s6], [sflag:$0xB], $0x80, $0x38;
	[tilespmem:$0x1EC00] =	vst v63  }
0x53e: {  	s6 =	sadd.s32 $0x1AB30, s8;
	s9 =	sadd.s32 $0x60, s14;
	s8 =	sadd.s32 $0x1ABB8, s8  }
0x53f: {  	[hbm4b:s9+s3] =	stream.linear.scatter [tilespmem:s6], [sflag:$0xB], $0x80, $0x38;
	[tilespmem:$0x1EC00] =	vst v63  }
0x540: {  	s9 =	sadd.s32 $0x70, s14;
	s14 =	sadd.s32 $0x4000, s14;
	s6 =	smov.u32 s10  }
0x541: {  	[hbm4b:s9+s3] =	stream.linear.scatter [tilespmem:s8], [sflag:$0xB], $0x80, $0x38;
	[tilespmem:$0x1EC00] =	vst v63  }
0x542: {  	s6 =	sadd.s32 $0x1A800, s7  }
0x543: {  	[hbm4b:s14+s3] =	stream.linear.scatter [tilespmem:s6], [sflag:$0xB], $0x80, $0x38;
	[tilespmem:$0x1EC00] =	vst v63  }
0x544: {  	s15 =	sadd.s32 $0x1A888, s7;
	s17 =	sadd.s32 $0x10, s14  }
0x545: {  	[hbm4b:s17+s3] =	stream.linear.scatter [tilespmem:s15], [sflag:$0xB], $0x80, $0x38;
	[tilespmem:$0x1EC00] =	vst v63  }
0x546: {  	s9 =	sadd.s32 $0x1A910, s7;
	s10 =	sadd.s32 $0x20, s14  }
0x547: {  	[hbm4b:s10+s3] =	stream.linear.scatter [tilespmem:s9], [sflag:$0xB], $0x80, $0x38;
	[tilespmem:$0x1EC00] =	vst v63  }
0x548: {  	s15 =	sadd.s32 $0x1A998, s7;
	s17 =	sadd.s32 $0x30, s14  }
0x549: {  	[hbm4b:s17+s3] =	stream.linear.scatter [tilespmem:s15], [sflag:$0xB], $0x80, $0x38;
	[tilespmem:$0x1EC00] =	vst v63  }
0x54a: {  	s16 =	sadd.s32 $0x1, s16;
	s9 =	sadd.s32 $0x1AA20, s7;
	s10 =	sadd.s32 $0x40, s14  }
0x54b: {  	[hbm4b:s10+s3] =	stream.linear.scatter [tilespmem:s9], [sflag:$0xB], $0x80, $0x38;
	[tilespmem:$0x1EC00] =	vst v63  }
0x54c: {  	p0 =	sne.s32 s16, $0x19;
	s15 =	sadd.s32 $0x1AAA8, s7;
	s17 =	sadd.s32 $0x50, s14  }
0x54d: {  	[hbm4b:s17+s3] =	stream.linear.scatter [tilespmem:s15], [sflag:$0xB], $0x80, $0x38;
	[tilespmem:$0x1EC00] =	vst v63  }
.Ltmp19:
0x54e: {  	_ = 	snop;
	(pc) =	sbr.rel @p0 .LBB2_2-.Ltmp19, $4  }
0x54f: {  	s9 =	sadd.s32 $0x1AB30, s7;
	s10 =	sadd.s32 $0x60, s14  }
0x550: {  	[hbm4b:s10+s3] =	stream.linear.scatter [tilespmem:s9], [sflag:$0xB], $0x80, $0x38;
	[tilespmem:$0x1EC00] =	vst v63  }
0x551: {  	s15 =	sadd.s32 $0x1ABB8, s7;
	s17 =	sadd.s32 $0x70, s14  }
0x552: {  	[hbm4b:s17+s3] =	stream.linear.scatter [tilespmem:s15], [sflag:$0xB], $0x80, $0x38;
	[tilespmem:$0x1EC00] =	vst v63  }
0x553: {  	s6 =	simm.s32 $0x1CA00;
	s10 =	rddreg [dreg:$0x8]  }
0x554: {  	[hbm4b:s10+s3] =	stream.linear.scatter [tilespmem:s6], [sflag:$0xC], $0x80, $0x38;
	[tilespmem:$0x1EC00] =	vst v63  }
0x555: {  	s9 =	simm.s32 $0x1CA88;
	s7 =	sadd.s32 $0x10, s10  }
0x556: {  	[hbm4b:s7+s3] =	stream.linear.scatter [tilespmem:s9], [sflag:$0xC], $0x80, $0x38;
	[tilespmem:$0x1EC00] =	vst v63  }
0x557: {  	s14 =	simm.s32 $0x1CB10;
	s16 =	simm.s32 $0x1CB98;
	s15 =	sadd.s32 $0x20, s10  }
0x558: {  	[hbm4b:s15+s3] =	stream.linear.scatter [tilespmem:s14], [sflag:$0xC], $0x80, $0x38;
	[tilespmem:$0x1EC00] =	vst v63  }
0x559: {  	s8 =	simm.s32 $0x1CC20;
	s17 =	sadd.s32 $0x30, s10;
	s6 =	simm.s32 $0x2200  }
0x55a: {  	[hbm4b:s17+s3] =	stream.linear.scatter [tilespmem:s16], [sflag:$0xC], $0x80, $0x38;
	[tilespmem:$0x1EC00] =	vst v63  }
0x55b: {  	s9 =	sadd.s32 $0x40, s10;
	s7 =	simm.s32 $0x440;
	s14 =	simm.s32 $0x1CCA8  }
0x55c: {  	[hbm4b:s9+s3] =	stream.linear.scatter [tilespmem:s8], [sflag:$0xC], $0x80, $0x38;
	[tilespmem:$0x1EC00] =	vst v63  }
0x55d: {  	s15 =	sadd.s32 $0x50, s10;
	s16 =	simm.s32 $0x1CD30;
	s17 =	sadd.s32 $0x60, s10  }
0x55e: {  	[hbm4b:s15+s3] =	stream.linear.scatter [tilespmem:s14], [sflag:$0xC], $0x80, $0x38;
	[tilespmem:$0x1EC00] =	vst v63  }
0x55f: {  	s8 =	simm.s32 $0x1CDB8;
	s9 =	sadd.s32 $0x70, s10;
	s14 =	sadd.s32 $0x4000, s10  }
0x560: {  	[hbm4b:s17+s3] =	stream.linear.scatter [tilespmem:s16], [sflag:$0xC], $0x80, $0x38;
	[tilespmem:$0x1EC00] =	vst v63  }
.LBB2_40:
0x561: {  	[hbm4b:s9+s3] =	stream.linear.scatter [tilespmem:s8], [sflag:$0xC], $0x80, $0x38;
	[tilespmem:$0x1EC00] =	vst v63  }
0x562: {  	s8 =	smov.u32 s7;
	s7 =	smov.u32 s6  }
0x563: {  	s10 =	sadd.s32 $0x1100, s6;
	s7 =	sshra.s32 s7, $0x2;
	s9 =	sadd.s32 $0x1CA00, s8  }
0x564: {  	[hbm4b:s14+s3] =	stream.linear.scatter [tilespmem:s9], [sflag:$0xC], $0x80, $0x38;
	[tilespmem:$0x1EC00] =	vst v63  }
0x565: {  	p0 =	sne.s32 s6, $0x7700;
	s6 =	sadd.s32 $0x1CA88, s8;
	s9 =	sadd.s32 $0x10, s14  }
0x566: {  	[hbm4b:s9+s3] =	stream.linear.scatter [tilespmem:s6], [sflag:$0xC], $0x80, $0x38;
	[tilespmem:$0x1EC00] =	vst v63  }
0x567: {  	s6 =	sadd.s32 $0x1CB10, s8;
	s9 =	sadd.s32 $0x20, s14  }
0x568: {  	[hbm4b:s9+s3] =	stream.linear.scatter [tilespmem:s6], [sflag:$0xC], $0x80, $0x38;
	[tilespmem:$0x1EC00] =	vst v63  }
0x569: {  	s6 =	sadd.s32 $0x1CB98, s8;
	s9 =	sadd.s32 $0x30, s14  }
0x56a: {  	[hbm4b:s9+s3] =	stream.linear.scatter [tilespmem:s6], [sflag:$0xC], $0x80, $0x38;
	[tilespmem:$0x1EC00] =	vst v63  }
0x56b: {  	s6 =	sadd.s32 $0x1CC20, s8;
	s9 =	sadd.s32 $0x40, s14  }
0x56c: {  	[hbm4b:s9+s3] =	stream.linear.scatter [tilespmem:s6], [sflag:$0xC], $0x80, $0x38;
	[tilespmem:$0x1EC00] =	vst v63  }
.Ltmp20:
0x56d: {  	s6 =	sadd.s32 $0x1CCA8, s8;
	s9 =	sadd.s32 $0x50, s14;
	(pc) =	sbr.rel @p0 .LBB2_40-.Ltmp20, $4  }
0x56e: {  	[hbm4b:s9+s3] =	stream.linear.scatter [tilespmem:s6], [sflag:$0xC], $0x80, $0x38;
	[tilespmem:$0x1EC00] =	vst v63  }
0x56f: {  	s6 =	sadd.s32 $0x1CD30, s8;
	s9 =	sadd.s32 $0x60, s14;
	s8 =	sadd.s32 $0x1CDB8, s8  }
0x570: {  	[hbm4b:s9+s3] =	stream.linear.scatter [tilespmem:s6], [sflag:$0xC], $0x80, $0x38;
	[tilespmem:$0x1EC00] =	vst v63  }
0x571: {  	s9 =	sadd.s32 $0x70, s14;
	s14 =	sadd.s32 $0x4000, s14;
	s6 =	smov.u32 s10  }
0x572: {  	[hbm4b:s9+s3] =	stream.linear.scatter [tilespmem:s8], [sflag:$0xC], $0x80, $0x38;
	[tilespmem:$0x1EC00] =	vst v63  }
0x573: {  	s6 =	sadd.s32 $0x1CA00, s7  }
0x574: {  	[hbm4b:s14+s3] =	stream.linear.scatter [tilespmem:s6], [sflag:$0xC], $0x80, $0x38;
	[tilespmem:$0x1EC00] =	vst v63  }
0x575: {  	s10 =	sadd.s32 $0x1CA88, s7;
	s15 =	sadd.s32 $0x10, s14  }
0x576: {  	[hbm4b:s15+s3] =	stream.linear.scatter [tilespmem:s10], [sflag:$0xC], $0x80, $0x38;
	[tilespmem:$0x1EC00] =	vst v63  }
0x577: {  	s16 =	sadd.s32 $0x1CB10, s7;
	s17 =	sadd.s32 $0x20, s14  }
0x578: {  	[hbm4b:s17+s3] =	stream.linear.scatter [tilespmem:s16], [sflag:$0xC], $0x80, $0x38;
	[tilespmem:$0x1EC00] =	vst v63  }
0x579: {  	s8 =	sadd.s32 $0x1CB98, s7;
	s9 =	sadd.s32 $0x30, s14  }
0x57a: {  	[hbm4b:s9+s3] =	stream.linear.scatter [tilespmem:s8], [sflag:$0xC], $0x80, $0x38;
	[tilespmem:$0x1EC00] =	vst v63  }
0x57b: {  	s10 =	sadd.s32 $0x1CC20, s7;
	s15 =	sadd.s32 $0x40, s14  }
0x57c: {  	[hbm4b:s15+s3] =	stream.linear.scatter [tilespmem:s10], [sflag:$0xC], $0x80, $0x38;
	[tilespmem:$0x1EC00] =	vst v63  }
0x57d: {  	s16 =	sadd.s32 $0x1CCA8, s7;
	s17 =	sadd.s32 $0x50, s14  }
0x57e: {  	[hbm4b:s17+s3] =	stream.linear.scatter [tilespmem:s16], [sflag:$0xC], $0x80, $0x38;
	[tilespmem:$0x1EC00] =	vst v63  }
0x57f: {  	s8 =	sadd.s32 $0x1CD30, s7;
	s9 =	sadd.s32 $0x60, s14  }
0x580: {  	[hbm4b:s9+s3] =	stream.linear.scatter [tilespmem:s8], [sflag:$0xC], $0x80, $0x38;
	[tilespmem:$0x1EC00] =	vst v63  }
0x581: {  	s10 =	sadd.s32 $0x1CDB8, s7;
	s15 =	sadd.s32 $0x70, s14  }
0x582: {  	[hbm4b:s15+s3] =	stream.linear.scatter [tilespmem:s10], [sflag:$0xC], $0x80, $0x38;
	[tilespmem:$0x1EC00] =	vst v63  }
0x583: {  	_ =	swait.ge [sflag:s25], $0x2000  }
0x584: {  	[sflag:s25] =	ssyncset.done $0x0  }
0x585: {  	[sflag:s25] =	ssyncadd.s32 $0xFFFFE000  }
0x586: {  	_ =	swait.ge [sflag:s28], $0x2000  }
0x587: {  	[sflag:s28] =	ssyncset.done $0x0  }
0x588: {  	[sflag:s28] =	ssyncadd.s32 $0xFFFFE000  }
0x589: {  	_ =	swait.ge [sflag:s30], $0x2000  }
0x58a: {  	[sflag:s30] =	ssyncset.done $0x0  }
0x58b: {  	[sflag:s30] =	ssyncadd.s32 $0xFFFFE000  }
0x58c: {  	_ =	swait.ge [sflag:s1], $0x2000  }
0x58d: {  	s16 =	rddreg [dreg:$0xa]  }
0x58e: {  	s17 =	rddreg [dreg:$0x9];
	s7 =	sadd.s32 $0x1, s16  }
0x58f: {  	p0 =	sne.s32 s7, s17  }
.Ltmp21:
0x590: {  	_ = 	snop;
	(pc) =	sbr.rel @p0 .LBB2_1-.Ltmp21, $3  }
0x591: {  	_ =	sdelay $0x1  }
0x592: {  	[sflag:s1] =	ssyncset.done $0x0  }
0x593: {  	[sflag:s1] =	ssyncadd.s32 $0xFFFFE000  }
0x594: {  	_ =	sfence.sel $0x180000  }
0x595: {  	[bflag:$0x0] =	sbarrier.arrive $0xFFFF  }
0x596: {  	_ =	strace $0x90000047  }
0x597: {  	s0 =	stileid.u32;
	[bflag:$0x2] =	sbarrier.arrive $0xFFFF  }
0x598: {  	p0 =	sne.s32 s0, $0x0;
	s0 =	rddreg [dreg:$0x2]  }
0x599: {  	s0 =	sadd.s32 @!p0 $0x100000, s0  }
0x59a: {  	[sflag:s0] =	ssyncadd.tile.s32 @!p0 $0x1;
	_ =	shalt  }
.Lfunc_end2:
_tile_overlayer_lowered:
.L_overlay_start_2:
0x59b: {  	(tag) =	ssettag $0x2  }
0x59c: {  	s0 =	rddreg [dreg:$0x0];
	s2 =	stileid.u32  }
0x59d: {  	s1 =	rddreg [dreg:$0x1];
	p0 =	sne.s32 s2, $0x0  }
0x59e: {  	s3 =	rddreg [dreg:$0x2];
	[bflag:$0x3] =	sbarrier.arrive $0xFFFF;
	s2 =	simm.s32 @!p0 $0x1C0D  }
0x59f: {  	[timem:s3], [sflag:s2] =	dma.local @!p0 [hbm:s0], s1  }
0x5a0: {  	s0 =	simm.s32 @!p0 $0xD  }
0x5a1: {  	_ =	swait.ge @!p0 [sflag:s0], s1  }
0x5a2: {  	s1 =	ssub.s32 @!p0 $0x0, s1;
	[sflag:s0] =	ssyncset.done @!p0 $0x0  }
0x5a3: {  	[sflag:s0] =	ssyncadd.s32 @!p0 s1  }
0x5a4: {  	[bflag:$0x3] =	sbarrier.arrive $0xFFFF  }
0x5a5: {  	_ =	shalt  }

</sc_bundles>
